<compile_context>
chip_gen: v7x
topology: tpu7x:2x2x1
jax: 0.10.2.dev20260603
libtpu: 0.0.44.dev20260713+nightly
codegen_flags: <defaults>
</compile_context>

<pallas_src>
import jax
import jax.numpy as jnp
from jax import lax
from jax.experimental import pallas as pl
from jax.experimental.pallas import tpu as pltpu
from jax.experimental.pallas import tpu_sc as plsc

HID = 1024
INT = 4096
NE = 8
S = 2048
K = 2
NSLOT = S * K
T = 256
P = ((NSLOT + NE * (T - 1)) // T) * T
NT = P // T
ITILE = 512
NIT = INT // ITILE

NC, NS, L = 2, 16, 16
NW = NC * NS
TOK_W = S // NW
HALF = TOK_W // 2

_mesh = lambda: plsc.VectorSubcoreMesh(core_axis_name="c", subcore_axis_name="s")
_sc_params = lambda: pltpu.CompilerParams(needs_layout_passes=False)


def _route_dispatch_body(ei_hbm, ew_hbm, x_hbm,
                         dest_hbm, ws_hbm, te_hbm, xs_hbm,
                         ei_v, ew_v, dest_v, ws_v, te_v,
                         rows_v, i0_v, i1_v, sem):
    cid = lax.axis_index("c")
    sid = lax.axis_index("s")

    @pl.when(sid == 0)
    def _():
        pltpu.sync_copy(ei_hbm, ei_v)
        pltpu.sync_copy(ew_hbm, ew_v)
        zf = jnp.zeros((L,), jnp.float32)

        def initb(j, c):
            ws_v[pl.ds(j * L, L)] = zf
            return c

        lax.fori_loop(0, P // L, initb, 0)

        lanes = lax.iota(jnp.int32, L)
        one = jnp.ones((L,), jnp.int32)
        zero = jnp.zeros((L,), jnp.int32)
        te_lo = zero
        te_hi = zero
        last_e = zero
        base = zero

        for e in range(NE):
            e_splat = jnp.full((L,), e, jnp.int32)

            def body(i, carry):
                base_s, cnt_s = carry
                sl0 = pl.ds(i * 2 * L, L)
                sl1 = pl.ds(i * 2 * L + L, L)
                m0 = ei_v[sl0] == e_splat
                m1 = ei_v[sl1] == e_splat
                r0 = plsc.cumsum(jnp.where(m0, one, zero))
                r1 = plsc.cumsum(jnp.where(m1, one, zero))
                p0 = plsc.all_reduce_population_count(m0)
                s0 = i * 2 * L + lanes
                s1 = s0 + L
                dest0 = base_s + cnt_s + r0 - 1
                dest1 = base_s + cnt_s + p0 + r1 - 1
                d0 = jnp.bitwise_and(s0, 1) * S + \
                    lax.shift_right_logical(s0, 1)
                d1 = jnp.bitwise_and(s1, 1) * S + \
                    lax.shift_right_logical(s1, 1)
                plsc.store_scatter(dest_v, [d0], dest0, mask=m0)
                plsc.store_scatter(ws_v, [dest0], ew_v[sl0], mask=m0)
                plsc.store_scatter(dest_v, [d1], dest1, mask=m1)
                plsc.store_scatter(ws_v, [dest1], ew_v[sl1], mask=m1)
                cnt_s = cnt_s + p0 + plsc.all_reduce_population_count(m1)
                return base_s, cnt_s

            base, cnt = lax.fori_loop(0, NSLOT // (2 * L), body, (base, zero))
            last_e = jnp.where(cnt > 0, e_splat, last_e)
            base = base + jnp.bitwise_and(cnt + (T - 1), ~(T - 1))
            te_lo = te_lo + jnp.where(lanes * T >= base, one, zero)
            te_hi = te_hi + jnp.where((lanes + L) * T >= base, one, zero)

        pltpu.sync_copy(dest_v, dest_hbm.at[cid])

        @pl.when(cid == 0)
        def _():
            nvt = lax.shift_right_logical(base, 8)
            te_hi2 = jnp.minimum(jnp.minimum(te_hi, NE - 1), last_e)
            te_v[pl.ds(0, L)] = jnp.minimum(jnp.minimum(te_lo, NE - 1), last_e)
            te_v[pl.ds(L, L)] = jnp.where(lanes == 8, nvt, te_hi2)
            pltpu.sync_copy(ws_v, ws_hbm)
            pltpu.sync_copy(te_v, te_hbm)

    plsc.subcore_barrier()

    wid = sid * NC + cid
    base_t = wid * TOK_W
    pltpu.sync_copy(x_hbm.at[pl.ds(base_t, TOK_W)], rows_v)
    pltpu.sync_copy(dest_hbm.at[cid, pl.ds(base_t, TOK_W)], i0_v)
    pltpu.sync_copy(dest_hbm.at[cid, pl.ds(S + base_t, TOK_W)], i1_v)
    pltpu.async_copy(rows_v, xs_hbm.at[i0_v], sem).wait()
    pltpu.async_copy(rows_v, xs_hbm.at[i1_v], sem).wait()


def _route_dispatch(ei_flat, ew_flat, x_flat):
    return pl.kernel(
        _route_dispatch_body,
        out_type=(jax.ShapeDtypeStruct((NC, NSLOT), jnp.int32),
                  jax.ShapeDtypeStruct((P,), jnp.float32),
                  jax.ShapeDtypeStruct((2 * L,), jnp.int32),
                  jax.ShapeDtypeStruct((P, HID // 2), jnp.int32)),
        mesh=_mesh(),
        scratch_types=[pltpu.VMEM((NSLOT,), jnp.int32),
                       pltpu.VMEM((NSLOT,), jnp.float32),
                       pltpu.VMEM((NSLOT,), jnp.int32),
                       pltpu.VMEM((P,), jnp.float32),
                       pltpu.VMEM((2 * L,), jnp.int32),
                       pltpu.VMEM((TOK_W, HID // 2), jnp.int32),
                       pltpu.VMEM((TOK_W,), jnp.int32),
                       pltpu.VMEM((TOK_W,), jnp.int32),
                       pltpu.SemaphoreType.DMA],
        compiler_params=_sc_params(),
    )(ei_flat, ew_flat, x_flat)


NSTEPS = NIT * NT
DLOOK = 3
NBUF = 4


def _mlp_body(te_ref, x_ref, g_hbm, u_hbm, d_hbm, w_ref, o_ref,
              g_buf, u_buf, d_buf, seq_ref, sems):
    it = pl.program_id(0)
    rt = pl.program_id(1)
    nvt = te_ref[24]
    s = it * NT + rt

    def blk_e(t):
        return te_ref[lax.rem(t, NT)]

    def blk_it(t):
        return lax.div(t, NT)

    def chg(t):
        return jnp.logical_or(blk_e(t) != blk_e(t - 1),
                              blk_it(t) != blk_it(t - 1))

    def copies(t_e, t_it, slot):
        return (
            pltpu.make_async_copy(
                g_hbm.at[t_e, pl.ds(t_it * ITILE, ITILE), :],
                g_buf.at[slot], sems.at[slot, 0]),
            pltpu.make_async_copy(
                u_hbm.at[t_e, pl.ds(t_it * ITILE, ITILE), :],
                u_buf.at[slot], sems.at[slot, 1]),
            pltpu.make_async_copy(
                d_hbm.at[t_e, :, pl.ds(t_it * ITILE, ITILE)],
                d_buf.at[slot], sems.at[slot, 2]),
        )

    def issue(t, seq_t):
        slot = jnp.bitwise_and(seq_t, NBUF - 1)
        for c in copies(blk_e(t), blk_it(t), slot):
            c.start()

    prev_seq = jnp.where(s == 0, 0, seq_ref[0])
    c_now = jnp.where(s == 0, True, chg(s))
    cur_seq = prev_seq + c_now.astype(jnp.int32)

    @pl.when(s == 0)
    def _prologue():
        seq_t = jnp.int32(0)
        for t in range(DLOOK + 1):
            ct = jnp.bool_(True) if t == 0 else chg(t)
            seq_t_new = seq_t + ct.astype(jnp.int32)

            def _do(tt=t, ss=seq_t_new):
                issue(tt, ss)

            pl.when(ct)(_do)
            seq_t = seq_t_new

    @pl.when(jnp.logical_and(s > 0, s + DLOOK < NSTEPS))
    def _lookahead():
        t = s + DLOOK
        seq_t = cur_seq
        for d in range(1, DLOOK + 1):
            seq_t = seq_t + chg(s + d).astype(jnp.int32)

        def _do():
            issue(t, seq_t)

        pl.when(chg(t))(_do)

    @pl.when(c_now)
    def _wait():
        slot = jnp.bitwise_and(cur_seq, NBUF - 1)
        for c in copies(blk_e(s), blk_it(s), slot):
            c.wait()

    seq_ref[0] = cur_seq

    @pl.when(rt < nvt)
    def _compute():
        slot = jnp.bitwise_and(cur_seq, NBUF - 1)
        rows_i = x_ref[pl.ds(rt * T, T), :]
        rows = pltpu.bitcast(rows_i, jnp.bfloat16)
        rows = rows.reshape(T, HID).astype(jnp.float32)
        g = g_buf[slot]
        u = u_buf[slot]
        d = d_buf[slot]
        gate = lax.dot_general(rows, g, (((1,), (1,)), ((), ())),
                               preferred_element_type=jnp.float32)
        up = lax.dot_general(rows, u, (((1,), (1,)), ((), ())),
                             preferred_element_type=jnp.float32)
        inter = gate * jax.nn.sigmoid(gate) * up
        part = lax.dot_general(inter, d, (((1,), (1,)), ((), ())),
                               preferred_element_type=jnp.float32)
        part = part * w_ref[0, 0][:, None]

        @pl.when(it == 0)
        def _init():
            o_ref[pl.ds(rt * T, T), :] = part

        @pl.when(it != 0)
        def _acc():
            o_ref[pl.ds(rt * T, T), :] += part


def _mlp(te, xs, gate_proj, up_proj, down_proj, ws):
    hbm = pl.BlockSpec(memory_space=pltpu.MemorySpace.HBM)
    grid_spec = pltpu.PrefetchScalarGridSpec(
        num_scalar_prefetch=1,
        grid=(NIT, NT),
        in_specs=[
            pl.BlockSpec((P, HID // 2), lambda it, rt, te: (0, 0)),
            hbm,
            hbm,
            hbm,
            pl.BlockSpec((1, 1, T), lambda it, rt, te: (rt, 0, 0)),
        ],
        out_specs=pl.BlockSpec((P, HID), lambda it, rt, te: (0, 0)),
        scratch_shapes=[
            pltpu.VMEM((NBUF, ITILE, HID), jnp.float32),
            pltpu.VMEM((NBUF, ITILE, HID), jnp.float32),
            pltpu.VMEM((NBUF, HID, ITILE), jnp.float32),
            pltpu.SMEM((1,), jnp.int32),
            pltpu.SemaphoreType.DMA((NBUF, 3)),
        ],
    )
    return pl.pallas_call(
        _mlp_body,
        grid_spec=grid_spec,
        out_shape=jax.ShapeDtypeStruct((P, HID), jnp.float32),
        compiler_params=pltpu.CompilerParams(
            dimension_semantics=("arbitrary", "arbitrary"),
            vmem_limit_bytes=63 * 1024 * 1024,
        ),
    )(te, xs, gate_proj, up_proj, down_proj, ws.reshape(NT, 1, T))


def _combine_body(y_hbm, dest_hbm, o_hbm, r0_v, r1_v, i0_v, i1_v, sem):
    cid = lax.axis_index("c")
    sid = lax.axis_index("s")
    wid = sid * NC + cid
    for h in range(TOK_W // HALF):
        tb = wid * TOK_W + h * HALF
        pltpu.sync_copy(dest_hbm.at[0, pl.ds(tb, HALF)], i0_v)
        pltpu.sync_copy(dest_hbm.at[0, pl.ds(S + tb, HALF)], i1_v)
        pltpu.async_copy(y_hbm.at[i0_v], r0_v, sem).wait()
        pltpu.async_copy(y_hbm.at[i1_v], r1_v, sem).wait()

        def addrow(rr, c):
            for cc in range(HID // L):
                sl = pl.ds(cc * L, L)
                r0_v[rr, sl] = r0_v[rr, sl] + r1_v[rr, sl]
            return c

        lax.fori_loop(0, HALF, addrow, 0)
        pltpu.sync_copy(r0_v, o_hbm.at[pl.ds(tb, HALF)])


def _combine(y, dest):
    return pl.kernel(
        _combine_body,
        out_type=jax.ShapeDtypeStruct((S, HID), jnp.float32),
        mesh=_mesh(),
        scratch_types=[pltpu.VMEM((HALF, HID), jnp.float32),
                       pltpu.VMEM((HALF, HID), jnp.float32),
                       pltpu.VMEM((HALF,), jnp.int32),
                       pltpu.VMEM((HALF,), jnp.int32),
                       pltpu.SemaphoreType.DMA],
        compiler_params=_sc_params(),
    )(y, dest)


def kernel(x, expert_indices, expert_weights, gate_proj, up_proj, down_proj):
    batch, seq, hid = x.shape
    x_flat = x.reshape(S, HID)
    ei_flat = expert_indices.reshape(S * K).astype(jnp.int32)
    ew_flat = expert_weights.reshape(S * K)
    xb = x_flat.astype(jnp.bfloat16)
    lo = lax.bitcast_convert_type(xb[:, :HID // 2], jnp.uint16)
    hi = lax.bitcast_convert_type(xb[:, HID // 2:], jnp.uint16)
    xp = ((hi.astype(jnp.uint32) << 16)
          | lo.astype(jnp.uint32)).astype(jnp.int32)
    dest, ws, te, xs = _route_dispatch(ei_flat, ew_flat, xp)
    y = _mlp(te, xs, gate_proj, up_proj, down_proj, ws)
    out = _combine(y, dest)
    return out.reshape(batch, seq, hid)

# --- scband reference (transcript-rebuilt; emitter-appended) ---
"""Pipeline reference for scband-model-new-4647154615369 (READ-ONLY COPY).

The authoritative reference and input builder live on the scoring server;
editing this copy changes nothing except your own understanding.
"""

import jax, jax.numpy as jnp
import numpy as np

HIDDEN = 1024
INTER = 4096
NUM_EXPERTS = 8
BATCH = 1
SEQ = 2048
TOP_K = 2


def setup_inputs(seed: int = 0) -> dict:
    key = jax.random.key(seed)
    k1, k2, k3, k4, k5, k6 = jax.random.split(key, 6)
    x = jax.random.normal(k1, (BATCH, SEQ, HIDDEN), dtype=jnp.float32)
    expert_indices = jax.random.randint(k2, (BATCH, SEQ, TOP_K), 0, NUM_EXPERTS, dtype=jnp.int64) if jax.config.jax_enable_x64 else jax.random.randint(k2, (BATCH, SEQ, TOP_K), 0, NUM_EXPERTS, dtype=jnp.int32)
    expert_weights = jax.random.uniform(k3, (BATCH, SEQ, TOP_K), dtype=jnp.float32)
    gate_proj = jax.random.normal(k4, (NUM_EXPERTS, INTER, HIDDEN), dtype=jnp.float32) * 0.02
    up_proj = jax.random.normal(k5, (NUM_EXPERTS, INTER, HIDDEN), dtype=jnp.float32) * 0.02
    down_proj = jax.random.normal(k6, (NUM_EXPERTS, HIDDEN, INTER), dtype=jnp.float32) * 0.02
    return {
        "x": x,
        "expert_indices": expert_indices,
        "expert_weights": expert_weights,
        "gate_proj": gate_proj,
        "up_proj": up_proj,
        "down_proj": down_proj,
    }


def reference(x, expert_indices, expert_weights, gate_proj, up_proj, down_proj):
    batch, seq_len, hidden = x.shape
    num_experts = gate_proj.shape[0]
    x_flat = x.reshape(-1, hidden)
    output = jnp.zeros_like(x_flat)
    max_count = expert_indices.size
    for e in range(num_experts):
        mask = expert_indices == e
        b_idx, s_idx, k_idx = jnp.nonzero(mask, size=max_count, fill_value=0)
        valid = jnp.arange(max_count) < mask.sum()
        token_indices = b_idx * seq_len + s_idx
        w = jnp.where(valid, expert_weights[b_idx, s_idx, k_idx], 0.0)
        expert_input = x_flat[token_indices]
        gate = jax.nn.silu(expert_input @ gate_proj[e].T)
        up = expert_input @ up_proj[e].T
        intermediate = gate * up
        expert_output = intermediate @ down_proj[e].T
        output = output.at[token_indices].add(expert_output * w[:, None])
    return output.reshape(batch, seq_len, hidden)

if __name__ == "__main__":
    import jax
    _d = setup_inputs()
    print(jax.jit(kernel)(*tuple(_d.values())))

</pallas_src>

<mosaic_0001>
#map = affine_map<(d0, d1) -> (0, 0)>
module attributes {stable_mosaic.version = 14 : i64} {
  func.func @_combine_body(%arg0: i32, %arg1: i32, %arg2: memref<5888x1024xf32, #tpu.memory_space<hbm>>, %arg3: memref<2x4096xi32, #tpu.memory_space<hbm>>, %arg4: memref<2048x1024xf32, #tpu.memory_space<hbm>>, %arg5: memref<32x1024xf32, #tpu.memory_space<vmem>>, %arg6: memref<32x1024xf32, #tpu.memory_space<vmem>>, %arg7: memref<32xi32, #tpu.memory_space<vmem>>, %arg8: memref<32xi32, #tpu.memory_space<vmem>>, %arg9: memref<!tpu.dma_semaphore, #tpu.memory_space<semaphore_mem>>) attributes {dimension_semantics = [#tpu.dimension_semantics<core_parallel>, #tpu.dimension_semantics<subcore_parallel>], iteration_bounds = array<i64: 2, 16>, scalar_prefetch = 0 : i64, scratch_operands = 5 : i64, tpu.core_type = #tpu.core_type<sc_vector_subcore>, window_params = [{transform_indices = #map}, {transform_indices = #map}, {transform_indices = #map}]} {
    %mul3A = arith.constant 2 : i32
    %mul3A_0 = arith.muli %arg1, %mul3A : i32
    %add3A = arith.addi %mul3A_0, %arg0 : i32
    %mul3A_1 = arith.constant 64 : i32
    %mul3A_2 = arith.muli %add3A, %mul3A_1 : i32
    %add3A_3 = arith.constant 0 : i32
    %add3A_4 = arith.addi %mul3A_2, %add3A_3 : i32
    %run_scoped3A = arith.constant 0 : i32
    "tpu.region"() ({
      %run_scoped3A_49 = tpu.sem_alloc : memref<!tpu.dma_semaphore, #tpu.memory_space<semaphore_mem>>
      %dma_start3A_50 = tpu.memref_slice %arg3[%run_scoped3A, %add3A_4] : memref<2x4096xi32, #tpu.memory_space<hbm>> -> memref<1x32xi32, #tpu.memory_space<hbm>>
      %dma_start3A_51 = tpu.memref_squeeze %dma_start3A_50 : memref<1x32xi32, #tpu.memory_space<hbm>> -> memref<32xi32, #tpu.memory_space<hbm>>
      %dma_start3A_52 = tpu.memref_slice %arg3[%run_scoped3A, %add3A_4] : memref<2x4096xi32, #tpu.memory_space<hbm>> -> memref<1x32xi32, #tpu.memory_space<hbm>>
      %dma_start3A_53 = tpu.memref_squeeze %dma_start3A_52 : memref<1x32xi32, #tpu.memory_space<hbm>> -> memref<32xi32, #tpu.memory_space<hbm>>
      tpu.enqueue_dma source(%dma_start3A_53 : memref<32xi32, #tpu.memory_space<hbm>>) target(%arg7 : memref<32xi32, #tpu.memory_space<vmem>>) target_semaphore(%run_scoped3A_49 : memref<!tpu.dma_semaphore, #tpu.memory_space<semaphore_mem>>)
      %dma_wait3A_54 = tpu.memref_slice %arg3[%run_scoped3A, %add3A_4] : memref<2x4096xi32, #tpu.memory_space<hbm>> -> memref<1x32xi32, #tpu.memory_space<hbm>>
      %dma_wait3A_55 = tpu.memref_squeeze %dma_wait3A_54 : memref<1x32xi32, #tpu.memory_space<hbm>> -> memref<32xi32, #tpu.memory_space<hbm>>
      %dma_wait3A_56 = tpu.memref_slice %arg3[%run_scoped3A, %add3A_4] : memref<2x4096xi32, #tpu.memory_space<hbm>> -> memref<1x32xi32, #tpu.memory_space<hbm>>
      %dma_wait3A_57 = tpu.memref_squeeze %dma_wait3A_56 : memref<1x32xi32, #tpu.memory_space<hbm>> -> memref<32xi32, #tpu.memory_space<hbm>>
      tpu.wait_dma2 semaphore(%run_scoped3A_49 : memref<!tpu.dma_semaphore, #tpu.memory_space<semaphore_mem>>) src(%dma_wait3A_57 : memref<32xi32, #tpu.memory_space<hbm>>) dst(%arg7 : memref<32xi32, #tpu.memory_space<vmem>>)
      tpu.yield
    }) : () -> ()
    %add3A_5 = arith.constant 2048 : i32
    %add3A_6 = arith.addi %add3A_5, %add3A_4 : i32
    %run_scoped3A_7 = arith.constant 0 : i32
    "tpu.region"() ({
      %run_scoped3A_49 = tpu.sem_alloc : memref<!tpu.dma_semaphore, #tpu.memory_space<semaphore_mem>>
      %dma_start3A_50 = tpu.memref_slice %arg3[%run_scoped3A_7, %add3A_6] : memref<2x4096xi32, #tpu.memory_space<hbm>> -> memref<1x32xi32, #tpu.memory_space<hbm>>
      %dma_start3A_51 = tpu.memref_squeeze %dma_start3A_50 : memref<1x32xi32, #tpu.memory_space<hbm>> -> memref<32xi32, #tpu.memory_space<hbm>>
      %dma_start3A_52 = tpu.memref_slice %arg3[%run_scoped3A_7, %add3A_6] : memref<2x4096xi32, #tpu.memory_space<hbm>> -> memref<1x32xi32, #tpu.memory_space<hbm>>
      %dma_start3A_53 = tpu.memref_squeeze %dma_start3A_52 : memref<1x32xi32, #tpu.memory_space<hbm>> -> memref<32xi32, #tpu.memory_space<hbm>>
      tpu.enqueue_dma source(%dma_start3A_53 : memref<32xi32, #tpu.memory_space<hbm>>) target(%arg8 : memref<32xi32, #tpu.memory_space<vmem>>) target_semaphore(%run_scoped3A_49 : memref<!tpu.dma_semaphore, #tpu.memory_space<semaphore_mem>>)
      %dma_wait3A_54 = tpu.memref_slice %arg3[%run_scoped3A_7, %add3A_6] : memref<2x4096xi32, #tpu.memory_space<hbm>> -> memref<1x32xi32, #tpu.memory_space<hbm>>
      %dma_wait3A_55 = tpu.memref_squeeze %dma_wait3A_54 : memref<1x32xi32, #tpu.memory_space<hbm>> -> memref<32xi32, #tpu.memory_space<hbm>>
      %dma_wait3A_56 = tpu.memref_slice %arg3[%run_scoped3A_7, %add3A_6] : memref<2x4096xi32, #tpu.memory_space<hbm>> -> memref<1x32xi32, #tpu.memory_space<hbm>>
      %dma_wait3A_57 = tpu.memref_squeeze %dma_wait3A_56 : memref<1x32xi32, #tpu.memory_space<hbm>> -> memref<32xi32, #tpu.memory_space<hbm>>
      tpu.wait_dma2 semaphore(%run_scoped3A_49 : memref<!tpu.dma_semaphore, #tpu.memory_space<semaphore_mem>>) src(%dma_wait3A_57 : memref<32xi32, #tpu.memory_space<hbm>>) dst(%arg8 : memref<32xi32, #tpu.memory_space<vmem>>)
      tpu.yield
    }) : () -> ()
    %dma_start3A = arith.constant 0 : i32
    %dma_start3A_8 = arith.constant 0 : i32
    %dma_start3A_9 = tpu.memref_slice %arg2[%dma_start3A, %dma_start3A_8] : memref<5888x1024xf32, #tpu.memory_space<hbm>> -> memref<5888x1024xf32, #tpu.memory_space<hbm>>
    tpu.enqueue_indirect_dma source(%dma_start3A_9 : memref<5888x1024xf32, #tpu.memory_space<hbm>>) target(%arg5 : memref<32x1024xf32, #tpu.memory_space<vmem>>) offsets(%arg7 : memref<32xi32, #tpu.memory_space<vmem>>) semaphore(%arg9 : memref<!tpu.dma_semaphore, #tpu.memory_space<semaphore_mem>>)
    %dma_wait3A = arith.constant 0 : i32
    %dma_wait3A_10 = arith.constant 0 : i32
    %dma_wait3A_11 = tpu.memref_slice %arg2[%dma_wait3A, %dma_wait3A_10] : memref<5888x1024xf32, #tpu.memory_space<hbm>> -> memref<5888x1024xf32, #tpu.memory_space<hbm>>
    tpu.wait_indirect_dma semaphore(%arg9 : memref<!tpu.dma_semaphore, #tpu.memory_space<semaphore_mem>>) src(%dma_wait3A_11 : memref<5888x1024xf32, #tpu.memory_space<hbm>>) dst(%arg5 : memref<32x1024xf32, #tpu.memory_space<vmem>>)
    %dma_start3A_12 = arith.constant 0 : i32
    %dma_start3A_13 = arith.constant 0 : i32
    %dma_start3A_14 = tpu.memref_slice %arg2[%dma_start3A_12, %dma_start3A_13] : memref<5888x1024xf32, #tpu.memory_space<hbm>> -> memref<5888x1024xf32, #tpu.memory_space<hbm>>
    tpu.enqueue_indirect_dma source(%dma_start3A_14 : memref<5888x1024xf32, #tpu.memory_space<hbm>>) target(%arg6 : memref<32x1024xf32, #tpu.memory_space<vmem>>) offsets(%arg8 : memref<32xi32, #tpu.memory_space<vmem>>) semaphore(%arg9 : memref<!tpu.dma_semaphore, #tpu.memory_space<semaphore_mem>>)
    %dma_wait3A_15 = arith.constant 0 : i32
    %dma_wait3A_16 = arith.constant 0 : i32
    %dma_wait3A_17 = tpu.memref_slice %arg2[%dma_wait3A_15, %dma_wait3A_16] : memref<5888x1024xf32, #tpu.memory_space<hbm>> -> memref<5888x1024xf32, #tpu.memory_space<hbm>>
    tpu.wait_indirect_dma semaphore(%arg9 : memref<!tpu.dma_semaphore, #tpu.memory_space<semaphore_mem>>) src(%dma_wait3A_17 : memref<5888x1024xf32, #tpu.memory_space<hbm>>) dst(%arg6 : memref<32x1024xf32, #tpu.memory_space<vmem>>)
    %scan3A = arith.constant 0 : i32
    %scan3A_18 = arith.constant 0 : i32
    %scan3A_19 = arith.constant 32 : i32
    %scan3A_20 = arith.addi %scan3A_18, %scan3A_19 : i32
    %scan3A_21 = arith.constant 1 : i32
    scf.for %scan3A_49 = %scan3A_18 to %scan3A_20 step %scan3A_21  : i32 {
      %get3A = arith.index_cast %scan3A_49 : i32 to index
      %get3A_50 = arith.constant 0 : index
      %get3A_51 = tpu.vector_load %arg5[%get3A, %get3A_50] {strides = array<i32>} : memref<32x1024xf32, #tpu.memory_space<vmem>>, vector<16xf32>,
      %get3A_52 = arith.index_cast %scan3A_49 : i32 to index
      %get3A_53 = arith.constant 0 : index
      %get3A_54 = tpu.vector_load %arg6[%get3A_52, %get3A_53] {strides = array<i32>} : memref<32x1024xf32, #tpu.memory_space<vmem>>, vector<16xf32>,
      %add3A_55 = arith.addf %get3A_51, %get3A_54 : vector<16xf32>
      %swap3A = arith.index_cast %scan3A_49 : i32 to index
      %swap3A_56 = arith.constant 0 : index
      %swap3A_57 = tpu.vector_load %arg5[%swap3A, %swap3A_56] {strides = array<i32>} : memref<32x1024xf32, #tpu.memory_space<vmem>>, vector<16xf32>,
      tpu.vector_store %arg5[%swap3A, %swap3A_56], %add3A_55 {strides = array<i32>} : memref<32x1024xf32, #tpu.memory_space<vmem>>, vector<16xf32>,
      %get3A_58 = arith.index_cast %scan3A_49 : i32 to index
      %get3A_59 = arith.constant 16 : index
      %get3A_60 = tpu.vector_load %arg5[%get3A_58, %get3A_59] {strides = array<i32>} : memref<32x1024xf32, #tpu.memory_space<vmem>>, vector<16xf32>,
      %get3A_61 = arith.index_cast %scan3A_49 : i32 to index
      %get3A_62 = arith.constant 16 : index
      %get3A_63 = tpu.vector_load %arg6[%get3A_61, %get3A_62] {strides = array<i32>} : memref<32x1024xf32, #tpu.memory_space<vmem>>, vector<16xf32>,
      %add3A_64 = arith.addf %get3A_60, %get3A_63 : vector<16xf32>
      %swap3A_65 = arith.index_cast %scan3A_49 : i32 to index
      %swap3A_66 = arith.constant 16 : index
      %swap3A_67 = tpu.vector_load %arg5[%swap3A_65, %swap3A_66] {strides = array<i32>} : memref<32x1024xf32, #tpu.memory_space<vmem>>, vector<16xf32>,
      tpu.vector_store %arg5[%swap3A_65, %swap3A_66], %add3A_64 {strides = array<i32>} : memref<32x1024xf32, #tpu.memory_space<vmem>>, vector<16xf32>,
      %get3A_68 = arith.index_cast %scan3A_49 : i32 to index
      %get3A_69 = arith.constant 32 : index
      %get3A_70 = tpu.vector_load %arg5[%get3A_68, %get3A_69] {strides = array<i32>} : memref<32x1024xf32, #tpu.memory_space<vmem>>, vector<16xf32>,
      %get3A_71 = arith.index_cast %scan3A_49 : i32 to index
      %get3A_72 = arith.constant 32 : index
      %get3A_73 = tpu.vector_load %arg6[%get3A_71, %get3A_72] {strides = array<i32>} : memref<32x1024xf32, #tpu.memory_space<vmem>>, vector<16xf32>,
      %add3A_74 = arith.addf %get3A_70, %get3A_73 : vector<16xf32>
      %swap3A_75 = arith.index_cast %scan3A_49 : i32 to index
      %swap3A_76 = arith.constant 32 : index
      %swap3A_77 = tpu.vector_load %arg5[%swap3A_75, %swap3A_76] {strides = array<i32>} : memref<32x1024xf32, #tpu.memory_space<vmem>>, vector<16xf32>,
      tpu.vector_store %arg5[%swap3A_75, %swap3A_76], %add3A_74 {strides = array<i32>} : memref<32x1024xf32, #tpu.memory_space<vmem>>, vector<16xf32>,
      %get3A_78 = arith.index_cast %scan3A_49 : i32 to index
      %get3A_79 = arith.constant 48 : index
      %get3A_80 = tpu.vector_load %arg5[%get3A_78, %get3A_79] {strides = array<i32>} : memref<32x1024xf32, #tpu.memory_space<vmem>>, vector<16xf32>,
      %get3A_81 = arith.index_cast %scan3A_49 : i32 to index
      %get3A_82 = arith.constant 48 : index
      %get3A_83 = tpu.vector_load %arg6[%get3A_81, %get3A_82] {strides = array<i32>} : memref<32x1024xf32, #tpu.memory_space<vmem>>, vector<16xf32>,
      %add3A_84 = arith.addf %get3A_80, %get3A_83 : vector<16xf32>
      %swap3A_85 = arith.index_cast %scan3A_49 : i32 to index
      %swap3A_86 = arith.constant 48 : index
      %swap3A_87 = tpu.vector_load %arg5[%swap3A_85, %swap3A_86] {strides = array<i32>} : memref<32x1024xf32, #tpu.memory_space<vmem>>, vector<16xf32>,
      tpu.vector_store %arg5[%swap3A_85, %swap3A_86], %add3A_84 {strides = array<i32>} : memref<32x1024xf32, #tpu.memory_space<vmem>>, vector<16xf32>,
      %get3A_88 = arith.index_cast %scan3A_49 : i32 to index
      %get3A_89 = arith.constant 64 : index
      %get3A_90 = tpu.vector_load %arg5[%get3A_88, %get3A_89] {strides = array<i32>} : memref<32x1024xf32, #tpu.memory_space<vmem>>, vector<16xf32>,
      %get3A_91 = arith.index_cast %scan3A_49 : i32 to index
      %get3A_92 = arith.constant 64 : index
      %get3A_93 = tpu.vector_load %arg6[%get3A_91, %get3A_92] {strides = array<i32>} : memref<32x1024xf32, #tpu.memory_space<vmem>>, vector<16xf32>,
      %add3A_94 = arith.addf %get3A_90, %get3A_93 : vector<16xf32>
      %swap3A_95 = arith.index_cast %scan3A_49 : i32 to index
      %swap3A_96 = arith.constant 64 : index
      %swap3A_97 = tpu.vector_load %arg5[%swap3A_95, %swap3A_96] {strides = array<i32>} : memref<32x1024xf32, #tpu.memory_space<vmem>>, vector<16xf32>,
      tpu.vector_store %arg5[%swap3A_95, %swap3A_96], %add3A_94 {strides = array<i32>} : memref<32x1024xf32, #tpu.memory_space<vmem>>, vector<16xf32>,
      %get3A_98 = arith.index_cast %scan3A_49 : i32 to index
      %get3A_99 = arith.constant 80 : index
      %get3A_100 = tpu.vector_load %arg5[%get3A_98, %get3A_99] {strides = array<i32>} : memref<32x1024xf32, #tpu.memory_space<vmem>>, vector<16xf32>,
      %get3A_101 = arith.index_cast %scan3A_49 : i32 to index
      %get3A_102 = arith.constant 80 : index
      %get3A_103 = tpu.vector_load %arg6[%get3A_101, %get3A_102] {strides = array<i32>} : memref<32x1024xf32, #tpu.memory_space<vmem>>, vector<16xf32>,
      %add3A_104 = arith.addf %get3A_100, %get3A_103 : vector<16xf32>
      %swap3A_105 = arith.index_cast %scan3A_49 : i32 to index
      %swap3A_106 = arith.constant 80 : index
      %swap3A_107 = tpu.vector_load %arg5[%swap3A_105, %swap3A_106] {strides = array<i32>} : memref<32x1024xf32, #tpu.memory_space<vmem>>, vector<16xf32>,
      tpu.vector_store %arg5[%swap3A_105, %swap3A_106], %add3A_104 {strides = array<i32>} : memref<32x1024xf32, #tpu.memory_space<vmem>>, vector<16xf32>,
      %get3A_108 = arith.index_cast %scan3A_49 : i32 to index
      %get3A_109 = arith.constant 96 : index
      %get3A_110 = tpu.vector_load %arg5[%get3A_108, %get3A_109] {strides = array<i32>} : memref<32x1024xf32, #tpu.memory_space<vmem>>, vector<16xf32>,
      %get3A_111 = arith.index_cast %scan3A_49 : i32 to index
      %get3A_112 = arith.constant 96 : index
      %get3A_113 = tpu.vector_load %arg6[%get3A_111, %get3A_112] {strides = array<i32>} : memref<32x1024xf32, #tpu.memory_space<vmem>>, vector<16xf32>,
      %add3A_114 = arith.addf %get3A_110, %get3A_113 : vector<16xf32>
      %swap3A_115 = arith.index_cast %scan3A_49 : i32 to index
      %swap3A_116 = arith.constant 96 : index
      %swap3A_117 = tpu.vector_load %arg5[%swap3A_115, %swap3A_116] {strides = array<i32>} : memref<32x1024xf32, #tpu.memory_space<vmem>>, vector<16xf32>,
      tpu.vector_store %arg5[%swap3A_115, %swap3A_116], %add3A_114 {strides = array<i32>} : memref<32x1024xf32, #tpu.memory_space<vmem>>, vector<16xf32>,
      %get3A_118 = arith.index_cast %scan3A_49 : i32 to index
      %get3A_119 = arith.constant 112 : index
      %get3A_120 = tpu.vector_load %arg5[%get3A_118, %get3A_119] {strides = array<i32>} : memref<32x1024xf32, #tpu.memory_space<vmem>>, vector<16xf32>,
      %get3A_121 = arith.index_cast %scan3A_49 : i32 to index
      %get3A_122 = arith.constant 112 : index
      %get3A_123 = tpu.vector_load %arg6[%get3A_121, %get3A_122] {strides = array<i32>} : memref<32x1024xf32, #tpu.memory_space<vmem>>, vector<16xf32>,
      %add3A_124 = arith.addf %get3A_120, %get3A_123 : vector<16xf32>
      %swap3A_125 = arith.index_cast %scan3A_49 : i32 to index
      %swap3A_126 = arith.constant 112 : index
      %swap3A_127 = tpu.vector_load %arg5[%swap3A_125, %swap3A_126] {strides = array<i32>} : memref<32x1024xf32, #tpu.memory_space<vmem>>, vector<16xf32>,
      tpu.vector_store %arg5[%swap3A_125, %swap3A_126], %add3A_124 {strides = array<i32>} : memref<32x1024xf32, #tpu.memory_space<vmem>>, vector<16xf32>,
      %get3A_128 = arith.index_cast %scan3A_49 : i32 to index
      %get3A_129 = arith.constant 128 : index
      %get3A_130 = tpu.vector_load %arg5[%get3A_128, %get3A_129] {strides = array<i32>} : memref<32x1024xf32, #tpu.memory_space<vmem>>, vector<16xf32>,
      %get3A_131 = arith.index_cast %scan3A_49 : i32 to index
      %get3A_132 = arith.constant 128 : index
      %get3A_133 = tpu.vector_load %arg6[%get3A_131, %get3A_132] {strides = array<i32>} : memref<32x1024xf32, #tpu.memory_space<vmem>>, vector<16xf32>,
      %add3A_134 = arith.addf %get3A_130, %get3A_133 : vector<16xf32>
      %swap3A_135 = arith.index_cast %scan3A_49 : i32 to index
      %swap3A_136 = arith.constant 128 : index
      %swap3A_137 = tpu.vector_load %arg5[%swap3A_135, %swap3A_136] {strides = array<i32>} : memref<32x1024xf32, #tpu.memory_space<vmem>>, vector<16xf32>,
      tpu.vector_store %arg5[%swap3A_135, %swap3A_136], %add3A_134 {strides = array<i32>} : memref<32x1024xf32, #tpu.memory_space<vmem>>, vector<16xf32>,
      %get3A_138 = arith.index_cast %scan3A_49 : i32 to index
      %get3A_139 = arith.constant 144 : index
      %get3A_140 = tpu.vector_load %arg5[%get3A_138, %get3A_139] {strides = array<i32>} : memref<32x1024xf32, #tpu.memory_space<vmem>>, vector<16xf32>,
      %get3A_141 = arith.index_cast %scan3A_49 : i32 to index
      %get3A_142 = arith.constant 144 : index
      %get3A_143 = tpu.vector_load %arg6[%get3A_141, %get3A_142] {strides = array<i32>} : memref<32x1024xf32, #tpu.memory_space<vmem>>, vector<16xf32>,
      %add3A_144 = arith.addf %get3A_140, %get3A_143 : vector<16xf32>
      %swap3A_145 = arith.index_cast %scan3A_49 : i32 to index
      %swap3A_146 = arith.constant 144 : index
      %swap3A_147 = tpu.vector_load %arg5[%swap3A_145, %swap3A_146] {strides = array<i32>} : memref<32x1024xf32, #tpu.memory_space<vmem>>, vector<16xf32>,
      tpu.vector_store %arg5[%swap3A_145, %swap3A_146], %add3A_144 {strides = array<i32>} : memref<32x1024xf32, #tpu.memory_space<vmem>>, vector<16xf32>,
      %get3A_148 = arith.index_cast %scan3A_49 : i32 to index
      %get3A_149 = arith.constant 160 : index
      %get3A_150 = tpu.vector_load %arg5[%get3A_148, %get3A_149] {strides = array<i32>} : memref<32x1024xf32, #tpu.memory_space<vmem>>, vector<16xf32>,
      %get3A_151 = arith.index_cast %scan3A_49 : i32 to index
      %get3A_152 = arith.constant 160 : index
      %get3A_153 = tpu.vector_load %arg6[%get3A_151, %get3A_152] {strides = array<i32>} : memref<32x1024xf32, #tpu.memory_space<vmem>>, vector<16xf32>,
      %add3A_154 = arith.addf %get3A_150, %get3A_153 : vector<16xf32>
      %swap3A_155 = arith.index_cast %scan3A_49 : i32 to index
      %swap3A_156 = arith.constant 160 : index
      %swap3A_157 = tpu.vector_load %arg5[%swap3A_155, %swap3A_156] {strides = array<i32>} : memref<32x1024xf32, #tpu.memory_space<vmem>>, vector<16xf32>,
      tpu.vector_store %arg5[%swap3A_155, %swap3A_156], %add3A_154 {strides = array<i32>} : memref<32x1024xf32, #tpu.memory_space<vmem>>, vector<16xf32>,
      %get3A_158 = arith.index_cast %scan3A_49 : i32 to index
      %get3A_159 = arith.constant 176 : index
      %get3A_160 = tpu.vector_load %arg5[%get3A_158, %get3A_159] {strides = array<i32>} : memref<32x1024xf32, #tpu.memory_space<vmem>>, vector<16xf32>,
      %get3A_161 = arith.index_cast %scan3A_49 : i32 to index
      %get3A_162 = arith.constant 176 : index
      %get3A_163 = tpu.vector_load %arg6[%get3A_161, %get3A_162] {strides = array<i32>} : memref<32x1024xf32, #tpu.memory_space<vmem>>, vector<16xf32>,
      %add3A_164 = arith.addf %get3A_160, %get3A_163 : vector<16xf32>
      %swap3A_165 = arith.index_cast %scan3A_49 : i32 to index
      %swap3A_166 = arith.constant 176 : index
      %swap3A_167 = tpu.vector_load %arg5[%swap3A_165, %swap3A_166] {strides = array<i32>} : memref<32x1024xf32, #tpu.memory_space<vmem>>, vector<16xf32>,
      tpu.vector_store %arg5[%swap3A_165, %swap3A_166], %add3A_164 {strides = array<i32>} : memref<32x1024xf32, #tpu.memory_space<vmem>>, vector<16xf32>,
      %get3A_168 = arith.index_cast %scan3A_49 : i32 to index
      %get3A_169 = arith.constant 192 : index
      %get3A_170 = tpu.vector_load %arg5[%get3A_168, %get3A_169] {strides = array<i32>} : memref<32x1024xf32, #tpu.memory_space<vmem>>, vector<16xf32>,
      %get3A_171 = arith.index_cast %scan3A_49 : i32 to index
      %get3A_172 = arith.constant 192 : index
      %get3A_173 = tpu.vector_load %arg6[%get3A_171, %get3A_172] {strides = array<i32>} : memref<32x1024xf32, #tpu.memory_space<vmem>>, vector<16xf32>,
      %add3A_174 = arith.addf %get3A_170, %get3A_173 : vector<16xf32>
      %swap3A_175 = arith.index_cast %scan3A_49 : i32 to index
      %swap3A_176 = arith.constant 192 : index
      %swap3A_177 = tpu.vector_load %arg5[%swap3A_175, %swap3A_176] {strides = array<i32>} : memref<32x1024xf32, #tpu.memory_space<vmem>>, vector<16xf32>,
      tpu.vector_store %arg5[%swap3A_175, %swap3A_176], %add3A_174 {strides = array<i32>} : memref<32x1024xf32, #tpu.memory_space<vmem>>, vector<16xf32>,
      %get3A_178 = arith.index_cast %scan3A_49 : i32 to index
      %get3A_179 = arith.constant 208 : index
      %get3A_180 = tpu.vector_load %arg5[%get3A_178, %get3A_179] {strides = array<i32>} : memref<32x1024xf32, #tpu.memory_space<vmem>>, vector<16xf32>,
      %get3A_181 = arith.index_cast %scan3A_49 : i32 to index
      %get3A_182 = arith.constant 208 : index
      %get3A_183 = tpu.vector_load %arg6[%get3A_181, %get3A_182] {strides = array<i32>} : memref<32x1024xf32, #tpu.memory_space<vmem>>, vector<16xf32>,
      %add3A_184 = arith.addf %get3A_180, %get3A_183 : vector<16xf32>
      %swap3A_185 = arith.index_cast %scan3A_49 : i32 to index
      %swap3A_186 = arith.constant 208 : index
      %swap3A_187 = tpu.vector_load %arg5[%swap3A_185, %swap3A_186] {strides = array<i32>} : memref<32x1024xf32, #tpu.memory_space<vmem>>, vector<16xf32>,
      tpu.vector_store %arg5[%swap3A_185, %swap3A_186], %add3A_184 {strides = array<i32>} : memref<32x1024xf32, #tpu.memory_space<vmem>>, vector<16xf32>,
      %get3A_188 = arith.index_cast %scan3A_49 : i32 to index
      %get3A_189 = arith.constant 224 : index
      %get3A_190 = tpu.vector_load %arg5[%get3A_188, %get3A_189] {strides = array<i32>} : memref<32x1024xf32, #tpu.memory_space<vmem>>, vector<16xf32>,
      %get3A_191 = arith.index_cast %scan3A_49 : i32 to index
      %get3A_192 = arith.constant 224 : index
      %get3A_193 = tpu.vector_load %arg6[%get3A_191, %get3A_192] {strides = array<i32>} : memref<32x1024xf32, #tpu.memory_space<vmem>>, vector<16xf32>,
      %add3A_194 = arith.addf %get3A_190, %get3A_193 : vector<16xf32>
      %swap3A_195 = arith.index_cast %scan3A_49 : i32 to index
      %swap3A_196 = arith.constant 224 : index
      %swap3A_197 = tpu.vector_load %arg5[%swap3A_195, %swap3A_196] {strides = array<i32>} : memref<32x1024xf32, #tpu.memory_space<vmem>>, vector<16xf32>,
      tpu.vector_store %arg5[%swap3A_195, %swap3A_196], %add3A_194 {strides = array<i32>} : memref<32x1024xf32, #tpu.memory_space<vmem>>, vector<16xf32>,
      %get3A_198 = arith.index_cast %scan3A_49 : i32 to index
      %get3A_199 = arith.constant 240 : index
      %get3A_200 = tpu.vector_load %arg5[%get3A_198, %get3A_199] {strides = array<i32>} : memref<32x1024xf32, #tpu.memory_space<vmem>>, vector<16xf32>,
      %get3A_201 = arith.index_cast %scan3A_49 : i32 to index
      %get3A_202 = arith.constant 240 : index
      %get3A_203 = tpu.vector_load %arg6[%get3A_201, %get3A_202] {strides = array<i32>} : memref<32x1024xf32, #tpu.memory_space<vmem>>, vector<16xf32>,
      %add3A_204 = arith.addf %get3A_200, %get3A_203 : vector<16xf32>
      %swap3A_205 = arith.index_cast %scan3A_49 : i32 to index
      %swap3A_206 = arith.constant 240 : index
      %swap3A_207 = tpu.vector_load %arg5[%swap3A_205, %swap3A_206] {strides = array<i32>} : memref<32x1024xf32, #tpu.memory_space<vmem>>, vector<16xf32>,
      tpu.vector_store %arg5[%swap3A_205, %swap3A_206], %add3A_204 {strides = array<i32>} : memref<32x1024xf32, #tpu.memory_space<vmem>>, vector<16xf32>,
      %get3A_208 = arith.index_cast %scan3A_49 : i32 to index
      %get3A_209 = arith.constant 256 : index
      %get3A_210 = tpu.vector_load %arg5[%get3A_208, %get3A_209] {strides = array<i32>} : memref<32x1024xf32, #tpu.memory_space<vmem>>, vector<16xf32>,
      %get3A_211 = arith.index_cast %scan3A_49 : i32 to index
      %get3A_212 = arith.constant 256 : index
      %get3A_213 = tpu.vector_load %arg6[%get3A_211, %get3A_212] {strides = array<i32>} : memref<32x1024xf32, #tpu.memory_space<vmem>>, vector<16xf32>,
      %add3A_214 = arith.addf %get3A_210, %get3A_213 : vector<16xf32>
      %swap3A_215 = arith.index_cast %scan3A_49 : i32 to index
      %swap3A_216 = arith.constant 256 : index
      %swap3A_217 = tpu.vector_load %arg5[%swap3A_215, %swap3A_216] {strides = array<i32>} : memref<32x1024xf32, #tpu.memory_space<vmem>>, vector<16xf32>,
      tpu.vector_store %arg5[%swap3A_215, %swap3A_216], %add3A_214 {strides = array<i32>} : memref<32x1024xf32, #tpu.memory_space<vmem>>, vector<16xf32>,
      %get3A_218 = arith.index_cast %scan3A_49 : i32 to index
      %get3A_219 = arith.constant 272 : index
      %get3A_220 = tpu.vector_load %arg5[%get3A_218, %get3A_219] {strides = array<i32>} : memref<32x1024xf32, #tpu.memory_space<vmem>>, vector<16xf32>,
      %get3A_221 = arith.index_cast %scan3A_49 : i32 to index
      %get3A_222 = arith.constant 272 : index
      %get3A_223 = tpu.vector_load %arg6[%get3A_221, %get3A_222] {strides = array<i32>} : memref<32x1024xf32, #tpu.memory_space<vmem>>, vector<16xf32>,
      %add3A_224 = arith.addf %get3A_220, %get3A_223 : vector<16xf32>
      %swap3A_225 = arith.index_cast %scan3A_49 : i32 to index
      %swap3A_226 = arith.constant 272 : index
      %swap3A_227 = tpu.vector_load %arg5[%swap3A_225, %swap3A_226] {strides = array<i32>} : memref<32x1024xf32, #tpu.memory_space<vmem>>, vector<16xf32>,
      tpu.vector_store %arg5[%swap3A_225, %swap3A_226], %add3A_224 {strides = array<i32>} : memref<32x1024xf32, #tpu.memory_space<vmem>>, vector<16xf32>,
      %get3A_228 = arith.index_cast %scan3A_49 : i32 to index
      %get3A_229 = arith.constant 288 : index
      %get3A_230 = tpu.vector_load %arg5[%get3A_228, %get3A_229] {strides = array<i32>} : memref<32x1024xf32, #tpu.memory_space<vmem>>, vector<16xf32>,
      %get3A_231 = arith.index_cast %scan3A_49 : i32 to index
      %get3A_232 = arith.constant 288 : index
      %get3A_233 = tpu.vector_load %arg6[%get3A_231, %get3A_232] {strides = array<i32>} : memref<32x1024xf32, #tpu.memory_space<vmem>>, vector<16xf32>,
      %add3A_234 = arith.addf %get3A_230, %get3A_233 : vector<16xf32>
      %swap3A_235 = arith.index_cast %scan3A_49 : i32 to index
      %swap3A_236 = arith.constant 288 : index
      %swap3A_237 = tpu.vector_load %arg5[%swap3A_235, %swap3A_236] {strides = array<i32>} : memref<32x1024xf32, #tpu.memory_space<vmem>>, vector<16xf32>,
      tpu.vector_store %arg5[%swap3A_235, %swap3A_236], %add3A_234 {strides = array<i32>} : memref<32x1024xf32, #tpu.memory_space<vmem>>, vector<16xf32>,
      %get3A_238 = arith.index_cast %scan3A_49 : i32 to index
      %get3A_239 = arith.constant 304 : index
      %get3A_240 = tpu.vector_load %arg5[%get3A_238, %get3A_239] {strides = array<i32>} : memref<32x1024xf32, #tpu.memory_space<vmem>>, vector<16xf32>,
      %get3A_241 = arith.index_cast %scan3A_49 : i32 to index
      %get3A_242 = arith.constant 304 : index
      %get3A_243 = tpu.vector_load %arg6[%get3A_241, %get3A_242] {strides = array<i32>} : memref<32x1024xf32, #tpu.memory_space<vmem>>, vector<16xf32>,
      %add3A_244 = arith.addf %get3A_240, %get3A_243 : vector<16xf32>
      %swap3A_245 = arith.index_cast %scan3A_49 : i32 to index
      %swap3A_246 = arith.constant 304 : index
      %swap3A_247 = tpu.vector_load %arg5[%swap3A_245, %swap3A_246] {strides = array<i32>} : memref<32x1024xf32, #tpu.memory_space<vmem>>, vector<16xf32>,
      tpu.vector_store %arg5[%swap3A_245, %swap3A_246], %add3A_244 {strides = array<i32>} : memref<32x1024xf32, #tpu.memory_space<vmem>>, vector<16xf32>,
      %get3A_248 = arith.index_cast %scan3A_49 : i32 to index
      %get3A_249 = arith.constant 320 : index
      %get3A_250 = tpu.vector_load %arg5[%get3A_248, %get3A_249] {strides = array<i32>} : memref<32x1024xf32, #tpu.memory_space<vmem>>, vector<16xf32>,
      %get3A_251 = arith.index_cast %scan3A_49 : i32 to index
      %get3A_252 = arith.constant 320 : index
      %get3A_253 = tpu.vector_load %arg6[%get3A_251, %get3A_252] {strides = array<i32>} : memref<32x1024xf32, #tpu.memory_space<vmem>>, vector<16xf32>,
      %add3A_254 = arith.addf %get3A_250, %get3A_253 : vector<16xf32>
      %swap3A_255 = arith.index_cast %scan3A_49 : i32 to index
      %swap3A_256 = arith.constant 320 : index
      %swap3A_257 = tpu.vector_load %arg5[%swap3A_255, %swap3A_256] {strides = array<i32>} : memref<32x1024xf32, #tpu.memory_space<vmem>>, vector<16xf32>,
      tpu.vector_store %arg5[%swap3A_255, %swap3A_256], %add3A_254 {strides = array<i32>} : memref<32x1024xf32, #tpu.memory_space<vmem>>, vector<16xf32>,
      %get3A_258 = arith.index_cast %scan3A_49 : i32 to index
      %get3A_259 = arith.constant 336 : index
      %get3A_260 = tpu.vector_load %arg5[%get3A_258, %get3A_259] {strides = array<i32>} : memref<32x1024xf32, #tpu.memory_space<vmem>>, vector<16xf32>,
      %get3A_261 = arith.index_cast %scan3A_49 : i32 to index
      %get3A_262 = arith.constant 336 : index
      %get3A_263 = tpu.vector_load %arg6[%get3A_261, %get3A_262] {strides = array<i32>} : memref<32x1024xf32, #tpu.memory_space<vmem>>, vector<16xf32>,
      %add3A_264 = arith.addf %get3A_260, %get3A_263 : vector<16xf32>
      %swap3A_265 = arith.index_cast %scan3A_49 : i32 to index
      %swap3A_266 = arith.constant 336 : index
      %swap3A_267 = tpu.vector_load %arg5[%swap3A_265, %swap3A_266] {strides = array<i32>} : memref<32x1024xf32, #tpu.memory_space<vmem>>, vector<16xf32>,
      tpu.vector_store %arg5[%swap3A_265, %swap3A_266], %add3A_264 {strides = array<i32>} : memref<32x1024xf32, #tpu.memory_space<vmem>>, vector<16xf32>,
      %get3A_268 = arith.index_cast %scan3A_49 : i32 to index
      %get3A_269 = arith.constant 352 : index
      %get3A_270 = tpu.vector_load %arg5[%get3A_268, %get3A_269] {strides = array<i32>} : memref<32x1024xf32, #tpu.memory_space<vmem>>, vector<16xf32>,
      %get3A_271 = arith.index_cast %scan3A_49 : i32 to index
      %get3A_272 = arith.constant 352 : index
      %get3A_273 = tpu.vector_load %arg6[%get3A_271, %get3A_272] {strides = array<i32>} : memref<32x1024xf32, #tpu.memory_space<vmem>>, vector<16xf32>,
      %add3A_274 = arith.addf %get3A_270, %get3A_273 : vector<16xf32>
      %swap3A_275 = arith.index_cast %scan3A_49 : i32 to index
      %swap3A_276 = arith.constant 352 : index
      %swap3A_277 = tpu.vector_load %arg5[%swap3A_275, %swap3A_276] {strides = array<i32>} : memref<32x1024xf32, #tpu.memory_space<vmem>>, vector<16xf32>,
      tpu.vector_store %arg5[%swap3A_275, %swap3A_276], %add3A_274 {strides = array<i32>} : memref<32x1024xf32, #tpu.memory_space<vmem>>, vector<16xf32>,
      %get3A_278 = arith.index_cast %scan3A_49 : i32 to index
      %get3A_279 = arith.constant 368 : index
      %get3A_280 = tpu.vector_load %arg5[%get3A_278, %get3A_279] {strides = array<i32>} : memref<32x1024xf32, #tpu.memory_space<vmem>>, vector<16xf32>,
      %get3A_281 = arith.index_cast %scan3A_49 : i32 to index
      %get3A_282 = arith.constant 368 : index
      %get3A_283 = tpu.vector_load %arg6[%get3A_281, %get3A_282] {strides = array<i32>} : memref<32x1024xf32, #tpu.memory_space<vmem>>, vector<16xf32>,
      %add3A_284 = arith.addf %get3A_280, %get3A_283 : vector<16xf32>
      %swap3A_285 = arith.index_cast %scan3A_49 : i32 to index
      %swap3A_286 = arith.constant 368 : index
      %swap3A_287 = tpu.vector_load %arg5[%swap3A_285, %swap3A_286] {strides = array<i32>} : memref<32x1024xf32, #tpu.memory_space<vmem>>, vector<16xf32>,
      tpu.vector_store %arg5[%swap3A_285, %swap3A_286], %add3A_284 {strides = array<i32>} : memref<32x1024xf32, #tpu.memory_space<vmem>>, vector<16xf32>,
      %get3A_288 = arith.index_cast %scan3A_49 : i32 to index
      %get3A_289 = arith.constant 384 : index
      %get3A_290 = tpu.vector_load %arg5[%get3A_288, %get3A_289] {strides = array<i32>} : memref<32x1024xf32, #tpu.memory_space<vmem>>, vector<16xf32>,
      %get3A_291 = arith.index_cast %scan3A_49 : i32 to index
      %get3A_292 = arith.constant 384 : index
      %get3A_293 = tpu.vector_load %arg6[%get3A_291, %get3A_292] {strides = array<i32>} : memref<32x1024xf32, #tpu.memory_space<vmem>>, vector<16xf32>,
      %add3A_294 = arith.addf %get3A_290, %get3A_293 : vector<16xf32>
      %swap3A_295 = arith.index_cast %scan3A_49 : i32 to index
      %swap3A_296 = arith.constant 384 : index
      %swap3A_297 = tpu.vector_load %arg5[%swap3A_295, %swap3A_296] {strides = array<i32>} : memref<32x1024xf32, #tpu.memory_space<vmem>>, vector<16xf32>,
      tpu.vector_store %arg5[%swap3A_295, %swap3A_296], %add3A_294 {strides = array<i32>} : memref<32x1024xf32, #tpu.memory_space<vmem>>, vector<16xf32>,
      %get3A_298 = arith.index_cast %scan3A_49 : i32 to index
      %get3A_299 = arith.constant 400 : index
      %get3A_300 = tpu.vector_load %arg5[%get3A_298, %get3A_299] {strides = array<i32>} : memref<32x1024xf32, #tpu.memory_space<vmem>>, vector<16xf32>,
      %get3A_301 = arith.index_cast %scan3A_49 : i32 to index
      %get3A_302 = arith.constant 400 : index
      %get3A_303 = tpu.vector_load %arg6[%get3A_301, %get3A_302] {strides = array<i32>} : memref<32x1024xf32, #tpu.memory_space<vmem>>, vector<16xf32>,
      %add3A_304 = arith.addf %get3A_300, %get3A_303 : vector<16xf32>
      %swap3A_305 = arith.index_cast %scan3A_49 : i32 to index
      %swap3A_306 = arith.constant 400 : index
      %swap3A_307 = tpu.vector_load %arg5[%swap3A_305, %swap3A_306] {strides = array<i32>} : memref<32x1024xf32, #tpu.memory_space<vmem>>, vector<16xf32>,
      tpu.vector_store %arg5[%swap3A_305, %swap3A_306], %add3A_304 {strides = array<i32>} : memref<32x1024xf32, #tpu.memory_space<vmem>>, vector<16xf32>,
      %get3A_308 = arith.index_cast %scan3A_49 : i32 to index
      %get3A_309 = arith.constant 416 : index
      %get3A_310 = tpu.vector_load %arg5[%get3A_308, %get3A_309] {strides = array<i32>} : memref<32x1024xf32, #tpu.memory_space<vmem>>, vector<16xf32>,
      %get3A_311 = arith.index_cast %scan3A_49 : i32 to index
      %get3A_312 = arith.constant 416 : index
      %get3A_313 = tpu.vector_load %arg6[%get3A_311, %get3A_312] {strides = array<i32>} : memref<32x1024xf32, #tpu.memory_space<vmem>>, vector<16xf32>,
      %add3A_314 = arith.addf %get3A_310, %get3A_313 : vector<16xf32>
      %swap3A_315 = arith.index_cast %scan3A_49 : i32 to index
      %swap3A_316 = arith.constant 416 : index
      %swap3A_317 = tpu.vector_load %arg5[%swap3A_315, %swap3A_316] {strides = array<i32>} : memref<32x1024xf32, #tpu.memory_space<vmem>>, vector<16xf32>,
      tpu.vector_store %arg5[%swap3A_315, %swap3A_316], %add3A_314 {strides = array<i32>} : memref<32x1024xf32, #tpu.memory_space<vmem>>, vector<16xf32>,
      %get3A_318 = arith.index_cast %scan3A_49 : i32 to index
      %get3A_319 = arith.constant 432 : index
      %get3A_320 = tpu.vector_load %arg5[%get3A_318, %get3A_319] {strides = array<i32>} : memref<32x1024xf32, #tpu.memory_space<vmem>>, vector<16xf32>,
      %get3A_321 = arith.index_cast %scan3A_49 : i32 to index
      %get3A_322 = arith.constant 432 : index
      %get3A_323 = tpu.vector_load %arg6[%get3A_321, %get3A_322] {strides = array<i32>} : memref<32x1024xf32, #tpu.memory_space<vmem>>, vector<16xf32>,
      %add3A_324 = arith.addf %get3A_320, %get3A_323 : vector<16xf32>
      %swap3A_325 = arith.index_cast %scan3A_49 : i32 to index
      %swap3A_326 = arith.constant 432 : index
      %swap3A_327 = tpu.vector_load %arg5[%swap3A_325, %swap3A_326] {strides = array<i32>} : memref<32x1024xf32, #tpu.memory_space<vmem>>, vector<16xf32>,
      tpu.vector_store %arg5[%swap3A_325, %swap3A_326], %add3A_324 {strides = array<i32>} : memref<32x1024xf32, #tpu.memory_space<vmem>>, vector<16xf32>,
      %get3A_328 = arith.index_cast %scan3A_49 : i32 to index
      %get3A_329 = arith.constant 448 : index
      %get3A_330 = tpu.vector_load %arg5[%get3A_328, %get3A_329] {strides = array<i32>} : memref<32x1024xf32, #tpu.memory_space<vmem>>, vector<16xf32>,
      %get3A_331 = arith.index_cast %scan3A_49 : i32 to index
      %get3A_332 = arith.constant 448 : index
      %get3A_333 = tpu.vector_load %arg6[%get3A_331, %get3A_332] {strides = array<i32>} : memref<32x1024xf32, #tpu.memory_space<vmem>>, vector<16xf32>,
      %add3A_334 = arith.addf %get3A_330, %get3A_333 : vector<16xf32>
      %swap3A_335 = arith.index_cast %scan3A_49 : i32 to index
      %swap3A_336 = arith.constant 448 : index
      %swap3A_337 = tpu.vector_load %arg5[%swap3A_335, %swap3A_336] {strides = array<i32>} : memref<32x1024xf32, #tpu.memory_space<vmem>>, vector<16xf32>,
      tpu.vector_store %arg5[%swap3A_335, %swap3A_336], %add3A_334 {strides = array<i32>} : memref<32x1024xf32, #tpu.memory_space<vmem>>, vector<16xf32>,
      %get3A_338 = arith.index_cast %scan3A_49 : i32 to index
      %get3A_339 = arith.constant 464 : index
      %get3A_340 = tpu.vector_load %arg5[%get3A_338, %get3A_339] {strides = array<i32>} : memref<32x1024xf32, #tpu.memory_space<vmem>>, vector<16xf32>,
      %get3A_341 = arith.index_cast %scan3A_49 : i32 to index
      %get3A_342 = arith.constant 464 : index
      %get3A_343 = tpu.vector_load %arg6[%get3A_341, %get3A_342] {strides = array<i32>} : memref<32x1024xf32, #tpu.memory_space<vmem>>, vector<16xf32>,
      %add3A_344 = arith.addf %get3A_340, %get3A_343 : vector<16xf32>
      %swap3A_345 = arith.index_cast %scan3A_49 : i32 to index
      %swap3A_346 = arith.constant 464 : index
      %swap3A_347 = tpu.vector_load %arg5[%swap3A_345, %swap3A_346] {strides = array<i32>} : memref<32x1024xf32, #tpu.memory_space<vmem>>, vector<16xf32>,
      tpu.vector_store %arg5[%swap3A_345, %swap3A_346], %add3A_344 {strides = array<i32>} : memref<32x1024xf32, #tpu.memory_space<vmem>>, vector<16xf32>,
      %get3A_348 = arith.index_cast %scan3A_49 : i32 to index
      %get3A_349 = arith.constant 480 : index
      %get3A_350 = tpu.vector_load %arg5[%get3A_348, %get3A_349] {strides = array<i32>} : memref<32x1024xf32, #tpu.memory_space<vmem>>, vector<16xf32>,
      %get3A_351 = arith.index_cast %scan3A_49 : i32 to index
      %get3A_352 = arith.constant 480 : index
      %get3A_353 = tpu.vector_load %arg6[%get3A_351, %get3A_352] {strides = array<i32>} : memref<32x1024xf32, #tpu.memory_space<vmem>>, vector<16xf32>,
      %add3A_354 = arith.addf %get3A_350, %get3A_353 : vector<16xf32>
      %swap3A_355 = arith.index_cast %scan3A_49 : i32 to index
      %swap3A_356 = arith.constant 480 : index
      %swap3A_357 = tpu.vector_load %arg5[%swap3A_355, %swap3A_356] {strides = array<i32>} : memref<32x1024xf32, #tpu.memory_space<vmem>>, vector<16xf32>,
      tpu.vector_store %arg5[%swap3A_355, %swap3A_356], %add3A_354 {strides = array<i32>} : memref<32x1024xf32, #tpu.memory_space<vmem>>, vector<16xf32>,
      %get3A_358 = arith.index_cast %scan3A_49 : i32 to index
      %get3A_359 = arith.constant 496 : index
      %get3A_360 = tpu.vector_load %arg5[%get3A_358, %get3A_359] {strides = array<i32>} : memref<32x1024xf32, #tpu.memory_space<vmem>>, vector<16xf32>,
      %get3A_361 = arith.index_cast %scan3A_49 : i32 to index
      %get3A_362 = arith.constant 496 : index
      %get3A_363 = tpu.vector_load %arg6[%get3A_361, %get3A_362] {strides = array<i32>} : memref<32x1024xf32, #tpu.memory_space<vmem>>, vector<16xf32>,
      %add3A_364 = arith.addf %get3A_360, %get3A_363 : vector<16xf32>
      %swap3A_365 = arith.index_cast %scan3A_49 : i32 to index
      %swap3A_366 = arith.constant 496 : index
      %swap3A_367 = tpu.vector_load %arg5[%swap3A_365, %swap3A_366] {strides = array<i32>} : memref<32x1024xf32, #tpu.memory_space<vmem>>, vector<16xf32>,
      tpu.vector_store %arg5[%swap3A_365, %swap3A_366], %add3A_364 {strides = array<i32>} : memref<32x1024xf32, #tpu.memory_space<vmem>>, vector<16xf32>,
      %get3A_368 = arith.index_cast %scan3A_49 : i32 to index
      %get3A_369 = arith.constant 512 : index
      %get3A_370 = tpu.vector_load %arg5[%get3A_368, %get3A_369] {strides = array<i32>} : memref<32x1024xf32, #tpu.memory_space<vmem>>, vector<16xf32>,
      %get3A_371 = arith.index_cast %scan3A_49 : i32 to index
      %get3A_372 = arith.constant 512 : index
      %get3A_373 = tpu.vector_load %arg6[%get3A_371, %get3A_372] {strides = array<i32>} : memref<32x1024xf32, #tpu.memory_space<vmem>>, vector<16xf32>,
      %add3A_374 = arith.addf %get3A_370, %get3A_373 : vector<16xf32>
      %swap3A_375 = arith.index_cast %scan3A_49 : i32 to index
      %swap3A_376 = arith.constant 512 : index
      %swap3A_377 = tpu.vector_load %arg5[%swap3A_375, %swap3A_376] {strides = array<i32>} : memref<32x1024xf32, #tpu.memory_space<vmem>>, vector<16xf32>,
      tpu.vector_store %arg5[%swap3A_375, %swap3A_376], %add3A_374 {strides = array<i32>} : memref<32x1024xf32, #tpu.memory_space<vmem>>, vector<16xf32>,
      %get3A_378 = arith.index_cast %scan3A_49 : i32 to index
      %get3A_379 = arith.constant 528 : index
      %get3A_380 = tpu.vector_load %arg5[%get3A_378, %get3A_379] {strides = array<i32>} : memref<32x1024xf32, #tpu.memory_space<vmem>>, vector<16xf32>,
      %get3A_381 = arith.index_cast %scan3A_49 : i32 to index
      %get3A_382 = arith.constant 528 : index
      %get3A_383 = tpu.vector_load %arg6[%get3A_381, %get3A_382] {strides = array<i32>} : memref<32x1024xf32, #tpu.memory_space<vmem>>, vector<16xf32>,
      %add3A_384 = arith.addf %get3A_380, %get3A_383 : vector<16xf32>
      %swap3A_385 = arith.index_cast %scan3A_49 : i32 to index
      %swap3A_386 = arith.constant 528 : index
      %swap3A_387 = tpu.vector_load %arg5[%swap3A_385, %swap3A_386] {strides = array<i32>} : memref<32x1024xf32, #tpu.memory_space<vmem>>, vector<16xf32>,
      tpu.vector_store %arg5[%swap3A_385, %swap3A_386], %add3A_384 {strides = array<i32>} : memref<32x1024xf32, #tpu.memory_space<vmem>>, vector<16xf32>,
      %get3A_388 = arith.index_cast %scan3A_49 : i32 to index
      %get3A_389 = arith.constant 544 : index
      %get3A_390 = tpu.vector_load %arg5[%get3A_388, %get3A_389] {strides = array<i32>} : memref<32x1024xf32, #tpu.memory_space<vmem>>, vector<16xf32>,
      %get3A_391 = arith.index_cast %scan3A_49 : i32 to index
      %get3A_392 = arith.constant 544 : index
      %get3A_393 = tpu.vector_load %arg6[%get3A_391, %get3A_392] {strides = array<i32>} : memref<32x1024xf32, #tpu.memory_space<vmem>>, vector<16xf32>,
      %add3A_394 = arith.addf %get3A_390, %get3A_393 : vector<16xf32>
      %swap3A_395 = arith.index_cast %scan3A_49 : i32 to index
      %swap3A_396 = arith.constant 544 : index
      %swap3A_397 = tpu.vector_load %arg5[%swap3A_395, %swap3A_396] {strides = array<i32>} : memref<32x1024xf32, #tpu.memory_space<vmem>>, vector<16xf32>,
      tpu.vector_store %arg5[%swap3A_395, %swap3A_396], %add3A_394 {strides = array<i32>} : memref<32x1024xf32, #tpu.memory_space<vmem>>, vector<16xf32>,
      %get3A_398 = arith.index_cast %scan3A_49 : i32 to index
      %get3A_399 = arith.constant 560 : index
      %get3A_400 = tpu.vector_load %arg5[%get3A_398, %get3A_399] {strides = array<i32>} : memref<32x1024xf32, #tpu.memory_space<vmem>>, vector<16xf32>,
      %get3A_401 = arith.index_cast %scan3A_49 : i32 to index
      %get3A_402 = arith.constant 560 : index
      %get3A_403 = tpu.vector_load %arg6[%get3A_401, %get3A_402] {strides = array<i32>} : memref<32x1024xf32, #tpu.memory_space<vmem>>, vector<16xf32>,
      %add3A_404 = arith.addf %get3A_400, %get3A_403 : vector<16xf32>
      %swap3A_405 = arith.index_cast %scan3A_49 : i32 to index
      %swap3A_406 = arith.constant 560 : index
      %swap3A_407 = tpu.vector_load %arg5[%swap3A_405, %swap3A_406] {strides = array<i32>} : memref<32x1024xf32, #tpu.memory_space<vmem>>, vector<16xf32>,
      tpu.vector_store %arg5[%swap3A_405, %swap3A_406], %add3A_404 {strides = array<i32>} : memref<32x1024xf32, #tpu.memory_space<vmem>>, vector<16xf32>,
      %get3A_408 = arith.index_cast %scan3A_49 : i32 to index
      %get3A_409 = arith.constant 576 : index
      %get3A_410 = tpu.vector_load %arg5[%get3A_408, %get3A_409] {strides = array<i32>} : memref<32x1024xf32, #tpu.memory_space<vmem>>, vector<16xf32>,
      %get3A_411 = arith.index_cast %scan3A_49 : i32 to index
      %get3A_412 = arith.constant 576 : index
      %get3A_413 = tpu.vector_load %arg6[%get3A_411, %get3A_412] {strides = array<i32>} : memref<32x1024xf32, #tpu.memory_space<vmem>>, vector<16xf32>,
      %add3A_414 = arith.addf %get3A_410, %get3A_413 : vector<16xf32>
      %swap3A_415 = arith.index_cast %scan3A_49 : i32 to index
      %swap3A_416 = arith.constant 576 : index
      %swap3A_417 = tpu.vector_load %arg5[%swap3A_415, %swap3A_416] {strides = array<i32>} : memref<32x1024xf32, #tpu.memory_space<vmem>>, vector<16xf32>,
      tpu.vector_store %arg5[%swap3A_415, %swap3A_416], %add3A_414 {strides = array<i32>} : memref<32x1024xf32, #tpu.memory_space<vmem>>, vector<16xf32>,
      %get3A_418 = arith.index_cast %scan3A_49 : i32 to index
      %get3A_419 = arith.constant 592 : index
      %get3A_420 = tpu.vector_load %arg5[%get3A_418, %get3A_419] {strides = array<i32>} : memref<32x1024xf32, #tpu.memory_space<vmem>>, vector<16xf32>,
      %get3A_421 = arith.index_cast %scan3A_49 : i32 to index
      %get3A_422 = arith.constant 592 : index
      %get3A_423 = tpu.vector_load %arg6[%get3A_421, %get3A_422] {strides = array<i32>} : memref<32x1024xf32, #tpu.memory_space<vmem>>, vector<16xf32>,
      %add3A_424 = arith.addf %get3A_420, %get3A_423 : vector<16xf32>
      %swap3A_425 = arith.index_cast %scan3A_49 : i32 to index
      %swap3A_426 = arith.constant 592 : index
      %swap3A_427 = tpu.vector_load %arg5[%swap3A_425, %swap3A_426] {strides = array<i32>} : memref<32x1024xf32, #tpu.memory_space<vmem>>, vector<16xf32>,
      tpu.vector_store %arg5[%swap3A_425, %swap3A_426], %add3A_424 {strides = array<i32>} : memref<32x1024xf32, #tpu.memory_space<vmem>>, vector<16xf32>,
      %get3A_428 = arith.index_cast %scan3A_49 : i32 to index
      %get3A_429 = arith.constant 608 : index
      %get3A_430 = tpu.vector_load %arg5[%get3A_428, %get3A_429] {strides = array<i32>} : memref<32x1024xf32, #tpu.memory_space<vmem>>, vector<16xf32>,
      %get3A_431 = arith.index_cast %scan3A_49 : i32 to index
      %get3A_432 = arith.constant 608 : index
      %get3A_433 = tpu.vector_load %arg6[%get3A_431, %get3A_432] {strides = array<i32>} : memref<32x1024xf32, #tpu.memory_space<vmem>>, vector<16xf32>,
      %add3A_434 = arith.addf %get3A_430, %get3A_433 : vector<16xf32>
      %swap3A_435 = arith.index_cast %scan3A_49 : i32 to index
      %swap3A_436 = arith.constant 608 : index
      %swap3A_437 = tpu.vector_load %arg5[%swap3A_435, %swap3A_436] {strides = array<i32>} : memref<32x1024xf32, #tpu.memory_space<vmem>>, vector<16xf32>,
      tpu.vector_store %arg5[%swap3A_435, %swap3A_436], %add3A_434 {strides = array<i32>} : memref<32x1024xf32, #tpu.memory_space<vmem>>, vector<16xf32>,
      %get3A_438 = arith.index_cast %scan3A_49 : i32 to index
      %get3A_439 = arith.constant 624 : index
      %get3A_440 = tpu.vector_load %arg5[%get3A_438, %get3A_439] {strides = array<i32>} : memref<32x1024xf32, #tpu.memory_space<vmem>>, vector<16xf32>,
      %get3A_441 = arith.index_cast %scan3A_49 : i32 to index
      %get3A_442 = arith.constant 624 : index
      %get3A_443 = tpu.vector_load %arg6[%get3A_441, %get3A_442] {strides = array<i32>} : memref<32x1024xf32, #tpu.memory_space<vmem>>, vector<16xf32>,
      %add3A_444 = arith.addf %get3A_440, %get3A_443 : vector<16xf32>
      %swap3A_445 = arith.index_cast %scan3A_49 : i32 to index
      %swap3A_446 = arith.constant 624 : index
      %swap3A_447 = tpu.vector_load %arg5[%swap3A_445, %swap3A_446] {strides = array<i32>} : memref<32x1024xf32, #tpu.memory_space<vmem>>, vector<16xf32>,
      tpu.vector_store %arg5[%swap3A_445, %swap3A_446], %add3A_444 {strides = array<i32>} : memref<32x1024xf32, #tpu.memory_space<vmem>>, vector<16xf32>,
      %get3A_448 = arith.index_cast %scan3A_49 : i32 to index
      %get3A_449 = arith.constant 640 : index
      %get3A_450 = tpu.vector_load %arg5[%get3A_448, %get3A_449] {strides = array<i32>} : memref<32x1024xf32, #tpu.memory_space<vmem>>, vector<16xf32>,
      %get3A_451 = arith.index_cast %scan3A_49 : i32 to index
      %get3A_452 = arith.constant 640 : index
      %get3A_453 = tpu.vector_load %arg6[%get3A_451, %get3A_452] {strides = array<i32>} : memref<32x1024xf32, #tpu.memory_space<vmem>>, vector<16xf32>,
      %add3A_454 = arith.addf %get3A_450, %get3A_453 : vector<16xf32>
      %swap3A_455 = arith.index_cast %scan3A_49 : i32 to index
      %swap3A_456 = arith.constant 640 : index
      %swap3A_457 = tpu.vector_load %arg5[%swap3A_455, %swap3A_456] {strides = array<i32>} : memref<32x1024xf32, #tpu.memory_space<vmem>>, vector<16xf32>,
      tpu.vector_store %arg5[%swap3A_455, %swap3A_456], %add3A_454 {strides = array<i32>} : memref<32x1024xf32, #tpu.memory_space<vmem>>, vector<16xf32>,
      %get3A_458 = arith.index_cast %scan3A_49 : i32 to index
      %get3A_459 = arith.constant 656 : index
      %get3A_460 = tpu.vector_load %arg5[%get3A_458, %get3A_459] {strides = array<i32>} : memref<32x1024xf32, #tpu.memory_space<vmem>>, vector<16xf32>,
      %get3A_461 = arith.index_cast %scan3A_49 : i32 to index
      %get3A_462 = arith.constant 656 : index
      %get3A_463 = tpu.vector_load %arg6[%get3A_461, %get3A_462] {strides = array<i32>} : memref<32x1024xf32, #tpu.memory_space<vmem>>, vector<16xf32>,
      %add3A_464 = arith.addf %get3A_460, %get3A_463 : vector<16xf32>
      %swap3A_465 = arith.index_cast %scan3A_49 : i32 to index
      %swap3A_466 = arith.constant 656 : index
      %swap3A_467 = tpu.vector_load %arg5[%swap3A_465, %swap3A_466] {strides = array<i32>} : memref<32x1024xf32, #tpu.memory_space<vmem>>, vector<16xf32>,
      tpu.vector_store %arg5[%swap3A_465, %swap3A_466], %add3A_464 {strides = array<i32>} : memref<32x1024xf32, #tpu.memory_space<vmem>>, vector<16xf32>,
      %get3A_468 = arith.index_cast %scan3A_49 : i32 to index
      %get3A_469 = arith.constant 672 : index
      %get3A_470 = tpu.vector_load %arg5[%get3A_468, %get3A_469] {strides = array<i32>} : memref<32x1024xf32, #tpu.memory_space<vmem>>, vector<16xf32>,
      %get3A_471 = arith.index_cast %scan3A_49 : i32 to index
      %get3A_472 = arith.constant 672 : index
      %get3A_473 = tpu.vector_load %arg6[%get3A_471, %get3A_472] {strides = array<i32>} : memref<32x1024xf32, #tpu.memory_space<vmem>>, vector<16xf32>,
      %add3A_474 = arith.addf %get3A_470, %get3A_473 : vector<16xf32>
      %swap3A_475 = arith.index_cast %scan3A_49 : i32 to index
      %swap3A_476 = arith.constant 672 : index
      %swap3A_477 = tpu.vector_load %arg5[%swap3A_475, %swap3A_476] {strides = array<i32>} : memref<32x1024xf32, #tpu.memory_space<vmem>>, vector<16xf32>,
      tpu.vector_store %arg5[%swap3A_475, %swap3A_476], %add3A_474 {strides = array<i32>} : memref<32x1024xf32, #tpu.memory_space<vmem>>, vector<16xf32>,
      %get3A_478 = arith.index_cast %scan3A_49 : i32 to index
      %get3A_479 = arith.constant 688 : index
      %get3A_480 = tpu.vector_load %arg5[%get3A_478, %get3A_479] {strides = array<i32>} : memref<32x1024xf32, #tpu.memory_space<vmem>>, vector<16xf32>,
      %get3A_481 = arith.index_cast %scan3A_49 : i32 to index
      %get3A_482 = arith.constant 688 : index
      %get3A_483 = tpu.vector_load %arg6[%get3A_481, %get3A_482] {strides = array<i32>} : memref<32x1024xf32, #tpu.memory_space<vmem>>, vector<16xf32>,
      %add3A_484 = arith.addf %get3A_480, %get3A_483 : vector<16xf32>
      %swap3A_485 = arith.index_cast %scan3A_49 : i32 to index
      %swap3A_486 = arith.constant 688 : index
      %swap3A_487 = tpu.vector_load %arg5[%swap3A_485, %swap3A_486] {strides = array<i32>} : memref<32x1024xf32, #tpu.memory_space<vmem>>, vector<16xf32>,
      tpu.vector_store %arg5[%swap3A_485, %swap3A_486], %add3A_484 {strides = array<i32>} : memref<32x1024xf32, #tpu.memory_space<vmem>>, vector<16xf32>,
      %get3A_488 = arith.index_cast %scan3A_49 : i32 to index
      %get3A_489 = arith.constant 704 : index
      %get3A_490 = tpu.vector_load %arg5[%get3A_488, %get3A_489] {strides = array<i32>} : memref<32x1024xf32, #tpu.memory_space<vmem>>, vector<16xf32>,
      %get3A_491 = arith.index_cast %scan3A_49 : i32 to index
      %get3A_492 = arith.constant 704 : index
      %get3A_493 = tpu.vector_load %arg6[%get3A_491, %get3A_492] {strides = array<i32>} : memref<32x1024xf32, #tpu.memory_space<vmem>>, vector<16xf32>,
      %add3A_494 = arith.addf %get3A_490, %get3A_493 : vector<16xf32>
      %swap3A_495 = arith.index_cast %scan3A_49 : i32 to index
      %swap3A_496 = arith.constant 704 : index
      %swap3A_497 = tpu.vector_load %arg5[%swap3A_495, %swap3A_496] {strides = array<i32>} : memref<32x1024xf32, #tpu.memory_space<vmem>>, vector<16xf32>,
      tpu.vector_store %arg5[%swap3A_495, %swap3A_496], %add3A_494 {strides = array<i32>} : memref<32x1024xf32, #tpu.memory_space<vmem>>, vector<16xf32>,
      %get3A_498 = arith.index_cast %scan3A_49 : i32 to index
      %get3A_499 = arith.constant 720 : index
      %get3A_500 = tpu.vector_load %arg5[%get3A_498, %get3A_499] {strides = array<i32>} : memref<32x1024xf32, #tpu.memory_space<vmem>>, vector<16xf32>,
      %get3A_501 = arith.index_cast %scan3A_49 : i32 to index
      %get3A_502 = arith.constant 720 : index
      %get3A_503 = tpu.vector_load %arg6[%get3A_501, %get3A_502] {strides = array<i32>} : memref<32x1024xf32, #tpu.memory_space<vmem>>, vector<16xf32>,
      %add3A_504 = arith.addf %get3A_500, %get3A_503 : vector<16xf32>
      %swap3A_505 = arith.index_cast %scan3A_49 : i32 to index
      %swap3A_506 = arith.constant 720 : index
      %swap3A_507 = tpu.vector_load %arg5[%swap3A_505, %swap3A_506] {strides = array<i32>} : memref<32x1024xf32, #tpu.memory_space<vmem>>, vector<16xf32>,
      tpu.vector_store %arg5[%swap3A_505, %swap3A_506], %add3A_504 {strides = array<i32>} : memref<32x1024xf32, #tpu.memory_space<vmem>>, vector<16xf32>,
      %get3A_508 = arith.index_cast %scan3A_49 : i32 to index
      %get3A_509 = arith.constant 736 : index
      %get3A_510 = tpu.vector_load %arg5[%get3A_508, %get3A_509] {strides = array<i32>} : memref<32x1024xf32, #tpu.memory_space<vmem>>, vector<16xf32>,
      %get3A_511 = arith.index_cast %scan3A_49 : i32 to index
      %get3A_512 = arith.constant 736 : index
      %get3A_513 = tpu.vector_load %arg6[%get3A_511, %get3A_512] {strides = array<i32>} : memref<32x1024xf32, #tpu.memory_space<vmem>>, vector<16xf32>,
      %add3A_514 = arith.addf %get3A_510, %get3A_513 : vector<16xf32>
      %swap3A_515 = arith.index_cast %scan3A_49 : i32 to index
      %swap3A_516 = arith.constant 736 : index
      %swap3A_517 = tpu.vector_load %arg5[%swap3A_515, %swap3A_516] {strides = array<i32>} : memref<32x1024xf32, #tpu.memory_space<vmem>>, vector<16xf32>,
      tpu.vector_store %arg5[%swap3A_515, %swap3A_516], %add3A_514 {strides = array<i32>} : memref<32x1024xf32, #tpu.memory_space<vmem>>, vector<16xf32>,
      %get3A_518 = arith.index_cast %scan3A_49 : i32 to index
      %get3A_519 = arith.constant 752 : index
      %get3A_520 = tpu.vector_load %arg5[%get3A_518, %get3A_519] {strides = array<i32>} : memref<32x1024xf32, #tpu.memory_space<vmem>>, vector<16xf32>,
      %get3A_521 = arith.index_cast %scan3A_49 : i32 to index
      %get3A_522 = arith.constant 752 : index
      %get3A_523 = tpu.vector_load %arg6[%get3A_521, %get3A_522] {strides = array<i32>} : memref<32x1024xf32, #tpu.memory_space<vmem>>, vector<16xf32>,
      %add3A_524 = arith.addf %get3A_520, %get3A_523 : vector<16xf32>
      %swap3A_525 = arith.index_cast %scan3A_49 : i32 to index
      %swap3A_526 = arith.constant 752 : index
      %swap3A_527 = tpu.vector_load %arg5[%swap3A_525, %swap3A_526] {strides = array<i32>} : memref<32x1024xf32, #tpu.memory_space<vmem>>, vector<16xf32>,
      tpu.vector_store %arg5[%swap3A_525, %swap3A_526], %add3A_524 {strides = array<i32>} : memref<32x1024xf32, #tpu.memory_space<vmem>>, vector<16xf32>,
      %get3A_528 = arith.index_cast %scan3A_49 : i32 to index
      %get3A_529 = arith.constant 768 : index
      %get3A_530 = tpu.vector_load %arg5[%get3A_528, %get3A_529] {strides = array<i32>} : memref<32x1024xf32, #tpu.memory_space<vmem>>, vector<16xf32>,
      %get3A_531 = arith.index_cast %scan3A_49 : i32 to index
      %get3A_532 = arith.constant 768 : index
      %get3A_533 = tpu.vector_load %arg6[%get3A_531, %get3A_532] {strides = array<i32>} : memref<32x1024xf32, #tpu.memory_space<vmem>>, vector<16xf32>,
      %add3A_534 = arith.addf %get3A_530, %get3A_533 : vector<16xf32>
      %swap3A_535 = arith.index_cast %scan3A_49 : i32 to index
      %swap3A_536 = arith.constant 768 : index
      %swap3A_537 = tpu.vector_load %arg5[%swap3A_535, %swap3A_536] {strides = array<i32>} : memref<32x1024xf32, #tpu.memory_space<vmem>>, vector<16xf32>,
      tpu.vector_store %arg5[%swap3A_535, %swap3A_536], %add3A_534 {strides = array<i32>} : memref<32x1024xf32, #tpu.memory_space<vmem>>, vector<16xf32>,
      %get3A_538 = arith.index_cast %scan3A_49 : i32 to index
      %get3A_539 = arith.constant 784 : index
      %get3A_540 = tpu.vector_load %arg5[%get3A_538, %get3A_539] {strides = array<i32>} : memref<32x1024xf32, #tpu.memory_space<vmem>>, vector<16xf32>,
      %get3A_541 = arith.index_cast %scan3A_49 : i32 to index
      %get3A_542 = arith.constant 784 : index
      %get3A_543 = tpu.vector_load %arg6[%get3A_541, %get3A_542] {strides = array<i32>} : memref<32x1024xf32, #tpu.memory_space<vmem>>, vector<16xf32>,
      %add3A_544 = arith.addf %get3A_540, %get3A_543 : vector<16xf32>
      %swap3A_545 = arith.index_cast %scan3A_49 : i32 to index
      %swap3A_546 = arith.constant 784 : index
      %swap3A_547 = tpu.vector_load %arg5[%swap3A_545, %swap3A_546] {strides = array<i32>} : memref<32x1024xf32, #tpu.memory_space<vmem>>, vector<16xf32>,
      tpu.vector_store %arg5[%swap3A_545, %swap3A_546], %add3A_544 {strides = array<i32>} : memref<32x1024xf32, #tpu.memory_space<vmem>>, vector<16xf32>,
      %get3A_548 = arith.index_cast %scan3A_49 : i32 to index
      %get3A_549 = arith.constant 800 : index
      %get3A_550 = tpu.vector_load %arg5[%get3A_548, %get3A_549] {strides = array<i32>} : memref<32x1024xf32, #tpu.memory_space<vmem>>, vector<16xf32>,
      %get3A_551 = arith.index_cast %scan3A_49 : i32 to index
      %get3A_552 = arith.constant 800 : index
      %get3A_553 = tpu.vector_load %arg6[%get3A_551, %get3A_552] {strides = array<i32>} : memref<32x1024xf32, #tpu.memory_space<vmem>>, vector<16xf32>,
      %add3A_554 = arith.addf %get3A_550, %get3A_553 : vector<16xf32>
      %swap3A_555 = arith.index_cast %scan3A_49 : i32 to index
      %swap3A_556 = arith.constant 800 : index
      %swap3A_557 = tpu.vector_load %arg5[%swap3A_555, %swap3A_556] {strides = array<i32>} : memref<32x1024xf32, #tpu.memory_space<vmem>>, vector<16xf32>,
      tpu.vector_store %arg5[%swap3A_555, %swap3A_556], %add3A_554 {strides = array<i32>} : memref<32x1024xf32, #tpu.memory_space<vmem>>, vector<16xf32>,
      %get3A_558 = arith.index_cast %scan3A_49 : i32 to index
      %get3A_559 = arith.constant 816 : index
      %get3A_560 = tpu.vector_load %arg5[%get3A_558, %get3A_559] {strides = array<i32>} : memref<32x1024xf32, #tpu.memory_space<vmem>>, vector<16xf32>,
      %get3A_561 = arith.index_cast %scan3A_49 : i32 to index
      %get3A_562 = arith.constant 816 : index
      %get3A_563 = tpu.vector_load %arg6[%get3A_561, %get3A_562] {strides = array<i32>} : memref<32x1024xf32, #tpu.memory_space<vmem>>, vector<16xf32>,
      %add3A_564 = arith.addf %get3A_560, %get3A_563 : vector<16xf32>
      %swap3A_565 = arith.index_cast %scan3A_49 : i32 to index
      %swap3A_566 = arith.constant 816 : index
      %swap3A_567 = tpu.vector_load %arg5[%swap3A_565, %swap3A_566] {strides = array<i32>} : memref<32x1024xf32, #tpu.memory_space<vmem>>, vector<16xf32>,
      tpu.vector_store %arg5[%swap3A_565, %swap3A_566], %add3A_564 {strides = array<i32>} : memref<32x1024xf32, #tpu.memory_space<vmem>>, vector<16xf32>,
      %get3A_568 = arith.index_cast %scan3A_49 : i32 to index
      %get3A_569 = arith.constant 832 : index
      %get3A_570 = tpu.vector_load %arg5[%get3A_568, %get3A_569] {strides = array<i32>} : memref<32x1024xf32, #tpu.memory_space<vmem>>, vector<16xf32>,
      %get3A_571 = arith.index_cast %scan3A_49 : i32 to index
      %get3A_572 = arith.constant 832 : index
      %get3A_573 = tpu.vector_load %arg6[%get3A_571, %get3A_572] {strides = array<i32>} : memref<32x1024xf32, #tpu.memory_space<vmem>>, vector<16xf32>,
      %add3A_574 = arith.addf %get3A_570, %get3A_573 : vector<16xf32>
      %swap3A_575 = arith.index_cast %scan3A_49 : i32 to index
      %swap3A_576 = arith.constant 832 : index
      %swap3A_577 = tpu.vector_load %arg5[%swap3A_575, %swap3A_576] {strides = array<i32>} : memref<32x1024xf32, #tpu.memory_space<vmem>>, vector<16xf32>,
      tpu.vector_store %arg5[%swap3A_575, %swap3A_576], %add3A_574 {strides = array<i32>} : memref<32x1024xf32, #tpu.memory_space<vmem>>, vector<16xf32>,
      %get3A_578 = arith.index_cast %scan3A_49 : i32 to index
      %get3A_579 = arith.constant 848 : index
      %get3A_580 = tpu.vector_load %arg5[%get3A_578, %get3A_579] {strides = array<i32>} : memref<32x1024xf32, #tpu.memory_space<vmem>>, vector<16xf32>,
      %get3A_581 = arith.index_cast %scan3A_49 : i32 to index
      %get3A_582 = arith.constant 848 : index
      %get3A_583 = tpu.vector_load %arg6[%get3A_581, %get3A_582] {strides = array<i32>} : memref<32x1024xf32, #tpu.memory_space<vmem>>, vector<16xf32>,
      %add3A_584 = arith.addf %get3A_580, %get3A_583 : vector<16xf32>
      %swap3A_585 = arith.index_cast %scan3A_49 : i32 to index
      %swap3A_586 = arith.constant 848 : index
      %swap3A_587 = tpu.vector_load %arg5[%swap3A_585, %swap3A_586] {strides = array<i32>} : memref<32x1024xf32, #tpu.memory_space<vmem>>, vector<16xf32>,
      tpu.vector_store %arg5[%swap3A_585, %swap3A_586], %add3A_584 {strides = array<i32>} : memref<32x1024xf32, #tpu.memory_space<vmem>>, vector<16xf32>,
      %get3A_588 = arith.index_cast %scan3A_49 : i32 to index
      %get3A_589 = arith.constant 864 : index
      %get3A_590 = tpu.vector_load %arg5[%get3A_588, %get3A_589] {strides = array<i32>} : memref<32x1024xf32, #tpu.memory_space<vmem>>, vector<16xf32>,
      %get3A_591 = arith.index_cast %scan3A_49 : i32 to index
      %get3A_592 = arith.constant 864 : index
      %get3A_593 = tpu.vector_load %arg6[%get3A_591, %get3A_592] {strides = array<i32>} : memref<32x1024xf32, #tpu.memory_space<vmem>>, vector<16xf32>,
      %add3A_594 = arith.addf %get3A_590, %get3A_593 : vector<16xf32>
      %swap3A_595 = arith.index_cast %scan3A_49 : i32 to index
      %swap3A_596 = arith.constant 864 : index
      %swap3A_597 = tpu.vector_load %arg5[%swap3A_595, %swap3A_596] {strides = array<i32>} : memref<32x1024xf32, #tpu.memory_space<vmem>>, vector<16xf32>,
      tpu.vector_store %arg5[%swap3A_595, %swap3A_596], %add3A_594 {strides = array<i32>} : memref<32x1024xf32, #tpu.memory_space<vmem>>, vector<16xf32>,
      %get3A_598 = arith.index_cast %scan3A_49 : i32 to index
      %get3A_599 = arith.constant 880 : index
      %get3A_600 = tpu.vector_load %arg5[%get3A_598, %get3A_599] {strides = array<i32>} : memref<32x1024xf32, #tpu.memory_space<vmem>>, vector<16xf32>,
      %get3A_601 = arith.index_cast %scan3A_49 : i32 to index
      %get3A_602 = arith.constant 880 : index
      %get3A_603 = tpu.vector_load %arg6[%get3A_601, %get3A_602] {strides = array<i32>} : memref<32x1024xf32, #tpu.memory_space<vmem>>, vector<16xf32>,
      %add3A_604 = arith.addf %get3A_600, %get3A_603 : vector<16xf32>
      %swap3A_605 = arith.index_cast %scan3A_49 : i32 to index
      %swap3A_606 = arith.constant 880 : index
      %swap3A_607 = tpu.vector_load %arg5[%swap3A_605, %swap3A_606] {strides = array<i32>} : memref<32x1024xf32, #tpu.memory_space<vmem>>, vector<16xf32>,
      tpu.vector_store %arg5[%swap3A_605, %swap3A_606], %add3A_604 {strides = array<i32>} : memref<32x1024xf32, #tpu.memory_space<vmem>>, vector<16xf32>,
      %get3A_608 = arith.index_cast %scan3A_49 : i32 to index
      %get3A_609 = arith.constant 896 : index
      %get3A_610 = tpu.vector_load %arg5[%get3A_608, %get3A_609] {strides = array<i32>} : memref<32x1024xf32, #tpu.memory_space<vmem>>, vector<16xf32>,
      %get3A_611 = arith.index_cast %scan3A_49 : i32 to index
      %get3A_612 = arith.constant 896 : index
      %get3A_613 = tpu.vector_load %arg6[%get3A_611, %get3A_612] {strides = array<i32>} : memref<32x1024xf32, #tpu.memory_space<vmem>>, vector<16xf32>,
      %add3A_614 = arith.addf %get3A_610, %get3A_613 : vector<16xf32>
      %swap3A_615 = arith.index_cast %scan3A_49 : i32 to index
      %swap3A_616 = arith.constant 896 : index
      %swap3A_617 = tpu.vector_load %arg5[%swap3A_615, %swap3A_616] {strides = array<i32>} : memref<32x1024xf32, #tpu.memory_space<vmem>>, vector<16xf32>,
      tpu.vector_store %arg5[%swap3A_615, %swap3A_616], %add3A_614 {strides = array<i32>} : memref<32x1024xf32, #tpu.memory_space<vmem>>, vector<16xf32>,
      %get3A_618 = arith.index_cast %scan3A_49 : i32 to index
      %get3A_619 = arith.constant 912 : index
      %get3A_620 = tpu.vector_load %arg5[%get3A_618, %get3A_619] {strides = array<i32>} : memref<32x1024xf32, #tpu.memory_space<vmem>>, vector<16xf32>,
      %get3A_621 = arith.index_cast %scan3A_49 : i32 to index
      %get3A_622 = arith.constant 912 : index
      %get3A_623 = tpu.vector_load %arg6[%get3A_621, %get3A_622] {strides = array<i32>} : memref<32x1024xf32, #tpu.memory_space<vmem>>, vector<16xf32>,
      %add3A_624 = arith.addf %get3A_620, %get3A_623 : vector<16xf32>
      %swap3A_625 = arith.index_cast %scan3A_49 : i32 to index
      %swap3A_626 = arith.constant 912 : index
      %swap3A_627 = tpu.vector_load %arg5[%swap3A_625, %swap3A_626] {strides = array<i32>} : memref<32x1024xf32, #tpu.memory_space<vmem>>, vector<16xf32>,
      tpu.vector_store %arg5[%swap3A_625, %swap3A_626], %add3A_624 {strides = array<i32>} : memref<32x1024xf32, #tpu.memory_space<vmem>>, vector<16xf32>,
      %get3A_628 = arith.index_cast %scan3A_49 : i32 to index
      %get3A_629 = arith.constant 928 : index
      %get3A_630 = tpu.vector_load %arg5[%get3A_628, %get3A_629] {strides = array<i32>} : memref<32x1024xf32, #tpu.memory_space<vmem>>, vector<16xf32>,
      %get3A_631 = arith.index_cast %scan3A_49 : i32 to index
      %get3A_632 = arith.constant 928 : index
      %get3A_633 = tpu.vector_load %arg6[%get3A_631, %get3A_632] {strides = array<i32>} : memref<32x1024xf32, #tpu.memory_space<vmem>>, vector<16xf32>,
      %add3A_634 = arith.addf %get3A_630, %get3A_633 : vector<16xf32>
      %swap3A_635 = arith.index_cast %scan3A_49 : i32 to index
      %swap3A_636 = arith.constant 928 : index
      %swap3A_637 = tpu.vector_load %arg5[%swap3A_635, %swap3A_636] {strides = array<i32>} : memref<32x1024xf32, #tpu.memory_space<vmem>>, vector<16xf32>,
      tpu.vector_store %arg5[%swap3A_635, %swap3A_636], %add3A_634 {strides = array<i32>} : memref<32x1024xf32, #tpu.memory_space<vmem>>, vector<16xf32>,
      %get3A_638 = arith.index_cast %scan3A_49 : i32 to index
      %get3A_639 = arith.constant 944 : index
      %get3A_640 = tpu.vector_load %arg5[%get3A_638, %get3A_639] {strides = array<i32>} : memref<32x1024xf32, #tpu.memory_space<vmem>>, vector<16xf32>,
      %get3A_641 = arith.index_cast %scan3A_49 : i32 to index
      %get3A_642 = arith.constant 944 : index
      %get3A_643 = tpu.vector_load %arg6[%get3A_641, %get3A_642] {strides = array<i32>} : memref<32x1024xf32, #tpu.memory_space<vmem>>, vector<16xf32>,
      %add3A_644 = arith.addf %get3A_640, %get3A_643 : vector<16xf32>
      %swap3A_645 = arith.index_cast %scan3A_49 : i32 to index
      %swap3A_646 = arith.constant 944 : index
      %swap3A_647 = tpu.vector_load %arg5[%swap3A_645, %swap3A_646] {strides = array<i32>} : memref<32x1024xf32, #tpu.memory_space<vmem>>, vector<16xf32>,
      tpu.vector_store %arg5[%swap3A_645, %swap3A_646], %add3A_644 {strides = array<i32>} : memref<32x1024xf32, #tpu.memory_space<vmem>>, vector<16xf32>,
      %get3A_648 = arith.index_cast %scan3A_49 : i32 to index
      %get3A_649 = arith.constant 960 : index
      %get3A_650 = tpu.vector_load %arg5[%get3A_648, %get3A_649] {strides = array<i32>} : memref<32x1024xf32, #tpu.memory_space<vmem>>, vector<16xf32>,
      %get3A_651 = arith.index_cast %scan3A_49 : i32 to index
      %get3A_652 = arith.constant 960 : index
      %get3A_653 = tpu.vector_load %arg6[%get3A_651, %get3A_652] {strides = array<i32>} : memref<32x1024xf32, #tpu.memory_space<vmem>>, vector<16xf32>,
      %add3A_654 = arith.addf %get3A_650, %get3A_653 : vector<16xf32>
      %swap3A_655 = arith.index_cast %scan3A_49 : i32 to index
      %swap3A_656 = arith.constant 960 : index
      %swap3A_657 = tpu.vector_load %arg5[%swap3A_655, %swap3A_656] {strides = array<i32>} : memref<32x1024xf32, #tpu.memory_space<vmem>>, vector<16xf32>,
      tpu.vector_store %arg5[%swap3A_655, %swap3A_656], %add3A_654 {strides = array<i32>} : memref<32x1024xf32, #tpu.memory_space<vmem>>, vector<16xf32>,
      %get3A_658 = arith.index_cast %scan3A_49 : i32 to index
      %get3A_659 = arith.constant 976 : index
      %get3A_660 = tpu.vector_load %arg5[%get3A_658, %get3A_659] {strides = array<i32>} : memref<32x1024xf32, #tpu.memory_space<vmem>>, vector<16xf32>,
      %get3A_661 = arith.index_cast %scan3A_49 : i32 to index
      %get3A_662 = arith.constant 976 : index
      %get3A_663 = tpu.vector_load %arg6[%get3A_661, %get3A_662] {strides = array<i32>} : memref<32x1024xf32, #tpu.memory_space<vmem>>, vector<16xf32>,
      %add3A_664 = arith.addf %get3A_660, %get3A_663 : vector<16xf32>
      %swap3A_665 = arith.index_cast %scan3A_49 : i32 to index
      %swap3A_666 = arith.constant 976 : index
      %swap3A_667 = tpu.vector_load %arg5[%swap3A_665, %swap3A_666] {strides = array<i32>} : memref<32x1024xf32, #tpu.memory_space<vmem>>, vector<16xf32>,
      tpu.vector_store %arg5[%swap3A_665, %swap3A_666], %add3A_664 {strides = array<i32>} : memref<32x1024xf32, #tpu.memory_space<vmem>>, vector<16xf32>,
      %get3A_668 = arith.index_cast %scan3A_49 : i32 to index
      %get3A_669 = arith.constant 992 : index
      %get3A_670 = tpu.vector_load %arg5[%get3A_668, %get3A_669] {strides = array<i32>} : memref<32x1024xf32, #tpu.memory_space<vmem>>, vector<16xf32>,
      %get3A_671 = arith.index_cast %scan3A_49 : i32 to index
      %get3A_672 = arith.constant 992 : index
      %get3A_673 = tpu.vector_load %arg6[%get3A_671, %get3A_672] {strides = array<i32>} : memref<32x1024xf32, #tpu.memory_space<vmem>>, vector<16xf32>,
      %add3A_674 = arith.addf %get3A_670, %get3A_673 : vector<16xf32>
      %swap3A_675 = arith.index_cast %scan3A_49 : i32 to index
      %swap3A_676 = arith.constant 992 : index
      %swap3A_677 = tpu.vector_load %arg5[%swap3A_675, %swap3A_676] {strides = array<i32>} : memref<32x1024xf32, #tpu.memory_space<vmem>>, vector<16xf32>,
      tpu.vector_store %arg5[%swap3A_675, %swap3A_676], %add3A_674 {strides = array<i32>} : memref<32x1024xf32, #tpu.memory_space<vmem>>, vector<16xf32>,
      %get3A_678 = arith.index_cast %scan3A_49 : i32 to index
      %get3A_679 = arith.constant 1008 : index
      %get3A_680 = tpu.vector_load %arg5[%get3A_678, %get3A_679] {strides = array<i32>} : memref<32x1024xf32, #tpu.memory_space<vmem>>, vector<16xf32>,
      %get3A_681 = arith.index_cast %scan3A_49 : i32 to index
      %get3A_682 = arith.constant 1008 : index
      %get3A_683 = tpu.vector_load %arg6[%get3A_681, %get3A_682] {strides = array<i32>} : memref<32x1024xf32, #tpu.memory_space<vmem>>, vector<16xf32>,
      %add3A_684 = arith.addf %get3A_680, %get3A_683 : vector<16xf32>
      %swap3A_685 = arith.index_cast %scan3A_49 : i32 to index
      %swap3A_686 = arith.constant 1008 : index
      %swap3A_687 = tpu.vector_load %arg5[%swap3A_685, %swap3A_686] {strides = array<i32>} : memref<32x1024xf32, #tpu.memory_space<vmem>>, vector<16xf32>,
      tpu.vector_store %arg5[%swap3A_685, %swap3A_686], %add3A_684 {strides = array<i32>} : memref<32x1024xf32, #tpu.memory_space<vmem>>, vector<16xf32>,
    }
    %scan3A_22 = arith.constant 32 : i32
    "tpu.region"() ({
      %run_scoped3A_49 = tpu.sem_alloc : memref<!tpu.dma_semaphore, #tpu.memory_space<semaphore_mem>>
      %dma_start3A_50 = arith.constant 0 : i32
      %dma_start3A_51 = tpu.memref_slice %arg4[%add3A_4, %dma_start3A_50] : memref<2048x1024xf32, #tpu.memory_space<hbm>> -> memref<32x1024xf32, #tpu.memory_space<hbm>>
      %dma_start3A_52 = arith.constant 0 : i32
      %dma_start3A_53 = tpu.memref_slice %arg4[%add3A_4, %dma_start3A_52] : memref<2048x1024xf32, #tpu.memory_space<hbm>> -> memref<32x1024xf32, #tpu.memory_space<hbm>>
      tpu.enqueue_dma source(%arg5 : memref<32x1024xf32, #tpu.memory_space<vmem>>) target(%dma_start3A_53 : memref<32x1024xf32, #tpu.memory_space<hbm>>) target_semaphore(%run_scoped3A_49 : memref<!tpu.dma_semaphore, #tpu.memory_space<semaphore_mem>>)
      %dma_wait3A_54 = arith.constant 0 : i32
      %dma_wait3A_55 = tpu.memref_slice %arg4[%add3A_4, %dma_wait3A_54] : memref<2048x1024xf32, #tpu.memory_space<hbm>> -> memref<32x1024xf32, #tpu.memory_space<hbm>>
      %dma_wait3A_56 = arith.constant 0 : i32
      %dma_wait3A_57 = tpu.memref_slice %arg4[%add3A_4, %dma_wait3A_56] : memref<2048x1024xf32, #tpu.memory_space<hbm>> -> memref<32x1024xf32, #tpu.memory_space<hbm>>
      tpu.wait_dma2 semaphore(%run_scoped3A_49 : memref<!tpu.dma_semaphore, #tpu.memory_space<semaphore_mem>>) src(%arg5 : memref<32x1024xf32, #tpu.memory_space<vmem>>) dst(%dma_wait3A_57 : memref<32x1024xf32, #tpu.memory_space<hbm>>)
      tpu.yield
    }) : () -> ()
    %mul3A_23 = arith.constant 64 : i32
    %mul3A_24 = arith.muli %add3A, %mul3A_23 : i32
    %add3A_25 = arith.constant 32 : i32
    %add3A_26 = arith.addi %mul3A_24, %add3A_25 : i32
    %run_scoped3A_27 = arith.constant 0 : i32
    "tpu.region"() ({
      %run_scoped3A_49 = tpu.sem_alloc : memref<!tpu.dma_semaphore, #tpu.memory_space<semaphore_mem>>
      %dma_start3A_50 = tpu.memref_slice %arg3[%run_scoped3A_27, %add3A_26] : memref<2x4096xi32, #tpu.memory_space<hbm>> -> memref<1x32xi32, #tpu.memory_space<hbm>>
      %dma_start3A_51 = tpu.memref_squeeze %dma_start3A_50 : memref<1x32xi32, #tpu.memory_space<hbm>> -> memref<32xi32, #tpu.memory_space<hbm>>
      %dma_start3A_52 = tpu.memref_slice %arg3[%run_scoped3A_27, %add3A_26] : memref<2x4096xi32, #tpu.memory_space<hbm>> -> memref<1x32xi32, #tpu.memory_space<hbm>>
      %dma_start3A_53 = tpu.memref_squeeze %dma_start3A_52 : memref<1x32xi32, #tpu.memory_space<hbm>> -> memref<32xi32, #tpu.memory_space<hbm>>
      tpu.enqueue_dma source(%dma_start3A_53 : memref<32xi32, #tpu.memory_space<hbm>>) target(%arg7 : memref<32xi32, #tpu.memory_space<vmem>>) target_semaphore(%run_scoped3A_49 : memref<!tpu.dma_semaphore, #tpu.memory_space<semaphore_mem>>)
      %dma_wait3A_54 = tpu.memref_slice %arg3[%run_scoped3A_27, %add3A_26] : memref<2x4096xi32, #tpu.memory_space<hbm>> -> memref<1x32xi32, #tpu.memory_space<hbm>>
      %dma_wait3A_55 = tpu.memref_squeeze %dma_wait3A_54 : memref<1x32xi32, #tpu.memory_space<hbm>> -> memref<32xi32, #tpu.memory_space<hbm>>
      %dma_wait3A_56 = tpu.memref_slice %arg3[%run_scoped3A_27, %add3A_26] : memref<2x4096xi32, #tpu.memory_space<hbm>> -> memref<1x32xi32, #tpu.memory_space<hbm>>
      %dma_wait3A_57 = tpu.memref_squeeze %dma_wait3A_56 : memref<1x32xi32, #tpu.memory_space<hbm>> -> memref<32xi32, #tpu.memory_space<hbm>>
      tpu.wait_dma2 semaphore(%run_scoped3A_49 : memref<!tpu.dma_semaphore, #tpu.memory_space<semaphore_mem>>) src(%dma_wait3A_57 : memref<32xi32, #tpu.memory_space<hbm>>) dst(%arg7 : memref<32xi32, #tpu.memory_space<vmem>>)
      tpu.yield
    }) : () -> ()
    %add3A_28 = arith.constant 2048 : i32
    %add3A_29 = arith.addi %add3A_28, %add3A_26 : i32
    %run_scoped3A_30 = arith.constant 0 : i32
    "tpu.region"() ({
      %run_scoped3A_49 = tpu.sem_alloc : memref<!tpu.dma_semaphore, #tpu.memory_space<semaphore_mem>>
      %dma_start3A_50 = tpu.memref_slice %arg3[%run_scoped3A_30, %add3A_29] : memref<2x4096xi32, #tpu.memory_space<hbm>> -> memref<1x32xi32, #tpu.memory_space<hbm>>
      %dma_start3A_51 = tpu.memref_squeeze %dma_start3A_50 : memref<1x32xi32, #tpu.memory_space<hbm>> -> memref<32xi32, #tpu.memory_space<hbm>>
      %dma_start3A_52 = tpu.memref_slice %arg3[%run_scoped3A_30, %add3A_29] : memref<2x4096xi32, #tpu.memory_space<hbm>> -> memref<1x32xi32, #tpu.memory_space<hbm>>
      %dma_start3A_53 = tpu.memref_squeeze %dma_start3A_52 : memref<1x32xi32, #tpu.memory_space<hbm>> -> memref<32xi32, #tpu.memory_space<hbm>>
      tpu.enqueue_dma source(%dma_start3A_53 : memref<32xi32, #tpu.memory_space<hbm>>) target(%arg8 : memref<32xi32, #tpu.memory_space<vmem>>) target_semaphore(%run_scoped3A_49 : memref<!tpu.dma_semaphore, #tpu.memory_space<semaphore_mem>>)
      %dma_wait3A_54 = tpu.memref_slice %arg3[%run_scoped3A_30, %add3A_29] : memref<2x4096xi32, #tpu.memory_space<hbm>> -> memref<1x32xi32, #tpu.memory_space<hbm>>
      %dma_wait3A_55 = tpu.memref_squeeze %dma_wait3A_54 : memref<1x32xi32, #tpu.memory_space<hbm>> -> memref<32xi32, #tpu.memory_space<hbm>>
      %dma_wait3A_56 = tpu.memref_slice %arg3[%run_scoped3A_30, %add3A_29] : memref<2x4096xi32, #tpu.memory_space<hbm>> -> memref<1x32xi32, #tpu.memory_space<hbm>>
      %dma_wait3A_57 = tpu.memref_squeeze %dma_wait3A_56 : memref<1x32xi32, #tpu.memory_space<hbm>> -> memref<32xi32, #tpu.memory_space<hbm>>
      tpu.wait_dma2 semaphore(%run_scoped3A_49 : memref<!tpu.dma_semaphore, #tpu.memory_space<semaphore_mem>>) src(%dma_wait3A_57 : memref<32xi32, #tpu.memory_space<hbm>>) dst(%arg8 : memref<32xi32, #tpu.memory_space<vmem>>)
      tpu.yield
    }) : () -> ()
    %dma_start3A_31 = arith.constant 0 : i32
    %dma_start3A_32 = arith.constant 0 : i32
    %dma_start3A_33 = tpu.memref_slice %arg2[%dma_start3A_31, %dma_start3A_32] : memref<5888x1024xf32, #tpu.memory_space<hbm>> -> memref<5888x1024xf32, #tpu.memory_space<hbm>>
    tpu.enqueue_indirect_dma source(%dma_start3A_33 : memref<5888x1024xf32, #tpu.memory_space<hbm>>) target(%arg5 : memref<32x1024xf32, #tpu.memory_space<vmem>>) offsets(%arg7 : memref<32xi32, #tpu.memory_space<vmem>>) semaphore(%arg9 : memref<!tpu.dma_semaphore, #tpu.memory_space<semaphore_mem>>)
    %dma_wait3A_34 = arith.constant 0 : i32
    %dma_wait3A_35 = arith.constant 0 : i32
    %dma_wait3A_36 = tpu.memref_slice %arg2[%dma_wait3A_34, %dma_wait3A_35] : memref<5888x1024xf32, #tpu.memory_space<hbm>> -> memref<5888x1024xf32, #tpu.memory_space<hbm>>
    tpu.wait_indirect_dma semaphore(%arg9 : memref<!tpu.dma_semaphore, #tpu.memory_space<semaphore_mem>>) src(%dma_wait3A_36 : memref<5888x1024xf32, #tpu.memory_space<hbm>>) dst(%arg5 : memref<32x1024xf32, #tpu.memory_space<vmem>>)
    %dma_start3A_37 = arith.constant 0 : i32
    %dma_start3A_38 = arith.constant 0 : i32
    %dma_start3A_39 = tpu.memref_slice %arg2[%dma_start3A_37, %dma_start3A_38] : memref<5888x1024xf32, #tpu.memory_space<hbm>> -> memref<5888x1024xf32, #tpu.memory_space<hbm>>
    tpu.enqueue_indirect_dma source(%dma_start3A_39 : memref<5888x1024xf32, #tpu.memory_space<hbm>>) target(%arg6 : memref<32x1024xf32, #tpu.memory_space<vmem>>) offsets(%arg8 : memref<32xi32, #tpu.memory_space<vmem>>) semaphore(%arg9 : memref<!tpu.dma_semaphore, #tpu.memory_space<semaphore_mem>>)
    %dma_wait3A_40 = arith.constant 0 : i32
    %dma_wait3A_41 = arith.constant 0 : i32
    %dma_wait3A_42 = tpu.memref_slice %arg2[%dma_wait3A_40, %dma_wait3A_41] : memref<5888x1024xf32, #tpu.memory_space<hbm>> -> memref<5888x1024xf32, #tpu.memory_space<hbm>>
    tpu.wait_indirect_dma semaphore(%arg9 : memref<!tpu.dma_semaphore, #tpu.memory_space<semaphore_mem>>) src(%dma_wait3A_42 : memref<5888x1024xf32, #tpu.memory_space<hbm>>) dst(%arg6 : memref<32x1024xf32, #tpu.memory_space<vmem>>)
    %scan3A_43 = arith.constant 0 : i32
    %scan3A_44 = arith.constant 0 : i32
    %scan3A_45 = arith.constant 32 : i32
    %scan3A_46 = arith.addi %scan3A_44, %scan3A_45 : i32
    %scan3A_47 = arith.constant 1 : i32
    scf.for %scan3A_49 = %scan3A_44 to %scan3A_46 step %scan3A_47  : i32 {
      %get3A = arith.index_cast %scan3A_49 : i32 to index
      %get3A_50 = arith.constant 0 : index
      %get3A_51 = tpu.vector_load %arg5[%get3A, %get3A_50] {strides = array<i32>} : memref<32x1024xf32, #tpu.memory_space<vmem>>, vector<16xf32>,
      %get3A_52 = arith.index_cast %scan3A_49 : i32 to index
      %get3A_53 = arith.constant 0 : index
      %get3A_54 = tpu.vector_load %arg6[%get3A_52, %get3A_53] {strides = array<i32>} : memref<32x1024xf32, #tpu.memory_space<vmem>>, vector<16xf32>,
      %add3A_55 = arith.addf %get3A_51, %get3A_54 : vector<16xf32>
      %swap3A = arith.index_cast %scan3A_49 : i32 to index
      %swap3A_56 = arith.constant 0 : index
      %swap3A_57 = tpu.vector_load %arg5[%swap3A, %swap3A_56] {strides = array<i32>} : memref<32x1024xf32, #tpu.memory_space<vmem>>, vector<16xf32>,
      tpu.vector_store %arg5[%swap3A, %swap3A_56], %add3A_55 {strides = array<i32>} : memref<32x1024xf32, #tpu.memory_space<vmem>>, vector<16xf32>,
      %get3A_58 = arith.index_cast %scan3A_49 : i32 to index
      %get3A_59 = arith.constant 16 : index
      %get3A_60 = tpu.vector_load %arg5[%get3A_58, %get3A_59] {strides = array<i32>} : memref<32x1024xf32, #tpu.memory_space<vmem>>, vector<16xf32>,
      %get3A_61 = arith.index_cast %scan3A_49 : i32 to index
      %get3A_62 = arith.constant 16 : index
      %get3A_63 = tpu.vector_load %arg6[%get3A_61, %get3A_62] {strides = array<i32>} : memref<32x1024xf32, #tpu.memory_space<vmem>>, vector<16xf32>,
      %add3A_64 = arith.addf %get3A_60, %get3A_63 : vector<16xf32>
      %swap3A_65 = arith.index_cast %scan3A_49 : i32 to index
      %swap3A_66 = arith.constant 16 : index
      %swap3A_67 = tpu.vector_load %arg5[%swap3A_65, %swap3A_66] {strides = array<i32>} : memref<32x1024xf32, #tpu.memory_space<vmem>>, vector<16xf32>,
      tpu.vector_store %arg5[%swap3A_65, %swap3A_66], %add3A_64 {strides = array<i32>} : memref<32x1024xf32, #tpu.memory_space<vmem>>, vector<16xf32>,
      %get3A_68 = arith.index_cast %scan3A_49 : i32 to index
      %get3A_69 = arith.constant 32 : index
      %get3A_70 = tpu.vector_load %arg5[%get3A_68, %get3A_69] {strides = array<i32>} : memref<32x1024xf32, #tpu.memory_space<vmem>>, vector<16xf32>,
      %get3A_71 = arith.index_cast %scan3A_49 : i32 to index
      %get3A_72 = arith.constant 32 : index
      %get3A_73 = tpu.vector_load %arg6[%get3A_71, %get3A_72] {strides = array<i32>} : memref<32x1024xf32, #tpu.memory_space<vmem>>, vector<16xf32>,
      %add3A_74 = arith.addf %get3A_70, %get3A_73 : vector<16xf32>
      %swap3A_75 = arith.index_cast %scan3A_49 : i32 to index
      %swap3A_76 = arith.constant 32 : index
      %swap3A_77 = tpu.vector_load %arg5[%swap3A_75, %swap3A_76] {strides = array<i32>} : memref<32x1024xf32, #tpu.memory_space<vmem>>, vector<16xf32>,
      tpu.vector_store %arg5[%swap3A_75, %swap3A_76], %add3A_74 {strides = array<i32>} : memref<32x1024xf32, #tpu.memory_space<vmem>>, vector<16xf32>,
      %get3A_78 = arith.index_cast %scan3A_49 : i32 to index
      %get3A_79 = arith.constant 48 : index
      %get3A_80 = tpu.vector_load %arg5[%get3A_78, %get3A_79] {strides = array<i32>} : memref<32x1024xf32, #tpu.memory_space<vmem>>, vector<16xf32>,
      %get3A_81 = arith.index_cast %scan3A_49 : i32 to index
      %get3A_82 = arith.constant 48 : index
      %get3A_83 = tpu.vector_load %arg6[%get3A_81, %get3A_82] {strides = array<i32>} : memref<32x1024xf32, #tpu.memory_space<vmem>>, vector<16xf32>,
      %add3A_84 = arith.addf %get3A_80, %get3A_83 : vector<16xf32>
      %swap3A_85 = arith.index_cast %scan3A_49 : i32 to index
      %swap3A_86 = arith.constant 48 : index
      %swap3A_87 = tpu.vector_load %arg5[%swap3A_85, %swap3A_86] {strides = array<i32>} : memref<32x1024xf32, #tpu.memory_space<vmem>>, vector<16xf32>,
      tpu.vector_store %arg5[%swap3A_85, %swap3A_86], %add3A_84 {strides = array<i32>} : memref<32x1024xf32, #tpu.memory_space<vmem>>, vector<16xf32>,
      %get3A_88 = arith.index_cast %scan3A_49 : i32 to index
      %get3A_89 = arith.constant 64 : index
      %get3A_90 = tpu.vector_load %arg5[%get3A_88, %get3A_89] {strides = array<i32>} : memref<32x1024xf32, #tpu.memory_space<vmem>>, vector<16xf32>,
      %get3A_91 = arith.index_cast %scan3A_49 : i32 to index
      %get3A_92 = arith.constant 64 : index
      %get3A_93 = tpu.vector_load %arg6[%get3A_91, %get3A_92] {strides = array<i32>} : memref<32x1024xf32, #tpu.memory_space<vmem>>, vector<16xf32>,
      %add3A_94 = arith.addf %get3A_90, %get3A_93 : vector<16xf32>
      %swap3A_95 = arith.index_cast %scan3A_49 : i32 to index
      %swap3A_96 = arith.constant 64 : index
      %swap3A_97 = tpu.vector_load %arg5[%swap3A_95, %swap3A_96] {strides = array<i32>} : memref<32x1024xf32, #tpu.memory_space<vmem>>, vector<16xf32>,
      tpu.vector_store %arg5[%swap3A_95, %swap3A_96], %add3A_94 {strides = array<i32>} : memref<32x1024xf32, #tpu.memory_space<vmem>>, vector<16xf32>,
      %get3A_98 = arith.index_cast %scan3A_49 : i32 to index
      %get3A_99 = arith.constant 80 : index
      %get3A_100 = tpu.vector_load %arg5[%get3A_98, %get3A_99] {strides = array<i32>} : memref<32x1024xf32, #tpu.memory_space<vmem>>, vector<16xf32>,
      %get3A_101 = arith.index_cast %scan3A_49 : i32 to index
      %get3A_102 = arith.constant 80 : index
      %get3A_103 = tpu.vector_load %arg6[%get3A_101, %get3A_102] {strides = array<i32>} : memref<32x1024xf32, #tpu.memory_space<vmem>>, vector<16xf32>,
      %add3A_104 = arith.addf %get3A_100, %get3A_103 : vector<16xf32>
      %swap3A_105 = arith.index_cast %scan3A_49 : i32 to index
      %swap3A_106 = arith.constant 80 : index
      %swap3A_107 = tpu.vector_load %arg5[%swap3A_105, %swap3A_106] {strides = array<i32>} : memref<32x1024xf32, #tpu.memory_space<vmem>>, vector<16xf32>,
      tpu.vector_store %arg5[%swap3A_105, %swap3A_106], %add3A_104 {strides = array<i32>} : memref<32x1024xf32, #tpu.memory_space<vmem>>, vector<16xf32>,
      %get3A_108 = arith.index_cast %scan3A_49 : i32 to index
      %get3A_109 = arith.constant 96 : index
      %get3A_110 = tpu.vector_load %arg5[%get3A_108, %get3A_109] {strides = array<i32>} : memref<32x1024xf32, #tpu.memory_space<vmem>>, vector<16xf32>,
      %get3A_111 = arith.index_cast %scan3A_49 : i32 to index
      %get3A_112 = arith.constant 96 : index
      %get3A_113 = tpu.vector_load %arg6[%get3A_111, %get3A_112] {strides = array<i32>} : memref<32x1024xf32, #tpu.memory_space<vmem>>, vector<16xf32>,
      %add3A_114 = arith.addf %get3A_110, %get3A_113 : vector<16xf32>
      %swap3A_115 = arith.index_cast %scan3A_49 : i32 to index
      %swap3A_116 = arith.constant 96 : index
      %swap3A_117 = tpu.vector_load %arg5[%swap3A_115, %swap3A_116] {strides = array<i32>} : memref<32x1024xf32, #tpu.memory_space<vmem>>, vector<16xf32>,
      tpu.vector_store %arg5[%swap3A_115, %swap3A_116], %add3A_114 {strides = array<i32>} : memref<32x1024xf32, #tpu.memory_space<vmem>>, vector<16xf32>,
      %get3A_118 = arith.index_cast %scan3A_49 : i32 to index
      %get3A_119 = arith.constant 112 : index
      %get3A_120 = tpu.vector_load %arg5[%get3A_118, %get3A_119] {strides = array<i32>} : memref<32x1024xf32, #tpu.memory_space<vmem>>, vector<16xf32>,
      %get3A_121 = arith.index_cast %scan3A_49 : i32 to index
      %get3A_122 = arith.constant 112 : index
      %get3A_123 = tpu.vector_load %arg6[%get3A_121, %get3A_122] {strides = array<i32>} : memref<32x1024xf32, #tpu.memory_space<vmem>>, vector<16xf32>,
      %add3A_124 = arith.addf %get3A_120, %get3A_123 : vector<16xf32>
      %swap3A_125 = arith.index_cast %scan3A_49 : i32 to index
      %swap3A_126 = arith.constant 112 : index
      %swap3A_127 = tpu.vector_load %arg5[%swap3A_125, %swap3A_126] {strides = array<i32>} : memref<32x1024xf32, #tpu.memory_space<vmem>>, vector<16xf32>,
      tpu.vector_store %arg5[%swap3A_125, %swap3A_126], %add3A_124 {strides = array<i32>} : memref<32x1024xf32, #tpu.memory_space<vmem>>, vector<16xf32>,
      %get3A_128 = arith.index_cast %scan3A_49 : i32 to index
      %get3A_129 = arith.constant 128 : index
      %get3A_130 = tpu.vector_load %arg5[%get3A_128, %get3A_129] {strides = array<i32>} : memref<32x1024xf32, #tpu.memory_space<vmem>>, vector<16xf32>,
      %get3A_131 = arith.index_cast %scan3A_49 : i32 to index
      %get3A_132 = arith.constant 128 : index
      %get3A_133 = tpu.vector_load %arg6[%get3A_131, %get3A_132] {strides = array<i32>} : memref<32x1024xf32, #tpu.memory_space<vmem>>, vector<16xf32>,
      %add3A_134 = arith.addf %get3A_130, %get3A_133 : vector<16xf32>
      %swap3A_135 = arith.index_cast %scan3A_49 : i32 to index
      %swap3A_136 = arith.constant 128 : index
      %swap3A_137 = tpu.vector_load %arg5[%swap3A_135, %swap3A_136] {strides = array<i32>} : memref<32x1024xf32, #tpu.memory_space<vmem>>, vector<16xf32>,
      tpu.vector_store %arg5[%swap3A_135, %swap3A_136], %add3A_134 {strides = array<i32>} : memref<32x1024xf32, #tpu.memory_space<vmem>>, vector<16xf32>,
      %get3A_138 = arith.index_cast %scan3A_49 : i32 to index
      %get3A_139 = arith.constant 144 : index
      %get3A_140 = tpu.vector_load %arg5[%get3A_138, %get3A_139] {strides = array<i32>} : memref<32x1024xf32, #tpu.memory_space<vmem>>, vector<16xf32>,
      %get3A_141 = arith.index_cast %scan3A_49 : i32 to index
      %get3A_142 = arith.constant 144 : index
      %get3A_143 = tpu.vector_load %arg6[%get3A_141, %get3A_142] {strides = array<i32>} : memref<32x1024xf32, #tpu.memory_space<vmem>>, vector<16xf32>,
      %add3A_144 = arith.addf %get3A_140, %get3A_143 : vector<16xf32>
      %swap3A_145 = arith.index_cast %scan3A_49 : i32 to index
      %swap3A_146 = arith.constant 144 : index
      %swap3A_147 = tpu.vector_load %arg5[%swap3A_145, %swap3A_146] {strides = array<i32>} : memref<32x1024xf32, #tpu.memory_space<vmem>>, vector<16xf32>,
      tpu.vector_store %arg5[%swap3A_145, %swap3A_146], %add3A_144 {strides = array<i32>} : memref<32x1024xf32, #tpu.memory_space<vmem>>, vector<16xf32>,
      %get3A_148 = arith.index_cast %scan3A_49 : i32 to index
      %get3A_149 = arith.constant 160 : index
      %get3A_150 = tpu.vector_load %arg5[%get3A_148, %get3A_149] {strides = array<i32>} : memref<32x1024xf32, #tpu.memory_space<vmem>>, vector<16xf32>,
      %get3A_151 = arith.index_cast %scan3A_49 : i32 to index
      %get3A_152 = arith.constant 160 : index
      %get3A_153 = tpu.vector_load %arg6[%get3A_151, %get3A_152] {strides = array<i32>} : memref<32x1024xf32, #tpu.memory_space<vmem>>, vector<16xf32>,
      %add3A_154 = arith.addf %get3A_150, %get3A_153 : vector<16xf32>
      %swap3A_155 = arith.index_cast %scan3A_49 : i32 to index
      %swap3A_156 = arith.constant 160 : index
      %swap3A_157 = tpu.vector_load %arg5[%swap3A_155, %swap3A_156] {strides = array<i32>} : memref<32x1024xf32, #tpu.memory_space<vmem>>, vector<16xf32>,
      tpu.vector_store %arg5[%swap3A_155, %swap3A_156], %add3A_154 {strides = array<i32>} : memref<32x1024xf32, #tpu.memory_space<vmem>>, vector<16xf32>,
      %get3A_158 = arith.index_cast %scan3A_49 : i32 to index
      %get3A_159 = arith.constant 176 : index
      %get3A_160 = tpu.vector_load %arg5[%get3A_158, %get3A_159] {strides = array<i32>} : memref<32x1024xf32, #tpu.memory_space<vmem>>, vector<16xf32>,
      %get3A_161 = arith.index_cast %scan3A_49 : i32 to index
      %get3A_162 = arith.constant 176 : index
      %get3A_163 = tpu.vector_load %arg6[%get3A_161, %get3A_162] {strides = array<i32>} : memref<32x1024xf32, #tpu.memory_space<vmem>>, vector<16xf32>,
      %add3A_164 = arith.addf %get3A_160, %get3A_163 : vector<16xf32>
      %swap3A_165 = arith.index_cast %scan3A_49 : i32 to index
      %swap3A_166 = arith.constant 176 : index
      %swap3A_167 = tpu.vector_load %arg5[%swap3A_165, %swap3A_166] {strides = array<i32>} : memref<32x1024xf32, #tpu.memory_space<vmem>>, vector<16xf32>,
      tpu.vector_store %arg5[%swap3A_165, %swap3A_166], %add3A_164 {strides = array<i32>} : memref<32x1024xf32, #tpu.memory_space<vmem>>, vector<16xf32>,
      %get3A_168 = arith.index_cast %scan3A_49 : i32 to index
      %get3A_169 = arith.constant 192 : index
      %get3A_170 = tpu.vector_load %arg5[%get3A_168, %get3A_169] {strides = array<i32>} : memref<32x1024xf32, #tpu.memory_space<vmem>>, vector<16xf32>,
      %get3A_171 = arith.index_cast %scan3A_49 : i32 to index
      %get3A_172 = arith.constant 192 : index
      %get3A_173 = tpu.vector_load %arg6[%get3A_171, %get3A_172] {strides = array<i32>} : memref<32x1024xf32, #tpu.memory_space<vmem>>, vector<16xf32>,
      %add3A_174 = arith.addf %get3A_170, %get3A_173 : vector<16xf32>
      %swap3A_175 = arith.index_cast %scan3A_49 : i32 to index
      %swap3A_176 = arith.constant 192 : index
      %swap3A_177 = tpu.vector_load %arg5[%swap3A_175, %swap3A_176] {strides = array<i32>} : memref<32x1024xf32, #tpu.memory_space<vmem>>, vector<16xf32>,
      tpu.vector_store %arg5[%swap3A_175, %swap3A_176], %add3A_174 {strides = array<i32>} : memref<32x1024xf32, #tpu.memory_space<vmem>>, vector<16xf32>,
      %get3A_178 = arith.index_cast %scan3A_49 : i32 to index
      %get3A_179 = arith.constant 208 : index
      %get3A_180 = tpu.vector_load %arg5[%get3A_178, %get3A_179] {strides = array<i32>} : memref<32x1024xf32, #tpu.memory_space<vmem>>, vector<16xf32>,
      %get3A_181 = arith.index_cast %scan3A_49 : i32 to index
      %get3A_182 = arith.constant 208 : index
      %get3A_183 = tpu.vector_load %arg6[%get3A_181, %get3A_182] {strides = array<i32>} : memref<32x1024xf32, #tpu.memory_space<vmem>>, vector<16xf32>,
      %add3A_184 = arith.addf %get3A_180, %get3A_183 : vector<16xf32>
      %swap3A_185 = arith.index_cast %scan3A_49 : i32 to index
      %swap3A_186 = arith.constant 208 : index
      %swap3A_187 = tpu.vector_load %arg5[%swap3A_185, %swap3A_186] {strides = array<i32>} : memref<32x1024xf32, #tpu.memory_space<vmem>>, vector<16xf32>,
      tpu.vector_store %arg5[%swap3A_185, %swap3A_186], %add3A_184 {strides = array<i32>} : memref<32x1024xf32, #tpu.memory_space<vmem>>, vector<16xf32>,
      %get3A_188 = arith.index_cast %scan3A_49 : i32 to index
      %get3A_189 = arith.constant 224 : index
      %get3A_190 = tpu.vector_load %arg5[%get3A_188, %get3A_189] {strides = array<i32>} : memref<32x1024xf32, #tpu.memory_space<vmem>>, vector<16xf32>,
      %get3A_191 = arith.index_cast %scan3A_49 : i32 to index
      %get3A_192 = arith.constant 224 : index
      %get3A_193 = tpu.vector_load %arg6[%get3A_191, %get3A_192] {strides = array<i32>} : memref<32x1024xf32, #tpu.memory_space<vmem>>, vector<16xf32>,
      %add3A_194 = arith.addf %get3A_190, %get3A_193 : vector<16xf32>
      %swap3A_195 = arith.index_cast %scan3A_49 : i32 to index
      %swap3A_196 = arith.constant 224 : index
      %swap3A_197 = tpu.vector_load %arg5[%swap3A_195, %swap3A_196] {strides = array<i32>} : memref<32x1024xf32, #tpu.memory_space<vmem>>, vector<16xf32>,
      tpu.vector_store %arg5[%swap3A_195, %swap3A_196], %add3A_194 {strides = array<i32>} : memref<32x1024xf32, #tpu.memory_space<vmem>>, vector<16xf32>,
      %get3A_198 = arith.index_cast %scan3A_49 : i32 to index
      %get3A_199 = arith.constant 240 : index
      %get3A_200 = tpu.vector_load %arg5[%get3A_198, %get3A_199] {strides = array<i32>} : memref<32x1024xf32, #tpu.memory_space<vmem>>, vector<16xf32>,
      %get3A_201 = arith.index_cast %scan3A_49 : i32 to index
      %get3A_202 = arith.constant 240 : index
      %get3A_203 = tpu.vector_load %arg6[%get3A_201, %get3A_202] {strides = array<i32>} : memref<32x1024xf32, #tpu.memory_space<vmem>>, vector<16xf32>,
      %add3A_204 = arith.addf %get3A_200, %get3A_203 : vector<16xf32>
      %swap3A_205 = arith.index_cast %scan3A_49 : i32 to index
      %swap3A_206 = arith.constant 240 : index
      %swap3A_207 = tpu.vector_load %arg5[%swap3A_205, %swap3A_206] {strides = array<i32>} : memref<32x1024xf32, #tpu.memory_space<vmem>>, vector<16xf32>,
      tpu.vector_store %arg5[%swap3A_205, %swap3A_206], %add3A_204 {strides = array<i32>} : memref<32x1024xf32, #tpu.memory_space<vmem>>, vector<16xf32>,
      %get3A_208 = arith.index_cast %scan3A_49 : i32 to index
      %get3A_209 = arith.constant 256 : index
      %get3A_210 = tpu.vector_load %arg5[%get3A_208, %get3A_209] {strides = array<i32>} : memref<32x1024xf32, #tpu.memory_space<vmem>>, vector<16xf32>,
      %get3A_211 = arith.index_cast %scan3A_49 : i32 to index
      %get3A_212 = arith.constant 256 : index
      %get3A_213 = tpu.vector_load %arg6[%get3A_211, %get3A_212] {strides = array<i32>} : memref<32x1024xf32, #tpu.memory_space<vmem>>, vector<16xf32>,
      %add3A_214 = arith.addf %get3A_210, %get3A_213 : vector<16xf32>
      %swap3A_215 = arith.index_cast %scan3A_49 : i32 to index
      %swap3A_216 = arith.constant 256 : index
      %swap3A_217 = tpu.vector_load %arg5[%swap3A_215, %swap3A_216] {strides = array<i32>} : memref<32x1024xf32, #tpu.memory_space<vmem>>, vector<16xf32>,
      tpu.vector_store %arg5[%swap3A_215, %swap3A_216], %add3A_214 {strides = array<i32>} : memref<32x1024xf32, #tpu.memory_space<vmem>>, vector<16xf32>,
      %get3A_218 = arith.index_cast %scan3A_49 : i32 to index
      %get3A_219 = arith.constant 272 : index
      %get3A_220 = tpu.vector_load %arg5[%get3A_218, %get3A_219] {strides = array<i32>} : memref<32x1024xf32, #tpu.memory_space<vmem>>, vector<16xf32>,
      %get3A_221 = arith.index_cast %scan3A_49 : i32 to index
      %get3A_222 = arith.constant 272 : index
      %get3A_223 = tpu.vector_load %arg6[%get3A_221, %get3A_222] {strides = array<i32>} : memref<32x1024xf32, #tpu.memory_space<vmem>>, vector<16xf32>,
      %add3A_224 = arith.addf %get3A_220, %get3A_223 : vector<16xf32>
      %swap3A_225 = arith.index_cast %scan3A_49 : i32 to index
      %swap3A_226 = arith.constant 272 : index
      %swap3A_227 = tpu.vector_load %arg5[%swap3A_225, %swap3A_226] {strides = array<i32>} : memref<32x1024xf32, #tpu.memory_space<vmem>>, vector<16xf32>,
      tpu.vector_store %arg5[%swap3A_225, %swap3A_226], %add3A_224 {strides = array<i32>} : memref<32x1024xf32, #tpu.memory_space<vmem>>, vector<16xf32>,
      %get3A_228 = arith.index_cast %scan3A_49 : i32 to index
      %get3A_229 = arith.constant 288 : index
      %get3A_230 = tpu.vector_load %arg5[%get3A_228, %get3A_229] {strides = array<i32>} : memref<32x1024xf32, #tpu.memory_space<vmem>>, vector<16xf32>,
      %get3A_231 = arith.index_cast %scan3A_49 : i32 to index
      %get3A_232 = arith.constant 288 : index
      %get3A_233 = tpu.vector_load %arg6[%get3A_231, %get3A_232] {strides = array<i32>} : memref<32x1024xf32, #tpu.memory_space<vmem>>, vector<16xf32>,
      %add3A_234 = arith.addf %get3A_230, %get3A_233 : vector<16xf32>
      %swap3A_235 = arith.index_cast %scan3A_49 : i32 to index
      %swap3A_236 = arith.constant 288 : index
      %swap3A_237 = tpu.vector_load %arg5[%swap3A_235, %swap3A_236] {strides = array<i32>} : memref<32x1024xf32, #tpu.memory_space<vmem>>, vector<16xf32>,
      tpu.vector_store %arg5[%swap3A_235, %swap3A_236], %add3A_234 {strides = array<i32>} : memref<32x1024xf32, #tpu.memory_space<vmem>>, vector<16xf32>,
      %get3A_238 = arith.index_cast %scan3A_49 : i32 to index
      %get3A_239 = arith.constant 304 : index
      %get3A_240 = tpu.vector_load %arg5[%get3A_238, %get3A_239] {strides = array<i32>} : memref<32x1024xf32, #tpu.memory_space<vmem>>, vector<16xf32>,
      %get3A_241 = arith.index_cast %scan3A_49 : i32 to index
      %get3A_242 = arith.constant 304 : index
      %get3A_243 = tpu.vector_load %arg6[%get3A_241, %get3A_242] {strides = array<i32>} : memref<32x1024xf32, #tpu.memory_space<vmem>>, vector<16xf32>,
      %add3A_244 = arith.addf %get3A_240, %get3A_243 : vector<16xf32>
      %swap3A_245 = arith.index_cast %scan3A_49 : i32 to index
      %swap3A_246 = arith.constant 304 : index
      %swap3A_247 = tpu.vector_load %arg5[%swap3A_245, %swap3A_246] {strides = array<i32>} : memref<32x1024xf32, #tpu.memory_space<vmem>>, vector<16xf32>,
      tpu.vector_store %arg5[%swap3A_245, %swap3A_246], %add3A_244 {strides = array<i32>} : memref<32x1024xf32, #tpu.memory_space<vmem>>, vector<16xf32>,
      %get3A_248 = arith.index_cast %scan3A_49 : i32 to index
      %get3A_249 = arith.constant 320 : index
      %get3A_250 = tpu.vector_load %arg5[%get3A_248, %get3A_249] {strides = array<i32>} : memref<32x1024xf32, #tpu.memory_space<vmem>>, vector<16xf32>,
      %get3A_251 = arith.index_cast %scan3A_49 : i32 to index
      %get3A_252 = arith.constant 320 : index
      %get3A_253 = tpu.vector_load %arg6[%get3A_251, %get3A_252] {strides = array<i32>} : memref<32x1024xf32, #tpu.memory_space<vmem>>, vector<16xf32>,
      %add3A_254 = arith.addf %get3A_250, %get3A_253 : vector<16xf32>
      %swap3A_255 = arith.index_cast %scan3A_49 : i32 to index
      %swap3A_256 = arith.constant 320 : index
      %swap3A_257 = tpu.vector_load %arg5[%swap3A_255, %swap3A_256] {strides = array<i32>} : memref<32x1024xf32, #tpu.memory_space<vmem>>, vector<16xf32>,
      tpu.vector_store %arg5[%swap3A_255, %swap3A_256], %add3A_254 {strides = array<i32>} : memref<32x1024xf32, #tpu.memory_space<vmem>>, vector<16xf32>,
      %get3A_258 = arith.index_cast %scan3A_49 : i32 to index
      %get3A_259 = arith.constant 336 : index
      %get3A_260 = tpu.vector_load %arg5[%get3A_258, %get3A_259] {strides = array<i32>} : memref<32x1024xf32, #tpu.memory_space<vmem>>, vector<16xf32>,
      %get3A_261 = arith.index_cast %scan3A_49 : i32 to index
      %get3A_262 = arith.constant 336 : index
      %get3A_263 = tpu.vector_load %arg6[%get3A_261, %get3A_262] {strides = array<i32>} : memref<32x1024xf32, #tpu.memory_space<vmem>>, vector<16xf32>,
      %add3A_264 = arith.addf %get3A_260, %get3A_263 : vector<16xf32>
      %swap3A_265 = arith.index_cast %scan3A_49 : i32 to index
      %swap3A_266 = arith.constant 336 : index
      %swap3A_267 = tpu.vector_load %arg5[%swap3A_265, %swap3A_266] {strides = array<i32>} : memref<32x1024xf32, #tpu.memory_space<vmem>>, vector<16xf32>,
      tpu.vector_store %arg5[%swap3A_265, %swap3A_266], %add3A_264 {strides = array<i32>} : memref<32x1024xf32, #tpu.memory_space<vmem>>, vector<16xf32>,
      %get3A_268 = arith.index_cast %scan3A_49 : i32 to index
      %get3A_269 = arith.constant 352 : index
      %get3A_270 = tpu.vector_load %arg5[%get3A_268, %get3A_269] {strides = array<i32>} : memref<32x1024xf32, #tpu.memory_space<vmem>>, vector<16xf32>,
      %get3A_271 = arith.index_cast %scan3A_49 : i32 to index
      %get3A_272 = arith.constant 352 : index
      %get3A_273 = tpu.vector_load %arg6[%get3A_271, %get3A_272] {strides = array<i32>} : memref<32x1024xf32, #tpu.memory_space<vmem>>, vector<16xf32>,
      %add3A_274 = arith.addf %get3A_270, %get3A_273 : vector<16xf32>
      %swap3A_275 = arith.index_cast %scan3A_49 : i32 to index
      %swap3A_276 = arith.constant 352 : index
      %swap3A_277 = tpu.vector_load %arg5[%swap3A_275, %swap3A_276] {strides = array<i32>} : memref<32x1024xf32, #tpu.memory_space<vmem>>, vector<16xf32>,
      tpu.vector_store %arg5[%swap3A_275, %swap3A_276], %add3A_274 {strides = array<i32>} : memref<32x1024xf32, #tpu.memory_space<vmem>>, vector<16xf32>,
      %get3A_278 = arith.index_cast %scan3A_49 : i32 to index
      %get3A_279 = arith.constant 368 : index
      %get3A_280 = tpu.vector_load %arg5[%get3A_278, %get3A_279] {strides = array<i32>} : memref<32x1024xf32, #tpu.memory_space<vmem>>, vector<16xf32>,
      %get3A_281 = arith.index_cast %scan3A_49 : i32 to index
      %get3A_282 = arith.constant 368 : index
      %get3A_283 = tpu.vector_load %arg6[%get3A_281, %get3A_282] {strides = array<i32>} : memref<32x1024xf32, #tpu.memory_space<vmem>>, vector<16xf32>,
      %add3A_284 = arith.addf %get3A_280, %get3A_283 : vector<16xf32>
      %swap3A_285 = arith.index_cast %scan3A_49 : i32 to index
      %swap3A_286 = arith.constant 368 : index
      %swap3A_287 = tpu.vector_load %arg5[%swap3A_285, %swap3A_286] {strides = array<i32>} : memref<32x1024xf32, #tpu.memory_space<vmem>>, vector<16xf32>,
      tpu.vector_store %arg5[%swap3A_285, %swap3A_286], %add3A_284 {strides = array<i32>} : memref<32x1024xf32, #tpu.memory_space<vmem>>, vector<16xf32>,
      %get3A_288 = arith.index_cast %scan3A_49 : i32 to index
      %get3A_289 = arith.constant 384 : index
      %get3A_290 = tpu.vector_load %arg5[%get3A_288, %get3A_289] {strides = array<i32>} : memref<32x1024xf32, #tpu.memory_space<vmem>>, vector<16xf32>,
      %get3A_291 = arith.index_cast %scan3A_49 : i32 to index
      %get3A_292 = arith.constant 384 : index
      %get3A_293 = tpu.vector_load %arg6[%get3A_291, %get3A_292] {strides = array<i32>} : memref<32x1024xf32, #tpu.memory_space<vmem>>, vector<16xf32>,
      %add3A_294 = arith.addf %get3A_290, %get3A_293 : vector<16xf32>
      %swap3A_295 = arith.index_cast %scan3A_49 : i32 to index
      %swap3A_296 = arith.constant 384 : index
      %swap3A_297 = tpu.vector_load %arg5[%swap3A_295, %swap3A_296] {strides = array<i32>} : memref<32x1024xf32, #tpu.memory_space<vmem>>, vector<16xf32>,
      tpu.vector_store %arg5[%swap3A_295, %swap3A_296], %add3A_294 {strides = array<i32>} : memref<32x1024xf32, #tpu.memory_space<vmem>>, vector<16xf32>,
      %get3A_298 = arith.index_cast %scan3A_49 : i32 to index
      %get3A_299 = arith.constant 400 : index
      %get3A_300 = tpu.vector_load %arg5[%get3A_298, %get3A_299] {strides = array<i32>} : memref<32x1024xf32, #tpu.memory_space<vmem>>, vector<16xf32>,
      %get3A_301 = arith.index_cast %scan3A_49 : i32 to index
      %get3A_302 = arith.constant 400 : index
      %get3A_303 = tpu.vector_load %arg6[%get3A_301, %get3A_302] {strides = array<i32>} : memref<32x1024xf32, #tpu.memory_space<vmem>>, vector<16xf32>,
      %add3A_304 = arith.addf %get3A_300, %get3A_303 : vector<16xf32>
      %swap3A_305 = arith.index_cast %scan3A_49 : i32 to index
      %swap3A_306 = arith.constant 400 : index
      %swap3A_307 = tpu.vector_load %arg5[%swap3A_305, %swap3A_306] {strides = array<i32>} : memref<32x1024xf32, #tpu.memory_space<vmem>>, vector<16xf32>,
      tpu.vector_store %arg5[%swap3A_305, %swap3A_306], %add3A_304 {strides = array<i32>} : memref<32x1024xf32, #tpu.memory_space<vmem>>, vector<16xf32>,
      %get3A_308 = arith.index_cast %scan3A_49 : i32 to index
      %get3A_309 = arith.constant 416 : index
      %get3A_310 = tpu.vector_load %arg5[%get3A_308, %get3A_309] {strides = array<i32>} : memref<32x1024xf32, #tpu.memory_space<vmem>>, vector<16xf32>,
      %get3A_311 = arith.index_cast %scan3A_49 : i32 to index
      %get3A_312 = arith.constant 416 : index
      %get3A_313 = tpu.vector_load %arg6[%get3A_311, %get3A_312] {strides = array<i32>} : memref<32x1024xf32, #tpu.memory_space<vmem>>, vector<16xf32>,
      %add3A_314 = arith.addf %get3A_310, %get3A_313 : vector<16xf32>
      %swap3A_315 = arith.index_cast %scan3A_49 : i32 to index
      %swap3A_316 = arith.constant 416 : index
      %swap3A_317 = tpu.vector_load %arg5[%swap3A_315, %swap3A_316] {strides = array<i32>} : memref<32x1024xf32, #tpu.memory_space<vmem>>, vector<16xf32>,
      tpu.vector_store %arg5[%swap3A_315, %swap3A_316], %add3A_314 {strides = array<i32>} : memref<32x1024xf32, #tpu.memory_space<vmem>>, vector<16xf32>,
      %get3A_318 = arith.index_cast %scan3A_49 : i32 to index
      %get3A_319 = arith.constant 432 : index
      %get3A_320 = tpu.vector_load %arg5[%get3A_318, %get3A_319] {strides = array<i32>} : memref<32x1024xf32, #tpu.memory_space<vmem>>, vector<16xf32>,
      %get3A_321 = arith.index_cast %scan3A_49 : i32 to index
      %get3A_322 = arith.constant 432 : index
      %get3A_323 = tpu.vector_load %arg6[%get3A_321, %get3A_322] {strides = array<i32>} : memref<32x1024xf32, #tpu.memory_space<vmem>>, vector<16xf32>,
      %add3A_324 = arith.addf %get3A_320, %get3A_323 : vector<16xf32>
      %swap3A_325 = arith.index_cast %scan3A_49 : i32 to index
      %swap3A_326 = arith.constant 432 : index
      %swap3A_327 = tpu.vector_load %arg5[%swap3A_325, %swap3A_326] {strides = array<i32>} : memref<32x1024xf32, #tpu.memory_space<vmem>>, vector<16xf32>,
      tpu.vector_store %arg5[%swap3A_325, %swap3A_326], %add3A_324 {strides = array<i32>} : memref<32x1024xf32, #tpu.memory_space<vmem>>, vector<16xf32>,
      %get3A_328 = arith.index_cast %scan3A_49 : i32 to index
      %get3A_329 = arith.constant 448 : index
      %get3A_330 = tpu.vector_load %arg5[%get3A_328, %get3A_329] {strides = array<i32>} : memref<32x1024xf32, #tpu.memory_space<vmem>>, vector<16xf32>,
      %get3A_331 = arith.index_cast %scan3A_49 : i32 to index
      %get3A_332 = arith.constant 448 : index
      %get3A_333 = tpu.vector_load %arg6[%get3A_331, %get3A_332] {strides = array<i32>} : memref<32x1024xf32, #tpu.memory_space<vmem>>, vector<16xf32>,
      %add3A_334 = arith.addf %get3A_330, %get3A_333 : vector<16xf32>
      %swap3A_335 = arith.index_cast %scan3A_49 : i32 to index
      %swap3A_336 = arith.constant 448 : index
      %swap3A_337 = tpu.vector_load %arg5[%swap3A_335, %swap3A_336] {strides = array<i32>} : memref<32x1024xf32, #tpu.memory_space<vmem>>, vector<16xf32>,
      tpu.vector_store %arg5[%swap3A_335, %swap3A_336], %add3A_334 {strides = array<i32>} : memref<32x1024xf32, #tpu.memory_space<vmem>>, vector<16xf32>,
      %get3A_338 = arith.index_cast %scan3A_49 : i32 to index
      %get3A_339 = arith.constant 464 : index
      %get3A_340 = tpu.vector_load %arg5[%get3A_338, %get3A_339] {strides = array<i32>} : memref<32x1024xf32, #tpu.memory_space<vmem>>, vector<16xf32>,
      %get3A_341 = arith.index_cast %scan3A_49 : i32 to index
      %get3A_342 = arith.constant 464 : index
      %get3A_343 = tpu.vector_load %arg6[%get3A_341, %get3A_342] {strides = array<i32>} : memref<32x1024xf32, #tpu.memory_space<vmem>>, vector<16xf32>,
      %add3A_344 = arith.addf %get3A_340, %get3A_343 : vector<16xf32>
      %swap3A_345 = arith.index_cast %scan3A_49 : i32 to index
      %swap3A_346 = arith.constant 464 : index
      %swap3A_347 = tpu.vector_load %arg5[%swap3A_345, %swap3A_346] {strides = array<i32>} : memref<32x1024xf32, #tpu.memory_space<vmem>>, vector<16xf32>,
      tpu.vector_store %arg5[%swap3A_345, %swap3A_346], %add3A_344 {strides = array<i32>} : memref<32x1024xf32, #tpu.memory_space<vmem>>, vector<16xf32>,
      %get3A_348 = arith.index_cast %scan3A_49 : i32 to index
      %get3A_349 = arith.constant 480 : index
      %get3A_350 = tpu.vector_load %arg5[%get3A_348, %get3A_349] {strides = array<i32>} : memref<32x1024xf32, #tpu.memory_space<vmem>>, vector<16xf32>,
      %get3A_351 = arith.index_cast %scan3A_49 : i32 to index
      %get3A_352 = arith.constant 480 : index
      %get3A_353 = tpu.vector_load %arg6[%get3A_351, %get3A_352] {strides = array<i32>} : memref<32x1024xf32, #tpu.memory_space<vmem>>, vector<16xf32>,
      %add3A_354 = arith.addf %get3A_350, %get3A_353 : vector<16xf32>
      %swap3A_355 = arith.index_cast %scan3A_49 : i32 to index
      %swap3A_356 = arith.constant 480 : index
      %swap3A_357 = tpu.vector_load %arg5[%swap3A_355, %swap3A_356] {strides = array<i32>} : memref<32x1024xf32, #tpu.memory_space<vmem>>, vector<16xf32>,
      tpu.vector_store %arg5[%swap3A_355, %swap3A_356], %add3A_354 {strides = array<i32>} : memref<32x1024xf32, #tpu.memory_space<vmem>>, vector<16xf32>,
      %get3A_358 = arith.index_cast %scan3A_49 : i32 to index
      %get3A_359 = arith.constant 496 : index
      %get3A_360 = tpu.vector_load %arg5[%get3A_358, %get3A_359] {strides = array<i32>} : memref<32x1024xf32, #tpu.memory_space<vmem>>, vector<16xf32>,
      %get3A_361 = arith.index_cast %scan3A_49 : i32 to index
      %get3A_362 = arith.constant 496 : index
      %get3A_363 = tpu.vector_load %arg6[%get3A_361, %get3A_362] {strides = array<i32>} : memref<32x1024xf32, #tpu.memory_space<vmem>>, vector<16xf32>,
      %add3A_364 = arith.addf %get3A_360, %get3A_363 : vector<16xf32>
      %swap3A_365 = arith.index_cast %scan3A_49 : i32 to index
      %swap3A_366 = arith.constant 496 : index
      %swap3A_367 = tpu.vector_load %arg5[%swap3A_365, %swap3A_366] {strides = array<i32>} : memref<32x1024xf32, #tpu.memory_space<vmem>>, vector<16xf32>,
      tpu.vector_store %arg5[%swap3A_365, %swap3A_366], %add3A_364 {strides = array<i32>} : memref<32x1024xf32, #tpu.memory_space<vmem>>, vector<16xf32>,
      %get3A_368 = arith.index_cast %scan3A_49 : i32 to index
      %get3A_369 = arith.constant 512 : index
      %get3A_370 = tpu.vector_load %arg5[%get3A_368, %get3A_369] {strides = array<i32>} : memref<32x1024xf32, #tpu.memory_space<vmem>>, vector<16xf32>,
      %get3A_371 = arith.index_cast %scan3A_49 : i32 to index
      %get3A_372 = arith.constant 512 : index
      %get3A_373 = tpu.vector_load %arg6[%get3A_371, %get3A_372] {strides = array<i32>} : memref<32x1024xf32, #tpu.memory_space<vmem>>, vector<16xf32>,
      %add3A_374 = arith.addf %get3A_370, %get3A_373 : vector<16xf32>
      %swap3A_375 = arith.index_cast %scan3A_49 : i32 to index
      %swap3A_376 = arith.constant 512 : index
      %swap3A_377 = tpu.vector_load %arg5[%swap3A_375, %swap3A_376] {strides = array<i32>} : memref<32x1024xf32, #tpu.memory_space<vmem>>, vector<16xf32>,
      tpu.vector_store %arg5[%swap3A_375, %swap3A_376], %add3A_374 {strides = array<i32>} : memref<32x1024xf32, #tpu.memory_space<vmem>>, vector<16xf32>,
      %get3A_378 = arith.index_cast %scan3A_49 : i32 to index
      %get3A_379 = arith.constant 528 : index
      %get3A_380 = tpu.vector_load %arg5[%get3A_378, %get3A_379] {strides = array<i32>} : memref<32x1024xf32, #tpu.memory_space<vmem>>, vector<16xf32>,
      %get3A_381 = arith.index_cast %scan3A_49 : i32 to index
      %get3A_382 = arith.constant 528 : index
      %get3A_383 = tpu.vector_load %arg6[%get3A_381, %get3A_382] {strides = array<i32>} : memref<32x1024xf32, #tpu.memory_space<vmem>>, vector<16xf32>,
      %add3A_384 = arith.addf %get3A_380, %get3A_383 : vector<16xf32>
      %swap3A_385 = arith.index_cast %scan3A_49 : i32 to index
      %swap3A_386 = arith.constant 528 : index
      %swap3A_387 = tpu.vector_load %arg5[%swap3A_385, %swap3A_386] {strides = array<i32>} : memref<32x1024xf32, #tpu.memory_space<vmem>>, vector<16xf32>,
      tpu.vector_store %arg5[%swap3A_385, %swap3A_386], %add3A_384 {strides = array<i32>} : memref<32x1024xf32, #tpu.memory_space<vmem>>, vector<16xf32>,
      %get3A_388 = arith.index_cast %scan3A_49 : i32 to index
      %get3A_389 = arith.constant 544 : index
      %get3A_390 = tpu.vector_load %arg5[%get3A_388, %get3A_389] {strides = array<i32>} : memref<32x1024xf32, #tpu.memory_space<vmem>>, vector<16xf32>,
      %get3A_391 = arith.index_cast %scan3A_49 : i32 to index
      %get3A_392 = arith.constant 544 : index
      %get3A_393 = tpu.vector_load %arg6[%get3A_391, %get3A_392] {strides = array<i32>} : memref<32x1024xf32, #tpu.memory_space<vmem>>, vector<16xf32>,
      %add3A_394 = arith.addf %get3A_390, %get3A_393 : vector<16xf32>
      %swap3A_395 = arith.index_cast %scan3A_49 : i32 to index
      %swap3A_396 = arith.constant 544 : index
      %swap3A_397 = tpu.vector_load %arg5[%swap3A_395, %swap3A_396] {strides = array<i32>} : memref<32x1024xf32, #tpu.memory_space<vmem>>, vector<16xf32>,
      tpu.vector_store %arg5[%swap3A_395, %swap3A_396], %add3A_394 {strides = array<i32>} : memref<32x1024xf32, #tpu.memory_space<vmem>>, vector<16xf32>,
      %get3A_398 = arith.index_cast %scan3A_49 : i32 to index
      %get3A_399 = arith.constant 560 : index
      %get3A_400 = tpu.vector_load %arg5[%get3A_398, %get3A_399] {strides = array<i32>} : memref<32x1024xf32, #tpu.memory_space<vmem>>, vector<16xf32>,
      %get3A_401 = arith.index_cast %scan3A_49 : i32 to index
      %get3A_402 = arith.constant 560 : index
      %get3A_403 = tpu.vector_load %arg6[%get3A_401, %get3A_402] {strides = array<i32>} : memref<32x1024xf32, #tpu.memory_space<vmem>>, vector<16xf32>,
      %add3A_404 = arith.addf %get3A_400, %get3A_403 : vector<16xf32>
      %swap3A_405 = arith.index_cast %scan3A_49 : i32 to index
      %swap3A_406 = arith.constant 560 : index
      %swap3A_407 = tpu.vector_load %arg5[%swap3A_405, %swap3A_406] {strides = array<i32>} : memref<32x1024xf32, #tpu.memory_space<vmem>>, vector<16xf32>,
      tpu.vector_store %arg5[%swap3A_405, %swap3A_406], %add3A_404 {strides = array<i32>} : memref<32x1024xf32, #tpu.memory_space<vmem>>, vector<16xf32>,
      %get3A_408 = arith.index_cast %scan3A_49 : i32 to index
      %get3A_409 = arith.constant 576 : index
      %get3A_410 = tpu.vector_load %arg5[%get3A_408, %get3A_409] {strides = array<i32>} : memref<32x1024xf32, #tpu.memory_space<vmem>>, vector<16xf32>,
      %get3A_411 = arith.index_cast %scan3A_49 : i32 to index
      %get3A_412 = arith.constant 576 : index
      %get3A_413 = tpu.vector_load %arg6[%get3A_411, %get3A_412] {strides = array<i32>} : memref<32x1024xf32, #tpu.memory_space<vmem>>, vector<16xf32>,
      %add3A_414 = arith.addf %get3A_410, %get3A_413 : vector<16xf32>
      %swap3A_415 = arith.index_cast %scan3A_49 : i32 to index
      %swap3A_416 = arith.constant 576 : index
      %swap3A_417 = tpu.vector_load %arg5[%swap3A_415, %swap3A_416] {strides = array<i32>} : memref<32x1024xf32, #tpu.memory_space<vmem>>, vector<16xf32>,
      tpu.vector_store %arg5[%swap3A_415, %swap3A_416], %add3A_414 {strides = array<i32>} : memref<32x1024xf32, #tpu.memory_space<vmem>>, vector<16xf32>,
      %get3A_418 = arith.index_cast %scan3A_49 : i32 to index
      %get3A_419 = arith.constant 592 : index
      %get3A_420 = tpu.vector_load %arg5[%get3A_418, %get3A_419] {strides = array<i32>} : memref<32x1024xf32, #tpu.memory_space<vmem>>, vector<16xf32>,
      %get3A_421 = arith.index_cast %scan3A_49 : i32 to index
      %get3A_422 = arith.constant 592 : index
      %get3A_423 = tpu.vector_load %arg6[%get3A_421, %get3A_422] {strides = array<i32>} : memref<32x1024xf32, #tpu.memory_space<vmem>>, vector<16xf32>,
      %add3A_424 = arith.addf %get3A_420, %get3A_423 : vector<16xf32>
      %swap3A_425 = arith.index_cast %scan3A_49 : i32 to index
      %swap3A_426 = arith.constant 592 : index
      %swap3A_427 = tpu.vector_load %arg5[%swap3A_425, %swap3A_426] {strides = array<i32>} : memref<32x1024xf32, #tpu.memory_space<vmem>>, vector<16xf32>,
      tpu.vector_store %arg5[%swap3A_425, %swap3A_426], %add3A_424 {strides = array<i32>} : memref<32x1024xf32, #tpu.memory_space<vmem>>, vector<16xf32>,
      %get3A_428 = arith.index_cast %scan3A_49 : i32 to index
      %get3A_429 = arith.constant 608 : index
      %get3A_430 = tpu.vector_load %arg5[%get3A_428, %get3A_429] {strides = array<i32>} : memref<32x1024xf32, #tpu.memory_space<vmem>>, vector<16xf32>,
      %get3A_431 = arith.index_cast %scan3A_49 : i32 to index
      %get3A_432 = arith.constant 608 : index
      %get3A_433 = tpu.vector_load %arg6[%get3A_431, %get3A_432] {strides = array<i32>} : memref<32x1024xf32, #tpu.memory_space<vmem>>, vector<16xf32>,
      %add3A_434 = arith.addf %get3A_430, %get3A_433 : vector<16xf32>
      %swap3A_435 = arith.index_cast %scan3A_49 : i32 to index
      %swap3A_436 = arith.constant 608 : index
      %swap3A_437 = tpu.vector_load %arg5[%swap3A_435, %swap3A_436] {strides = array<i32>} : memref<32x1024xf32, #tpu.memory_space<vmem>>, vector<16xf32>,
      tpu.vector_store %arg5[%swap3A_435, %swap3A_436], %add3A_434 {strides = array<i32>} : memref<32x1024xf32, #tpu.memory_space<vmem>>, vector<16xf32>,
      %get3A_438 = arith.index_cast %scan3A_49 : i32 to index
      %get3A_439 = arith.constant 624 : index
      %get3A_440 = tpu.vector_load %arg5[%get3A_438, %get3A_439] {strides = array<i32>} : memref<32x1024xf32, #tpu.memory_space<vmem>>, vector<16xf32>,
      %get3A_441 = arith.index_cast %scan3A_49 : i32 to index
      %get3A_442 = arith.constant 624 : index
      %get3A_443 = tpu.vector_load %arg6[%get3A_441, %get3A_442] {strides = array<i32>} : memref<32x1024xf32, #tpu.memory_space<vmem>>, vector<16xf32>,
      %add3A_444 = arith.addf %get3A_440, %get3A_443 : vector<16xf32>
      %swap3A_445 = arith.index_cast %scan3A_49 : i32 to index
      %swap3A_446 = arith.constant 624 : index
      %swap3A_447 = tpu.vector_load %arg5[%swap3A_445, %swap3A_446] {strides = array<i32>} : memref<32x1024xf32, #tpu.memory_space<vmem>>, vector<16xf32>,
      tpu.vector_store %arg5[%swap3A_445, %swap3A_446], %add3A_444 {strides = array<i32>} : memref<32x1024xf32, #tpu.memory_space<vmem>>, vector<16xf32>,
      %get3A_448 = arith.index_cast %scan3A_49 : i32 to index
      %get3A_449 = arith.constant 640 : index
      %get3A_450 = tpu.vector_load %arg5[%get3A_448, %get3A_449] {strides = array<i32>} : memref<32x1024xf32, #tpu.memory_space<vmem>>, vector<16xf32>,
      %get3A_451 = arith.index_cast %scan3A_49 : i32 to index
      %get3A_452 = arith.constant 640 : index
      %get3A_453 = tpu.vector_load %arg6[%get3A_451, %get3A_452] {strides = array<i32>} : memref<32x1024xf32, #tpu.memory_space<vmem>>, vector<16xf32>,
      %add3A_454 = arith.addf %get3A_450, %get3A_453 : vector<16xf32>
      %swap3A_455 = arith.index_cast %scan3A_49 : i32 to index
      %swap3A_456 = arith.constant 640 : index
      %swap3A_457 = tpu.vector_load %arg5[%swap3A_455, %swap3A_456] {strides = array<i32>} : memref<32x1024xf32, #tpu.memory_space<vmem>>, vector<16xf32>,
      tpu.vector_store %arg5[%swap3A_455, %swap3A_456], %add3A_454 {strides = array<i32>} : memref<32x1024xf32, #tpu.memory_space<vmem>>, vector<16xf32>,
      %get3A_458 = arith.index_cast %scan3A_49 : i32 to index
      %get3A_459 = arith.constant 656 : index
      %get3A_460 = tpu.vector_load %arg5[%get3A_458, %get3A_459] {strides = array<i32>} : memref<32x1024xf32, #tpu.memory_space<vmem>>, vector<16xf32>,
      %get3A_461 = arith.index_cast %scan3A_49 : i32 to index
      %get3A_462 = arith.constant 656 : index
      %get3A_463 = tpu.vector_load %arg6[%get3A_461, %get3A_462] {strides = array<i32>} : memref<32x1024xf32, #tpu.memory_space<vmem>>, vector<16xf32>,
      %add3A_464 = arith.addf %get3A_460, %get3A_463 : vector<16xf32>
      %swap3A_465 = arith.index_cast %scan3A_49 : i32 to index
      %swap3A_466 = arith.constant 656 : index
      %swap3A_467 = tpu.vector_load %arg5[%swap3A_465, %swap3A_466] {strides = array<i32>} : memref<32x1024xf32, #tpu.memory_space<vmem>>, vector<16xf32>,
      tpu.vector_store %arg5[%swap3A_465, %swap3A_466], %add3A_464 {strides = array<i32>} : memref<32x1024xf32, #tpu.memory_space<vmem>>, vector<16xf32>,
      %get3A_468 = arith.index_cast %scan3A_49 : i32 to index
      %get3A_469 = arith.constant 672 : index
      %get3A_470 = tpu.vector_load %arg5[%get3A_468, %get3A_469] {strides = array<i32>} : memref<32x1024xf32, #tpu.memory_space<vmem>>, vector<16xf32>,
      %get3A_471 = arith.index_cast %scan3A_49 : i32 to index
      %get3A_472 = arith.constant 672 : index
      %get3A_473 = tpu.vector_load %arg6[%get3A_471, %get3A_472] {strides = array<i32>} : memref<32x1024xf32, #tpu.memory_space<vmem>>, vector<16xf32>,
      %add3A_474 = arith.addf %get3A_470, %get3A_473 : vector<16xf32>
      %swap3A_475 = arith.index_cast %scan3A_49 : i32 to index
      %swap3A_476 = arith.constant 672 : index
      %swap3A_477 = tpu.vector_load %arg5[%swap3A_475, %swap3A_476] {strides = array<i32>} : memref<32x1024xf32, #tpu.memory_space<vmem>>, vector<16xf32>,
      tpu.vector_store %arg5[%swap3A_475, %swap3A_476], %add3A_474 {strides = array<i32>} : memref<32x1024xf32, #tpu.memory_space<vmem>>, vector<16xf32>,
      %get3A_478 = arith.index_cast %scan3A_49 : i32 to index
      %get3A_479 = arith.constant 688 : index
      %get3A_480 = tpu.vector_load %arg5[%get3A_478, %get3A_479] {strides = array<i32>} : memref<32x1024xf32, #tpu.memory_space<vmem>>, vector<16xf32>,
      %get3A_481 = arith.index_cast %scan3A_49 : i32 to index
      %get3A_482 = arith.constant 688 : index
      %get3A_483 = tpu.vector_load %arg6[%get3A_481, %get3A_482] {strides = array<i32>} : memref<32x1024xf32, #tpu.memory_space<vmem>>, vector<16xf32>,
      %add3A_484 = arith.addf %get3A_480, %get3A_483 : vector<16xf32>
      %swap3A_485 = arith.index_cast %scan3A_49 : i32 to index
      %swap3A_486 = arith.constant 688 : index
      %swap3A_487 = tpu.vector_load %arg5[%swap3A_485, %swap3A_486] {strides = array<i32>} : memref<32x1024xf32, #tpu.memory_space<vmem>>, vector<16xf32>,
      tpu.vector_store %arg5[%swap3A_485, %swap3A_486], %add3A_484 {strides = array<i32>} : memref<32x1024xf32, #tpu.memory_space<vmem>>, vector<16xf32>,
      %get3A_488 = arith.index_cast %scan3A_49 : i32 to index
      %get3A_489 = arith.constant 704 : index
      %get3A_490 = tpu.vector_load %arg5[%get3A_488, %get3A_489] {strides = array<i32>} : memref<32x1024xf32, #tpu.memory_space<vmem>>, vector<16xf32>,
      %get3A_491 = arith.index_cast %scan3A_49 : i32 to index
      %get3A_492 = arith.constant 704 : index
      %get3A_493 = tpu.vector_load %arg6[%get3A_491, %get3A_492] {strides = array<i32>} : memref<32x1024xf32, #tpu.memory_space<vmem>>, vector<16xf32>,
      %add3A_494 = arith.addf %get3A_490, %get3A_493 : vector<16xf32>
      %swap3A_495 = arith.index_cast %scan3A_49 : i32 to index
      %swap3A_496 = arith.constant 704 : index
      %swap3A_497 = tpu.vector_load %arg5[%swap3A_495, %swap3A_496] {strides = array<i32>} : memref<32x1024xf32, #tpu.memory_space<vmem>>, vector<16xf32>,
      tpu.vector_store %arg5[%swap3A_495, %swap3A_496], %add3A_494 {strides = array<i32>} : memref<32x1024xf32, #tpu.memory_space<vmem>>, vector<16xf32>,
      %get3A_498 = arith.index_cast %scan3A_49 : i32 to index
      %get3A_499 = arith.constant 720 : index
      %get3A_500 = tpu.vector_load %arg5[%get3A_498, %get3A_499] {strides = array<i32>} : memref<32x1024xf32, #tpu.memory_space<vmem>>, vector<16xf32>,
      %get3A_501 = arith.index_cast %scan3A_49 : i32 to index
      %get3A_502 = arith.constant 720 : index
      %get3A_503 = tpu.vector_load %arg6[%get3A_501, %get3A_502] {strides = array<i32>} : memref<32x1024xf32, #tpu.memory_space<vmem>>, vector<16xf32>,
      %add3A_504 = arith.addf %get3A_500, %get3A_503 : vector<16xf32>
      %swap3A_505 = arith.index_cast %scan3A_49 : i32 to index
      %swap3A_506 = arith.constant 720 : index
      %swap3A_507 = tpu.vector_load %arg5[%swap3A_505, %swap3A_506] {strides = array<i32>} : memref<32x1024xf32, #tpu.memory_space<vmem>>, vector<16xf32>,
      tpu.vector_store %arg5[%swap3A_505, %swap3A_506], %add3A_504 {strides = array<i32>} : memref<32x1024xf32, #tpu.memory_space<vmem>>, vector<16xf32>,
      %get3A_508 = arith.index_cast %scan3A_49 : i32 to index
      %get3A_509 = arith.constant 736 : index
      %get3A_510 = tpu.vector_load %arg5[%get3A_508, %get3A_509] {strides = array<i32>} : memref<32x1024xf32, #tpu.memory_space<vmem>>, vector<16xf32>,
      %get3A_511 = arith.index_cast %scan3A_49 : i32 to index
      %get3A_512 = arith.constant 736 : index
      %get3A_513 = tpu.vector_load %arg6[%get3A_511, %get3A_512] {strides = array<i32>} : memref<32x1024xf32, #tpu.memory_space<vmem>>, vector<16xf32>,
      %add3A_514 = arith.addf %get3A_510, %get3A_513 : vector<16xf32>
      %swap3A_515 = arith.index_cast %scan3A_49 : i32 to index
      %swap3A_516 = arith.constant 736 : index
      %swap3A_517 = tpu.vector_load %arg5[%swap3A_515, %swap3A_516] {strides = array<i32>} : memref<32x1024xf32, #tpu.memory_space<vmem>>, vector<16xf32>,
      tpu.vector_store %arg5[%swap3A_515, %swap3A_516], %add3A_514 {strides = array<i32>} : memref<32x1024xf32, #tpu.memory_space<vmem>>, vector<16xf32>,
      %get3A_518 = arith.index_cast %scan3A_49 : i32 to index
      %get3A_519 = arith.constant 752 : index
      %get3A_520 = tpu.vector_load %arg5[%get3A_518, %get3A_519] {strides = array<i32>} : memref<32x1024xf32, #tpu.memory_space<vmem>>, vector<16xf32>,
      %get3A_521 = arith.index_cast %scan3A_49 : i32 to index
      %get3A_522 = arith.constant 752 : index
      %get3A_523 = tpu.vector_load %arg6[%get3A_521, %get3A_522] {strides = array<i32>} : memref<32x1024xf32, #tpu.memory_space<vmem>>, vector<16xf32>,
      %add3A_524 = arith.addf %get3A_520, %get3A_523 : vector<16xf32>
      %swap3A_525 = arith.index_cast %scan3A_49 : i32 to index
      %swap3A_526 = arith.constant 752 : index
      %swap3A_527 = tpu.vector_load %arg5[%swap3A_525, %swap3A_526] {strides = array<i32>} : memref<32x1024xf32, #tpu.memory_space<vmem>>, vector<16xf32>,
      tpu.vector_store %arg5[%swap3A_525, %swap3A_526], %add3A_524 {strides = array<i32>} : memref<32x1024xf32, #tpu.memory_space<vmem>>, vector<16xf32>,
      %get3A_528 = arith.index_cast %scan3A_49 : i32 to index
      %get3A_529 = arith.constant 768 : index
      %get3A_530 = tpu.vector_load %arg5[%get3A_528, %get3A_529] {strides = array<i32>} : memref<32x1024xf32, #tpu.memory_space<vmem>>, vector<16xf32>,
      %get3A_531 = arith.index_cast %scan3A_49 : i32 to index
      %get3A_532 = arith.constant 768 : index
      %get3A_533 = tpu.vector_load %arg6[%get3A_531, %get3A_532] {strides = array<i32>} : memref<32x1024xf32, #tpu.memory_space<vmem>>, vector<16xf32>,
      %add3A_534 = arith.addf %get3A_530, %get3A_533 : vector<16xf32>
      %swap3A_535 = arith.index_cast %scan3A_49 : i32 to index
      %swap3A_536 = arith.constant 768 : index
      %swap3A_537 = tpu.vector_load %arg5[%swap3A_535, %swap3A_536] {strides = array<i32>} : memref<32x1024xf32, #tpu.memory_space<vmem>>, vector<16xf32>,
      tpu.vector_store %arg5[%swap3A_535, %swap3A_536], %add3A_534 {strides = array<i32>} : memref<32x1024xf32, #tpu.memory_space<vmem>>, vector<16xf32>,
      %get3A_538 = arith.index_cast %scan3A_49 : i32 to index
      %get3A_539 = arith.constant 784 : index
      %get3A_540 = tpu.vector_load %arg5[%get3A_538, %get3A_539] {strides = array<i32>} : memref<32x1024xf32, #tpu.memory_space<vmem>>, vector<16xf32>,
      %get3A_541 = arith.index_cast %scan3A_49 : i32 to index
      %get3A_542 = arith.constant 784 : index
      %get3A_543 = tpu.vector_load %arg6[%get3A_541, %get3A_542] {strides = array<i32>} : memref<32x1024xf32, #tpu.memory_space<vmem>>, vector<16xf32>,
      %add3A_544 = arith.addf %get3A_540, %get3A_543 : vector<16xf32>
      %swap3A_545 = arith.index_cast %scan3A_49 : i32 to index
      %swap3A_546 = arith.constant 784 : index
      %swap3A_547 = tpu.vector_load %arg5[%swap3A_545, %swap3A_546] {strides = array<i32>} : memref<32x1024xf32, #tpu.memory_space<vmem>>, vector<16xf32>,
      tpu.vector_store %arg5[%swap3A_545, %swap3A_546], %add3A_544 {strides = array<i32>} : memref<32x1024xf32, #tpu.memory_space<vmem>>, vector<16xf32>,
      %get3A_548 = arith.index_cast %scan3A_49 : i32 to index
      %get3A_549 = arith.constant 800 : index
      %get3A_550 = tpu.vector_load %arg5[%get3A_548, %get3A_549] {strides = array<i32>} : memref<32x1024xf32, #tpu.memory_space<vmem>>, vector<16xf32>,
      %get3A_551 = arith.index_cast %scan3A_49 : i32 to index
      %get3A_552 = arith.constant 800 : index
      %get3A_553 = tpu.vector_load %arg6[%get3A_551, %get3A_552] {strides = array<i32>} : memref<32x1024xf32, #tpu.memory_space<vmem>>, vector<16xf32>,
      %add3A_554 = arith.addf %get3A_550, %get3A_553 : vector<16xf32>
      %swap3A_555 = arith.index_cast %scan3A_49 : i32 to index
      %swap3A_556 = arith.constant 800 : index
      %swap3A_557 = tpu.vector_load %arg5[%swap3A_555, %swap3A_556] {strides = array<i32>} : memref<32x1024xf32, #tpu.memory_space<vmem>>, vector<16xf32>,
      tpu.vector_store %arg5[%swap3A_555, %swap3A_556], %add3A_554 {strides = array<i32>} : memref<32x1024xf32, #tpu.memory_space<vmem>>, vector<16xf32>,
      %get3A_558 = arith.index_cast %scan3A_49 : i32 to index
      %get3A_559 = arith.constant 816 : index
      %get3A_560 = tpu.vector_load %arg5[%get3A_558, %get3A_559] {strides = array<i32>} : memref<32x1024xf32, #tpu.memory_space<vmem>>, vector<16xf32>,
      %get3A_561 = arith.index_cast %scan3A_49 : i32 to index
      %get3A_562 = arith.constant 816 : index
      %get3A_563 = tpu.vector_load %arg6[%get3A_561, %get3A_562] {strides = array<i32>} : memref<32x1024xf32, #tpu.memory_space<vmem>>, vector<16xf32>,
      %add3A_564 = arith.addf %get3A_560, %get3A_563 : vector<16xf32>
      %swap3A_565 = arith.index_cast %scan3A_49 : i32 to index
      %swap3A_566 = arith.constant 816 : index
      %swap3A_567 = tpu.vector_load %arg5[%swap3A_565, %swap3A_566] {strides = array<i32>} : memref<32x1024xf32, #tpu.memory_space<vmem>>, vector<16xf32>,
      tpu.vector_store %arg5[%swap3A_565, %swap3A_566], %add3A_564 {strides = array<i32>} : memref<32x1024xf32, #tpu.memory_space<vmem>>, vector<16xf32>,
      %get3A_568 = arith.index_cast %scan3A_49 : i32 to index
      %get3A_569 = arith.constant 832 : index
      %get3A_570 = tpu.vector_load %arg5[%get3A_568, %get3A_569] {strides = array<i32>} : memref<32x1024xf32, #tpu.memory_space<vmem>>, vector<16xf32>,
      %get3A_571 = arith.index_cast %scan3A_49 : i32 to index
      %get3A_572 = arith.constant 832 : index
      %get3A_573 = tpu.vector_load %arg6[%get3A_571, %get3A_572] {strides = array<i32>} : memref<32x1024xf32, #tpu.memory_space<vmem>>, vector<16xf32>,
      %add3A_574 = arith.addf %get3A_570, %get3A_573 : vector<16xf32>
      %swap3A_575 = arith.index_cast %scan3A_49 : i32 to index
      %swap3A_576 = arith.constant 832 : index
      %swap3A_577 = tpu.vector_load %arg5[%swap3A_575, %swap3A_576] {strides = array<i32>} : memref<32x1024xf32, #tpu.memory_space<vmem>>, vector<16xf32>,
      tpu.vector_store %arg5[%swap3A_575, %swap3A_576], %add3A_574 {strides = array<i32>} : memref<32x1024xf32, #tpu.memory_space<vmem>>, vector<16xf32>,
      %get3A_578 = arith.index_cast %scan3A_49 : i32 to index
      %get3A_579 = arith.constant 848 : index
      %get3A_580 = tpu.vector_load %arg5[%get3A_578, %get3A_579] {strides = array<i32>} : memref<32x1024xf32, #tpu.memory_space<vmem>>, vector<16xf32>,
      %get3A_581 = arith.index_cast %scan3A_49 : i32 to index
      %get3A_582 = arith.constant 848 : index
      %get3A_583 = tpu.vector_load %arg6[%get3A_581, %get3A_582] {strides = array<i32>} : memref<32x1024xf32, #tpu.memory_space<vmem>>, vector<16xf32>,
      %add3A_584 = arith.addf %get3A_580, %get3A_583 : vector<16xf32>
      %swap3A_585 = arith.index_cast %scan3A_49 : i32 to index
      %swap3A_586 = arith.constant 848 : index
      %swap3A_587 = tpu.vector_load %arg5[%swap3A_585, %swap3A_586] {strides = array<i32>} : memref<32x1024xf32, #tpu.memory_space<vmem>>, vector<16xf32>,
      tpu.vector_store %arg5[%swap3A_585, %swap3A_586], %add3A_584 {strides = array<i32>} : memref<32x1024xf32, #tpu.memory_space<vmem>>, vector<16xf32>,
      %get3A_588 = arith.index_cast %scan3A_49 : i32 to index
      %get3A_589 = arith.constant 864 : index
      %get3A_590 = tpu.vector_load %arg5[%get3A_588, %get3A_589] {strides = array<i32>} : memref<32x1024xf32, #tpu.memory_space<vmem>>, vector<16xf32>,
      %get3A_591 = arith.index_cast %scan3A_49 : i32 to index
      %get3A_592 = arith.constant 864 : index
      %get3A_593 = tpu.vector_load %arg6[%get3A_591, %get3A_592] {strides = array<i32>} : memref<32x1024xf32, #tpu.memory_space<vmem>>, vector<16xf32>,
      %add3A_594 = arith.addf %get3A_590, %get3A_593 : vector<16xf32>
      %swap3A_595 = arith.index_cast %scan3A_49 : i32 to index
      %swap3A_596 = arith.constant 864 : index
      %swap3A_597 = tpu.vector_load %arg5[%swap3A_595, %swap3A_596] {strides = array<i32>} : memref<32x1024xf32, #tpu.memory_space<vmem>>, vector<16xf32>,
      tpu.vector_store %arg5[%swap3A_595, %swap3A_596], %add3A_594 {strides = array<i32>} : memref<32x1024xf32, #tpu.memory_space<vmem>>, vector<16xf32>,
      %get3A_598 = arith.index_cast %scan3A_49 : i32 to index
      %get3A_599 = arith.constant 880 : index
      %get3A_600 = tpu.vector_load %arg5[%get3A_598, %get3A_599] {strides = array<i32>} : memref<32x1024xf32, #tpu.memory_space<vmem>>, vector<16xf32>,
      %get3A_601 = arith.index_cast %scan3A_49 : i32 to index
      %get3A_602 = arith.constant 880 : index
      %get3A_603 = tpu.vector_load %arg6[%get3A_601, %get3A_602] {strides = array<i32>} : memref<32x1024xf32, #tpu.memory_space<vmem>>, vector<16xf32>,
      %add3A_604 = arith.addf %get3A_600, %get3A_603 : vector<16xf32>
      %swap3A_605 = arith.index_cast %scan3A_49 : i32 to index
      %swap3A_606 = arith.constant 880 : index
      %swap3A_607 = tpu.vector_load %arg5[%swap3A_605, %swap3A_606] {strides = array<i32>} : memref<32x1024xf32, #tpu.memory_space<vmem>>, vector<16xf32>,
      tpu.vector_store %arg5[%swap3A_605, %swap3A_606], %add3A_604 {strides = array<i32>} : memref<32x1024xf32, #tpu.memory_space<vmem>>, vector<16xf32>,
      %get3A_608 = arith.index_cast %scan3A_49 : i32 to index
      %get3A_609 = arith.constant 896 : index
      %get3A_610 = tpu.vector_load %arg5[%get3A_608, %get3A_609] {strides = array<i32>} : memref<32x1024xf32, #tpu.memory_space<vmem>>, vector<16xf32>,
      %get3A_611 = arith.index_cast %scan3A_49 : i32 to index
      %get3A_612 = arith.constant 896 : index
      %get3A_613 = tpu.vector_load %arg6[%get3A_611, %get3A_612] {strides = array<i32>} : memref<32x1024xf32, #tpu.memory_space<vmem>>, vector<16xf32>,
      %add3A_614 = arith.addf %get3A_610, %get3A_613 : vector<16xf32>
      %swap3A_615 = arith.index_cast %scan3A_49 : i32 to index
      %swap3A_616 = arith.constant 896 : index
      %swap3A_617 = tpu.vector_load %arg5[%swap3A_615, %swap3A_616] {strides = array<i32>} : memref<32x1024xf32, #tpu.memory_space<vmem>>, vector<16xf32>,
      tpu.vector_store %arg5[%swap3A_615, %swap3A_616], %add3A_614 {strides = array<i32>} : memref<32x1024xf32, #tpu.memory_space<vmem>>, vector<16xf32>,
      %get3A_618 = arith.index_cast %scan3A_49 : i32 to index
      %get3A_619 = arith.constant 912 : index
      %get3A_620 = tpu.vector_load %arg5[%get3A_618, %get3A_619] {strides = array<i32>} : memref<32x1024xf32, #tpu.memory_space<vmem>>, vector<16xf32>,
      %get3A_621 = arith.index_cast %scan3A_49 : i32 to index
      %get3A_622 = arith.constant 912 : index
      %get3A_623 = tpu.vector_load %arg6[%get3A_621, %get3A_622] {strides = array<i32>} : memref<32x1024xf32, #tpu.memory_space<vmem>>, vector<16xf32>,
      %add3A_624 = arith.addf %get3A_620, %get3A_623 : vector<16xf32>
      %swap3A_625 = arith.index_cast %scan3A_49 : i32 to index
      %swap3A_626 = arith.constant 912 : index
      %swap3A_627 = tpu.vector_load %arg5[%swap3A_625, %swap3A_626] {strides = array<i32>} : memref<32x1024xf32, #tpu.memory_space<vmem>>, vector<16xf32>,
      tpu.vector_store %arg5[%swap3A_625, %swap3A_626], %add3A_624 {strides = array<i32>} : memref<32x1024xf32, #tpu.memory_space<vmem>>, vector<16xf32>,
      %get3A_628 = arith.index_cast %scan3A_49 : i32 to index
      %get3A_629 = arith.constant 928 : index
      %get3A_630 = tpu.vector_load %arg5[%get3A_628, %get3A_629] {strides = array<i32>} : memref<32x1024xf32, #tpu.memory_space<vmem>>, vector<16xf32>,
      %get3A_631 = arith.index_cast %scan3A_49 : i32 to index
      %get3A_632 = arith.constant 928 : index
      %get3A_633 = tpu.vector_load %arg6[%get3A_631, %get3A_632] {strides = array<i32>} : memref<32x1024xf32, #tpu.memory_space<vmem>>, vector<16xf32>,
      %add3A_634 = arith.addf %get3A_630, %get3A_633 : vector<16xf32>
      %swap3A_635 = arith.index_cast %scan3A_49 : i32 to index
      %swap3A_636 = arith.constant 928 : index
      %swap3A_637 = tpu.vector_load %arg5[%swap3A_635, %swap3A_636] {strides = array<i32>} : memref<32x1024xf32, #tpu.memory_space<vmem>>, vector<16xf32>,
      tpu.vector_store %arg5[%swap3A_635, %swap3A_636], %add3A_634 {strides = array<i32>} : memref<32x1024xf32, #tpu.memory_space<vmem>>, vector<16xf32>,
      %get3A_638 = arith.index_cast %scan3A_49 : i32 to index
      %get3A_639 = arith.constant 944 : index
      %get3A_640 = tpu.vector_load %arg5[%get3A_638, %get3A_639] {strides = array<i32>} : memref<32x1024xf32, #tpu.memory_space<vmem>>, vector<16xf32>,
      %get3A_641 = arith.index_cast %scan3A_49 : i32 to index
      %get3A_642 = arith.constant 944 : index
      %get3A_643 = tpu.vector_load %arg6[%get3A_641, %get3A_642] {strides = array<i32>} : memref<32x1024xf32, #tpu.memory_space<vmem>>, vector<16xf32>,
      %add3A_644 = arith.addf %get3A_640, %get3A_643 : vector<16xf32>
      %swap3A_645 = arith.index_cast %scan3A_49 : i32 to index
      %swap3A_646 = arith.constant 944 : index
      %swap3A_647 = tpu.vector_load %arg5[%swap3A_645, %swap3A_646] {strides = array<i32>} : memref<32x1024xf32, #tpu.memory_space<vmem>>, vector<16xf32>,
      tpu.vector_store %arg5[%swap3A_645, %swap3A_646], %add3A_644 {strides = array<i32>} : memref<32x1024xf32, #tpu.memory_space<vmem>>, vector<16xf32>,
      %get3A_648 = arith.index_cast %scan3A_49 : i32 to index
      %get3A_649 = arith.constant 960 : index
      %get3A_650 = tpu.vector_load %arg5[%get3A_648, %get3A_649] {strides = array<i32>} : memref<32x1024xf32, #tpu.memory_space<vmem>>, vector<16xf32>,
      %get3A_651 = arith.index_cast %scan3A_49 : i32 to index
      %get3A_652 = arith.constant 960 : index
      %get3A_653 = tpu.vector_load %arg6[%get3A_651, %get3A_652] {strides = array<i32>} : memref<32x1024xf32, #tpu.memory_space<vmem>>, vector<16xf32>,
      %add3A_654 = arith.addf %get3A_650, %get3A_653 : vector<16xf32>
      %swap3A_655 = arith.index_cast %scan3A_49 : i32 to index
      %swap3A_656 = arith.constant 960 : index
      %swap3A_657 = tpu.vector_load %arg5[%swap3A_655, %swap3A_656] {strides = array<i32>} : memref<32x1024xf32, #tpu.memory_space<vmem>>, vector<16xf32>,
      tpu.vector_store %arg5[%swap3A_655, %swap3A_656], %add3A_654 {strides = array<i32>} : memref<32x1024xf32, #tpu.memory_space<vmem>>, vector<16xf32>,
      %get3A_658 = arith.index_cast %scan3A_49 : i32 to index
      %get3A_659 = arith.constant 976 : index
      %get3A_660 = tpu.vector_load %arg5[%get3A_658, %get3A_659] {strides = array<i32>} : memref<32x1024xf32, #tpu.memory_space<vmem>>, vector<16xf32>,
      %get3A_661 = arith.index_cast %scan3A_49 : i32 to index
      %get3A_662 = arith.constant 976 : index
      %get3A_663 = tpu.vector_load %arg6[%get3A_661, %get3A_662] {strides = array<i32>} : memref<32x1024xf32, #tpu.memory_space<vmem>>, vector<16xf32>,
      %add3A_664 = arith.addf %get3A_660, %get3A_663 : vector<16xf32>
      %swap3A_665 = arith.index_cast %scan3A_49 : i32 to index
      %swap3A_666 = arith.constant 976 : index
      %swap3A_667 = tpu.vector_load %arg5[%swap3A_665, %swap3A_666] {strides = array<i32>} : memref<32x1024xf32, #tpu.memory_space<vmem>>, vector<16xf32>,
      tpu.vector_store %arg5[%swap3A_665, %swap3A_666], %add3A_664 {strides = array<i32>} : memref<32x1024xf32, #tpu.memory_space<vmem>>, vector<16xf32>,
      %get3A_668 = arith.index_cast %scan3A_49 : i32 to index
      %get3A_669 = arith.constant 992 : index
      %get3A_670 = tpu.vector_load %arg5[%get3A_668, %get3A_669] {strides = array<i32>} : memref<32x1024xf32, #tpu.memory_space<vmem>>, vector<16xf32>,
      %get3A_671 = arith.index_cast %scan3A_49 : i32 to index
      %get3A_672 = arith.constant 992 : index
      %get3A_673 = tpu.vector_load %arg6[%get3A_671, %get3A_672] {strides = array<i32>} : memref<32x1024xf32, #tpu.memory_space<vmem>>, vector<16xf32>,
      %add3A_674 = arith.addf %get3A_670, %get3A_673 : vector<16xf32>
      %swap3A_675 = arith.index_cast %scan3A_49 : i32 to index
      %swap3A_676 = arith.constant 992 : index
      %swap3A_677 = tpu.vector_load %arg5[%swap3A_675, %swap3A_676] {strides = array<i32>} : memref<32x1024xf32, #tpu.memory_space<vmem>>, vector<16xf32>,
      tpu.vector_store %arg5[%swap3A_675, %swap3A_676], %add3A_674 {strides = array<i32>} : memref<32x1024xf32, #tpu.memory_space<vmem>>, vector<16xf32>,
      %get3A_678 = arith.index_cast %scan3A_49 : i32 to index
      %get3A_679 = arith.constant 1008 : index
      %get3A_680 = tpu.vector_load %arg5[%get3A_678, %get3A_679] {strides = array<i32>} : memref<32x1024xf32, #tpu.memory_space<vmem>>, vector<16xf32>,
      %get3A_681 = arith.index_cast %scan3A_49 : i32 to index
      %get3A_682 = arith.constant 1008 : index
      %get3A_683 = tpu.vector_load %arg6[%get3A_681, %get3A_682] {strides = array<i32>} : memref<32x1024xf32, #tpu.memory_space<vmem>>, vector<16xf32>,
      %add3A_684 = arith.addf %get3A_680, %get3A_683 : vector<16xf32>
      %swap3A_685 = arith.index_cast %scan3A_49 : i32 to index
      %swap3A_686 = arith.constant 1008 : index
      %swap3A_687 = tpu.vector_load %arg5[%swap3A_685, %swap3A_686] {strides = array<i32>} : memref<32x1024xf32, #tpu.memory_space<vmem>>, vector<16xf32>,
      tpu.vector_store %arg5[%swap3A_685, %swap3A_686], %add3A_684 {strides = array<i32>} : memref<32x1024xf32, #tpu.memory_space<vmem>>, vector<16xf32>,
    }
    %scan3A_48 = arith.constant 32 : i32
    "tpu.region"() ({
      %run_scoped3A_49 = tpu.sem_alloc : memref<!tpu.dma_semaphore, #tpu.memory_space<semaphore_mem>>
      %dma_start3A_50 = arith.constant 0 : i32
      %dma_start3A_51 = tpu.memref_slice %arg4[%add3A_26, %dma_start3A_50] : memref<2048x1024xf32, #tpu.memory_space<hbm>> -> memref<32x1024xf32, #tpu.memory_space<hbm>>
      %dma_start3A_52 = arith.constant 0 : i32
      %dma_start3A_53 = tpu.memref_slice %arg4[%add3A_26, %dma_start3A_52] : memref<2048x1024xf32, #tpu.memory_space<hbm>> -> memref<32x1024xf32, #tpu.memory_space<hbm>>
      tpu.enqueue_dma source(%arg5 : memref<32x1024xf32, #tpu.memory_space<vmem>>) target(%dma_start3A_53 : memref<32x1024xf32, #tpu.memory_space<hbm>>) target_semaphore(%run_scoped3A_49 : memref<!tpu.dma_semaphore, #tpu.memory_space<semaphore_mem>>)
      %dma_wait3A_54 = arith.constant 0 : i32
      %dma_wait3A_55 = tpu.memref_slice %arg4[%add3A_26, %dma_wait3A_54] : memref<2048x1024xf32, #tpu.memory_space<hbm>> -> memref<32x1024xf32, #tpu.memory_space<hbm>>
      %dma_wait3A_56 = arith.constant 0 : i32
      %dma_wait3A_57 = tpu.memref_slice %arg4[%add3A_26, %dma_wait3A_56] : memref<2048x1024xf32, #tpu.memory_space<hbm>> -> memref<32x1024xf32, #tpu.memory_space<hbm>>
      tpu.wait_dma2 semaphore(%run_scoped3A_49 : memref<!tpu.dma_semaphore, #tpu.memory_space<semaphore_mem>>) src(%arg5 : memref<32x1024xf32, #tpu.memory_space<vmem>>) dst(%dma_wait3A_57 : memref<32x1024xf32, #tpu.memory_space<hbm>>)
      tpu.yield
    }) : () -> ()
    return
  }
}

#map = affine_map<(d0, d1) -> (0)>
#map1 = affine_map<(d0, d1) -> (0, 0)>
module attributes {stable_mosaic.version = 14 : i64} {
  func.func @_route_dispatch_body(%arg0: i32, %arg1: i32, %arg2: memref<4096xi32, #tpu.memory_space<hbm>>, %arg3: memref<4096xf32, #tpu.memory_space<hbm>>, %arg4: memref<2048x512xi32, #tpu.memory_space<hbm>>, %arg5: memref<2x4096xi32, #tpu.memory_space<hbm>>, %arg6: memref<5888xf32, #tpu.memory_space<hbm>>, %arg7: memref<32xi32, #tpu.memory_space<hbm>>, %arg8: memref<5888x512xi32, #tpu.memory_space<hbm>>, %arg9: memref<4096xi32, #tpu.memory_space<vmem>>, %arg10: memref<4096xf32, #tpu.memory_space<vmem>>, %arg11: memref<4096xi32, #tpu.memory_space<vmem>>, %arg12: memref<5888xf32, #tpu.memory_space<vmem>>, %arg13: memref<32xi32, #tpu.memory_space<vmem>>, %arg14: memref<64x512xi32, #tpu.memory_space<vmem>>, %arg15: memref<64xi32, #tpu.memory_space<vmem>>, %arg16: memref<64xi32, #tpu.memory_space<vmem>>, %arg17: memref<!tpu.dma_semaphore, #tpu.memory_space<semaphore_mem>>) attributes {dimension_semantics = [#tpu.dimension_semantics<core_parallel>, #tpu.dimension_semantics<subcore_parallel>], iteration_bounds = array<i64: 2, 16>, scalar_prefetch = 0 : i64, scratch_operands = 9 : i64, tpu.core_type = #tpu.core_type<sc_vector_subcore>, window_params = [{transform_indices = #map}, {transform_indices = #map}, {transform_indices = #map1}, {transform_indices = #map1}, {transform_indices = #map}, {transform_indices = #map}, {transform_indices = #map1}]} {
    %eq3A = arith.constant 0 : i32
    %eq3A_0 = arith.cmpi eq, %arg1, %eq3A : i32
    %convert_element_type3A = arith.extui %eq3A_0 : i1 to i32
    %cond3A = arith.constant 0 : i32
    %cond3A_1 = arith.cmpi ne, %convert_element_type3A, %cond3A : i32
    scf.if %cond3A_1 {
      "tpu.region"() ({
        %run_scoped3A = tpu.sem_alloc : memref<!tpu.dma_semaphore, #tpu.memory_space<semaphore_mem>>
        tpu.enqueue_dma source(%arg2 : memref<4096xi32, #tpu.memory_space<hbm>>) target(%arg9 : memref<4096xi32, #tpu.memory_space<vmem>>) target_semaphore(%run_scoped3A : memref<!tpu.dma_semaphore, #tpu.memory_space<semaphore_mem>>)
        tpu.wait_dma2 semaphore(%run_scoped3A : memref<!tpu.dma_semaphore, #tpu.memory_space<semaphore_mem>>) src(%arg2 : memref<4096xi32, #tpu.memory_space<hbm>>) dst(%arg9 : memref<4096xi32, #tpu.memory_space<vmem>>)
        tpu.yield
      }) : () -> ()
      "tpu.region"() ({
        %run_scoped3A = tpu.sem_alloc : memref<!tpu.dma_semaphore, #tpu.memory_space<semaphore_mem>>
        tpu.enqueue_dma source(%arg3 : memref<4096xf32, #tpu.memory_space<hbm>>) target(%arg10 : memref<4096xf32, #tpu.memory_space<vmem>>) target_semaphore(%run_scoped3A : memref<!tpu.dma_semaphore, #tpu.memory_space<semaphore_mem>>)
        tpu.wait_dma2 semaphore(%run_scoped3A : memref<!tpu.dma_semaphore, #tpu.memory_space<semaphore_mem>>) src(%arg3 : memref<4096xf32, #tpu.memory_space<hbm>>) dst(%arg10 : memref<4096xf32, #tpu.memory_space<vmem>>)
        tpu.yield
      }) : () -> ()
      %broadcast_in_dim3A = arith.constant 0.000000e+00 : f32
      %broadcast_in_dim3A_17 = vector.broadcast %broadcast_in_dim3A : f32 to vector<16xf32>
      %scan3A = arith.constant 0 : i32
      %scan3A_18 = arith.constant 0 : i32
      %scan3A_19 = arith.constant 368 : i32
      %scan3A_20 = arith.addi %scan3A_18, %scan3A_19 : i32
      %scan3A_21 = arith.constant 1 : i32
      scf.for %scan3A_300 = %scan3A_18 to %scan3A_20 step %scan3A_21  : i32 {
        %mul3A_301 = arith.constant 16 : i32
        %mul3A_302 = arith.muli %scan3A_300, %mul3A_301 : i32
        %swap3A = arith.index_cast %mul3A_302 : i32 to index
        %swap3A_303 = tpu.vector_load %arg12[%swap3A] {strides = array<i32>} : memref<5888xf32, #tpu.memory_space<vmem>>, vector<16xf32>,
        tpu.vector_store %arg12[%swap3A], %broadcast_in_dim3A_17 {strides = array<i32>} : memref<5888xf32, #tpu.memory_space<vmem>>, vector<16xf32>,
      }
      %scan3A_22 = arith.constant 368 : i32
      %iota3A = tpu.iota {dimensions = array<i32: 0>} : vector<16xi32>
      %broadcast_in_dim3A_23 = arith.constant 1 : i32
      %broadcast_in_dim3A_24 = vector.broadcast %broadcast_in_dim3A_23 : i32 to vector<16xi32>
      %broadcast_in_dim3A_25 = arith.constant 0 : i32
      %broadcast_in_dim3A_26 = vector.broadcast %broadcast_in_dim3A_25 : i32 to vector<16xi32>
      %broadcast_in_dim3A_27 = arith.constant 0 : i32
      %broadcast_in_dim3A_28 = vector.broadcast %broadcast_in_dim3A_27 : i32 to vector<16xi32>
      %scan3A_29 = arith.constant 0 : i32
      %scan3A_30 = arith.constant 128 : i32
      %scan3A_31 = arith.addi %scan3A_29, %scan3A_30 : i32
      %scan3A_32 = arith.constant 1 : i32
      %scan3A_33 = scf.for %scan3A_300 = %scan3A_29 to %scan3A_31 step %scan3A_32 iter_args(%scan3A_301 = %broadcast_in_dim3A_26) -> (vector<16xi32>)  : i32 {
        %mul3A_302 = arith.constant 2 : i32
        %mul3A_303 = arith.muli %scan3A_300, %mul3A_302 : i32
        %mul3A_304 = arith.constant 16 : i32
        %mul3A_305 = arith.muli %mul3A_303, %mul3A_304 : i32
        %mul3A_306 = arith.constant 2 : i32
        %mul3A_307 = arith.muli %scan3A_300, %mul3A_306 : i32
        %mul3A_308 = arith.constant 16 : i32
        %mul3A_309 = arith.muli %mul3A_307, %mul3A_308 : i32
        %add3A_310 = arith.constant 16 : i32
        %add3A_311 = arith.addi %mul3A_309, %add3A_310 : i32
        %get3A = arith.index_cast %mul3A_305 : i32 to index
        %get3A_312 = tpu.vector_load %arg9[%get3A] {strides = array<i32>} : memref<4096xi32, #tpu.memory_space<vmem>>, vector<16xi32>,
        %eq3A_313 = arith.cmpi eq, %get3A_312, %broadcast_in_dim3A_28 : vector<16xi32>
        %get3A_314 = arith.index_cast %add3A_311 : i32 to index
        %get3A_315 = tpu.vector_load %arg9[%get3A_314] {strides = array<i32>} : memref<4096xi32, #tpu.memory_space<vmem>>, vector<16xi32>,
        %eq3A_316 = arith.cmpi eq, %get3A_315, %broadcast_in_dim3A_28 : vector<16xi32>
        %select_n3A_317 = arith.select %eq3A_313, %broadcast_in_dim3A_24, %broadcast_in_dim3A_26 : vector<16xi1>, vector<16xi32>
        %broadcast_in_dim3A_318 = arith.constant true
        %broadcast_in_dim3A_319 = vector.broadcast %broadcast_in_dim3A_318 : i1 to vector<16xi1>
        %masked_cumsum3A = tpu.scan <sum>, %select_n3A_317 masked %broadcast_in_dim3A_319 : vector<16xi32>, vector<16xi1> -> vector<16xi32>
        %select_n3A_320 = arith.select %eq3A_316, %broadcast_in_dim3A_24, %broadcast_in_dim3A_26 : vector<16xi1>, vector<16xi32>
        %broadcast_in_dim3A_321 = arith.constant true
        %broadcast_in_dim3A_322 = vector.broadcast %broadcast_in_dim3A_321 : i1 to vector<16xi1>
        %masked_cumsum3A_323 = tpu.scan <sum>, %select_n3A_320 masked %broadcast_in_dim3A_322 : vector<16xi32>, vector<16xi1> -> vector<16xi32>
        %all_reduce_population_count3A = tpu.all_reduce %eq3A_313 {dim = 0 : i64, kind = #tpu.reduction_kind<sum>} : vector<16xi1> -> vector<16xi32>
        %mul3A_324 = arith.constant 2 : i32
        %mul3A_325 = arith.muli %scan3A_300, %mul3A_324 : i32
        %mul3A_326 = arith.constant 16 : i32
        %mul3A_327 = arith.muli %mul3A_325, %mul3A_326 : i32
        %add3A_328 = vector.broadcast %mul3A_327 : i32 to vector<16xi32>
        %add3A_329 = arith.addi %add3A_328, %iota3A : vector<16xi32>
        %add3A_330 = arith.constant 16 : i32
        %add3A_331 = vector.broadcast %add3A_330 : i32 to vector<16xi32>
        %add3A_332 = arith.addi %add3A_329, %add3A_331 : vector<16xi32>
        %add3A_333 = arith.addi %broadcast_in_dim3A_26, %scan3A_301 : vector<16xi32>
        %add3A_334 = arith.addi %add3A_333, %masked_cumsum3A : vector<16xi32>
        %sub3A = arith.constant 1 : i32
        %sub3A_335 = vector.broadcast %sub3A : i32 to vector<16xi32>
        %sub3A_336 = arith.subi %add3A_334, %sub3A_335 : vector<16xi32>
        %add3A_337 = arith.addi %broadcast_in_dim3A_26, %scan3A_301 : vector<16xi32>
        %add3A_338 = arith.addi %add3A_337, %all_reduce_population_count3A : vector<16xi32>
        %add3A_339 = arith.addi %add3A_338, %masked_cumsum3A_323 : vector<16xi32>
        %sub3A_340 = arith.constant 1 : i32
        %sub3A_341 = vector.broadcast %sub3A_340 : i32 to vector<16xi32>
        %sub3A_342 = arith.subi %add3A_339, %sub3A_341 : vector<16xi32>
        %and3A_343 = arith.constant 1 : i32
        %and3A_344 = vector.broadcast %and3A_343 : i32 to vector<16xi32>
        %and3A_345 = arith.andi %add3A_329, %and3A_344 : vector<16xi32>
        %mul3A_346 = arith.constant 2048 : i32
        %mul3A_347 = vector.broadcast %mul3A_346 : i32 to vector<16xi32>
        %mul3A_348 = arith.muli %and3A_345, %mul3A_347 : vector<16xi32>
        %shift_right_logical3A = arith.constant 1 : i32
        %shift_right_logical3A_349 = vector.broadcast %shift_right_logical3A : i32 to vector<16xi32>
        %shift_right_logical3A_350 = arith.shrui %add3A_329, %shift_right_logical3A_349 : vector<16xi32>
        %add3A_351 = arith.addi %mul3A_348, %shift_right_logical3A_350 : vector<16xi32>
        %and3A_352 = arith.constant 1 : i32
        %and3A_353 = vector.broadcast %and3A_352 : i32 to vector<16xi32>
        %and3A_354 = arith.andi %add3A_332, %and3A_353 : vector<16xi32>
        %mul3A_355 = arith.constant 2048 : i32
        %mul3A_356 = vector.broadcast %mul3A_355 : i32 to vector<16xi32>
        %mul3A_357 = arith.muli %and3A_354, %mul3A_356 : vector<16xi32>
        %shift_right_logical3A_358 = arith.constant 1 : i32
        %shift_right_logical3A_359 = vector.broadcast %shift_right_logical3A_358 : i32 to vector<16xi32>
        %shift_right_logical3A_360 = arith.shrui %add3A_332, %shift_right_logical3A_359 : vector<16xi32>
        %add3A_361 = arith.addi %mul3A_357, %shift_right_logical3A_360 : vector<16xi32>
        tpu.vector_store_idx %arg11[%add3A_351], %sub3A_336 masked %eq3A_313 : memref<4096xi32, #tpu.memory_space<vmem>>[vector<16xi32>], vector<16xi32>, vector<16xi1>
        %get3A_362 = arith.index_cast %mul3A_305 : i32 to index
        %get3A_363 = tpu.vector_load %arg10[%get3A_362] {strides = array<i32>} : memref<4096xf32, #tpu.memory_space<vmem>>, vector<16xf32>,
        tpu.vector_store_idx %arg12[%sub3A_336], %get3A_363 masked %eq3A_313 : memref<5888xf32, #tpu.memory_space<vmem>>[vector<16xi32>], vector<16xf32>, vector<16xi1>
        tpu.vector_store_idx %arg11[%add3A_361], %sub3A_342 masked %eq3A_316 : memref<4096xi32, #tpu.memory_space<vmem>>[vector<16xi32>], vector<16xi32>, vector<16xi1>
        %get3A_364 = arith.index_cast %add3A_311 : i32 to index
        %get3A_365 = tpu.vector_load %arg10[%get3A_364] {strides = array<i32>} : memref<4096xf32, #tpu.memory_space<vmem>>, vector<16xf32>,
        tpu.vector_store_idx %arg12[%sub3A_342], %get3A_365 masked %eq3A_316 : memref<5888xf32, #tpu.memory_space<vmem>>[vector<16xi32>], vector<16xf32>, vector<16xi1>
        %add3A_366 = arith.addi %scan3A_301, %all_reduce_population_count3A : vector<16xi32>
        %all_reduce_population_count3A_367 = tpu.all_reduce %eq3A_316 {dim = 0 : i64, kind = #tpu.reduction_kind<sum>} : vector<16xi1> -> vector<16xi32>
        %add3A_368 = arith.addi %add3A_366, %all_reduce_population_count3A_367 : vector<16xi32>
        scf.yield %add3A_368 : vector<16xi32>
      }
      %scan3A_34 = arith.constant 128 : i32
      %gt3A = arith.constant 0 : i32
      %gt3A_35 = vector.broadcast %gt3A : i32 to vector<16xi32>
      %gt3A_36 = arith.cmpi sgt, %scan3A_33, %gt3A_35 : vector<16xi32>
      %select_n3A = arith.select %gt3A_36, %broadcast_in_dim3A_28, %broadcast_in_dim3A_26 : vector<16xi1>, vector<16xi32>
      %add3A_37 = arith.constant 255 : i32
      %add3A_38 = vector.broadcast %add3A_37 : i32 to vector<16xi32>
      %add3A_39 = arith.addi %scan3A_33, %add3A_38 : vector<16xi32>
      %and3A = arith.constant -256 : i32
      %and3A_40 = vector.broadcast %and3A : i32 to vector<16xi32>
      %and3A_41 = arith.andi %add3A_39, %and3A_40 : vector<16xi32>
      %add3A_42 = arith.addi %broadcast_in_dim3A_26, %and3A_41 : vector<16xi32>
      %mul3A_43 = arith.constant 256 : i32
      %mul3A_44 = vector.broadcast %mul3A_43 : i32 to vector<16xi32>
      %mul3A_45 = arith.muli %iota3A, %mul3A_44 : vector<16xi32>
      %ge3A = arith.cmpi sge, %mul3A_45, %add3A_42 : vector<16xi32>
      %select_n3A_46 = arith.select %ge3A, %broadcast_in_dim3A_24, %broadcast_in_dim3A_26 : vector<16xi1>, vector<16xi32>
      %add3A_47 = arith.addi %broadcast_in_dim3A_26, %select_n3A_46 : vector<16xi32>
      %add3A_48 = arith.constant 16 : i32
      %add3A_49 = vector.broadcast %add3A_48 : i32 to vector<16xi32>
      %add3A_50 = arith.addi %iota3A, %add3A_49 : vector<16xi32>
      %mul3A_51 = arith.constant 256 : i32
      %mul3A_52 = vector.broadcast %mul3A_51 : i32 to vector<16xi32>
      %mul3A_53 = arith.muli %add3A_50, %mul3A_52 : vector<16xi32>
      %ge3A_54 = arith.cmpi sge, %mul3A_53, %add3A_42 : vector<16xi32>
      %select_n3A_55 = arith.select %ge3A_54, %broadcast_in_dim3A_24, %broadcast_in_dim3A_26 : vector<16xi1>, vector<16xi32>
      %add3A_56 = arith.addi %broadcast_in_dim3A_26, %select_n3A_55 : vector<16xi32>
      %broadcast_in_dim3A_57 = arith.constant 1 : i32
      %broadcast_in_dim3A_58 = vector.broadcast %broadcast_in_dim3A_57 : i32 to vector<16xi32>
      %scan3A_59 = arith.constant 0 : i32
      %scan3A_60 = arith.constant 128 : i32
      %scan3A_61 = arith.addi %scan3A_59, %scan3A_60 : i32
      %scan3A_62 = arith.constant 1 : i32
      %scan3A_63 = scf.for %scan3A_300 = %scan3A_59 to %scan3A_61 step %scan3A_62 iter_args(%scan3A_301 = %broadcast_in_dim3A_26) -> (vector<16xi32>)  : i32 {
        %mul3A_302 = arith.constant 2 : i32
        %mul3A_303 = arith.muli %scan3A_300, %mul3A_302 : i32
        %mul3A_304 = arith.constant 16 : i32
        %mul3A_305 = arith.muli %mul3A_303, %mul3A_304 : i32
        %mul3A_306 = arith.constant 2 : i32
        %mul3A_307 = arith.muli %scan3A_300, %mul3A_306 : i32
        %mul3A_308 = arith.constant 16 : i32
        %mul3A_309 = arith.muli %mul3A_307, %mul3A_308 : i32
        %add3A_310 = arith.constant 16 : i32
        %add3A_311 = arith.addi %mul3A_309, %add3A_310 : i32
        %get3A = arith.index_cast %mul3A_305 : i32 to index
        %get3A_312 = tpu.vector_load %arg9[%get3A] {strides = array<i32>} : memref<4096xi32, #tpu.memory_space<vmem>>, vector<16xi32>,
        %eq3A_313 = arith.cmpi eq, %get3A_312, %broadcast_in_dim3A_58 : vector<16xi32>
        %get3A_314 = arith.index_cast %add3A_311 : i32 to index
        %get3A_315 = tpu.vector_load %arg9[%get3A_314] {strides = array<i32>} : memref<4096xi32, #tpu.memory_space<vmem>>, vector<16xi32>,
        %eq3A_316 = arith.cmpi eq, %get3A_315, %broadcast_in_dim3A_58 : vector<16xi32>
        %select_n3A_317 = arith.select %eq3A_313, %broadcast_in_dim3A_24, %broadcast_in_dim3A_26 : vector<16xi1>, vector<16xi32>
        %broadcast_in_dim3A_318 = arith.constant true
        %broadcast_in_dim3A_319 = vector.broadcast %broadcast_in_dim3A_318 : i1 to vector<16xi1>
        %masked_cumsum3A = tpu.scan <sum>, %select_n3A_317 masked %broadcast_in_dim3A_319 : vector<16xi32>, vector<16xi1> -> vector<16xi32>
        %select_n3A_320 = arith.select %eq3A_316, %broadcast_in_dim3A_24, %broadcast_in_dim3A_26 : vector<16xi1>, vector<16xi32>
        %broadcast_in_dim3A_321 = arith.constant true
        %broadcast_in_dim3A_322 = vector.broadcast %broadcast_in_dim3A_321 : i1 to vector<16xi1>
        %masked_cumsum3A_323 = tpu.scan <sum>, %select_n3A_320 masked %broadcast_in_dim3A_322 : vector<16xi32>, vector<16xi1> -> vector<16xi32>
        %all_reduce_population_count3A = tpu.all_reduce %eq3A_313 {dim = 0 : i64, kind = #tpu.reduction_kind<sum>} : vector<16xi1> -> vector<16xi32>
        %mul3A_324 = arith.constant 2 : i32
        %mul3A_325 = arith.muli %scan3A_300, %mul3A_324 : i32
        %mul3A_326 = arith.constant 16 : i32
        %mul3A_327 = arith.muli %mul3A_325, %mul3A_326 : i32
        %add3A_328 = vector.broadcast %mul3A_327 : i32 to vector<16xi32>
        %add3A_329 = arith.addi %add3A_328, %iota3A : vector<16xi32>
        %add3A_330 = arith.constant 16 : i32
        %add3A_331 = vector.broadcast %add3A_330 : i32 to vector<16xi32>
        %add3A_332 = arith.addi %add3A_329, %add3A_331 : vector<16xi32>
        %add3A_333 = arith.addi %add3A_42, %scan3A_301 : vector<16xi32>
        %add3A_334 = arith.addi %add3A_333, %masked_cumsum3A : vector<16xi32>
        %sub3A = arith.constant 1 : i32
        %sub3A_335 = vector.broadcast %sub3A : i32 to vector<16xi32>
        %sub3A_336 = arith.subi %add3A_334, %sub3A_335 : vector<16xi32>
        %add3A_337 = arith.addi %add3A_42, %scan3A_301 : vector<16xi32>
        %add3A_338 = arith.addi %add3A_337, %all_reduce_population_count3A : vector<16xi32>
        %add3A_339 = arith.addi %add3A_338, %masked_cumsum3A_323 : vector<16xi32>
        %sub3A_340 = arith.constant 1 : i32
        %sub3A_341 = vector.broadcast %sub3A_340 : i32 to vector<16xi32>
        %sub3A_342 = arith.subi %add3A_339, %sub3A_341 : vector<16xi32>
        %and3A_343 = arith.constant 1 : i32
        %and3A_344 = vector.broadcast %and3A_343 : i32 to vector<16xi32>
        %and3A_345 = arith.andi %add3A_329, %and3A_344 : vector<16xi32>
        %mul3A_346 = arith.constant 2048 : i32
        %mul3A_347 = vector.broadcast %mul3A_346 : i32 to vector<16xi32>
        %mul3A_348 = arith.muli %and3A_345, %mul3A_347 : vector<16xi32>
        %shift_right_logical3A = arith.constant 1 : i32
        %shift_right_logical3A_349 = vector.broadcast %shift_right_logical3A : i32 to vector<16xi32>
        %shift_right_logical3A_350 = arith.shrui %add3A_329, %shift_right_logical3A_349 : vector<16xi32>
        %add3A_351 = arith.addi %mul3A_348, %shift_right_logical3A_350 : vector<16xi32>
        %and3A_352 = arith.constant 1 : i32
        %and3A_353 = vector.broadcast %and3A_352 : i32 to vector<16xi32>
        %and3A_354 = arith.andi %add3A_332, %and3A_353 : vector<16xi32>
        %mul3A_355 = arith.constant 2048 : i32
        %mul3A_356 = vector.broadcast %mul3A_355 : i32 to vector<16xi32>
        %mul3A_357 = arith.muli %and3A_354, %mul3A_356 : vector<16xi32>
        %shift_right_logical3A_358 = arith.constant 1 : i32
        %shift_right_logical3A_359 = vector.broadcast %shift_right_logical3A_358 : i32 to vector<16xi32>
        %shift_right_logical3A_360 = arith.shrui %add3A_332, %shift_right_logical3A_359 : vector<16xi32>
        %add3A_361 = arith.addi %mul3A_357, %shift_right_logical3A_360 : vector<16xi32>
        tpu.vector_store_idx %arg11[%add3A_351], %sub3A_336 masked %eq3A_313 : memref<4096xi32, #tpu.memory_space<vmem>>[vector<16xi32>], vector<16xi32>, vector<16xi1>
        %get3A_362 = arith.index_cast %mul3A_305 : i32 to index
        %get3A_363 = tpu.vector_load %arg10[%get3A_362] {strides = array<i32>} : memref<4096xf32, #tpu.memory_space<vmem>>, vector<16xf32>,
        tpu.vector_store_idx %arg12[%sub3A_336], %get3A_363 masked %eq3A_313 : memref<5888xf32, #tpu.memory_space<vmem>>[vector<16xi32>], vector<16xf32>, vector<16xi1>
        tpu.vector_store_idx %arg11[%add3A_361], %sub3A_342 masked %eq3A_316 : memref<4096xi32, #tpu.memory_space<vmem>>[vector<16xi32>], vector<16xi32>, vector<16xi1>
        %get3A_364 = arith.index_cast %add3A_311 : i32 to index
        %get3A_365 = tpu.vector_load %arg10[%get3A_364] {strides = array<i32>} : memref<4096xf32, #tpu.memory_space<vmem>>, vector<16xf32>,
        tpu.vector_store_idx %arg12[%sub3A_342], %get3A_365 masked %eq3A_316 : memref<5888xf32, #tpu.memory_space<vmem>>[vector<16xi32>], vector<16xf32>, vector<16xi1>
        %add3A_366 = arith.addi %scan3A_301, %all_reduce_population_count3A : vector<16xi32>
        %all_reduce_population_count3A_367 = tpu.all_reduce %eq3A_316 {dim = 0 : i64, kind = #tpu.reduction_kind<sum>} : vector<16xi1> -> vector<16xi32>
        %add3A_368 = arith.addi %add3A_366, %all_reduce_population_count3A_367 : vector<16xi32>
        scf.yield %add3A_368 : vector<16xi32>
      }
      %scan3A_64 = arith.constant 128 : i32
      %gt3A_65 = arith.constant 0 : i32
      %gt3A_66 = vector.broadcast %gt3A_65 : i32 to vector<16xi32>
      %gt3A_67 = arith.cmpi sgt, %scan3A_63, %gt3A_66 : vector<16xi32>
      %select_n3A_68 = arith.select %gt3A_67, %broadcast_in_dim3A_58, %select_n3A : vector<16xi1>, vector<16xi32>
      %add3A_69 = arith.constant 255 : i32
      %add3A_70 = vector.broadcast %add3A_69 : i32 to vector<16xi32>
      %add3A_71 = arith.addi %scan3A_63, %add3A_70 : vector<16xi32>
      %and3A_72 = arith.constant -256 : i32
      %and3A_73 = vector.broadcast %and3A_72 : i32 to vector<16xi32>
      %and3A_74 = arith.andi %add3A_71, %and3A_73 : vector<16xi32>
      %add3A_75 = arith.addi %add3A_42, %and3A_74 : vector<16xi32>
      %mul3A_76 = arith.constant 256 : i32
      %mul3A_77 = vector.broadcast %mul3A_76 : i32 to vector<16xi32>
      %mul3A_78 = arith.muli %iota3A, %mul3A_77 : vector<16xi32>
      %ge3A_79 = arith.cmpi sge, %mul3A_78, %add3A_75 : vector<16xi32>
      %select_n3A_80 = arith.select %ge3A_79, %broadcast_in_dim3A_24, %broadcast_in_dim3A_26 : vector<16xi1>, vector<16xi32>
      %add3A_81 = arith.addi %add3A_47, %select_n3A_80 : vector<16xi32>
      %add3A_82 = arith.constant 16 : i32
      %add3A_83 = vector.broadcast %add3A_82 : i32 to vector<16xi32>
      %add3A_84 = arith.addi %iota3A, %add3A_83 : vector<16xi32>
      %mul3A_85 = arith.constant 256 : i32
      %mul3A_86 = vector.broadcast %mul3A_85 : i32 to vector<16xi32>
      %mul3A_87 = arith.muli %add3A_84, %mul3A_86 : vector<16xi32>
      %ge3A_88 = arith.cmpi sge, %mul3A_87, %add3A_75 : vector<16xi32>
      %select_n3A_89 = arith.select %ge3A_88, %broadcast_in_dim3A_24, %broadcast_in_dim3A_26 : vector<16xi1>, vector<16xi32>
      %add3A_90 = arith.addi %add3A_56, %select_n3A_89 : vector<16xi32>
      %broadcast_in_dim3A_91 = arith.constant 2 : i32
      %broadcast_in_dim3A_92 = vector.broadcast %broadcast_in_dim3A_91 : i32 to vector<16xi32>
      %scan3A_93 = arith.constant 0 : i32
      %scan3A_94 = arith.constant 128 : i32
      %scan3A_95 = arith.addi %scan3A_93, %scan3A_94 : i32
      %scan3A_96 = arith.constant 1 : i32
      %scan3A_97 = scf.for %scan3A_300 = %scan3A_93 to %scan3A_95 step %scan3A_96 iter_args(%scan3A_301 = %broadcast_in_dim3A_26) -> (vector<16xi32>)  : i32 {
        %mul3A_302 = arith.constant 2 : i32
        %mul3A_303 = arith.muli %scan3A_300, %mul3A_302 : i32
        %mul3A_304 = arith.constant 16 : i32
        %mul3A_305 = arith.muli %mul3A_303, %mul3A_304 : i32
        %mul3A_306 = arith.constant 2 : i32
        %mul3A_307 = arith.muli %scan3A_300, %mul3A_306 : i32
        %mul3A_308 = arith.constant 16 : i32
        %mul3A_309 = arith.muli %mul3A_307, %mul3A_308 : i32
        %add3A_310 = arith.constant 16 : i32
        %add3A_311 = arith.addi %mul3A_309, %add3A_310 : i32
        %get3A = arith.index_cast %mul3A_305 : i32 to index
        %get3A_312 = tpu.vector_load %arg9[%get3A] {strides = array<i32>} : memref<4096xi32, #tpu.memory_space<vmem>>, vector<16xi32>,
        %eq3A_313 = arith.cmpi eq, %get3A_312, %broadcast_in_dim3A_92 : vector<16xi32>
        %get3A_314 = arith.index_cast %add3A_311 : i32 to index
        %get3A_315 = tpu.vector_load %arg9[%get3A_314] {strides = array<i32>} : memref<4096xi32, #tpu.memory_space<vmem>>, vector<16xi32>,
        %eq3A_316 = arith.cmpi eq, %get3A_315, %broadcast_in_dim3A_92 : vector<16xi32>
        %select_n3A_317 = arith.select %eq3A_313, %broadcast_in_dim3A_24, %broadcast_in_dim3A_26 : vector<16xi1>, vector<16xi32>
        %broadcast_in_dim3A_318 = arith.constant true
        %broadcast_in_dim3A_319 = vector.broadcast %broadcast_in_dim3A_318 : i1 to vector<16xi1>
        %masked_cumsum3A = tpu.scan <sum>, %select_n3A_317 masked %broadcast_in_dim3A_319 : vector<16xi32>, vector<16xi1> -> vector<16xi32>
        %select_n3A_320 = arith.select %eq3A_316, %broadcast_in_dim3A_24, %broadcast_in_dim3A_26 : vector<16xi1>, vector<16xi32>
        %broadcast_in_dim3A_321 = arith.constant true
        %broadcast_in_dim3A_322 = vector.broadcast %broadcast_in_dim3A_321 : i1 to vector<16xi1>
        %masked_cumsum3A_323 = tpu.scan <sum>, %select_n3A_320 masked %broadcast_in_dim3A_322 : vector<16xi32>, vector<16xi1> -> vector<16xi32>
        %all_reduce_population_count3A = tpu.all_reduce %eq3A_313 {dim = 0 : i64, kind = #tpu.reduction_kind<sum>} : vector<16xi1> -> vector<16xi32>
        %mul3A_324 = arith.constant 2 : i32
        %mul3A_325 = arith.muli %scan3A_300, %mul3A_324 : i32
        %mul3A_326 = arith.constant 16 : i32
        %mul3A_327 = arith.muli %mul3A_325, %mul3A_326 : i32
        %add3A_328 = vector.broadcast %mul3A_327 : i32 to vector<16xi32>
        %add3A_329 = arith.addi %add3A_328, %iota3A : vector<16xi32>
        %add3A_330 = arith.constant 16 : i32
        %add3A_331 = vector.broadcast %add3A_330 : i32 to vector<16xi32>
        %add3A_332 = arith.addi %add3A_329, %add3A_331 : vector<16xi32>
        %add3A_333 = arith.addi %add3A_75, %scan3A_301 : vector<16xi32>
        %add3A_334 = arith.addi %add3A_333, %masked_cumsum3A : vector<16xi32>
        %sub3A = arith.constant 1 : i32
        %sub3A_335 = vector.broadcast %sub3A : i32 to vector<16xi32>
        %sub3A_336 = arith.subi %add3A_334, %sub3A_335 : vector<16xi32>
        %add3A_337 = arith.addi %add3A_75, %scan3A_301 : vector<16xi32>
        %add3A_338 = arith.addi %add3A_337, %all_reduce_population_count3A : vector<16xi32>
        %add3A_339 = arith.addi %add3A_338, %masked_cumsum3A_323 : vector<16xi32>
        %sub3A_340 = arith.constant 1 : i32
        %sub3A_341 = vector.broadcast %sub3A_340 : i32 to vector<16xi32>
        %sub3A_342 = arith.subi %add3A_339, %sub3A_341 : vector<16xi32>
        %and3A_343 = arith.constant 1 : i32
        %and3A_344 = vector.broadcast %and3A_343 : i32 to vector<16xi32>
        %and3A_345 = arith.andi %add3A_329, %and3A_344 : vector<16xi32>
        %mul3A_346 = arith.constant 2048 : i32
        %mul3A_347 = vector.broadcast %mul3A_346 : i32 to vector<16xi32>
        %mul3A_348 = arith.muli %and3A_345, %mul3A_347 : vector<16xi32>
        %shift_right_logical3A = arith.constant 1 : i32
        %shift_right_logical3A_349 = vector.broadcast %shift_right_logical3A : i32 to vector<16xi32>
        %shift_right_logical3A_350 = arith.shrui %add3A_329, %shift_right_logical3A_349 : vector<16xi32>
        %add3A_351 = arith.addi %mul3A_348, %shift_right_logical3A_350 : vector<16xi32>
        %and3A_352 = arith.constant 1 : i32
        %and3A_353 = vector.broadcast %and3A_352 : i32 to vector<16xi32>
        %and3A_354 = arith.andi %add3A_332, %and3A_353 : vector<16xi32>
        %mul3A_355 = arith.constant 2048 : i32
        %mul3A_356 = vector.broadcast %mul3A_355 : i32 to vector<16xi32>
        %mul3A_357 = arith.muli %and3A_354, %mul3A_356 : vector<16xi32>
        %shift_right_logical3A_358 = arith.constant 1 : i32
        %shift_right_logical3A_359 = vector.broadcast %shift_right_logical3A_358 : i32 to vector<16xi32>
        %shift_right_logical3A_360 = arith.shrui %add3A_332, %shift_right_logical3A_359 : vector<16xi32>
        %add3A_361 = arith.addi %mul3A_357, %shift_right_logical3A_360 : vector<16xi32>
        tpu.vector_store_idx %arg11[%add3A_351], %sub3A_336 masked %eq3A_313 : memref<4096xi32, #tpu.memory_space<vmem>>[vector<16xi32>], vector<16xi32>, vector<16xi1>
        %get3A_362 = arith.index_cast %mul3A_305 : i32 to index
        %get3A_363 = tpu.vector_load %arg10[%get3A_362] {strides = array<i32>} : memref<4096xf32, #tpu.memory_space<vmem>>, vector<16xf32>,
        tpu.vector_store_idx %arg12[%sub3A_336], %get3A_363 masked %eq3A_313 : memref<5888xf32, #tpu.memory_space<vmem>>[vector<16xi32>], vector<16xf32>, vector<16xi1>
        tpu.vector_store_idx %arg11[%add3A_361], %sub3A_342 masked %eq3A_316 : memref<4096xi32, #tpu.memory_space<vmem>>[vector<16xi32>], vector<16xi32>, vector<16xi1>
        %get3A_364 = arith.index_cast %add3A_311 : i32 to index
        %get3A_365 = tpu.vector_load %arg10[%get3A_364] {strides = array<i32>} : memref<4096xf32, #tpu.memory_space<vmem>>, vector<16xf32>,
        tpu.vector_store_idx %arg12[%sub3A_342], %get3A_365 masked %eq3A_316 : memref<5888xf32, #tpu.memory_space<vmem>>[vector<16xi32>], vector<16xf32>, vector<16xi1>
        %add3A_366 = arith.addi %scan3A_301, %all_reduce_population_count3A : vector<16xi32>
        %all_reduce_population_count3A_367 = tpu.all_reduce %eq3A_316 {dim = 0 : i64, kind = #tpu.reduction_kind<sum>} : vector<16xi1> -> vector<16xi32>
        %add3A_368 = arith.addi %add3A_366, %all_reduce_population_count3A_367 : vector<16xi32>
        scf.yield %add3A_368 : vector<16xi32>
      }
      %scan3A_98 = arith.constant 128 : i32
      %gt3A_99 = arith.constant 0 : i32
      %gt3A_100 = vector.broadcast %gt3A_99 : i32 to vector<16xi32>
      %gt3A_101 = arith.cmpi sgt, %scan3A_97, %gt3A_100 : vector<16xi32>
      %select_n3A_102 = arith.select %gt3A_101, %broadcast_in_dim3A_92, %select_n3A_68 : vector<16xi1>, vector<16xi32>
      %add3A_103 = arith.constant 255 : i32
      %add3A_104 = vector.broadcast %add3A_103 : i32 to vector<16xi32>
      %add3A_105 = arith.addi %scan3A_97, %add3A_104 : vector<16xi32>
      %and3A_106 = arith.constant -256 : i32
      %and3A_107 = vector.broadcast %and3A_106 : i32 to vector<16xi32>
      %and3A_108 = arith.andi %add3A_105, %and3A_107 : vector<16xi32>
      %add3A_109 = arith.addi %add3A_75, %and3A_108 : vector<16xi32>
      %mul3A_110 = arith.constant 256 : i32
      %mul3A_111 = vector.broadcast %mul3A_110 : i32 to vector<16xi32>
      %mul3A_112 = arith.muli %iota3A, %mul3A_111 : vector<16xi32>
      %ge3A_113 = arith.cmpi sge, %mul3A_112, %add3A_109 : vector<16xi32>
      %select_n3A_114 = arith.select %ge3A_113, %broadcast_in_dim3A_24, %broadcast_in_dim3A_26 : vector<16xi1>, vector<16xi32>
      %add3A_115 = arith.addi %add3A_81, %select_n3A_114 : vector<16xi32>
      %add3A_116 = arith.constant 16 : i32
      %add3A_117 = vector.broadcast %add3A_116 : i32 to vector<16xi32>
      %add3A_118 = arith.addi %iota3A, %add3A_117 : vector<16xi32>
      %mul3A_119 = arith.constant 256 : i32
      %mul3A_120 = vector.broadcast %mul3A_119 : i32 to vector<16xi32>
      %mul3A_121 = arith.muli %add3A_118, %mul3A_120 : vector<16xi32>
      %ge3A_122 = arith.cmpi sge, %mul3A_121, %add3A_109 : vector<16xi32>
      %select_n3A_123 = arith.select %ge3A_122, %broadcast_in_dim3A_24, %broadcast_in_dim3A_26 : vector<16xi1>, vector<16xi32>
      %add3A_124 = arith.addi %add3A_90, %select_n3A_123 : vector<16xi32>
      %broadcast_in_dim3A_125 = arith.constant 3 : i32
      %broadcast_in_dim3A_126 = vector.broadcast %broadcast_in_dim3A_125 : i32 to vector<16xi32>
      %scan3A_127 = arith.constant 0 : i32
      %scan3A_128 = arith.constant 128 : i32
      %scan3A_129 = arith.addi %scan3A_127, %scan3A_128 : i32
      %scan3A_130 = arith.constant 1 : i32
      %scan3A_131 = scf.for %scan3A_300 = %scan3A_127 to %scan3A_129 step %scan3A_130 iter_args(%scan3A_301 = %broadcast_in_dim3A_26) -> (vector<16xi32>)  : i32 {
        %mul3A_302 = arith.constant 2 : i32
        %mul3A_303 = arith.muli %scan3A_300, %mul3A_302 : i32
        %mul3A_304 = arith.constant 16 : i32
        %mul3A_305 = arith.muli %mul3A_303, %mul3A_304 : i32
        %mul3A_306 = arith.constant 2 : i32
        %mul3A_307 = arith.muli %scan3A_300, %mul3A_306 : i32
        %mul3A_308 = arith.constant 16 : i32
        %mul3A_309 = arith.muli %mul3A_307, %mul3A_308 : i32
        %add3A_310 = arith.constant 16 : i32
        %add3A_311 = arith.addi %mul3A_309, %add3A_310 : i32
        %get3A = arith.index_cast %mul3A_305 : i32 to index
        %get3A_312 = tpu.vector_load %arg9[%get3A] {strides = array<i32>} : memref<4096xi32, #tpu.memory_space<vmem>>, vector<16xi32>,
        %eq3A_313 = arith.cmpi eq, %get3A_312, %broadcast_in_dim3A_126 : vector<16xi32>
        %get3A_314 = arith.index_cast %add3A_311 : i32 to index
        %get3A_315 = tpu.vector_load %arg9[%get3A_314] {strides = array<i32>} : memref<4096xi32, #tpu.memory_space<vmem>>, vector<16xi32>,
        %eq3A_316 = arith.cmpi eq, %get3A_315, %broadcast_in_dim3A_126 : vector<16xi32>
        %select_n3A_317 = arith.select %eq3A_313, %broadcast_in_dim3A_24, %broadcast_in_dim3A_26 : vector<16xi1>, vector<16xi32>
        %broadcast_in_dim3A_318 = arith.constant true
        %broadcast_in_dim3A_319 = vector.broadcast %broadcast_in_dim3A_318 : i1 to vector<16xi1>
        %masked_cumsum3A = tpu.scan <sum>, %select_n3A_317 masked %broadcast_in_dim3A_319 : vector<16xi32>, vector<16xi1> -> vector<16xi32>
        %select_n3A_320 = arith.select %eq3A_316, %broadcast_in_dim3A_24, %broadcast_in_dim3A_26 : vector<16xi1>, vector<16xi32>
        %broadcast_in_dim3A_321 = arith.constant true
        %broadcast_in_dim3A_322 = vector.broadcast %broadcast_in_dim3A_321 : i1 to vector<16xi1>
        %masked_cumsum3A_323 = tpu.scan <sum>, %select_n3A_320 masked %broadcast_in_dim3A_322 : vector<16xi32>, vector<16xi1> -> vector<16xi32>
        %all_reduce_population_count3A = tpu.all_reduce %eq3A_313 {dim = 0 : i64, kind = #tpu.reduction_kind<sum>} : vector<16xi1> -> vector<16xi32>
        %mul3A_324 = arith.constant 2 : i32
        %mul3A_325 = arith.muli %scan3A_300, %mul3A_324 : i32
        %mul3A_326 = arith.constant 16 : i32
        %mul3A_327 = arith.muli %mul3A_325, %mul3A_326 : i32
        %add3A_328 = vector.broadcast %mul3A_327 : i32 to vector<16xi32>
        %add3A_329 = arith.addi %add3A_328, %iota3A : vector<16xi32>
        %add3A_330 = arith.constant 16 : i32
        %add3A_331 = vector.broadcast %add3A_330 : i32 to vector<16xi32>
        %add3A_332 = arith.addi %add3A_329, %add3A_331 : vector<16xi32>
        %add3A_333 = arith.addi %add3A_109, %scan3A_301 : vector<16xi32>
        %add3A_334 = arith.addi %add3A_333, %masked_cumsum3A : vector<16xi32>
        %sub3A = arith.constant 1 : i32
        %sub3A_335 = vector.broadcast %sub3A : i32 to vector<16xi32>
        %sub3A_336 = arith.subi %add3A_334, %sub3A_335 : vector<16xi32>
        %add3A_337 = arith.addi %add3A_109, %scan3A_301 : vector<16xi32>
        %add3A_338 = arith.addi %add3A_337, %all_reduce_population_count3A : vector<16xi32>
        %add3A_339 = arith.addi %add3A_338, %masked_cumsum3A_323 : vector<16xi32>
        %sub3A_340 = arith.constant 1 : i32
        %sub3A_341 = vector.broadcast %sub3A_340 : i32 to vector<16xi32>
        %sub3A_342 = arith.subi %add3A_339, %sub3A_341 : vector<16xi32>
        %and3A_343 = arith.constant 1 : i32
        %and3A_344 = vector.broadcast %and3A_343 : i32 to vector<16xi32>
        %and3A_345 = arith.andi %add3A_329, %and3A_344 : vector<16xi32>
        %mul3A_346 = arith.constant 2048 : i32
        %mul3A_347 = vector.broadcast %mul3A_346 : i32 to vector<16xi32>
        %mul3A_348 = arith.muli %and3A_345, %mul3A_347 : vector<16xi32>
        %shift_right_logical3A = arith.constant 1 : i32
        %shift_right_logical3A_349 = vector.broadcast %shift_right_logical3A : i32 to vector<16xi32>
        %shift_right_logical3A_350 = arith.shrui %add3A_329, %shift_right_logical3A_349 : vector<16xi32>
        %add3A_351 = arith.addi %mul3A_348, %shift_right_logical3A_350 : vector<16xi32>
        %and3A_352 = arith.constant 1 : i32
        %and3A_353 = vector.broadcast %and3A_352 : i32 to vector<16xi32>
        %and3A_354 = arith.andi %add3A_332, %and3A_353 : vector<16xi32>
        %mul3A_355 = arith.constant 2048 : i32
        %mul3A_356 = vector.broadcast %mul3A_355 : i32 to vector<16xi32>
        %mul3A_357 = arith.muli %and3A_354, %mul3A_356 : vector<16xi32>
        %shift_right_logical3A_358 = arith.constant 1 : i32
        %shift_right_logical3A_359 = vector.broadcast %shift_right_logical3A_358 : i32 to vector<16xi32>
        %shift_right_logical3A_360 = arith.shrui %add3A_332, %shift_right_logical3A_359 : vector<16xi32>
        %add3A_361 = arith.addi %mul3A_357, %shift_right_logical3A_360 : vector<16xi32>
        tpu.vector_store_idx %arg11[%add3A_351], %sub3A_336 masked %eq3A_313 : memref<4096xi32, #tpu.memory_space<vmem>>[vector<16xi32>], vector<16xi32>, vector<16xi1>
        %get3A_362 = arith.index_cast %mul3A_305 : i32 to index
        %get3A_363 = tpu.vector_load %arg10[%get3A_362] {strides = array<i32>} : memref<4096xf32, #tpu.memory_space<vmem>>, vector<16xf32>,
        tpu.vector_store_idx %arg12[%sub3A_336], %get3A_363 masked %eq3A_313 : memref<5888xf32, #tpu.memory_space<vmem>>[vector<16xi32>], vector<16xf32>, vector<16xi1>
        tpu.vector_store_idx %arg11[%add3A_361], %sub3A_342 masked %eq3A_316 : memref<4096xi32, #tpu.memory_space<vmem>>[vector<16xi32>], vector<16xi32>, vector<16xi1>
        %get3A_364 = arith.index_cast %add3A_311 : i32 to index
        %get3A_365 = tpu.vector_load %arg10[%get3A_364] {strides = array<i32>} : memref<4096xf32, #tpu.memory_space<vmem>>, vector<16xf32>,
        tpu.vector_store_idx %arg12[%sub3A_342], %get3A_365 masked %eq3A_316 : memref<5888xf32, #tpu.memory_space<vmem>>[vector<16xi32>], vector<16xf32>, vector<16xi1>
        %add3A_366 = arith.addi %scan3A_301, %all_reduce_population_count3A : vector<16xi32>
        %all_reduce_population_count3A_367 = tpu.all_reduce %eq3A_316 {dim = 0 : i64, kind = #tpu.reduction_kind<sum>} : vector<16xi1> -> vector<16xi32>
        %add3A_368 = arith.addi %add3A_366, %all_reduce_population_count3A_367 : vector<16xi32>
        scf.yield %add3A_368 : vector<16xi32>
      }
      %scan3A_132 = arith.constant 128 : i32
      %gt3A_133 = arith.constant 0 : i32
      %gt3A_134 = vector.broadcast %gt3A_133 : i32 to vector<16xi32>
      %gt3A_135 = arith.cmpi sgt, %scan3A_131, %gt3A_134 : vector<16xi32>
      %select_n3A_136 = arith.select %gt3A_135, %broadcast_in_dim3A_126, %select_n3A_102 : vector<16xi1>, vector<16xi32>
      %add3A_137 = arith.constant 255 : i32
      %add3A_138 = vector.broadcast %add3A_137 : i32 to vector<16xi32>
      %add3A_139 = arith.addi %scan3A_131, %add3A_138 : vector<16xi32>
      %and3A_140 = arith.constant -256 : i32
      %and3A_141 = vector.broadcast %and3A_140 : i32 to vector<16xi32>
      %and3A_142 = arith.andi %add3A_139, %and3A_141 : vector<16xi32>
      %add3A_143 = arith.addi %add3A_109, %and3A_142 : vector<16xi32>
      %mul3A_144 = arith.constant 256 : i32
      %mul3A_145 = vector.broadcast %mul3A_144 : i32 to vector<16xi32>
      %mul3A_146 = arith.muli %iota3A, %mul3A_145 : vector<16xi32>
      %ge3A_147 = arith.cmpi sge, %mul3A_146, %add3A_143 : vector<16xi32>
      %select_n3A_148 = arith.select %ge3A_147, %broadcast_in_dim3A_24, %broadcast_in_dim3A_26 : vector<16xi1>, vector<16xi32>
      %add3A_149 = arith.addi %add3A_115, %select_n3A_148 : vector<16xi32>
      %add3A_150 = arith.constant 16 : i32
      %add3A_151 = vector.broadcast %add3A_150 : i32 to vector<16xi32>
      %add3A_152 = arith.addi %iota3A, %add3A_151 : vector<16xi32>
      %mul3A_153 = arith.constant 256 : i32
      %mul3A_154 = vector.broadcast %mul3A_153 : i32 to vector<16xi32>
      %mul3A_155 = arith.muli %add3A_152, %mul3A_154 : vector<16xi32>
      %ge3A_156 = arith.cmpi sge, %mul3A_155, %add3A_143 : vector<16xi32>
      %select_n3A_157 = arith.select %ge3A_156, %broadcast_in_dim3A_24, %broadcast_in_dim3A_26 : vector<16xi1>, vector<16xi32>
      %add3A_158 = arith.addi %add3A_124, %select_n3A_157 : vector<16xi32>
      %broadcast_in_dim3A_159 = arith.constant 4 : i32
      %broadcast_in_dim3A_160 = vector.broadcast %broadcast_in_dim3A_159 : i32 to vector<16xi32>
      %scan3A_161 = arith.constant 0 : i32
      %scan3A_162 = arith.constant 128 : i32
      %scan3A_163 = arith.addi %scan3A_161, %scan3A_162 : i32
      %scan3A_164 = arith.constant 1 : i32
      %scan3A_165 = scf.for %scan3A_300 = %scan3A_161 to %scan3A_163 step %scan3A_164 iter_args(%scan3A_301 = %broadcast_in_dim3A_26) -> (vector<16xi32>)  : i32 {
        %mul3A_302 = arith.constant 2 : i32
        %mul3A_303 = arith.muli %scan3A_300, %mul3A_302 : i32
        %mul3A_304 = arith.constant 16 : i32
        %mul3A_305 = arith.muli %mul3A_303, %mul3A_304 : i32
        %mul3A_306 = arith.constant 2 : i32
        %mul3A_307 = arith.muli %scan3A_300, %mul3A_306 : i32
        %mul3A_308 = arith.constant 16 : i32
        %mul3A_309 = arith.muli %mul3A_307, %mul3A_308 : i32
        %add3A_310 = arith.constant 16 : i32
        %add3A_311 = arith.addi %mul3A_309, %add3A_310 : i32
        %get3A = arith.index_cast %mul3A_305 : i32 to index
        %get3A_312 = tpu.vector_load %arg9[%get3A] {strides = array<i32>} : memref<4096xi32, #tpu.memory_space<vmem>>, vector<16xi32>,
        %eq3A_313 = arith.cmpi eq, %get3A_312, %broadcast_in_dim3A_160 : vector<16xi32>
        %get3A_314 = arith.index_cast %add3A_311 : i32 to index
        %get3A_315 = tpu.vector_load %arg9[%get3A_314] {strides = array<i32>} : memref<4096xi32, #tpu.memory_space<vmem>>, vector<16xi32>,
        %eq3A_316 = arith.cmpi eq, %get3A_315, %broadcast_in_dim3A_160 : vector<16xi32>
        %select_n3A_317 = arith.select %eq3A_313, %broadcast_in_dim3A_24, %broadcast_in_dim3A_26 : vector<16xi1>, vector<16xi32>
        %broadcast_in_dim3A_318 = arith.constant true
        %broadcast_in_dim3A_319 = vector.broadcast %broadcast_in_dim3A_318 : i1 to vector<16xi1>
        %masked_cumsum3A = tpu.scan <sum>, %select_n3A_317 masked %broadcast_in_dim3A_319 : vector<16xi32>, vector<16xi1> -> vector<16xi32>
        %select_n3A_320 = arith.select %eq3A_316, %broadcast_in_dim3A_24, %broadcast_in_dim3A_26 : vector<16xi1>, vector<16xi32>
        %broadcast_in_dim3A_321 = arith.constant true
        %broadcast_in_dim3A_322 = vector.broadcast %broadcast_in_dim3A_321 : i1 to vector<16xi1>
        %masked_cumsum3A_323 = tpu.scan <sum>, %select_n3A_320 masked %broadcast_in_dim3A_322 : vector<16xi32>, vector<16xi1> -> vector<16xi32>
        %all_reduce_population_count3A = tpu.all_reduce %eq3A_313 {dim = 0 : i64, kind = #tpu.reduction_kind<sum>} : vector<16xi1> -> vector<16xi32>
        %mul3A_324 = arith.constant 2 : i32
        %mul3A_325 = arith.muli %scan3A_300, %mul3A_324 : i32
        %mul3A_326 = arith.constant 16 : i32
        %mul3A_327 = arith.muli %mul3A_325, %mul3A_326 : i32
        %add3A_328 = vector.broadcast %mul3A_327 : i32 to vector<16xi32>
        %add3A_329 = arith.addi %add3A_328, %iota3A : vector<16xi32>
        %add3A_330 = arith.constant 16 : i32
        %add3A_331 = vector.broadcast %add3A_330 : i32 to vector<16xi32>
        %add3A_332 = arith.addi %add3A_329, %add3A_331 : vector<16xi32>
        %add3A_333 = arith.addi %add3A_143, %scan3A_301 : vector<16xi32>
        %add3A_334 = arith.addi %add3A_333, %masked_cumsum3A : vector<16xi32>
        %sub3A = arith.constant 1 : i32
        %sub3A_335 = vector.broadcast %sub3A : i32 to vector<16xi32>
        %sub3A_336 = arith.subi %add3A_334, %sub3A_335 : vector<16xi32>
        %add3A_337 = arith.addi %add3A_143, %scan3A_301 : vector<16xi32>
        %add3A_338 = arith.addi %add3A_337, %all_reduce_population_count3A : vector<16xi32>
        %add3A_339 = arith.addi %add3A_338, %masked_cumsum3A_323 : vector<16xi32>
        %sub3A_340 = arith.constant 1 : i32
        %sub3A_341 = vector.broadcast %sub3A_340 : i32 to vector<16xi32>
        %sub3A_342 = arith.subi %add3A_339, %sub3A_341 : vector<16xi32>
        %and3A_343 = arith.constant 1 : i32
        %and3A_344 = vector.broadcast %and3A_343 : i32 to vector<16xi32>
        %and3A_345 = arith.andi %add3A_329, %and3A_344 : vector<16xi32>
        %mul3A_346 = arith.constant 2048 : i32
        %mul3A_347 = vector.broadcast %mul3A_346 : i32 to vector<16xi32>
        %mul3A_348 = arith.muli %and3A_345, %mul3A_347 : vector<16xi32>
        %shift_right_logical3A = arith.constant 1 : i32
        %shift_right_logical3A_349 = vector.broadcast %shift_right_logical3A : i32 to vector<16xi32>
        %shift_right_logical3A_350 = arith.shrui %add3A_329, %shift_right_logical3A_349 : vector<16xi32>
        %add3A_351 = arith.addi %mul3A_348, %shift_right_logical3A_350 : vector<16xi32>
        %and3A_352 = arith.constant 1 : i32
        %and3A_353 = vector.broadcast %and3A_352 : i32 to vector<16xi32>
        %and3A_354 = arith.andi %add3A_332, %and3A_353 : vector<16xi32>
        %mul3A_355 = arith.constant 2048 : i32
        %mul3A_356 = vector.broadcast %mul3A_355 : i32 to vector<16xi32>
        %mul3A_357 = arith.muli %and3A_354, %mul3A_356 : vector<16xi32>
        %shift_right_logical3A_358 = arith.constant 1 : i32
        %shift_right_logical3A_359 = vector.broadcast %shift_right_logical3A_358 : i32 to vector<16xi32>
        %shift_right_logical3A_360 = arith.shrui %add3A_332, %shift_right_logical3A_359 : vector<16xi32>
        %add3A_361 = arith.addi %mul3A_357, %shift_right_logical3A_360 : vector<16xi32>
        tpu.vector_store_idx %arg11[%add3A_351], %sub3A_336 masked %eq3A_313 : memref<4096xi32, #tpu.memory_space<vmem>>[vector<16xi32>], vector<16xi32>, vector<16xi1>
        %get3A_362 = arith.index_cast %mul3A_305 : i32 to index
        %get3A_363 = tpu.vector_load %arg10[%get3A_362] {strides = array<i32>} : memref<4096xf32, #tpu.memory_space<vmem>>, vector<16xf32>,
        tpu.vector_store_idx %arg12[%sub3A_336], %get3A_363 masked %eq3A_313 : memref<5888xf32, #tpu.memory_space<vmem>>[vector<16xi32>], vector<16xf32>, vector<16xi1>
        tpu.vector_store_idx %arg11[%add3A_361], %sub3A_342 masked %eq3A_316 : memref<4096xi32, #tpu.memory_space<vmem>>[vector<16xi32>], vector<16xi32>, vector<16xi1>
        %get3A_364 = arith.index_cast %add3A_311 : i32 to index
        %get3A_365 = tpu.vector_load %arg10[%get3A_364] {strides = array<i32>} : memref<4096xf32, #tpu.memory_space<vmem>>, vector<16xf32>,
        tpu.vector_store_idx %arg12[%sub3A_342], %get3A_365 masked %eq3A_316 : memref<5888xf32, #tpu.memory_space<vmem>>[vector<16xi32>], vector<16xf32>, vector<16xi1>
        %add3A_366 = arith.addi %scan3A_301, %all_reduce_population_count3A : vector<16xi32>
        %all_reduce_population_count3A_367 = tpu.all_reduce %eq3A_316 {dim = 0 : i64, kind = #tpu.reduction_kind<sum>} : vector<16xi1> -> vector<16xi32>
        %add3A_368 = arith.addi %add3A_366, %all_reduce_population_count3A_367 : vector<16xi32>
        scf.yield %add3A_368 : vector<16xi32>
      }
      %scan3A_166 = arith.constant 128 : i32
      %gt3A_167 = arith.constant 0 : i32
      %gt3A_168 = vector.broadcast %gt3A_167 : i32 to vector<16xi32>
      %gt3A_169 = arith.cmpi sgt, %scan3A_165, %gt3A_168 : vector<16xi32>
      %select_n3A_170 = arith.select %gt3A_169, %broadcast_in_dim3A_160, %select_n3A_136 : vector<16xi1>, vector<16xi32>
      %add3A_171 = arith.constant 255 : i32
      %add3A_172 = vector.broadcast %add3A_171 : i32 to vector<16xi32>
      %add3A_173 = arith.addi %scan3A_165, %add3A_172 : vector<16xi32>
      %and3A_174 = arith.constant -256 : i32
      %and3A_175 = vector.broadcast %and3A_174 : i32 to vector<16xi32>
      %and3A_176 = arith.andi %add3A_173, %and3A_175 : vector<16xi32>
      %add3A_177 = arith.addi %add3A_143, %and3A_176 : vector<16xi32>
      %mul3A_178 = arith.constant 256 : i32
      %mul3A_179 = vector.broadcast %mul3A_178 : i32 to vector<16xi32>
      %mul3A_180 = arith.muli %iota3A, %mul3A_179 : vector<16xi32>
      %ge3A_181 = arith.cmpi sge, %mul3A_180, %add3A_177 : vector<16xi32>
      %select_n3A_182 = arith.select %ge3A_181, %broadcast_in_dim3A_24, %broadcast_in_dim3A_26 : vector<16xi1>, vector<16xi32>
      %add3A_183 = arith.addi %add3A_149, %select_n3A_182 : vector<16xi32>
      %add3A_184 = arith.constant 16 : i32
      %add3A_185 = vector.broadcast %add3A_184 : i32 to vector<16xi32>
      %add3A_186 = arith.addi %iota3A, %add3A_185 : vector<16xi32>
      %mul3A_187 = arith.constant 256 : i32
      %mul3A_188 = vector.broadcast %mul3A_187 : i32 to vector<16xi32>
      %mul3A_189 = arith.muli %add3A_186, %mul3A_188 : vector<16xi32>
      %ge3A_190 = arith.cmpi sge, %mul3A_189, %add3A_177 : vector<16xi32>
      %select_n3A_191 = arith.select %ge3A_190, %broadcast_in_dim3A_24, %broadcast_in_dim3A_26 : vector<16xi1>, vector<16xi32>
      %add3A_192 = arith.addi %add3A_158, %select_n3A_191 : vector<16xi32>
      %broadcast_in_dim3A_193 = arith.constant 5 : i32
      %broadcast_in_dim3A_194 = vector.broadcast %broadcast_in_dim3A_193 : i32 to vector<16xi32>
      %scan3A_195 = arith.constant 0 : i32
      %scan3A_196 = arith.constant 128 : i32
      %scan3A_197 = arith.addi %scan3A_195, %scan3A_196 : i32
      %scan3A_198 = arith.constant 1 : i32
      %scan3A_199 = scf.for %scan3A_300 = %scan3A_195 to %scan3A_197 step %scan3A_198 iter_args(%scan3A_301 = %broadcast_in_dim3A_26) -> (vector<16xi32>)  : i32 {
        %mul3A_302 = arith.constant 2 : i32
        %mul3A_303 = arith.muli %scan3A_300, %mul3A_302 : i32
        %mul3A_304 = arith.constant 16 : i32
        %mul3A_305 = arith.muli %mul3A_303, %mul3A_304 : i32
        %mul3A_306 = arith.constant 2 : i32
        %mul3A_307 = arith.muli %scan3A_300, %mul3A_306 : i32
        %mul3A_308 = arith.constant 16 : i32
        %mul3A_309 = arith.muli %mul3A_307, %mul3A_308 : i32
        %add3A_310 = arith.constant 16 : i32
        %add3A_311 = arith.addi %mul3A_309, %add3A_310 : i32
        %get3A = arith.index_cast %mul3A_305 : i32 to index
        %get3A_312 = tpu.vector_load %arg9[%get3A] {strides = array<i32>} : memref<4096xi32, #tpu.memory_space<vmem>>, vector<16xi32>,
        %eq3A_313 = arith.cmpi eq, %get3A_312, %broadcast_in_dim3A_194 : vector<16xi32>
        %get3A_314 = arith.index_cast %add3A_311 : i32 to index
        %get3A_315 = tpu.vector_load %arg9[%get3A_314] {strides = array<i32>} : memref<4096xi32, #tpu.memory_space<vmem>>, vector<16xi32>,
        %eq3A_316 = arith.cmpi eq, %get3A_315, %broadcast_in_dim3A_194 : vector<16xi32>
        %select_n3A_317 = arith.select %eq3A_313, %broadcast_in_dim3A_24, %broadcast_in_dim3A_26 : vector<16xi1>, vector<16xi32>
        %broadcast_in_dim3A_318 = arith.constant true
        %broadcast_in_dim3A_319 = vector.broadcast %broadcast_in_dim3A_318 : i1 to vector<16xi1>
        %masked_cumsum3A = tpu.scan <sum>, %select_n3A_317 masked %broadcast_in_dim3A_319 : vector<16xi32>, vector<16xi1> -> vector<16xi32>
        %select_n3A_320 = arith.select %eq3A_316, %broadcast_in_dim3A_24, %broadcast_in_dim3A_26 : vector<16xi1>, vector<16xi32>
        %broadcast_in_dim3A_321 = arith.constant true
        %broadcast_in_dim3A_322 = vector.broadcast %broadcast_in_dim3A_321 : i1 to vector<16xi1>
        %masked_cumsum3A_323 = tpu.scan <sum>, %select_n3A_320 masked %broadcast_in_dim3A_322 : vector<16xi32>, vector<16xi1> -> vector<16xi32>
        %all_reduce_population_count3A = tpu.all_reduce %eq3A_313 {dim = 0 : i64, kind = #tpu.reduction_kind<sum>} : vector<16xi1> -> vector<16xi32>
        %mul3A_324 = arith.constant 2 : i32
        %mul3A_325 = arith.muli %scan3A_300, %mul3A_324 : i32
        %mul3A_326 = arith.constant 16 : i32
        %mul3A_327 = arith.muli %mul3A_325, %mul3A_326 : i32
        %add3A_328 = vector.broadcast %mul3A_327 : i32 to vector<16xi32>
        %add3A_329 = arith.addi %add3A_328, %iota3A : vector<16xi32>
        %add3A_330 = arith.constant 16 : i32
        %add3A_331 = vector.broadcast %add3A_330 : i32 to vector<16xi32>
        %add3A_332 = arith.addi %add3A_329, %add3A_331 : vector<16xi32>
        %add3A_333 = arith.addi %add3A_177, %scan3A_301 : vector<16xi32>
        %add3A_334 = arith.addi %add3A_333, %masked_cumsum3A : vector<16xi32>
        %sub3A = arith.constant 1 : i32
        %sub3A_335 = vector.broadcast %sub3A : i32 to vector<16xi32>
        %sub3A_336 = arith.subi %add3A_334, %sub3A_335 : vector<16xi32>
        %add3A_337 = arith.addi %add3A_177, %scan3A_301 : vector<16xi32>
        %add3A_338 = arith.addi %add3A_337, %all_reduce_population_count3A : vector<16xi32>
        %add3A_339 = arith.addi %add3A_338, %masked_cumsum3A_323 : vector<16xi32>
        %sub3A_340 = arith.constant 1 : i32
        %sub3A_341 = vector.broadcast %sub3A_340 : i32 to vector<16xi32>
        %sub3A_342 = arith.subi %add3A_339, %sub3A_341 : vector<16xi32>
        %and3A_343 = arith.constant 1 : i32
        %and3A_344 = vector.broadcast %and3A_343 : i32 to vector<16xi32>
        %and3A_345 = arith.andi %add3A_329, %and3A_344 : vector<16xi32>
        %mul3A_346 = arith.constant 2048 : i32
        %mul3A_347 = vector.broadcast %mul3A_346 : i32 to vector<16xi32>
        %mul3A_348 = arith.muli %and3A_345, %mul3A_347 : vector<16xi32>
        %shift_right_logical3A = arith.constant 1 : i32
        %shift_right_logical3A_349 = vector.broadcast %shift_right_logical3A : i32 to vector<16xi32>
        %shift_right_logical3A_350 = arith.shrui %add3A_329, %shift_right_logical3A_349 : vector<16xi32>
        %add3A_351 = arith.addi %mul3A_348, %shift_right_logical3A_350 : vector<16xi32>
        %and3A_352 = arith.constant 1 : i32
        %and3A_353 = vector.broadcast %and3A_352 : i32 to vector<16xi32>
        %and3A_354 = arith.andi %add3A_332, %and3A_353 : vector<16xi32>
        %mul3A_355 = arith.constant 2048 : i32
        %mul3A_356 = vector.broadcast %mul3A_355 : i32 to vector<16xi32>
        %mul3A_357 = arith.muli %and3A_354, %mul3A_356 : vector<16xi32>
        %shift_right_logical3A_358 = arith.constant 1 : i32
        %shift_right_logical3A_359 = vector.broadcast %shift_right_logical3A_358 : i32 to vector<16xi32>
        %shift_right_logical3A_360 = arith.shrui %add3A_332, %shift_right_logical3A_359 : vector<16xi32>
        %add3A_361 = arith.addi %mul3A_357, %shift_right_logical3A_360 : vector<16xi32>
        tpu.vector_store_idx %arg11[%add3A_351], %sub3A_336 masked %eq3A_313 : memref<4096xi32, #tpu.memory_space<vmem>>[vector<16xi32>], vector<16xi32>, vector<16xi1>
        %get3A_362 = arith.index_cast %mul3A_305 : i32 to index
        %get3A_363 = tpu.vector_load %arg10[%get3A_362] {strides = array<i32>} : memref<4096xf32, #tpu.memory_space<vmem>>, vector<16xf32>,
        tpu.vector_store_idx %arg12[%sub3A_336], %get3A_363 masked %eq3A_313 : memref<5888xf32, #tpu.memory_space<vmem>>[vector<16xi32>], vector<16xf32>, vector<16xi1>
        tpu.vector_store_idx %arg11[%add3A_361], %sub3A_342 masked %eq3A_316 : memref<4096xi32, #tpu.memory_space<vmem>>[vector<16xi32>], vector<16xi32>, vector<16xi1>
        %get3A_364 = arith.index_cast %add3A_311 : i32 to index
        %get3A_365 = tpu.vector_load %arg10[%get3A_364] {strides = array<i32>} : memref<4096xf32, #tpu.memory_space<vmem>>, vector<16xf32>,
        tpu.vector_store_idx %arg12[%sub3A_342], %get3A_365 masked %eq3A_316 : memref<5888xf32, #tpu.memory_space<vmem>>[vector<16xi32>], vector<16xf32>, vector<16xi1>
        %add3A_366 = arith.addi %scan3A_301, %all_reduce_population_count3A : vector<16xi32>
        %all_reduce_population_count3A_367 = tpu.all_reduce %eq3A_316 {dim = 0 : i64, kind = #tpu.reduction_kind<sum>} : vector<16xi1> -> vector<16xi32>
        %add3A_368 = arith.addi %add3A_366, %all_reduce_population_count3A_367 : vector<16xi32>
        scf.yield %add3A_368 : vector<16xi32>
      }
      %scan3A_200 = arith.constant 128 : i32
      %gt3A_201 = arith.constant 0 : i32
      %gt3A_202 = vector.broadcast %gt3A_201 : i32 to vector<16xi32>
      %gt3A_203 = arith.cmpi sgt, %scan3A_199, %gt3A_202 : vector<16xi32>
      %select_n3A_204 = arith.select %gt3A_203, %broadcast_in_dim3A_194, %select_n3A_170 : vector<16xi1>, vector<16xi32>
      %add3A_205 = arith.constant 255 : i32
      %add3A_206 = vector.broadcast %add3A_205 : i32 to vector<16xi32>
      %add3A_207 = arith.addi %scan3A_199, %add3A_206 : vector<16xi32>
      %and3A_208 = arith.constant -256 : i32
      %and3A_209 = vector.broadcast %and3A_208 : i32 to vector<16xi32>
      %and3A_210 = arith.andi %add3A_207, %and3A_209 : vector<16xi32>
      %add3A_211 = arith.addi %add3A_177, %and3A_210 : vector<16xi32>
      %mul3A_212 = arith.constant 256 : i32
      %mul3A_213 = vector.broadcast %mul3A_212 : i32 to vector<16xi32>
      %mul3A_214 = arith.muli %iota3A, %mul3A_213 : vector<16xi32>
      %ge3A_215 = arith.cmpi sge, %mul3A_214, %add3A_211 : vector<16xi32>
      %select_n3A_216 = arith.select %ge3A_215, %broadcast_in_dim3A_24, %broadcast_in_dim3A_26 : vector<16xi1>, vector<16xi32>
      %add3A_217 = arith.addi %add3A_183, %select_n3A_216 : vector<16xi32>
      %add3A_218 = arith.constant 16 : i32
      %add3A_219 = vector.broadcast %add3A_218 : i32 to vector<16xi32>
      %add3A_220 = arith.addi %iota3A, %add3A_219 : vector<16xi32>
      %mul3A_221 = arith.constant 256 : i32
      %mul3A_222 = vector.broadcast %mul3A_221 : i32 to vector<16xi32>
      %mul3A_223 = arith.muli %add3A_220, %mul3A_222 : vector<16xi32>
      %ge3A_224 = arith.cmpi sge, %mul3A_223, %add3A_211 : vector<16xi32>
      %select_n3A_225 = arith.select %ge3A_224, %broadcast_in_dim3A_24, %broadcast_in_dim3A_26 : vector<16xi1>, vector<16xi32>
      %add3A_226 = arith.addi %add3A_192, %select_n3A_225 : vector<16xi32>
      %broadcast_in_dim3A_227 = arith.constant 6 : i32
      %broadcast_in_dim3A_228 = vector.broadcast %broadcast_in_dim3A_227 : i32 to vector<16xi32>
      %scan3A_229 = arith.constant 0 : i32
      %scan3A_230 = arith.constant 128 : i32
      %scan3A_231 = arith.addi %scan3A_229, %scan3A_230 : i32
      %scan3A_232 = arith.constant 1 : i32
      %scan3A_233 = scf.for %scan3A_300 = %scan3A_229 to %scan3A_231 step %scan3A_232 iter_args(%scan3A_301 = %broadcast_in_dim3A_26) -> (vector<16xi32>)  : i32 {
        %mul3A_302 = arith.constant 2 : i32
        %mul3A_303 = arith.muli %scan3A_300, %mul3A_302 : i32
        %mul3A_304 = arith.constant 16 : i32
        %mul3A_305 = arith.muli %mul3A_303, %mul3A_304 : i32
        %mul3A_306 = arith.constant 2 : i32
        %mul3A_307 = arith.muli %scan3A_300, %mul3A_306 : i32
        %mul3A_308 = arith.constant 16 : i32
        %mul3A_309 = arith.muli %mul3A_307, %mul3A_308 : i32
        %add3A_310 = arith.constant 16 : i32
        %add3A_311 = arith.addi %mul3A_309, %add3A_310 : i32
        %get3A = arith.index_cast %mul3A_305 : i32 to index
        %get3A_312 = tpu.vector_load %arg9[%get3A] {strides = array<i32>} : memref<4096xi32, #tpu.memory_space<vmem>>, vector<16xi32>,
        %eq3A_313 = arith.cmpi eq, %get3A_312, %broadcast_in_dim3A_228 : vector<16xi32>
        %get3A_314 = arith.index_cast %add3A_311 : i32 to index
        %get3A_315 = tpu.vector_load %arg9[%get3A_314] {strides = array<i32>} : memref<4096xi32, #tpu.memory_space<vmem>>, vector<16xi32>,
        %eq3A_316 = arith.cmpi eq, %get3A_315, %broadcast_in_dim3A_228 : vector<16xi32>
        %select_n3A_317 = arith.select %eq3A_313, %broadcast_in_dim3A_24, %broadcast_in_dim3A_26 : vector<16xi1>, vector<16xi32>
        %broadcast_in_dim3A_318 = arith.constant true
        %broadcast_in_dim3A_319 = vector.broadcast %broadcast_in_dim3A_318 : i1 to vector<16xi1>
        %masked_cumsum3A = tpu.scan <sum>, %select_n3A_317 masked %broadcast_in_dim3A_319 : vector<16xi32>, vector<16xi1> -> vector<16xi32>
        %select_n3A_320 = arith.select %eq3A_316, %broadcast_in_dim3A_24, %broadcast_in_dim3A_26 : vector<16xi1>, vector<16xi32>
        %broadcast_in_dim3A_321 = arith.constant true
        %broadcast_in_dim3A_322 = vector.broadcast %broadcast_in_dim3A_321 : i1 to vector<16xi1>
        %masked_cumsum3A_323 = tpu.scan <sum>, %select_n3A_320 masked %broadcast_in_dim3A_322 : vector<16xi32>, vector<16xi1> -> vector<16xi32>
        %all_reduce_population_count3A = tpu.all_reduce %eq3A_313 {dim = 0 : i64, kind = #tpu.reduction_kind<sum>} : vector<16xi1> -> vector<16xi32>
        %mul3A_324 = arith.constant 2 : i32
        %mul3A_325 = arith.muli %scan3A_300, %mul3A_324 : i32
        %mul3A_326 = arith.constant 16 : i32
        %mul3A_327 = arith.muli %mul3A_325, %mul3A_326 : i32
        %add3A_328 = vector.broadcast %mul3A_327 : i32 to vector<16xi32>
        %add3A_329 = arith.addi %add3A_328, %iota3A : vector<16xi32>
        %add3A_330 = arith.constant 16 : i32
        %add3A_331 = vector.broadcast %add3A_330 : i32 to vector<16xi32>
        %add3A_332 = arith.addi %add3A_329, %add3A_331 : vector<16xi32>
        %add3A_333 = arith.addi %add3A_211, %scan3A_301 : vector<16xi32>
        %add3A_334 = arith.addi %add3A_333, %masked_cumsum3A : vector<16xi32>
        %sub3A = arith.constant 1 : i32
        %sub3A_335 = vector.broadcast %sub3A : i32 to vector<16xi32>
        %sub3A_336 = arith.subi %add3A_334, %sub3A_335 : vector<16xi32>
        %add3A_337 = arith.addi %add3A_211, %scan3A_301 : vector<16xi32>
        %add3A_338 = arith.addi %add3A_337, %all_reduce_population_count3A : vector<16xi32>
        %add3A_339 = arith.addi %add3A_338, %masked_cumsum3A_323 : vector<16xi32>
        %sub3A_340 = arith.constant 1 : i32
        %sub3A_341 = vector.broadcast %sub3A_340 : i32 to vector<16xi32>
        %sub3A_342 = arith.subi %add3A_339, %sub3A_341 : vector<16xi32>
        %and3A_343 = arith.constant 1 : i32
        %and3A_344 = vector.broadcast %and3A_343 : i32 to vector<16xi32>
        %and3A_345 = arith.andi %add3A_329, %and3A_344 : vector<16xi32>
        %mul3A_346 = arith.constant 2048 : i32
        %mul3A_347 = vector.broadcast %mul3A_346 : i32 to vector<16xi32>
        %mul3A_348 = arith.muli %and3A_345, %mul3A_347 : vector<16xi32>
        %shift_right_logical3A = arith.constant 1 : i32
        %shift_right_logical3A_349 = vector.broadcast %shift_right_logical3A : i32 to vector<16xi32>
        %shift_right_logical3A_350 = arith.shrui %add3A_329, %shift_right_logical3A_349 : vector<16xi32>
        %add3A_351 = arith.addi %mul3A_348, %shift_right_logical3A_350 : vector<16xi32>
        %and3A_352 = arith.constant 1 : i32
        %and3A_353 = vector.broadcast %and3A_352 : i32 to vector<16xi32>
        %and3A_354 = arith.andi %add3A_332, %and3A_353 : vector<16xi32>
        %mul3A_355 = arith.constant 2048 : i32
        %mul3A_356 = vector.broadcast %mul3A_355 : i32 to vector<16xi32>
        %mul3A_357 = arith.muli %and3A_354, %mul3A_356 : vector<16xi32>
        %shift_right_logical3A_358 = arith.constant 1 : i32
        %shift_right_logical3A_359 = vector.broadcast %shift_right_logical3A_358 : i32 to vector<16xi32>
        %shift_right_logical3A_360 = arith.shrui %add3A_332, %shift_right_logical3A_359 : vector<16xi32>
        %add3A_361 = arith.addi %mul3A_357, %shift_right_logical3A_360 : vector<16xi32>
        tpu.vector_store_idx %arg11[%add3A_351], %sub3A_336 masked %eq3A_313 : memref<4096xi32, #tpu.memory_space<vmem>>[vector<16xi32>], vector<16xi32>, vector<16xi1>
        %get3A_362 = arith.index_cast %mul3A_305 : i32 to index
        %get3A_363 = tpu.vector_load %arg10[%get3A_362] {strides = array<i32>} : memref<4096xf32, #tpu.memory_space<vmem>>, vector<16xf32>,
        tpu.vector_store_idx %arg12[%sub3A_336], %get3A_363 masked %eq3A_313 : memref<5888xf32, #tpu.memory_space<vmem>>[vector<16xi32>], vector<16xf32>, vector<16xi1>
        tpu.vector_store_idx %arg11[%add3A_361], %sub3A_342 masked %eq3A_316 : memref<4096xi32, #tpu.memory_space<vmem>>[vector<16xi32>], vector<16xi32>, vector<16xi1>
        %get3A_364 = arith.index_cast %add3A_311 : i32 to index
        %get3A_365 = tpu.vector_load %arg10[%get3A_364] {strides = array<i32>} : memref<4096xf32, #tpu.memory_space<vmem>>, vector<16xf32>,
        tpu.vector_store_idx %arg12[%sub3A_342], %get3A_365 masked %eq3A_316 : memref<5888xf32, #tpu.memory_space<vmem>>[vector<16xi32>], vector<16xf32>, vector<16xi1>
        %add3A_366 = arith.addi %scan3A_301, %all_reduce_population_count3A : vector<16xi32>
        %all_reduce_population_count3A_367 = tpu.all_reduce %eq3A_316 {dim = 0 : i64, kind = #tpu.reduction_kind<sum>} : vector<16xi1> -> vector<16xi32>
        %add3A_368 = arith.addi %add3A_366, %all_reduce_population_count3A_367 : vector<16xi32>
        scf.yield %add3A_368 : vector<16xi32>
      }
      %scan3A_234 = arith.constant 128 : i32
      %gt3A_235 = arith.constant 0 : i32
      %gt3A_236 = vector.broadcast %gt3A_235 : i32 to vector<16xi32>
      %gt3A_237 = arith.cmpi sgt, %scan3A_233, %gt3A_236 : vector<16xi32>
      %select_n3A_238 = arith.select %gt3A_237, %broadcast_in_dim3A_228, %select_n3A_204 : vector<16xi1>, vector<16xi32>
      %add3A_239 = arith.constant 255 : i32
      %add3A_240 = vector.broadcast %add3A_239 : i32 to vector<16xi32>
      %add3A_241 = arith.addi %scan3A_233, %add3A_240 : vector<16xi32>
      %and3A_242 = arith.constant -256 : i32
      %and3A_243 = vector.broadcast %and3A_242 : i32 to vector<16xi32>
      %and3A_244 = arith.andi %add3A_241, %and3A_243 : vector<16xi32>
      %add3A_245 = arith.addi %add3A_211, %and3A_244 : vector<16xi32>
      %mul3A_246 = arith.constant 256 : i32
      %mul3A_247 = vector.broadcast %mul3A_246 : i32 to vector<16xi32>
      %mul3A_248 = arith.muli %iota3A, %mul3A_247 : vector<16xi32>
      %ge3A_249 = arith.cmpi sge, %mul3A_248, %add3A_245 : vector<16xi32>
      %select_n3A_250 = arith.select %ge3A_249, %broadcast_in_dim3A_24, %broadcast_in_dim3A_26 : vector<16xi1>, vector<16xi32>
      %add3A_251 = arith.addi %add3A_217, %select_n3A_250 : vector<16xi32>
      %add3A_252 = arith.constant 16 : i32
      %add3A_253 = vector.broadcast %add3A_252 : i32 to vector<16xi32>
      %add3A_254 = arith.addi %iota3A, %add3A_253 : vector<16xi32>
      %mul3A_255 = arith.constant 256 : i32
      %mul3A_256 = vector.broadcast %mul3A_255 : i32 to vector<16xi32>
      %mul3A_257 = arith.muli %add3A_254, %mul3A_256 : vector<16xi32>
      %ge3A_258 = arith.cmpi sge, %mul3A_257, %add3A_245 : vector<16xi32>
      %select_n3A_259 = arith.select %ge3A_258, %broadcast_in_dim3A_24, %broadcast_in_dim3A_26 : vector<16xi1>, vector<16xi32>
      %add3A_260 = arith.addi %add3A_226, %select_n3A_259 : vector<16xi32>
      %broadcast_in_dim3A_261 = arith.constant 7 : i32
      %broadcast_in_dim3A_262 = vector.broadcast %broadcast_in_dim3A_261 : i32 to vector<16xi32>
      %scan3A_263 = arith.constant 0 : i32
      %scan3A_264 = arith.constant 128 : i32
      %scan3A_265 = arith.addi %scan3A_263, %scan3A_264 : i32
      %scan3A_266 = arith.constant 1 : i32
      %scan3A_267 = scf.for %scan3A_300 = %scan3A_263 to %scan3A_265 step %scan3A_266 iter_args(%scan3A_301 = %broadcast_in_dim3A_26) -> (vector<16xi32>)  : i32 {
        %mul3A_302 = arith.constant 2 : i32
        %mul3A_303 = arith.muli %scan3A_300, %mul3A_302 : i32
        %mul3A_304 = arith.constant 16 : i32
        %mul3A_305 = arith.muli %mul3A_303, %mul3A_304 : i32
        %mul3A_306 = arith.constant 2 : i32
        %mul3A_307 = arith.muli %scan3A_300, %mul3A_306 : i32
        %mul3A_308 = arith.constant 16 : i32
        %mul3A_309 = arith.muli %mul3A_307, %mul3A_308 : i32
        %add3A_310 = arith.constant 16 : i32
        %add3A_311 = arith.addi %mul3A_309, %add3A_310 : i32
        %get3A = arith.index_cast %mul3A_305 : i32 to index
        %get3A_312 = tpu.vector_load %arg9[%get3A] {strides = array<i32>} : memref<4096xi32, #tpu.memory_space<vmem>>, vector<16xi32>,
        %eq3A_313 = arith.cmpi eq, %get3A_312, %broadcast_in_dim3A_262 : vector<16xi32>
        %get3A_314 = arith.index_cast %add3A_311 : i32 to index
        %get3A_315 = tpu.vector_load %arg9[%get3A_314] {strides = array<i32>} : memref<4096xi32, #tpu.memory_space<vmem>>, vector<16xi32>,
        %eq3A_316 = arith.cmpi eq, %get3A_315, %broadcast_in_dim3A_262 : vector<16xi32>
        %select_n3A_317 = arith.select %eq3A_313, %broadcast_in_dim3A_24, %broadcast_in_dim3A_26 : vector<16xi1>, vector<16xi32>
        %broadcast_in_dim3A_318 = arith.constant true
        %broadcast_in_dim3A_319 = vector.broadcast %broadcast_in_dim3A_318 : i1 to vector<16xi1>
        %masked_cumsum3A = tpu.scan <sum>, %select_n3A_317 masked %broadcast_in_dim3A_319 : vector<16xi32>, vector<16xi1> -> vector<16xi32>
        %select_n3A_320 = arith.select %eq3A_316, %broadcast_in_dim3A_24, %broadcast_in_dim3A_26 : vector<16xi1>, vector<16xi32>
        %broadcast_in_dim3A_321 = arith.constant true
        %broadcast_in_dim3A_322 = vector.broadcast %broadcast_in_dim3A_321 : i1 to vector<16xi1>
        %masked_cumsum3A_323 = tpu.scan <sum>, %select_n3A_320 masked %broadcast_in_dim3A_322 : vector<16xi32>, vector<16xi1> -> vector<16xi32>
        %all_reduce_population_count3A = tpu.all_reduce %eq3A_313 {dim = 0 : i64, kind = #tpu.reduction_kind<sum>} : vector<16xi1> -> vector<16xi32>
        %mul3A_324 = arith.constant 2 : i32
        %mul3A_325 = arith.muli %scan3A_300, %mul3A_324 : i32
        %mul3A_326 = arith.constant 16 : i32
        %mul3A_327 = arith.muli %mul3A_325, %mul3A_326 : i32
        %add3A_328 = vector.broadcast %mul3A_327 : i32 to vector<16xi32>
        %add3A_329 = arith.addi %add3A_328, %iota3A : vector<16xi32>
        %add3A_330 = arith.constant 16 : i32
        %add3A_331 = vector.broadcast %add3A_330 : i32 to vector<16xi32>
        %add3A_332 = arith.addi %add3A_329, %add3A_331 : vector<16xi32>
        %add3A_333 = arith.addi %add3A_245, %scan3A_301 : vector<16xi32>
        %add3A_334 = arith.addi %add3A_333, %masked_cumsum3A : vector<16xi32>
        %sub3A = arith.constant 1 : i32
        %sub3A_335 = vector.broadcast %sub3A : i32 to vector<16xi32>
        %sub3A_336 = arith.subi %add3A_334, %sub3A_335 : vector<16xi32>
        %add3A_337 = arith.addi %add3A_245, %scan3A_301 : vector<16xi32>
        %add3A_338 = arith.addi %add3A_337, %all_reduce_population_count3A : vector<16xi32>
        %add3A_339 = arith.addi %add3A_338, %masked_cumsum3A_323 : vector<16xi32>
        %sub3A_340 = arith.constant 1 : i32
        %sub3A_341 = vector.broadcast %sub3A_340 : i32 to vector<16xi32>
        %sub3A_342 = arith.subi %add3A_339, %sub3A_341 : vector<16xi32>
        %and3A_343 = arith.constant 1 : i32
        %and3A_344 = vector.broadcast %and3A_343 : i32 to vector<16xi32>
        %and3A_345 = arith.andi %add3A_329, %and3A_344 : vector<16xi32>
        %mul3A_346 = arith.constant 2048 : i32
        %mul3A_347 = vector.broadcast %mul3A_346 : i32 to vector<16xi32>
        %mul3A_348 = arith.muli %and3A_345, %mul3A_347 : vector<16xi32>
        %shift_right_logical3A = arith.constant 1 : i32
        %shift_right_logical3A_349 = vector.broadcast %shift_right_logical3A : i32 to vector<16xi32>
        %shift_right_logical3A_350 = arith.shrui %add3A_329, %shift_right_logical3A_349 : vector<16xi32>
        %add3A_351 = arith.addi %mul3A_348, %shift_right_logical3A_350 : vector<16xi32>
        %and3A_352 = arith.constant 1 : i32
        %and3A_353 = vector.broadcast %and3A_352 : i32 to vector<16xi32>
        %and3A_354 = arith.andi %add3A_332, %and3A_353 : vector<16xi32>
        %mul3A_355 = arith.constant 2048 : i32
        %mul3A_356 = vector.broadcast %mul3A_355 : i32 to vector<16xi32>
        %mul3A_357 = arith.muli %and3A_354, %mul3A_356 : vector<16xi32>
        %shift_right_logical3A_358 = arith.constant 1 : i32
        %shift_right_logical3A_359 = vector.broadcast %shift_right_logical3A_358 : i32 to vector<16xi32>
        %shift_right_logical3A_360 = arith.shrui %add3A_332, %shift_right_logical3A_359 : vector<16xi32>
        %add3A_361 = arith.addi %mul3A_357, %shift_right_logical3A_360 : vector<16xi32>
        tpu.vector_store_idx %arg11[%add3A_351], %sub3A_336 masked %eq3A_313 : memref<4096xi32, #tpu.memory_space<vmem>>[vector<16xi32>], vector<16xi32>, vector<16xi1>
        %get3A_362 = arith.index_cast %mul3A_305 : i32 to index
        %get3A_363 = tpu.vector_load %arg10[%get3A_362] {strides = array<i32>} : memref<4096xf32, #tpu.memory_space<vmem>>, vector<16xf32>,
        tpu.vector_store_idx %arg12[%sub3A_336], %get3A_363 masked %eq3A_313 : memref<5888xf32, #tpu.memory_space<vmem>>[vector<16xi32>], vector<16xf32>, vector<16xi1>
        tpu.vector_store_idx %arg11[%add3A_361], %sub3A_342 masked %eq3A_316 : memref<4096xi32, #tpu.memory_space<vmem>>[vector<16xi32>], vector<16xi32>, vector<16xi1>
        %get3A_364 = arith.index_cast %add3A_311 : i32 to index
        %get3A_365 = tpu.vector_load %arg10[%get3A_364] {strides = array<i32>} : memref<4096xf32, #tpu.memory_space<vmem>>, vector<16xf32>,
        tpu.vector_store_idx %arg12[%sub3A_342], %get3A_365 masked %eq3A_316 : memref<5888xf32, #tpu.memory_space<vmem>>[vector<16xi32>], vector<16xf32>, vector<16xi1>
        %add3A_366 = arith.addi %scan3A_301, %all_reduce_population_count3A : vector<16xi32>
        %all_reduce_population_count3A_367 = tpu.all_reduce %eq3A_316 {dim = 0 : i64, kind = #tpu.reduction_kind<sum>} : vector<16xi1> -> vector<16xi32>
        %add3A_368 = arith.addi %add3A_366, %all_reduce_population_count3A_367 : vector<16xi32>
        scf.yield %add3A_368 : vector<16xi32>
      }
      %scan3A_268 = arith.constant 128 : i32
      %gt3A_269 = arith.constant 0 : i32
      %gt3A_270 = vector.broadcast %gt3A_269 : i32 to vector<16xi32>
      %gt3A_271 = arith.cmpi sgt, %scan3A_267, %gt3A_270 : vector<16xi32>
      %select_n3A_272 = arith.select %gt3A_271, %broadcast_in_dim3A_262, %select_n3A_238 : vector<16xi1>, vector<16xi32>
      %add3A_273 = arith.constant 255 : i32
      %add3A_274 = vector.broadcast %add3A_273 : i32 to vector<16xi32>
      %add3A_275 = arith.addi %scan3A_267, %add3A_274 : vector<16xi32>
      %and3A_276 = arith.constant -256 : i32
      %and3A_277 = vector.broadcast %and3A_276 : i32 to vector<16xi32>
      %and3A_278 = arith.andi %add3A_275, %and3A_277 : vector<16xi32>
      %add3A_279 = arith.addi %add3A_245, %and3A_278 : vector<16xi32>
      %mul3A_280 = arith.constant 256 : i32
      %mul3A_281 = vector.broadcast %mul3A_280 : i32 to vector<16xi32>
      %mul3A_282 = arith.muli %iota3A, %mul3A_281 : vector<16xi32>
      %ge3A_283 = arith.cmpi sge, %mul3A_282, %add3A_279 : vector<16xi32>
      %select_n3A_284 = arith.select %ge3A_283, %broadcast_in_dim3A_24, %broadcast_in_dim3A_26 : vector<16xi1>, vector<16xi32>
      %add3A_285 = arith.addi %add3A_251, %select_n3A_284 : vector<16xi32>
      %add3A_286 = arith.constant 16 : i32
      %add3A_287 = vector.broadcast %add3A_286 : i32 to vector<16xi32>
      %add3A_288 = arith.addi %iota3A, %add3A_287 : vector<16xi32>
      %mul3A_289 = arith.constant 256 : i32
      %mul3A_290 = vector.broadcast %mul3A_289 : i32 to vector<16xi32>
      %mul3A_291 = arith.muli %add3A_288, %mul3A_290 : vector<16xi32>
      %ge3A_292 = arith.cmpi sge, %mul3A_291, %add3A_279 : vector<16xi32>
      %select_n3A_293 = arith.select %ge3A_292, %broadcast_in_dim3A_24, %broadcast_in_dim3A_26 : vector<16xi1>, vector<16xi32>
      %add3A_294 = arith.addi %add3A_260, %select_n3A_293 : vector<16xi32>
      "tpu.region"() ({
        %run_scoped3A = tpu.sem_alloc : memref<!tpu.dma_semaphore, #tpu.memory_space<semaphore_mem>>
        %dma_start3A_300 = arith.constant 0 : i32
        %dma_start3A_301 = tpu.memref_slice %arg5[%arg0, %dma_start3A_300] : memref<2x4096xi32, #tpu.memory_space<hbm>> -> memref<1x4096xi32, #tpu.memory_space<hbm>>
        %dma_start3A_302 = tpu.memref_squeeze %dma_start3A_301 : memref<1x4096xi32, #tpu.memory_space<hbm>> -> memref<4096xi32, #tpu.memory_space<hbm>>
        %dma_start3A_303 = arith.constant 0 : i32
        %dma_start3A_304 = tpu.memref_slice %arg5[%arg0, %dma_start3A_303] : memref<2x4096xi32, #tpu.memory_space<hbm>> -> memref<1x4096xi32, #tpu.memory_space<hbm>>
        %dma_start3A_305 = tpu.memref_squeeze %dma_start3A_304 : memref<1x4096xi32, #tpu.memory_space<hbm>> -> memref<4096xi32, #tpu.memory_space<hbm>>
        tpu.enqueue_dma source(%arg11 : memref<4096xi32, #tpu.memory_space<vmem>>) target(%dma_start3A_305 : memref<4096xi32, #tpu.memory_space<hbm>>) target_semaphore(%run_scoped3A : memref<!tpu.dma_semaphore, #tpu.memory_space<semaphore_mem>>)
        %dma_wait3A_306 = arith.constant 0 : i32
        %dma_wait3A_307 = tpu.memref_slice %arg5[%arg0, %dma_wait3A_306] : memref<2x4096xi32, #tpu.memory_space<hbm>> -> memref<1x4096xi32, #tpu.memory_space<hbm>>
        %dma_wait3A_308 = tpu.memref_squeeze %dma_wait3A_307 : memref<1x4096xi32, #tpu.memory_space<hbm>> -> memref<4096xi32, #tpu.memory_space<hbm>>
        %dma_wait3A_309 = arith.constant 0 : i32
        %dma_wait3A_310 = tpu.memref_slice %arg5[%arg0, %dma_wait3A_309] : memref<2x4096xi32, #tpu.memory_space<hbm>> -> memref<1x4096xi32, #tpu.memory_space<hbm>>
        %dma_wait3A_311 = tpu.memref_squeeze %dma_wait3A_310 : memref<1x4096xi32, #tpu.memory_space<hbm>> -> memref<4096xi32, #tpu.memory_space<hbm>>
        tpu.wait_dma2 semaphore(%run_scoped3A : memref<!tpu.dma_semaphore, #tpu.memory_space<semaphore_mem>>) src(%arg11 : memref<4096xi32, #tpu.memory_space<vmem>>) dst(%dma_wait3A_311 : memref<4096xi32, #tpu.memory_space<hbm>>)
        tpu.yield
      }) : () -> ()
      %eq3A_295 = arith.constant 0 : i32
      %eq3A_296 = arith.cmpi eq, %arg0, %eq3A_295 : i32
      %convert_element_type3A_297 = arith.extui %eq3A_296 : i1 to i32
      %cond3A_298 = arith.constant 0 : i32
      %cond3A_299 = arith.cmpi ne, %convert_element_type3A_297, %cond3A_298 : i32
      scf.if %cond3A_299 {
        %shift_right_logical3A = arith.constant 8 : i32
        %shift_right_logical3A_300 = vector.broadcast %shift_right_logical3A : i32 to vector<16xi32>
        %shift_right_logical3A_301 = arith.shrui %add3A_279, %shift_right_logical3A_300 : vector<16xi32>
        %min3A = arith.constant 7 : i32
        %min3A_302 = vector.broadcast %min3A : i32 to vector<16xi32>
        %min3A_303 = arith.minsi %add3A_294, %min3A_302 : vector<16xi32>
        %min3A_304 = arith.minsi %min3A_303, %select_n3A_272 : vector<16xi32>
        %min3A_305 = arith.constant 7 : i32
        %min3A_306 = vector.broadcast %min3A_305 : i32 to vector<16xi32>
        %min3A_307 = arith.minsi %add3A_285, %min3A_306 : vector<16xi32>
        %min3A_308 = arith.minsi %min3A_307, %select_n3A_272 : vector<16xi32>
        %swap3A = arith.constant 0 : index
        %swap3A_309 = tpu.vector_load %arg13[%swap3A] {strides = array<i32>} : memref<32xi32, #tpu.memory_space<vmem>>, vector<16xi32>,
        tpu.vector_store %arg13[%swap3A], %min3A_308 {strides = array<i32>} : memref<32xi32, #tpu.memory_space<vmem>>, vector<16xi32>,
        %eq3A_310 = arith.constant 8 : i32
        %eq3A_311 = vector.broadcast %eq3A_310 : i32 to vector<16xi32>
        %eq3A_312 = arith.cmpi eq, %iota3A, %eq3A_311 : vector<16xi32>
        %select_n3A_313 = arith.select %eq3A_312, %shift_right_logical3A_301, %min3A_304 : vector<16xi1>, vector<16xi32>
        %swap3A_314 = arith.constant 16 : index
        %swap3A_315 = tpu.vector_load %arg13[%swap3A_314] {strides = array<i32>} : memref<32xi32, #tpu.memory_space<vmem>>, vector<16xi32>,
        tpu.vector_store %arg13[%swap3A_314], %select_n3A_313 {strides = array<i32>} : memref<32xi32, #tpu.memory_space<vmem>>, vector<16xi32>,
        "tpu.region"() ({
          %run_scoped3A = tpu.sem_alloc : memref<!tpu.dma_semaphore, #tpu.memory_space<semaphore_mem>>
          tpu.enqueue_dma source(%arg12 : memref<5888xf32, #tpu.memory_space<vmem>>) target(%arg6 : memref<5888xf32, #tpu.memory_space<hbm>>) target_semaphore(%run_scoped3A : memref<!tpu.dma_semaphore, #tpu.memory_space<semaphore_mem>>)
          tpu.wait_dma2 semaphore(%run_scoped3A : memref<!tpu.dma_semaphore, #tpu.memory_space<semaphore_mem>>) src(%arg12 : memref<5888xf32, #tpu.memory_space<vmem>>) dst(%arg6 : memref<5888xf32, #tpu.memory_space<hbm>>)
          tpu.yield
        }) : () -> ()
        "tpu.region"() ({
          %run_scoped3A = tpu.sem_alloc : memref<!tpu.dma_semaphore, #tpu.memory_space<semaphore_mem>>
          tpu.enqueue_dma source(%arg13 : memref<32xi32, #tpu.memory_space<vmem>>) target(%arg7 : memref<32xi32, #tpu.memory_space<hbm>>) target_semaphore(%run_scoped3A : memref<!tpu.dma_semaphore, #tpu.memory_space<semaphore_mem>>)
          tpu.wait_dma2 semaphore(%run_scoped3A : memref<!tpu.dma_semaphore, #tpu.memory_space<semaphore_mem>>) src(%arg13 : memref<32xi32, #tpu.memory_space<vmem>>) dst(%arg7 : memref<32xi32, #tpu.memory_space<hbm>>)
          tpu.yield
        }) : () -> ()
      } else {
      }
    } else {
    }
    %barrier3A = arith.constant 0 : index
    tpu.barrier barrier_id(%barrier3A)
    %mul3A = arith.constant 2 : i32
    %mul3A_2 = arith.muli %arg1, %mul3A : i32
    %add3A = arith.addi %mul3A_2, %arg0 : i32
    %mul3A_3 = arith.constant 64 : i32
    %mul3A_4 = arith.muli %add3A, %mul3A_3 : i32
    "tpu.region"() ({
      %run_scoped3A = tpu.sem_alloc : memref<!tpu.dma_semaphore, #tpu.memory_space<semaphore_mem>>
      %dma_start3A_17 = arith.constant 0 : i32
      %dma_start3A_18 = tpu.memref_slice %arg4[%mul3A_4, %dma_start3A_17] : memref<2048x512xi32, #tpu.memory_space<hbm>> -> memref<64x512xi32, #tpu.memory_space<hbm>>
      %dma_start3A_19 = arith.constant 0 : i32
      %dma_start3A_20 = tpu.memref_slice %arg4[%mul3A_4, %dma_start3A_19] : memref<2048x512xi32, #tpu.memory_space<hbm>> -> memref<64x512xi32, #tpu.memory_space<hbm>>
      tpu.enqueue_dma source(%dma_start3A_20 : memref<64x512xi32, #tpu.memory_space<hbm>>) target(%arg14 : memref<64x512xi32, #tpu.memory_space<vmem>>) target_semaphore(%run_scoped3A : memref<!tpu.dma_semaphore, #tpu.memory_space<semaphore_mem>>)
      %dma_wait3A_21 = arith.constant 0 : i32
      %dma_wait3A_22 = tpu.memref_slice %arg4[%mul3A_4, %dma_wait3A_21] : memref<2048x512xi32, #tpu.memory_space<hbm>> -> memref<64x512xi32, #tpu.memory_space<hbm>>
      %dma_wait3A_23 = arith.constant 0 : i32
      %dma_wait3A_24 = tpu.memref_slice %arg4[%mul3A_4, %dma_wait3A_23] : memref<2048x512xi32, #tpu.memory_space<hbm>> -> memref<64x512xi32, #tpu.memory_space<hbm>>
      tpu.wait_dma2 semaphore(%run_scoped3A : memref<!tpu.dma_semaphore, #tpu.memory_space<semaphore_mem>>) src(%dma_wait3A_24 : memref<64x512xi32, #tpu.memory_space<hbm>>) dst(%arg14 : memref<64x512xi32, #tpu.memory_space<vmem>>)
      tpu.yield
    }) : () -> ()
    "tpu.region"() ({
      %run_scoped3A = tpu.sem_alloc : memref<!tpu.dma_semaphore, #tpu.memory_space<semaphore_mem>>
      %dma_start3A_17 = tpu.memref_slice %arg5[%arg0, %mul3A_4] : memref<2x4096xi32, #tpu.memory_space<hbm>> -> memref<1x64xi32, #tpu.memory_space<hbm>>
      %dma_start3A_18 = tpu.memref_squeeze %dma_start3A_17 : memref<1x64xi32, #tpu.memory_space<hbm>> -> memref<64xi32, #tpu.memory_space<hbm>>
      %dma_start3A_19 = tpu.memref_slice %arg5[%arg0, %mul3A_4] : memref<2x4096xi32, #tpu.memory_space<hbm>> -> memref<1x64xi32, #tpu.memory_space<hbm>>
      %dma_start3A_20 = tpu.memref_squeeze %dma_start3A_19 : memref<1x64xi32, #tpu.memory_space<hbm>> -> memref<64xi32, #tpu.memory_space<hbm>>
      tpu.enqueue_dma source(%dma_start3A_20 : memref<64xi32, #tpu.memory_space<hbm>>) target(%arg15 : memref<64xi32, #tpu.memory_space<vmem>>) target_semaphore(%run_scoped3A : memref<!tpu.dma_semaphore, #tpu.memory_space<semaphore_mem>>)
      %dma_wait3A_21 = tpu.memref_slice %arg5[%arg0, %mul3A_4] : memref<2x4096xi32, #tpu.memory_space<hbm>> -> memref<1x64xi32, #tpu.memory_space<hbm>>
      %dma_wait3A_22 = tpu.memref_squeeze %dma_wait3A_21 : memref<1x64xi32, #tpu.memory_space<hbm>> -> memref<64xi32, #tpu.memory_space<hbm>>
      %dma_wait3A_23 = tpu.memref_slice %arg5[%arg0, %mul3A_4] : memref<2x4096xi32, #tpu.memory_space<hbm>> -> memref<1x64xi32, #tpu.memory_space<hbm>>
      %dma_wait3A_24 = tpu.memref_squeeze %dma_wait3A_23 : memref<1x64xi32, #tpu.memory_space<hbm>> -> memref<64xi32, #tpu.memory_space<hbm>>
      tpu.wait_dma2 semaphore(%run_scoped3A : memref<!tpu.dma_semaphore, #tpu.memory_space<semaphore_mem>>) src(%dma_wait3A_24 : memref<64xi32, #tpu.memory_space<hbm>>) dst(%arg15 : memref<64xi32, #tpu.memory_space<vmem>>)
      tpu.yield
    }) : () -> ()
    %add3A_5 = arith.constant 2048 : i32
    %add3A_6 = arith.addi %add3A_5, %mul3A_4 : i32
    "tpu.region"() ({
      %run_scoped3A = tpu.sem_alloc : memref<!tpu.dma_semaphore, #tpu.memory_space<semaphore_mem>>
      %dma_start3A_17 = tpu.memref_slice %arg5[%arg0, %add3A_6] : memref<2x4096xi32, #tpu.memory_space<hbm>> -> memref<1x64xi32, #tpu.memory_space<hbm>>
      %dma_start3A_18 = tpu.memref_squeeze %dma_start3A_17 : memref<1x64xi32, #tpu.memory_space<hbm>> -> memref<64xi32, #tpu.memory_space<hbm>>
      %dma_start3A_19 = tpu.memref_slice %arg5[%arg0, %add3A_6] : memref<2x4096xi32, #tpu.memory_space<hbm>> -> memref<1x64xi32, #tpu.memory_space<hbm>>
      %dma_start3A_20 = tpu.memref_squeeze %dma_start3A_19 : memref<1x64xi32, #tpu.memory_space<hbm>> -> memref<64xi32, #tpu.memory_space<hbm>>
      tpu.enqueue_dma source(%dma_start3A_20 : memref<64xi32, #tpu.memory_space<hbm>>) target(%arg16 : memref<64xi32, #tpu.memory_space<vmem>>) target_semaphore(%run_scoped3A : memref<!tpu.dma_semaphore, #tpu.memory_space<semaphore_mem>>)
      %dma_wait3A_21 = tpu.memref_slice %arg5[%arg0, %add3A_6] : memref<2x4096xi32, #tpu.memory_space<hbm>> -> memref<1x64xi32, #tpu.memory_space<hbm>>
      %dma_wait3A_22 = tpu.memref_squeeze %dma_wait3A_21 : memref<1x64xi32, #tpu.memory_space<hbm>> -> memref<64xi32, #tpu.memory_space<hbm>>
      %dma_wait3A_23 = tpu.memref_slice %arg5[%arg0, %add3A_6] : memref<2x4096xi32, #tpu.memory_space<hbm>> -> memref<1x64xi32, #tpu.memory_space<hbm>>
      %dma_wait3A_24 = tpu.memref_squeeze %dma_wait3A_23 : memref<1x64xi32, #tpu.memory_space<hbm>> -> memref<64xi32, #tpu.memory_space<hbm>>
      tpu.wait_dma2 semaphore(%run_scoped3A : memref<!tpu.dma_semaphore, #tpu.memory_space<semaphore_mem>>) src(%dma_wait3A_24 : memref<64xi32, #tpu.memory_space<hbm>>) dst(%arg16 : memref<64xi32, #tpu.memory_space<vmem>>)
      tpu.yield
    }) : () -> ()
    %dma_start3A = arith.constant 0 : i32
    %dma_start3A_7 = arith.constant 0 : i32
    %dma_start3A_8 = tpu.memref_slice %arg8[%dma_start3A, %dma_start3A_7] : memref<5888x512xi32, #tpu.memory_space<hbm>> -> memref<5888x512xi32, #tpu.memory_space<hbm>>
    tpu.enqueue_indirect_dma source(%arg14 : memref<64x512xi32, #tpu.memory_space<vmem>>) target(%dma_start3A_8 : memref<5888x512xi32, #tpu.memory_space<hbm>>) offsets(%arg15 : memref<64xi32, #tpu.memory_space<vmem>>) semaphore(%arg17 : memref<!tpu.dma_semaphore, #tpu.memory_space<semaphore_mem>>)
    %dma_wait3A = arith.constant 0 : i32
    %dma_wait3A_9 = arith.constant 0 : i32
    %dma_wait3A_10 = tpu.memref_slice %arg8[%dma_wait3A, %dma_wait3A_9] : memref<5888x512xi32, #tpu.memory_space<hbm>> -> memref<5888x512xi32, #tpu.memory_space<hbm>>
    tpu.wait_indirect_dma semaphore(%arg17 : memref<!tpu.dma_semaphore, #tpu.memory_space<semaphore_mem>>) src(%arg14 : memref<64x512xi32, #tpu.memory_space<vmem>>) dst(%dma_wait3A_10 : memref<5888x512xi32, #tpu.memory_space<hbm>>)
    %dma_start3A_11 = arith.constant 0 : i32
    %dma_start3A_12 = arith.constant 0 : i32
    %dma_start3A_13 = tpu.memref_slice %arg8[%dma_start3A_11, %dma_start3A_12] : memref<5888x512xi32, #tpu.memory_space<hbm>> -> memref<5888x512xi32, #tpu.memory_space<hbm>>
    tpu.enqueue_indirect_dma source(%arg14 : memref<64x512xi32, #tpu.memory_space<vmem>>) target(%dma_start3A_13 : memref<5888x512xi32, #tpu.memory_space<hbm>>) offsets(%arg16 : memref<64xi32, #tpu.memory_space<vmem>>) semaphore(%arg17 : memref<!tpu.dma_semaphore, #tpu.memory_space<semaphore_mem>>)
    %dma_wait3A_14 = arith.constant 0 : i32
    %dma_wait3A_15 = arith.constant 0 : i32
    %dma_wait3A_16 = tpu.memref_slice %arg8[%dma_wait3A_14, %dma_wait3A_15] : memref<5888x512xi32, #tpu.memory_space<hbm>> -> memref<5888x512xi32, #tpu.memory_space<hbm>>
    tpu.wait_indirect_dma semaphore(%arg17 : memref<!tpu.dma_semaphore, #tpu.memory_space<semaphore_mem>>) src(%arg14 : memref<64x512xi32, #tpu.memory_space<vmem>>) dst(%dma_wait3A_16 : memref<5888x512xi32, #tpu.memory_space<hbm>>)
    return
  }
}

module attributes {stable_mosaic.version = 14 : i64} {
  func.func @_mlp_body(%arg0: i32, %arg1: i32, %arg2: memref<32xi32, #tpu.memory_space<smem>>, %arg3: memref<5888x512xi32, #tpu.memory_space<vmem>>, %arg4: memref<8x4096x1024xf32, #tpu.memory_space<hbm>>, %arg5: memref<8x4096x1024xf32, #tpu.memory_space<hbm>>, %arg6: memref<8x1024x4096xf32, #tpu.memory_space<hbm>>, %arg7: memref<1x1x256xf32, #tpu.memory_space<vmem>>, %arg8: memref<5888x1024xf32, #tpu.memory_space<vmem>>, %arg9: memref<4x512x1024xf32, #tpu.memory_space<vmem>>, %arg10: memref<4x512x1024xf32, #tpu.memory_space<vmem>>, %arg11: memref<4x1024x512xf32, #tpu.memory_space<vmem>>, %arg12: memref<1xi32, #tpu.memory_space<smem>>, %arg13: memref<4x3x!tpu.dma_semaphore, #tpu.memory_space<semaphore_mem>>) attributes {dimension_semantics = [#tpu.dimension_semantics<arbitrary>, #tpu.dimension_semantics<arbitrary>], iteration_bounds = array<i64: 8, 23>, scalar_prefetch = 1 : i64, scratch_operands = 5 : i64, tpu.core_type = #tpu.core_type<tc>, window_params = [{pipeline_mode = #tpu.pipeline_mode<synchronous>, transform_indices = @transform_0, window_bounds = array<i64: 5888, 512>}, {}, {}, {}, {transform_indices = @transform_4, window_bounds = array<i64: 1, 1, 256>}, {pipeline_mode = #tpu.pipeline_mode<synchronous>, transform_indices = @transform_5, window_bounds = array<i64: 5888, 1024>}]} {
    %get3A = arith.constant 24 : index
    %get3A_0 = memref.load %arg2[%get3A] : memref<32xi32, #tpu.memory_space<smem>>
    %mul3A = arith.constant 23 : i32
    %mul3A_1 = arith.muli %arg0, %mul3A : i32
    %add3A = arith.addi %mul3A_1, %arg1 : i32
    %eq3A = arith.constant 0 : i32
    %eq3A_2 = arith.cmpi eq, %add3A, %eq3A : i32
    %get3A_3 = arith.constant 0 : index
    %get3A_4 = memref.load %arg12[%get3A_3] : memref<1xi32, #tpu.memory_space<smem>>
    %jit3A = arith.constant 0 : i32
    %select_n3A = arith.select %eq3A_2, %jit3A, %get3A_4 : i32
    %eq3A_5 = arith.constant 0 : i32
    %eq3A_6 = arith.cmpi eq, %add3A, %eq3A_5 : i32
    %rem3A = arith.constant 23 : i32
    %rem3A_7 = arith.remsi %add3A, %rem3A : i32
    %get3A_8 = arith.index_cast %rem3A_7 : i32 to index
    %get3A_9 = memref.load %arg2[%get3A_8] : memref<32xi32, #tpu.memory_space<smem>>
    %sub3A = arith.constant 1 : i32
    %sub3A_10 = arith.subi %add3A, %sub3A : i32
    %rem3A_11 = arith.constant 23 : i32
    %rem3A_12 = arith.remsi %sub3A_10, %rem3A_11 : i32
    %get3A_13 = arith.index_cast %rem3A_12 : i32 to index
    %get3A_14 = memref.load %arg2[%get3A_13] : memref<32xi32, #tpu.memory_space<smem>>
    %ne3A = arith.cmpi ne, %get3A_9, %get3A_14 : i32
    %div3A = arith.constant 23 : i32
    %div3A_15 = arith.divsi %add3A, %div3A : i32
    %sub3A_16 = arith.constant 1 : i32
    %sub3A_17 = arith.subi %add3A, %sub3A_16 : i32
    %div3A_18 = arith.constant 23 : i32
    %div3A_19 = arith.divsi %sub3A_17, %div3A_18 : i32
    %ne3A_20 = arith.cmpi ne, %div3A_15, %div3A_19 : i32
    %or3A = arith.ori %ne3A, %ne3A_20 : i1
    %jit3A_21 = arith.constant true
    %select_n3A_22 = arith.select %eq3A_6, %jit3A_21, %or3A : i1
    %convert_element_type3A = arith.extui %select_n3A_22 : i1 to i32
    %add3A_23 = arith.addi %select_n3A, %convert_element_type3A : i32
    %eq3A_24 = arith.constant 0 : i32
    %eq3A_25 = arith.cmpi eq, %add3A, %eq3A_24 : i32
    %convert_element_type3A_26 = arith.extui %eq3A_25 : i1 to i32
    %cond3A = arith.constant 0 : i32
    %cond3A_27 = arith.cmpi ne, %convert_element_type3A_26, %cond3A : i32
    scf.if %cond3A_27 {
      %add3A_43 = arith.constant 0 : i32
      %add3A_44 = arith.constant 1 : i32
      %add3A_45 = arith.addi %add3A_43, %add3A_44 : i32
      %cond3A_46 = arith.constant 1 : i32
      %and3A_47 = arith.constant 3 : i32
      %and3A_48 = arith.andi %add3A_45, %and3A_47 : i32
      %rem3A_49 = arith.constant 0 : i32
      %rem3A_50 = arith.constant 23 : i32
      %rem3A_51 = arith.remsi %rem3A_49, %rem3A_50 : i32
      %get3A_52 = arith.index_cast %rem3A_51 : i32 to index
      %get3A_53 = memref.load %arg2[%get3A_52] : memref<32xi32, #tpu.memory_space<smem>>
      %div3A_54 = arith.constant 0 : i32
      %div3A_55 = arith.constant 23 : i32
      %div3A_56 = arith.divsi %div3A_54, %div3A_55 : i32
      %mul3A_57 = arith.constant 512 : i32
      %mul3A_58 = arith.muli %div3A_56, %mul3A_57 : i32
      %mul3A_59 = arith.constant 512 : i32
      %mul3A_60 = arith.muli %div3A_56, %mul3A_59 : i32
      %mul3A_61 = arith.constant 512 : i32
      %mul3A_62 = arith.muli %div3A_56, %mul3A_61 : i32
      %dma_start3A = arith.constant 0 : i32
      %dma_start3A_63 = tpu.memref_slice %arg13[%and3A_48, %dma_start3A] : memref<4x3x!tpu.dma_semaphore, #tpu.memory_space<semaphore_mem>> -> memref<1x1x!tpu.dma_semaphore, #tpu.memory_space<semaphore_mem>>
      %dma_start3A_64 = tpu.memref_squeeze %dma_start3A_63 : memref<1x1x!tpu.dma_semaphore, #tpu.memory_space<semaphore_mem>> -> memref<!tpu.dma_semaphore, #tpu.memory_space<semaphore_mem>>
      %dma_start3A_65 = arith.constant 0 : i32
      %dma_start3A_66 = arith.constant 0 : i32
      %dma_start3A_67 = tpu.memref_slice %arg9[%and3A_48, %dma_start3A_65, %dma_start3A_66] : memref<4x512x1024xf32, #tpu.memory_space<vmem>> -> memref<1x512x1024xf32, #tpu.memory_space<vmem>>
      %dma_start3A_68 = tpu.memref_squeeze %dma_start3A_67 : memref<1x512x1024xf32, #tpu.memory_space<vmem>> -> memref<512x1024xf32, #tpu.memory_space<vmem>>
      %dma_start3A_69 = arith.constant 0 : i32
      %dma_start3A_70 = tpu.memref_slice %arg4[%get3A_53, %mul3A_58, %dma_start3A_69] : memref<8x4096x1024xf32, #tpu.memory_space<hbm>> -> memref<1x512x1024xf32, #tpu.memory_space<hbm>>
      %dma_start3A_71 = tpu.memref_squeeze %dma_start3A_70 : memref<1x512x1024xf32, #tpu.memory_space<hbm>> -> memref<512x1024xf32, #tpu.memory_space<hbm>>
      tpu.enqueue_dma source(%dma_start3A_71 : memref<512x1024xf32, #tpu.memory_space<hbm>>) target(%dma_start3A_68 : memref<512x1024xf32, #tpu.memory_space<vmem>>) target_semaphore(%dma_start3A_64 : memref<!tpu.dma_semaphore, #tpu.memory_space<semaphore_mem>>)
      %dma_start3A_72 = arith.constant 1 : i32
      %dma_start3A_73 = tpu.memref_slice %arg13[%and3A_48, %dma_start3A_72] : memref<4x3x!tpu.dma_semaphore, #tpu.memory_space<semaphore_mem>> -> memref<1x1x!tpu.dma_semaphore, #tpu.memory_space<semaphore_mem>>
      %dma_start3A_74 = tpu.memref_squeeze %dma_start3A_73 : memref<1x1x!tpu.dma_semaphore, #tpu.memory_space<semaphore_mem>> -> memref<!tpu.dma_semaphore, #tpu.memory_space<semaphore_mem>>
      %dma_start3A_75 = arith.constant 0 : i32
      %dma_start3A_76 = arith.constant 0 : i32
      %dma_start3A_77 = tpu.memref_slice %arg10[%and3A_48, %dma_start3A_75, %dma_start3A_76] : memref<4x512x1024xf32, #tpu.memory_space<vmem>> -> memref<1x512x1024xf32, #tpu.memory_space<vmem>>
      %dma_start3A_78 = tpu.memref_squeeze %dma_start3A_77 : memref<1x512x1024xf32, #tpu.memory_space<vmem>> -> memref<512x1024xf32, #tpu.memory_space<vmem>>
      %dma_start3A_79 = arith.constant 0 : i32
      %dma_start3A_80 = tpu.memref_slice %arg5[%get3A_53, %mul3A_60, %dma_start3A_79] : memref<8x4096x1024xf32, #tpu.memory_space<hbm>> -> memref<1x512x1024xf32, #tpu.memory_space<hbm>>
      %dma_start3A_81 = tpu.memref_squeeze %dma_start3A_80 : memref<1x512x1024xf32, #tpu.memory_space<hbm>> -> memref<512x1024xf32, #tpu.memory_space<hbm>>
      tpu.enqueue_dma source(%dma_start3A_81 : memref<512x1024xf32, #tpu.memory_space<hbm>>) target(%dma_start3A_78 : memref<512x1024xf32, #tpu.memory_space<vmem>>) target_semaphore(%dma_start3A_74 : memref<!tpu.dma_semaphore, #tpu.memory_space<semaphore_mem>>)
      %dma_start3A_82 = arith.constant 2 : i32
      %dma_start3A_83 = tpu.memref_slice %arg13[%and3A_48, %dma_start3A_82] : memref<4x3x!tpu.dma_semaphore, #tpu.memory_space<semaphore_mem>> -> memref<1x1x!tpu.dma_semaphore, #tpu.memory_space<semaphore_mem>>
      %dma_start3A_84 = tpu.memref_squeeze %dma_start3A_83 : memref<1x1x!tpu.dma_semaphore, #tpu.memory_space<semaphore_mem>> -> memref<!tpu.dma_semaphore, #tpu.memory_space<semaphore_mem>>
      %dma_start3A_85 = arith.constant 0 : i32
      %dma_start3A_86 = arith.constant 0 : i32
      %dma_start3A_87 = tpu.memref_slice %arg11[%and3A_48, %dma_start3A_85, %dma_start3A_86] : memref<4x1024x512xf32, #tpu.memory_space<vmem>> -> memref<1x1024x512xf32, #tpu.memory_space<vmem>>
      %dma_start3A_88 = tpu.memref_squeeze %dma_start3A_87 : memref<1x1024x512xf32, #tpu.memory_space<vmem>> -> memref<1024x512xf32, #tpu.memory_space<vmem>>
      %dma_start3A_89 = arith.constant 0 : i32
      %dma_start3A_90 = tpu.memref_slice %arg6[%get3A_53, %dma_start3A_89, %mul3A_62] : memref<8x1024x4096xf32, #tpu.memory_space<hbm>> -> memref<1x1024x512xf32, #tpu.memory_space<hbm>>
      %dma_start3A_91 = tpu.memref_squeeze %dma_start3A_90 : memref<1x1024x512xf32, #tpu.memory_space<hbm>> -> memref<1024x512xf32, #tpu.memory_space<hbm>>
      tpu.enqueue_dma source(%dma_start3A_91 : memref<1024x512xf32, #tpu.memory_space<hbm>>) target(%dma_start3A_88 : memref<1024x512xf32, #tpu.memory_space<vmem>>) target_semaphore(%dma_start3A_84 : memref<!tpu.dma_semaphore, #tpu.memory_space<semaphore_mem>>)
      %rem3A_92 = arith.constant 1 : i32
      %rem3A_93 = arith.constant 23 : i32
      %rem3A_94 = arith.remsi %rem3A_92, %rem3A_93 : i32
      %get3A_95 = arith.index_cast %rem3A_94 : i32 to index
      %get3A_96 = memref.load %arg2[%get3A_95] : memref<32xi32, #tpu.memory_space<smem>>
      %rem3A_97 = arith.constant 0 : i32
      %rem3A_98 = arith.constant 23 : i32
      %rem3A_99 = arith.remsi %rem3A_97, %rem3A_98 : i32
      %get3A_100 = arith.index_cast %rem3A_99 : i32 to index
      %get3A_101 = memref.load %arg2[%get3A_100] : memref<32xi32, #tpu.memory_space<smem>>
      %ne3A_102 = arith.cmpi ne, %get3A_96, %get3A_101 : i32
      %div3A_103 = arith.constant 1 : i32
      %div3A_104 = arith.constant 23 : i32
      %div3A_105 = arith.divsi %div3A_103, %div3A_104 : i32
      %div3A_106 = arith.constant 0 : i32
      %div3A_107 = arith.constant 23 : i32
      %div3A_108 = arith.divsi %div3A_106, %div3A_107 : i32
      %ne3A_109 = arith.cmpi ne, %div3A_105, %div3A_108 : i32
      %or3A_110 = arith.ori %ne3A_102, %ne3A_109 : i1
      %convert_element_type3A_111 = arith.extui %or3A_110 : i1 to i32
      %add3A_112 = arith.addi %add3A_45, %convert_element_type3A_111 : i32
      %convert_element_type3A_113 = arith.extui %or3A_110 : i1 to i32
      %cond3A_114 = arith.constant 0 : i32
      %cond3A_115 = arith.cmpi ne, %convert_element_type3A_113, %cond3A_114 : i32
      scf.if %cond3A_115 {
        %and3A_164 = arith.constant 3 : i32
        %and3A_165 = arith.andi %add3A_112, %and3A_164 : i32
        %rem3A_166 = arith.constant 1 : i32
        %rem3A_167 = arith.constant 23 : i32
        %rem3A_168 = arith.remsi %rem3A_166, %rem3A_167 : i32
        %get3A_169 = arith.index_cast %rem3A_168 : i32 to index
        %get3A_170 = memref.load %arg2[%get3A_169] : memref<32xi32, #tpu.memory_space<smem>>
        %div3A_171 = arith.constant 1 : i32
        %div3A_172 = arith.constant 23 : i32
        %div3A_173 = arith.divsi %div3A_171, %div3A_172 : i32
        %mul3A_174 = arith.constant 512 : i32
        %mul3A_175 = arith.muli %div3A_173, %mul3A_174 : i32
        %mul3A_176 = arith.constant 512 : i32
        %mul3A_177 = arith.muli %div3A_173, %mul3A_176 : i32
        %mul3A_178 = arith.constant 512 : i32
        %mul3A_179 = arith.muli %div3A_173, %mul3A_178 : i32
        %dma_start3A_180 = arith.constant 0 : i32
        %dma_start3A_181 = tpu.memref_slice %arg13[%and3A_165, %dma_start3A_180] : memref<4x3x!tpu.dma_semaphore, #tpu.memory_space<semaphore_mem>> -> memref<1x1x!tpu.dma_semaphore, #tpu.memory_space<semaphore_mem>>
        %dma_start3A_182 = tpu.memref_squeeze %dma_start3A_181 : memref<1x1x!tpu.dma_semaphore, #tpu.memory_space<semaphore_mem>> -> memref<!tpu.dma_semaphore, #tpu.memory_space<semaphore_mem>>
        %dma_start3A_183 = arith.constant 0 : i32
        %dma_start3A_184 = arith.constant 0 : i32
        %dma_start3A_185 = tpu.memref_slice %arg9[%and3A_165, %dma_start3A_183, %dma_start3A_184] : memref<4x512x1024xf32, #tpu.memory_space<vmem>> -> memref<1x512x1024xf32, #tpu.memory_space<vmem>>
        %dma_start3A_186 = tpu.memref_squeeze %dma_start3A_185 : memref<1x512x1024xf32, #tpu.memory_space<vmem>> -> memref<512x1024xf32, #tpu.memory_space<vmem>>
        %dma_start3A_187 = arith.constant 0 : i32
        %dma_start3A_188 = tpu.memref_slice %arg4[%get3A_170, %mul3A_175, %dma_start3A_187] : memref<8x4096x1024xf32, #tpu.memory_space<hbm>> -> memref<1x512x1024xf32, #tpu.memory_space<hbm>>
        %dma_start3A_189 = tpu.memref_squeeze %dma_start3A_188 : memref<1x512x1024xf32, #tpu.memory_space<hbm>> -> memref<512x1024xf32, #tpu.memory_space<hbm>>
        tpu.enqueue_dma source(%dma_start3A_189 : memref<512x1024xf32, #tpu.memory_space<hbm>>) target(%dma_start3A_186 : memref<512x1024xf32, #tpu.memory_space<vmem>>) target_semaphore(%dma_start3A_182 : memref<!tpu.dma_semaphore, #tpu.memory_space<semaphore_mem>>)
        %dma_start3A_190 = arith.constant 1 : i32
        %dma_start3A_191 = tpu.memref_slice %arg13[%and3A_165, %dma_start3A_190] : memref<4x3x!tpu.dma_semaphore, #tpu.memory_space<semaphore_mem>> -> memref<1x1x!tpu.dma_semaphore, #tpu.memory_space<semaphore_mem>>
        %dma_start3A_192 = tpu.memref_squeeze %dma_start3A_191 : memref<1x1x!tpu.dma_semaphore, #tpu.memory_space<semaphore_mem>> -> memref<!tpu.dma_semaphore, #tpu.memory_space<semaphore_mem>>
        %dma_start3A_193 = arith.constant 0 : i32
        %dma_start3A_194 = arith.constant 0 : i32
        %dma_start3A_195 = tpu.memref_slice %arg10[%and3A_165, %dma_start3A_193, %dma_start3A_194] : memref<4x512x1024xf32, #tpu.memory_space<vmem>> -> memref<1x512x1024xf32, #tpu.memory_space<vmem>>
        %dma_start3A_196 = tpu.memref_squeeze %dma_start3A_195 : memref<1x512x1024xf32, #tpu.memory_space<vmem>> -> memref<512x1024xf32, #tpu.memory_space<vmem>>
        %dma_start3A_197 = arith.constant 0 : i32
        %dma_start3A_198 = tpu.memref_slice %arg5[%get3A_170, %mul3A_177, %dma_start3A_197] : memref<8x4096x1024xf32, #tpu.memory_space<hbm>> -> memref<1x512x1024xf32, #tpu.memory_space<hbm>>
        %dma_start3A_199 = tpu.memref_squeeze %dma_start3A_198 : memref<1x512x1024xf32, #tpu.memory_space<hbm>> -> memref<512x1024xf32, #tpu.memory_space<hbm>>
        tpu.enqueue_dma source(%dma_start3A_199 : memref<512x1024xf32, #tpu.memory_space<hbm>>) target(%dma_start3A_196 : memref<512x1024xf32, #tpu.memory_space<vmem>>) target_semaphore(%dma_start3A_192 : memref<!tpu.dma_semaphore, #tpu.memory_space<semaphore_mem>>)
        %dma_start3A_200 = arith.constant 2 : i32
        %dma_start3A_201 = tpu.memref_slice %arg13[%and3A_165, %dma_start3A_200] : memref<4x3x!tpu.dma_semaphore, #tpu.memory_space<semaphore_mem>> -> memref<1x1x!tpu.dma_semaphore, #tpu.memory_space<semaphore_mem>>
        %dma_start3A_202 = tpu.memref_squeeze %dma_start3A_201 : memref<1x1x!tpu.dma_semaphore, #tpu.memory_space<semaphore_mem>> -> memref<!tpu.dma_semaphore, #tpu.memory_space<semaphore_mem>>
        %dma_start3A_203 = arith.constant 0 : i32
        %dma_start3A_204 = arith.constant 0 : i32
        %dma_start3A_205 = tpu.memref_slice %arg11[%and3A_165, %dma_start3A_203, %dma_start3A_204] : memref<4x1024x512xf32, #tpu.memory_space<vmem>> -> memref<1x1024x512xf32, #tpu.memory_space<vmem>>
        %dma_start3A_206 = tpu.memref_squeeze %dma_start3A_205 : memref<1x1024x512xf32, #tpu.memory_space<vmem>> -> memref<1024x512xf32, #tpu.memory_space<vmem>>
        %dma_start3A_207 = arith.constant 0 : i32
        %dma_start3A_208 = tpu.memref_slice %arg6[%get3A_170, %dma_start3A_207, %mul3A_179] : memref<8x1024x4096xf32, #tpu.memory_space<hbm>> -> memref<1x1024x512xf32, #tpu.memory_space<hbm>>
        %dma_start3A_209 = tpu.memref_squeeze %dma_start3A_208 : memref<1x1024x512xf32, #tpu.memory_space<hbm>> -> memref<1024x512xf32, #tpu.memory_space<hbm>>
        tpu.enqueue_dma source(%dma_start3A_209 : memref<1024x512xf32, #tpu.memory_space<hbm>>) target(%dma_start3A_206 : memref<1024x512xf32, #tpu.memory_space<vmem>>) target_semaphore(%dma_start3A_202 : memref<!tpu.dma_semaphore, #tpu.memory_space<semaphore_mem>>)
      } else {
      }
      %rem3A_116 = arith.constant 2 : i32
      %rem3A_117 = arith.constant 23 : i32
      %rem3A_118 = arith.remsi %rem3A_116, %rem3A_117 : i32
      %get3A_119 = arith.index_cast %rem3A_118 : i32 to index
      %get3A_120 = memref.load %arg2[%get3A_119] : memref<32xi32, #tpu.memory_space<smem>>
      %rem3A_121 = arith.constant 1 : i32
      %rem3A_122 = arith.constant 23 : i32
      %rem3A_123 = arith.remsi %rem3A_121, %rem3A_122 : i32
      %get3A_124 = arith.index_cast %rem3A_123 : i32 to index
      %get3A_125 = memref.load %arg2[%get3A_124] : memref<32xi32, #tpu.memory_space<smem>>
      %ne3A_126 = arith.cmpi ne, %get3A_120, %get3A_125 : i32
      %div3A_127 = arith.constant 2 : i32
      %div3A_128 = arith.constant 23 : i32
      %div3A_129 = arith.divsi %div3A_127, %div3A_128 : i32
      %div3A_130 = arith.constant 1 : i32
      %div3A_131 = arith.constant 23 : i32
      %div3A_132 = arith.divsi %div3A_130, %div3A_131 : i32
      %ne3A_133 = arith.cmpi ne, %div3A_129, %div3A_132 : i32
      %or3A_134 = arith.ori %ne3A_126, %ne3A_133 : i1
      %convert_element_type3A_135 = arith.extui %or3A_134 : i1 to i32
      %add3A_136 = arith.addi %add3A_112, %convert_element_type3A_135 : i32
      %convert_element_type3A_137 = arith.extui %or3A_134 : i1 to i32
      %cond3A_138 = arith.constant 0 : i32
      %cond3A_139 = arith.cmpi ne, %convert_element_type3A_137, %cond3A_138 : i32
      scf.if %cond3A_139 {
        %and3A_164 = arith.constant 3 : i32
        %and3A_165 = arith.andi %add3A_136, %and3A_164 : i32
        %rem3A_166 = arith.constant 2 : i32
        %rem3A_167 = arith.constant 23 : i32
        %rem3A_168 = arith.remsi %rem3A_166, %rem3A_167 : i32
        %get3A_169 = arith.index_cast %rem3A_168 : i32 to index
        %get3A_170 = memref.load %arg2[%get3A_169] : memref<32xi32, #tpu.memory_space<smem>>
        %div3A_171 = arith.constant 2 : i32
        %div3A_172 = arith.constant 23 : i32
        %div3A_173 = arith.divsi %div3A_171, %div3A_172 : i32
        %mul3A_174 = arith.constant 512 : i32
        %mul3A_175 = arith.muli %div3A_173, %mul3A_174 : i32
        %mul3A_176 = arith.constant 512 : i32
        %mul3A_177 = arith.muli %div3A_173, %mul3A_176 : i32
        %mul3A_178 = arith.constant 512 : i32
        %mul3A_179 = arith.muli %div3A_173, %mul3A_178 : i32
        %dma_start3A_180 = arith.constant 0 : i32
        %dma_start3A_181 = tpu.memref_slice %arg13[%and3A_165, %dma_start3A_180] : memref<4x3x!tpu.dma_semaphore, #tpu.memory_space<semaphore_mem>> -> memref<1x1x!tpu.dma_semaphore, #tpu.memory_space<semaphore_mem>>
        %dma_start3A_182 = tpu.memref_squeeze %dma_start3A_181 : memref<1x1x!tpu.dma_semaphore, #tpu.memory_space<semaphore_mem>> -> memref<!tpu.dma_semaphore, #tpu.memory_space<semaphore_mem>>
        %dma_start3A_183 = arith.constant 0 : i32
        %dma_start3A_184 = arith.constant 0 : i32
        %dma_start3A_185 = tpu.memref_slice %arg9[%and3A_165, %dma_start3A_183, %dma_start3A_184] : memref<4x512x1024xf32, #tpu.memory_space<vmem>> -> memref<1x512x1024xf32, #tpu.memory_space<vmem>>
        %dma_start3A_186 = tpu.memref_squeeze %dma_start3A_185 : memref<1x512x1024xf32, #tpu.memory_space<vmem>> -> memref<512x1024xf32, #tpu.memory_space<vmem>>
        %dma_start3A_187 = arith.constant 0 : i32
        %dma_start3A_188 = tpu.memref_slice %arg4[%get3A_170, %mul3A_175, %dma_start3A_187] : memref<8x4096x1024xf32, #tpu.memory_space<hbm>> -> memref<1x512x1024xf32, #tpu.memory_space<hbm>>
        %dma_start3A_189 = tpu.memref_squeeze %dma_start3A_188 : memref<1x512x1024xf32, #tpu.memory_space<hbm>> -> memref<512x1024xf32, #tpu.memory_space<hbm>>
        tpu.enqueue_dma source(%dma_start3A_189 : memref<512x1024xf32, #tpu.memory_space<hbm>>) target(%dma_start3A_186 : memref<512x1024xf32, #tpu.memory_space<vmem>>) target_semaphore(%dma_start3A_182 : memref<!tpu.dma_semaphore, #tpu.memory_space<semaphore_mem>>)
        %dma_start3A_190 = arith.constant 1 : i32
        %dma_start3A_191 = tpu.memref_slice %arg13[%and3A_165, %dma_start3A_190] : memref<4x3x!tpu.dma_semaphore, #tpu.memory_space<semaphore_mem>> -> memref<1x1x!tpu.dma_semaphore, #tpu.memory_space<semaphore_mem>>
        %dma_start3A_192 = tpu.memref_squeeze %dma_start3A_191 : memref<1x1x!tpu.dma_semaphore, #tpu.memory_space<semaphore_mem>> -> memref<!tpu.dma_semaphore, #tpu.memory_space<semaphore_mem>>
        %dma_start3A_193 = arith.constant 0 : i32
        %dma_start3A_194 = arith.constant 0 : i32
        %dma_start3A_195 = tpu.memref_slice %arg10[%and3A_165, %dma_start3A_193, %dma_start3A_194] : memref<4x512x1024xf32, #tpu.memory_space<vmem>> -> memref<1x512x1024xf32, #tpu.memory_space<vmem>>
        %dma_start3A_196 = tpu.memref_squeeze %dma_start3A_195 : memref<1x512x1024xf32, #tpu.memory_space<vmem>> -> memref<512x1024xf32, #tpu.memory_space<vmem>>
        %dma_start3A_197 = arith.constant 0 : i32
        %dma_start3A_198 = tpu.memref_slice %arg5[%get3A_170, %mul3A_177, %dma_start3A_197] : memref<8x4096x1024xf32, #tpu.memory_space<hbm>> -> memref<1x512x1024xf32, #tpu.memory_space<hbm>>
        %dma_start3A_199 = tpu.memref_squeeze %dma_start3A_198 : memref<1x512x1024xf32, #tpu.memory_space<hbm>> -> memref<512x1024xf32, #tpu.memory_space<hbm>>
        tpu.enqueue_dma source(%dma_start3A_199 : memref<512x1024xf32, #tpu.memory_space<hbm>>) target(%dma_start3A_196 : memref<512x1024xf32, #tpu.memory_space<vmem>>) target_semaphore(%dma_start3A_192 : memref<!tpu.dma_semaphore, #tpu.memory_space<semaphore_mem>>)
        %dma_start3A_200 = arith.constant 2 : i32
        %dma_start3A_201 = tpu.memref_slice %arg13[%and3A_165, %dma_start3A_200] : memref<4x3x!tpu.dma_semaphore, #tpu.memory_space<semaphore_mem>> -> memref<1x1x!tpu.dma_semaphore, #tpu.memory_space<semaphore_mem>>
        %dma_start3A_202 = tpu.memref_squeeze %dma_start3A_201 : memref<1x1x!tpu.dma_semaphore, #tpu.memory_space<semaphore_mem>> -> memref<!tpu.dma_semaphore, #tpu.memory_space<semaphore_mem>>
        %dma_start3A_203 = arith.constant 0 : i32
        %dma_start3A_204 = arith.constant 0 : i32
        %dma_start3A_205 = tpu.memref_slice %arg11[%and3A_165, %dma_start3A_203, %dma_start3A_204] : memref<4x1024x512xf32, #tpu.memory_space<vmem>> -> memref<1x1024x512xf32, #tpu.memory_space<vmem>>
        %dma_start3A_206 = tpu.memref_squeeze %dma_start3A_205 : memref<1x1024x512xf32, #tpu.memory_space<vmem>> -> memref<1024x512xf32, #tpu.memory_space<vmem>>
        %dma_start3A_207 = arith.constant 0 : i32
        %dma_start3A_208 = tpu.memref_slice %arg6[%get3A_170, %dma_start3A_207, %mul3A_179] : memref<8x1024x4096xf32, #tpu.memory_space<hbm>> -> memref<1x1024x512xf32, #tpu.memory_space<hbm>>
        %dma_start3A_209 = tpu.memref_squeeze %dma_start3A_208 : memref<1x1024x512xf32, #tpu.memory_space<hbm>> -> memref<1024x512xf32, #tpu.memory_space<hbm>>
        tpu.enqueue_dma source(%dma_start3A_209 : memref<1024x512xf32, #tpu.memory_space<hbm>>) target(%dma_start3A_206 : memref<1024x512xf32, #tpu.memory_space<vmem>>) target_semaphore(%dma_start3A_202 : memref<!tpu.dma_semaphore, #tpu.memory_space<semaphore_mem>>)
      } else {
      }
      %rem3A_140 = arith.constant 3 : i32
      %rem3A_141 = arith.constant 23 : i32
      %rem3A_142 = arith.remsi %rem3A_140, %rem3A_141 : i32
      %get3A_143 = arith.index_cast %rem3A_142 : i32 to index
      %get3A_144 = memref.load %arg2[%get3A_143] : memref<32xi32, #tpu.memory_space<smem>>
      %rem3A_145 = arith.constant 2 : i32
      %rem3A_146 = arith.constant 23 : i32
      %rem3A_147 = arith.remsi %rem3A_145, %rem3A_146 : i32
      %get3A_148 = arith.index_cast %rem3A_147 : i32 to index
      %get3A_149 = memref.load %arg2[%get3A_148] : memref<32xi32, #tpu.memory_space<smem>>
      %ne3A_150 = arith.cmpi ne, %get3A_144, %get3A_149 : i32
      %div3A_151 = arith.constant 3 : i32
      %div3A_152 = arith.constant 23 : i32
      %div3A_153 = arith.divsi %div3A_151, %div3A_152 : i32
      %div3A_154 = arith.constant 2 : i32
      %div3A_155 = arith.constant 23 : i32
      %div3A_156 = arith.divsi %div3A_154, %div3A_155 : i32
      %ne3A_157 = arith.cmpi ne, %div3A_153, %div3A_156 : i32
      %or3A_158 = arith.ori %ne3A_150, %ne3A_157 : i1
      %convert_element_type3A_159 = arith.extui %or3A_158 : i1 to i32
      %add3A_160 = arith.addi %add3A_136, %convert_element_type3A_159 : i32
      %convert_element_type3A_161 = arith.extui %or3A_158 : i1 to i32
      %cond3A_162 = arith.constant 0 : i32
      %cond3A_163 = arith.cmpi ne, %convert_element_type3A_161, %cond3A_162 : i32
      scf.if %cond3A_163 {
        %and3A_164 = arith.constant 3 : i32
        %and3A_165 = arith.andi %add3A_160, %and3A_164 : i32
        %rem3A_166 = arith.constant 3 : i32
        %rem3A_167 = arith.constant 23 : i32
        %rem3A_168 = arith.remsi %rem3A_166, %rem3A_167 : i32
        %get3A_169 = arith.index_cast %rem3A_168 : i32 to index
        %get3A_170 = memref.load %arg2[%get3A_169] : memref<32xi32, #tpu.memory_space<smem>>
        %div3A_171 = arith.constant 3 : i32
        %div3A_172 = arith.constant 23 : i32
        %div3A_173 = arith.divsi %div3A_171, %div3A_172 : i32
        %mul3A_174 = arith.constant 512 : i32
        %mul3A_175 = arith.muli %div3A_173, %mul3A_174 : i32
        %mul3A_176 = arith.constant 512 : i32
        %mul3A_177 = arith.muli %div3A_173, %mul3A_176 : i32
        %mul3A_178 = arith.constant 512 : i32
        %mul3A_179 = arith.muli %div3A_173, %mul3A_178 : i32
        %dma_start3A_180 = arith.constant 0 : i32
        %dma_start3A_181 = tpu.memref_slice %arg13[%and3A_165, %dma_start3A_180] : memref<4x3x!tpu.dma_semaphore, #tpu.memory_space<semaphore_mem>> -> memref<1x1x!tpu.dma_semaphore, #tpu.memory_space<semaphore_mem>>
        %dma_start3A_182 = tpu.memref_squeeze %dma_start3A_181 : memref<1x1x!tpu.dma_semaphore, #tpu.memory_space<semaphore_mem>> -> memref<!tpu.dma_semaphore, #tpu.memory_space<semaphore_mem>>
        %dma_start3A_183 = arith.constant 0 : i32
        %dma_start3A_184 = arith.constant 0 : i32
        %dma_start3A_185 = tpu.memref_slice %arg9[%and3A_165, %dma_start3A_183, %dma_start3A_184] : memref<4x512x1024xf32, #tpu.memory_space<vmem>> -> memref<1x512x1024xf32, #tpu.memory_space<vmem>>
        %dma_start3A_186 = tpu.memref_squeeze %dma_start3A_185 : memref<1x512x1024xf32, #tpu.memory_space<vmem>> -> memref<512x1024xf32, #tpu.memory_space<vmem>>
        %dma_start3A_187 = arith.constant 0 : i32
        %dma_start3A_188 = tpu.memref_slice %arg4[%get3A_170, %mul3A_175, %dma_start3A_187] : memref<8x4096x1024xf32, #tpu.memory_space<hbm>> -> memref<1x512x1024xf32, #tpu.memory_space<hbm>>
        %dma_start3A_189 = tpu.memref_squeeze %dma_start3A_188 : memref<1x512x1024xf32, #tpu.memory_space<hbm>> -> memref<512x1024xf32, #tpu.memory_space<hbm>>
        tpu.enqueue_dma source(%dma_start3A_189 : memref<512x1024xf32, #tpu.memory_space<hbm>>) target(%dma_start3A_186 : memref<512x1024xf32, #tpu.memory_space<vmem>>) target_semaphore(%dma_start3A_182 : memref<!tpu.dma_semaphore, #tpu.memory_space<semaphore_mem>>)
        %dma_start3A_190 = arith.constant 1 : i32
        %dma_start3A_191 = tpu.memref_slice %arg13[%and3A_165, %dma_start3A_190] : memref<4x3x!tpu.dma_semaphore, #tpu.memory_space<semaphore_mem>> -> memref<1x1x!tpu.dma_semaphore, #tpu.memory_space<semaphore_mem>>
        %dma_start3A_192 = tpu.memref_squeeze %dma_start3A_191 : memref<1x1x!tpu.dma_semaphore, #tpu.memory_space<semaphore_mem>> -> memref<!tpu.dma_semaphore, #tpu.memory_space<semaphore_mem>>
        %dma_start3A_193 = arith.constant 0 : i32
        %dma_start3A_194 = arith.constant 0 : i32
        %dma_start3A_195 = tpu.memref_slice %arg10[%and3A_165, %dma_start3A_193, %dma_start3A_194] : memref<4x512x1024xf32, #tpu.memory_space<vmem>> -> memref<1x512x1024xf32, #tpu.memory_space<vmem>>
        %dma_start3A_196 = tpu.memref_squeeze %dma_start3A_195 : memref<1x512x1024xf32, #tpu.memory_space<vmem>> -> memref<512x1024xf32, #tpu.memory_space<vmem>>
        %dma_start3A_197 = arith.constant 0 : i32
        %dma_start3A_198 = tpu.memref_slice %arg5[%get3A_170, %mul3A_177, %dma_start3A_197] : memref<8x4096x1024xf32, #tpu.memory_space<hbm>> -> memref<1x512x1024xf32, #tpu.memory_space<hbm>>
        %dma_start3A_199 = tpu.memref_squeeze %dma_start3A_198 : memref<1x512x1024xf32, #tpu.memory_space<hbm>> -> memref<512x1024xf32, #tpu.memory_space<hbm>>
        tpu.enqueue_dma source(%dma_start3A_199 : memref<512x1024xf32, #tpu.memory_space<hbm>>) target(%dma_start3A_196 : memref<512x1024xf32, #tpu.memory_space<vmem>>) target_semaphore(%dma_start3A_192 : memref<!tpu.dma_semaphore, #tpu.memory_space<semaphore_mem>>)
        %dma_start3A_200 = arith.constant 2 : i32
        %dma_start3A_201 = tpu.memref_slice %arg13[%and3A_165, %dma_start3A_200] : memref<4x3x!tpu.dma_semaphore, #tpu.memory_space<semaphore_mem>> -> memref<1x1x!tpu.dma_semaphore, #tpu.memory_space<semaphore_mem>>
        %dma_start3A_202 = tpu.memref_squeeze %dma_start3A_201 : memref<1x1x!tpu.dma_semaphore, #tpu.memory_space<semaphore_mem>> -> memref<!tpu.dma_semaphore, #tpu.memory_space<semaphore_mem>>
        %dma_start3A_203 = arith.constant 0 : i32
        %dma_start3A_204 = arith.constant 0 : i32
        %dma_start3A_205 = tpu.memref_slice %arg11[%and3A_165, %dma_start3A_203, %dma_start3A_204] : memref<4x1024x512xf32, #tpu.memory_space<vmem>> -> memref<1x1024x512xf32, #tpu.memory_space<vmem>>
        %dma_start3A_206 = tpu.memref_squeeze %dma_start3A_205 : memref<1x1024x512xf32, #tpu.memory_space<vmem>> -> memref<1024x512xf32, #tpu.memory_space<vmem>>
        %dma_start3A_207 = arith.constant 0 : i32
        %dma_start3A_208 = tpu.memref_slice %arg6[%get3A_170, %dma_start3A_207, %mul3A_179] : memref<8x1024x4096xf32, #tpu.memory_space<hbm>> -> memref<1x1024x512xf32, #tpu.memory_space<hbm>>
        %dma_start3A_209 = tpu.memref_squeeze %dma_start3A_208 : memref<1x1024x512xf32, #tpu.memory_space<hbm>> -> memref<1024x512xf32, #tpu.memory_space<hbm>>
        tpu.enqueue_dma source(%dma_start3A_209 : memref<1024x512xf32, #tpu.memory_space<hbm>>) target(%dma_start3A_206 : memref<1024x512xf32, #tpu.memory_space<vmem>>) target_semaphore(%dma_start3A_202 : memref<!tpu.dma_semaphore, #tpu.memory_space<semaphore_mem>>)
      } else {
      }
    } else {
    }
    %gt3A = arith.constant 0 : i32
    %gt3A_28 = arith.cmpi sgt, %add3A, %gt3A : i32
    %add3A_29 = arith.constant 3 : i32
    %add3A_30 = arith.addi %add3A, %add3A_29 : i32
    %lt3A = arith.constant 184 : i32
    %lt3A_31 = arith.cmpi slt, %add3A_30, %lt3A : i32
    %and3A = arith.andi %gt3A_28, %lt3A_31 : i1
    %convert_element_type3A_32 = arith.extui %and3A : i1 to i32
    %cond3A_33 = arith.constant 0 : i32
    %cond3A_34 = arith.cmpi ne, %convert_element_type3A_32, %cond3A_33 : i32
    scf.if %cond3A_34 {
      %add3A_43 = arith.constant 3 : i32
      %add3A_44 = arith.addi %add3A, %add3A_43 : i32
      %add3A_45 = arith.constant 1 : i32
      %add3A_46 = arith.addi %add3A, %add3A_45 : i32
      %rem3A_47 = arith.constant 23 : i32
      %rem3A_48 = arith.remsi %add3A_46, %rem3A_47 : i32
      %get3A_49 = arith.index_cast %rem3A_48 : i32 to index
      %get3A_50 = memref.load %arg2[%get3A_49] : memref<32xi32, #tpu.memory_space<smem>>
      %sub3A_51 = arith.constant 1 : i32
      %sub3A_52 = arith.subi %add3A_46, %sub3A_51 : i32
      %rem3A_53 = arith.constant 23 : i32
      %rem3A_54 = arith.remsi %sub3A_52, %rem3A_53 : i32
      %get3A_55 = arith.index_cast %rem3A_54 : i32 to index
      %get3A_56 = memref.load %arg2[%get3A_55] : memref<32xi32, #tpu.memory_space<smem>>
      %ne3A_57 = arith.cmpi ne, %get3A_50, %get3A_56 : i32
      %div3A_58 = arith.constant 23 : i32
      %div3A_59 = arith.divsi %add3A_46, %div3A_58 : i32
      %sub3A_60 = arith.constant 1 : i32
      %sub3A_61 = arith.subi %add3A_46, %sub3A_60 : i32
      %div3A_62 = arith.constant 23 : i32
      %div3A_63 = arith.divsi %sub3A_61, %div3A_62 : i32
      %ne3A_64 = arith.cmpi ne, %div3A_59, %div3A_63 : i32
      %or3A_65 = arith.ori %ne3A_57, %ne3A_64 : i1
      %convert_element_type3A_66 = arith.extui %or3A_65 : i1 to i32
      %add3A_67 = arith.addi %add3A_23, %convert_element_type3A_66 : i32
      %add3A_68 = arith.constant 2 : i32
      %add3A_69 = arith.addi %add3A, %add3A_68 : i32
      %rem3A_70 = arith.constant 23 : i32
      %rem3A_71 = arith.remsi %add3A_69, %rem3A_70 : i32
      %get3A_72 = arith.index_cast %rem3A_71 : i32 to index
      %get3A_73 = memref.load %arg2[%get3A_72] : memref<32xi32, #tpu.memory_space<smem>>
      %sub3A_74 = arith.constant 1 : i32
      %sub3A_75 = arith.subi %add3A_69, %sub3A_74 : i32
      %rem3A_76 = arith.constant 23 : i32
      %rem3A_77 = arith.remsi %sub3A_75, %rem3A_76 : i32
      %get3A_78 = arith.index_cast %rem3A_77 : i32 to index
      %get3A_79 = memref.load %arg2[%get3A_78] : memref<32xi32, #tpu.memory_space<smem>>
      %ne3A_80 = arith.cmpi ne, %get3A_73, %get3A_79 : i32
      %div3A_81 = arith.constant 23 : i32
      %div3A_82 = arith.divsi %add3A_69, %div3A_81 : i32
      %sub3A_83 = arith.constant 1 : i32
      %sub3A_84 = arith.subi %add3A_69, %sub3A_83 : i32
      %div3A_85 = arith.constant 23 : i32
      %div3A_86 = arith.divsi %sub3A_84, %div3A_85 : i32
      %ne3A_87 = arith.cmpi ne, %div3A_82, %div3A_86 : i32
      %or3A_88 = arith.ori %ne3A_80, %ne3A_87 : i1
      %convert_element_type3A_89 = arith.extui %or3A_88 : i1 to i32
      %add3A_90 = arith.addi %add3A_67, %convert_element_type3A_89 : i32
      %add3A_91 = arith.constant 3 : i32
      %add3A_92 = arith.addi %add3A, %add3A_91 : i32
      %rem3A_93 = arith.constant 23 : i32
      %rem3A_94 = arith.remsi %add3A_92, %rem3A_93 : i32
      %get3A_95 = arith.index_cast %rem3A_94 : i32 to index
      %get3A_96 = memref.load %arg2[%get3A_95] : memref<32xi32, #tpu.memory_space<smem>>
      %sub3A_97 = arith.constant 1 : i32
      %sub3A_98 = arith.subi %add3A_92, %sub3A_97 : i32
      %rem3A_99 = arith.constant 23 : i32
      %rem3A_100 = arith.remsi %sub3A_98, %rem3A_99 : i32
      %get3A_101 = arith.index_cast %rem3A_100 : i32 to index
      %get3A_102 = memref.load %arg2[%get3A_101] : memref<32xi32, #tpu.memory_space<smem>>
      %ne3A_103 = arith.cmpi ne, %get3A_96, %get3A_102 : i32
      %div3A_104 = arith.constant 23 : i32
      %div3A_105 = arith.divsi %add3A_92, %div3A_104 : i32
      %sub3A_106 = arith.constant 1 : i32
      %sub3A_107 = arith.subi %add3A_92, %sub3A_106 : i32
      %div3A_108 = arith.constant 23 : i32
      %div3A_109 = arith.divsi %sub3A_107, %div3A_108 : i32
      %ne3A_110 = arith.cmpi ne, %div3A_105, %div3A_109 : i32
      %or3A_111 = arith.ori %ne3A_103, %ne3A_110 : i1
      %convert_element_type3A_112 = arith.extui %or3A_111 : i1 to i32
      %add3A_113 = arith.addi %add3A_90, %convert_element_type3A_112 : i32
      %rem3A_114 = arith.constant 23 : i32
      %rem3A_115 = arith.remsi %add3A_44, %rem3A_114 : i32
      %get3A_116 = arith.index_cast %rem3A_115 : i32 to index
      %get3A_117 = memref.load %arg2[%get3A_116] : memref<32xi32, #tpu.memory_space<smem>>
      %sub3A_118 = arith.constant 1 : i32
      %sub3A_119 = arith.subi %add3A_44, %sub3A_118 : i32
      %rem3A_120 = arith.constant 23 : i32
      %rem3A_121 = arith.remsi %sub3A_119, %rem3A_120 : i32
      %get3A_122 = arith.index_cast %rem3A_121 : i32 to index
      %get3A_123 = memref.load %arg2[%get3A_122] : memref<32xi32, #tpu.memory_space<smem>>
      %ne3A_124 = arith.cmpi ne, %get3A_117, %get3A_123 : i32
      %div3A_125 = arith.constant 23 : i32
      %div3A_126 = arith.divsi %add3A_44, %div3A_125 : i32
      %sub3A_127 = arith.constant 1 : i32
      %sub3A_128 = arith.subi %add3A_44, %sub3A_127 : i32
      %div3A_129 = arith.constant 23 : i32
      %div3A_130 = arith.divsi %sub3A_128, %div3A_129 : i32
      %ne3A_131 = arith.cmpi ne, %div3A_126, %div3A_130 : i32
      %or3A_132 = arith.ori %ne3A_124, %ne3A_131 : i1
      %convert_element_type3A_133 = arith.extui %or3A_132 : i1 to i32
      %cond3A_134 = arith.constant 0 : i32
      %cond3A_135 = arith.cmpi ne, %convert_element_type3A_133, %cond3A_134 : i32
      scf.if %cond3A_135 {
        %and3A_136 = arith.constant 3 : i32
        %and3A_137 = arith.andi %add3A_113, %and3A_136 : i32
        %rem3A_138 = arith.constant 23 : i32
        %rem3A_139 = arith.remsi %add3A_44, %rem3A_138 : i32
        %get3A_140 = arith.index_cast %rem3A_139 : i32 to index
        %get3A_141 = memref.load %arg2[%get3A_140] : memref<32xi32, #tpu.memory_space<smem>>
        %div3A_142 = arith.constant 23 : i32
        %div3A_143 = arith.divsi %add3A_44, %div3A_142 : i32
        %mul3A_144 = arith.constant 512 : i32
        %mul3A_145 = arith.muli %div3A_143, %mul3A_144 : i32
        %mul3A_146 = arith.constant 512 : i32
        %mul3A_147 = arith.muli %div3A_143, %mul3A_146 : i32
        %mul3A_148 = arith.constant 512 : i32
        %mul3A_149 = arith.muli %div3A_143, %mul3A_148 : i32
        %dma_start3A = arith.constant 0 : i32
        %dma_start3A_150 = tpu.memref_slice %arg13[%and3A_137, %dma_start3A] : memref<4x3x!tpu.dma_semaphore, #tpu.memory_space<semaphore_mem>> -> memref<1x1x!tpu.dma_semaphore, #tpu.memory_space<semaphore_mem>>
        %dma_start3A_151 = tpu.memref_squeeze %dma_start3A_150 : memref<1x1x!tpu.dma_semaphore, #tpu.memory_space<semaphore_mem>> -> memref<!tpu.dma_semaphore, #tpu.memory_space<semaphore_mem>>
        %dma_start3A_152 = arith.constant 0 : i32
        %dma_start3A_153 = arith.constant 0 : i32
        %dma_start3A_154 = tpu.memref_slice %arg9[%and3A_137, %dma_start3A_152, %dma_start3A_153] : memref<4x512x1024xf32, #tpu.memory_space<vmem>> -> memref<1x512x1024xf32, #tpu.memory_space<vmem>>
        %dma_start3A_155 = tpu.memref_squeeze %dma_start3A_154 : memref<1x512x1024xf32, #tpu.memory_space<vmem>> -> memref<512x1024xf32, #tpu.memory_space<vmem>>
        %dma_start3A_156 = arith.constant 0 : i32
        %dma_start3A_157 = tpu.memref_slice %arg4[%get3A_141, %mul3A_145, %dma_start3A_156] : memref<8x4096x1024xf32, #tpu.memory_space<hbm>> -> memref<1x512x1024xf32, #tpu.memory_space<hbm>>
        %dma_start3A_158 = tpu.memref_squeeze %dma_start3A_157 : memref<1x512x1024xf32, #tpu.memory_space<hbm>> -> memref<512x1024xf32, #tpu.memory_space<hbm>>
        tpu.enqueue_dma source(%dma_start3A_158 : memref<512x1024xf32, #tpu.memory_space<hbm>>) target(%dma_start3A_155 : memref<512x1024xf32, #tpu.memory_space<vmem>>) target_semaphore(%dma_start3A_151 : memref<!tpu.dma_semaphore, #tpu.memory_space<semaphore_mem>>)
        %dma_start3A_159 = arith.constant 1 : i32
        %dma_start3A_160 = tpu.memref_slice %arg13[%and3A_137, %dma_start3A_159] : memref<4x3x!tpu.dma_semaphore, #tpu.memory_space<semaphore_mem>> -> memref<1x1x!tpu.dma_semaphore, #tpu.memory_space<semaphore_mem>>
        %dma_start3A_161 = tpu.memref_squeeze %dma_start3A_160 : memref<1x1x!tpu.dma_semaphore, #tpu.memory_space<semaphore_mem>> -> memref<!tpu.dma_semaphore, #tpu.memory_space<semaphore_mem>>
        %dma_start3A_162 = arith.constant 0 : i32
        %dma_start3A_163 = arith.constant 0 : i32
        %dma_start3A_164 = tpu.memref_slice %arg10[%and3A_137, %dma_start3A_162, %dma_start3A_163] : memref<4x512x1024xf32, #tpu.memory_space<vmem>> -> memref<1x512x1024xf32, #tpu.memory_space<vmem>>
        %dma_start3A_165 = tpu.memref_squeeze %dma_start3A_164 : memref<1x512x1024xf32, #tpu.memory_space<vmem>> -> memref<512x1024xf32, #tpu.memory_space<vmem>>
        %dma_start3A_166 = arith.constant 0 : i32
        %dma_start3A_167 = tpu.memref_slice %arg5[%get3A_141, %mul3A_147, %dma_start3A_166] : memref<8x4096x1024xf32, #tpu.memory_space<hbm>> -> memref<1x512x1024xf32, #tpu.memory_space<hbm>>
        %dma_start3A_168 = tpu.memref_squeeze %dma_start3A_167 : memref<1x512x1024xf32, #tpu.memory_space<hbm>> -> memref<512x1024xf32, #tpu.memory_space<hbm>>
        tpu.enqueue_dma source(%dma_start3A_168 : memref<512x1024xf32, #tpu.memory_space<hbm>>) target(%dma_start3A_165 : memref<512x1024xf32, #tpu.memory_space<vmem>>) target_semaphore(%dma_start3A_161 : memref<!tpu.dma_semaphore, #tpu.memory_space<semaphore_mem>>)
        %dma_start3A_169 = arith.constant 2 : i32
        %dma_start3A_170 = tpu.memref_slice %arg13[%and3A_137, %dma_start3A_169] : memref<4x3x!tpu.dma_semaphore, #tpu.memory_space<semaphore_mem>> -> memref<1x1x!tpu.dma_semaphore, #tpu.memory_space<semaphore_mem>>
        %dma_start3A_171 = tpu.memref_squeeze %dma_start3A_170 : memref<1x1x!tpu.dma_semaphore, #tpu.memory_space<semaphore_mem>> -> memref<!tpu.dma_semaphore, #tpu.memory_space<semaphore_mem>>
        %dma_start3A_172 = arith.constant 0 : i32
        %dma_start3A_173 = arith.constant 0 : i32
        %dma_start3A_174 = tpu.memref_slice %arg11[%and3A_137, %dma_start3A_172, %dma_start3A_173] : memref<4x1024x512xf32, #tpu.memory_space<vmem>> -> memref<1x1024x512xf32, #tpu.memory_space<vmem>>
        %dma_start3A_175 = tpu.memref_squeeze %dma_start3A_174 : memref<1x1024x512xf32, #tpu.memory_space<vmem>> -> memref<1024x512xf32, #tpu.memory_space<vmem>>
        %dma_start3A_176 = arith.constant 0 : i32
        %dma_start3A_177 = tpu.memref_slice %arg6[%get3A_141, %dma_start3A_176, %mul3A_149] : memref<8x1024x4096xf32, #tpu.memory_space<hbm>> -> memref<1x1024x512xf32, #tpu.memory_space<hbm>>
        %dma_start3A_178 = tpu.memref_squeeze %dma_start3A_177 : memref<1x1024x512xf32, #tpu.memory_space<hbm>> -> memref<1024x512xf32, #tpu.memory_space<hbm>>
        tpu.enqueue_dma source(%dma_start3A_178 : memref<1024x512xf32, #tpu.memory_space<hbm>>) target(%dma_start3A_175 : memref<1024x512xf32, #tpu.memory_space<vmem>>) target_semaphore(%dma_start3A_171 : memref<!tpu.dma_semaphore, #tpu.memory_space<semaphore_mem>>)
      } else {
      }
    } else {
    }
    %convert_element_type3A_35 = arith.extui %select_n3A_22 : i1 to i32
    %cond3A_36 = arith.constant 0 : i32
    %cond3A_37 = arith.cmpi ne, %convert_element_type3A_35, %cond3A_36 : i32
    scf.if %cond3A_37 {
      %and3A_43 = arith.constant 3 : i32
      %and3A_44 = arith.andi %add3A_23, %and3A_43 : i32
      %rem3A_45 = arith.constant 23 : i32
      %rem3A_46 = arith.remsi %add3A, %rem3A_45 : i32
      %get3A_47 = arith.index_cast %rem3A_46 : i32 to index
      %get3A_48 = memref.load %arg2[%get3A_47] : memref<32xi32, #tpu.memory_space<smem>>
      %div3A_49 = arith.constant 23 : i32
      %div3A_50 = arith.divsi %add3A, %div3A_49 : i32
      %mul3A_51 = arith.constant 512 : i32
      %mul3A_52 = arith.muli %div3A_50, %mul3A_51 : i32
      %mul3A_53 = arith.constant 512 : i32
      %mul3A_54 = arith.muli %div3A_50, %mul3A_53 : i32
      %mul3A_55 = arith.constant 512 : i32
      %mul3A_56 = arith.muli %div3A_50, %mul3A_55 : i32
      %dma_wait3A = arith.constant 0 : i32
      %dma_wait3A_57 = tpu.memref_slice %arg13[%and3A_44, %dma_wait3A] : memref<4x3x!tpu.dma_semaphore, #tpu.memory_space<semaphore_mem>> -> memref<1x1x!tpu.dma_semaphore, #tpu.memory_space<semaphore_mem>>
      %dma_wait3A_58 = tpu.memref_squeeze %dma_wait3A_57 : memref<1x1x!tpu.dma_semaphore, #tpu.memory_space<semaphore_mem>> -> memref<!tpu.dma_semaphore, #tpu.memory_space<semaphore_mem>>
      %dma_wait3A_59 = arith.constant 0 : i32
      %dma_wait3A_60 = arith.constant 0 : i32
      %dma_wait3A_61 = tpu.memref_slice %arg9[%and3A_44, %dma_wait3A_59, %dma_wait3A_60] : memref<4x512x1024xf32, #tpu.memory_space<vmem>> -> memref<1x512x1024xf32, #tpu.memory_space<vmem>>
      %dma_wait3A_62 = tpu.memref_squeeze %dma_wait3A_61 : memref<1x512x1024xf32, #tpu.memory_space<vmem>> -> memref<512x1024xf32, #tpu.memory_space<vmem>>
      %dma_wait3A_63 = arith.constant 0 : i32
      %dma_wait3A_64 = tpu.memref_slice %arg4[%get3A_48, %mul3A_52, %dma_wait3A_63] : memref<8x4096x1024xf32, #tpu.memory_space<hbm>> -> memref<1x512x1024xf32, #tpu.memory_space<hbm>>
      %dma_wait3A_65 = tpu.memref_squeeze %dma_wait3A_64 : memref<1x512x1024xf32, #tpu.memory_space<hbm>> -> memref<512x1024xf32, #tpu.memory_space<hbm>>
      tpu.wait_dma2 semaphore(%dma_wait3A_58 : memref<!tpu.dma_semaphore, #tpu.memory_space<semaphore_mem>>) src(%dma_wait3A_65 : memref<512x1024xf32, #tpu.memory_space<hbm>>) dst(%dma_wait3A_62 : memref<512x1024xf32, #tpu.memory_space<vmem>>)
      %dma_wait3A_66 = arith.constant 1 : i32
      %dma_wait3A_67 = tpu.memref_slice %arg13[%and3A_44, %dma_wait3A_66] : memref<4x3x!tpu.dma_semaphore, #tpu.memory_space<semaphore_mem>> -> memref<1x1x!tpu.dma_semaphore, #tpu.memory_space<semaphore_mem>>
      %dma_wait3A_68 = tpu.memref_squeeze %dma_wait3A_67 : memref<1x1x!tpu.dma_semaphore, #tpu.memory_space<semaphore_mem>> -> memref<!tpu.dma_semaphore, #tpu.memory_space<semaphore_mem>>
      %dma_wait3A_69 = arith.constant 0 : i32
      %dma_wait3A_70 = arith.constant 0 : i32
      %dma_wait3A_71 = tpu.memref_slice %arg10[%and3A_44, %dma_wait3A_69, %dma_wait3A_70] : memref<4x512x1024xf32, #tpu.memory_space<vmem>> -> memref<1x512x1024xf32, #tpu.memory_space<vmem>>
      %dma_wait3A_72 = tpu.memref_squeeze %dma_wait3A_71 : memref<1x512x1024xf32, #tpu.memory_space<vmem>> -> memref<512x1024xf32, #tpu.memory_space<vmem>>
      %dma_wait3A_73 = arith.constant 0 : i32
      %dma_wait3A_74 = tpu.memref_slice %arg5[%get3A_48, %mul3A_54, %dma_wait3A_73] : memref<8x4096x1024xf32, #tpu.memory_space<hbm>> -> memref<1x512x1024xf32, #tpu.memory_space<hbm>>
      %dma_wait3A_75 = tpu.memref_squeeze %dma_wait3A_74 : memref<1x512x1024xf32, #tpu.memory_space<hbm>> -> memref<512x1024xf32, #tpu.memory_space<hbm>>
      tpu.wait_dma2 semaphore(%dma_wait3A_68 : memref<!tpu.dma_semaphore, #tpu.memory_space<semaphore_mem>>) src(%dma_wait3A_75 : memref<512x1024xf32, #tpu.memory_space<hbm>>) dst(%dma_wait3A_72 : memref<512x1024xf32, #tpu.memory_space<vmem>>)
      %dma_wait3A_76 = arith.constant 2 : i32
      %dma_wait3A_77 = tpu.memref_slice %arg13[%and3A_44, %dma_wait3A_76] : memref<4x3x!tpu.dma_semaphore, #tpu.memory_space<semaphore_mem>> -> memref<1x1x!tpu.dma_semaphore, #tpu.memory_space<semaphore_mem>>
      %dma_wait3A_78 = tpu.memref_squeeze %dma_wait3A_77 : memref<1x1x!tpu.dma_semaphore, #tpu.memory_space<semaphore_mem>> -> memref<!tpu.dma_semaphore, #tpu.memory_space<semaphore_mem>>
      %dma_wait3A_79 = arith.constant 0 : i32
      %dma_wait3A_80 = arith.constant 0 : i32
      %dma_wait3A_81 = tpu.memref_slice %arg11[%and3A_44, %dma_wait3A_79, %dma_wait3A_80] : memref<4x1024x512xf32, #tpu.memory_space<vmem>> -> memref<1x1024x512xf32, #tpu.memory_space<vmem>>
      %dma_wait3A_82 = tpu.memref_squeeze %dma_wait3A_81 : memref<1x1024x512xf32, #tpu.memory_space<vmem>> -> memref<1024x512xf32, #tpu.memory_space<vmem>>
      %dma_wait3A_83 = arith.constant 0 : i32
      %dma_wait3A_84 = tpu.memref_slice %arg6[%get3A_48, %dma_wait3A_83, %mul3A_56] : memref<8x1024x4096xf32, #tpu.memory_space<hbm>> -> memref<1x1024x512xf32, #tpu.memory_space<hbm>>
      %dma_wait3A_85 = tpu.memref_squeeze %dma_wait3A_84 : memref<1x1024x512xf32, #tpu.memory_space<hbm>> -> memref<1024x512xf32, #tpu.memory_space<hbm>>
      tpu.wait_dma2 semaphore(%dma_wait3A_78 : memref<!tpu.dma_semaphore, #tpu.memory_space<semaphore_mem>>) src(%dma_wait3A_85 : memref<1024x512xf32, #tpu.memory_space<hbm>>) dst(%dma_wait3A_82 : memref<1024x512xf32, #tpu.memory_space<vmem>>)
    } else {
    }
    %swap3A = arith.constant 0 : index
    %swap3A_38 = memref.load %arg12[%swap3A] : memref<1xi32, #tpu.memory_space<smem>>
    memref.store %add3A_23, %arg12[%swap3A] : memref<1xi32, #tpu.memory_space<smem>>
    %lt3A_39 = arith.cmpi slt, %arg1, %get3A_0 : i32
    %convert_element_type3A_40 = arith.extui %lt3A_39 : i1 to i32
    %cond3A_41 = arith.constant 0 : i32
    %cond3A_42 = arith.cmpi ne, %convert_element_type3A_40, %cond3A_41 : i32
    scf.if %cond3A_42 {
      %and3A_43 = arith.constant 3 : i32
      %and3A_44 = arith.andi %add3A_23, %and3A_43 : i32
      %mul3A_45 = arith.constant 256 : i32
      %mul3A_46 = arith.muli %arg1, %mul3A_45 : i32
      %get3A_47 = arith.index_cast %mul3A_46 : i32 to index
      %get3A_48 = arith.constant 0 : index
      %get3A_49 = vector.load %arg3[%get3A_47, %get3A_48] : memref<5888x512xi32, #tpu.memory_space<vmem>>, vector<256x512xi32>
      %bitcast3A = tpu.bitcast %get3A_49 : vector<256x512xi32> -> vector<512x512xbf16>
      %reshape3A = vector.shape_cast %bitcast3A : vector<512x512xbf16> to vector<256x1024xbf16>
      %convert_element_type3A_50 = arith.extf %reshape3A : vector<256x1024xbf16> to vector<256x1024xf32>
      %get3A_51 = arith.index_cast %and3A_44 : i32 to index
      %get3A_52 = arith.constant 0 : index
      %get3A_53 = arith.constant 0 : index
      %get3A_54 = vector.load %arg9[%get3A_51, %get3A_52, %get3A_53] : memref<4x512x1024xf32, #tpu.memory_space<vmem>>, vector<1x512x1024xf32>
      %get3A_55 = vector.shape_cast %get3A_54 : vector<1x512x1024xf32> to vector<512x1024xf32>
      %get3A_56 = arith.index_cast %and3A_44 : i32 to index
      %get3A_57 = arith.constant 0 : index
      %get3A_58 = arith.constant 0 : index
      %get3A_59 = vector.load %arg10[%get3A_56, %get3A_57, %get3A_58] : memref<4x512x1024xf32, #tpu.memory_space<vmem>>, vector<1x512x1024xf32>
      %get3A_60 = vector.shape_cast %get3A_59 : vector<1x512x1024xf32> to vector<512x1024xf32>
      %get3A_61 = arith.index_cast %and3A_44 : i32 to index
      %get3A_62 = arith.constant 0 : index
      %get3A_63 = arith.constant 0 : index
      %get3A_64 = vector.load %arg11[%get3A_61, %get3A_62, %get3A_63] : memref<4x1024x512xf32, #tpu.memory_space<vmem>>, vector<1x1024x512xf32>
      %get3A_65 = vector.shape_cast %get3A_64 : vector<1x1024x512xf32> to vector<1024x512xf32>
      %dot_general3A = arith.constant dense<0.000000e+00> : vector<256x512xf32>
      %dot_general3A_66 = tpu.matmul %convert_element_type3A_50, %get3A_55, %dot_general3A {dimension_numbers = #tpu.dot_dimension_numbers<[1], [1], [0], [0], [0, 0, 1, 0], [], []>, transpose_lhs_hint = false} : vector<256x1024xf32>, vector<512x1024xf32>, vector<256x512xf32> -> vector<256x512xf32>
      %dot_general3A_67 = arith.constant dense<0.000000e+00> : vector<256x512xf32>
      %dot_general3A_68 = tpu.matmul %convert_element_type3A_50, %get3A_60, %dot_general3A_67 {dimension_numbers = #tpu.dot_dimension_numbers<[1], [1], [0], [0], [0, 0, 1, 0], [], []>, transpose_lhs_hint = false} : vector<256x1024xf32>, vector<512x1024xf32>, vector<256x512xf32> -> vector<256x512xf32>
      %logistic3A = arith.negf %dot_general3A_66 : vector<256x512xf32>
      %logistic3A_69 = math.exp %logistic3A : vector<256x512xf32>
      %logistic3A_70 = arith.constant 1.000000e+00 : f32
      %logistic3A_71 = vector.broadcast %logistic3A_70 : f32 to vector<256x512xf32>
      %logistic3A_72 = arith.addf %logistic3A_71, %logistic3A_69 : vector<256x512xf32>
      %logistic3A_73 = arith.divf %logistic3A_71, %logistic3A_72 : vector<256x512xf32>
      %mul3A_74 = arith.mulf %dot_general3A_66, %logistic3A_73 : vector<256x512xf32>
      %mul3A_75 = arith.mulf %mul3A_74, %dot_general3A_68 : vector<256x512xf32>
      %dot_general3A_76 = arith.constant dense<0.000000e+00> : vector<256x1024xf32>
      %dot_general3A_77 = tpu.matmul %mul3A_75, %get3A_65, %dot_general3A_76 {dimension_numbers = #tpu.dot_dimension_numbers<[1], [1], [0], [0], [0, 0, 1, 0], [], []>, transpose_lhs_hint = false} : vector<256x512xf32>, vector<1024x512xf32>, vector<256x1024xf32> -> vector<256x1024xf32>
      %get3A_78 = arith.constant 0 : index
      %get3A_79 = arith.constant 0 : index
      %get3A_80 = arith.constant 0 : index
      %get3A_81 = vector.load %arg7[%get3A_78, %get3A_79, %get3A_80] : memref<1x1x256xf32, #tpu.memory_space<vmem>>, vector<1x1x256xf32>
      %get3A_82 = vector.shape_cast %get3A_81 : vector<1x1x256xf32> to vector<256xf32>
      %broadcast_in_dim3A = vector.shape_cast %get3A_82 : vector<256xf32> to vector<256x1xf32>
      %mul3A_83 = vector.broadcast %broadcast_in_dim3A : vector<256x1xf32> to vector<256x1024xf32>
      %mul3A_84 = arith.mulf %dot_general3A_77, %mul3A_83 : vector<256x1024xf32>
      %eq3A_85 = arith.constant 0 : i32
      %eq3A_86 = arith.cmpi eq, %arg0, %eq3A_85 : i32
      %convert_element_type3A_87 = arith.extui %eq3A_86 : i1 to i32
      %cond3A_88 = arith.constant 0 : i32
      %cond3A_89 = arith.cmpi ne, %convert_element_type3A_87, %cond3A_88 : i32
      scf.if %cond3A_89 {
        %mul3A_95 = arith.constant 256 : i32
        %mul3A_96 = arith.muli %arg1, %mul3A_95 : i32
        %swap3A_97 = arith.index_cast %mul3A_96 : i32 to index
        %swap3A_98 = arith.constant 0 : index
        %swap3A_99 = vector.load %arg8[%swap3A_97, %swap3A_98] : memref<5888x1024xf32, #tpu.memory_space<vmem>>, vector<256x1024xf32>
        tpu.vector_store %arg8[%swap3A_97, %swap3A_98], %mul3A_84 {strides = array<i32>} : memref<5888x1024xf32, #tpu.memory_space<vmem>>, vector<256x1024xf32>,
      } else {
      }
      %ne3A_90 = arith.constant 0 : i32
      %ne3A_91 = arith.cmpi ne, %arg0, %ne3A_90 : i32
      %convert_element_type3A_92 = arith.extui %ne3A_91 : i1 to i32
      %cond3A_93 = arith.constant 0 : i32
      %cond3A_94 = arith.cmpi ne, %convert_element_type3A_92, %cond3A_93 : i32
      scf.if %cond3A_94 {
        %mul3A_95 = arith.constant 256 : i32
        %mul3A_96 = arith.muli %arg1, %mul3A_95 : i32
        %get3A_97 = arith.index_cast %mul3A_96 : i32 to index
        %get3A_98 = arith.constant 0 : index
        %get3A_99 = vector.load %arg8[%get3A_97, %get3A_98] : memref<5888x1024xf32, #tpu.memory_space<vmem>>, vector<256x1024xf32>
        %add3A_100 = arith.addf %get3A_99, %mul3A_84 : vector<256x1024xf32>
        %swap3A_101 = arith.index_cast %mul3A_96 : i32 to index
        %swap3A_102 = arith.constant 0 : index
        %swap3A_103 = vector.load %arg8[%swap3A_101, %swap3A_102] : memref<5888x1024xf32, #tpu.memory_space<vmem>>, vector<256x1024xf32>
        tpu.vector_store %arg8[%swap3A_101, %swap3A_102], %add3A_100 {strides = array<i32>} : memref<5888x1024xf32, #tpu.memory_space<vmem>>, vector<256x1024xf32>,
      } else {
      }
    } else {
    }
    return
  }
  func.func @transform_0(%arg0: i32, %arg1: i32, %arg2: memref<32xi32, #tpu.memory_space<smem>>) -> (i32, i32) {
    %c0_i32 = arith.constant 0 : i32
    %c0_i32_0 = arith.constant 0 : i32
    %c0_i32_1 = arith.constant 0 : i32
    return %c0_i32, %c0_i32_0 : i32, i32
  }
  func.func @transform_4(%arg0: i32, %arg1: i32, %arg2: memref<32xi32, #tpu.memory_space<smem>>) -> (i32, i32, i32) {
    %c0_i32 = arith.constant 0 : i32
    %c0_i32_0 = arith.constant 0 : i32
    %c0_i32_1 = arith.constant 0 : i32
    return %arg1, %c0_i32, %c0_i32_0 : i32, i32, i32
  }
  func.func @transform_5(%arg0: i32, %arg1: i32, %arg2: memref<32xi32, #tpu.memory_space<smem>>) -> (i32, i32) {
    %c0_i32 = arith.constant 0 : i32
    %c0_i32_0 = arith.constant 0 : i32
    %c0_i32_1 = arith.constant 0 : i32
    return %c0_i32, %c0_i32_0 : i32, i32
  }
}

</mosaic_0001>

<sc_bundles>
// kernel: kernel.5.cloned.1.call-start
scs
__scs_entry_jumppad:
0x0: {  	(pc) =	sbr.rel $0x88, $3  }
0x1: {  	(tag) =	ssettag $0x0;
	lr =	simm.s32 $0x1  }
0x2: {  	[smem:$0x3F9B] =	sst lr;
	_ =	strace $0xD0000000  }
0x3: {  	_ = 	snop  }
0x4: {  	_ = 	snop  }
0x5: {  	_ = 	snop  }
0x6: {  	_ = 	snop  }
0x7: {  	_ = 	snop  }
__scs_overlays_trampoline_lowered:
0x8: {  	[smem:$0x3FAA] =	sst s0  }
0x9: {  	[smem:$0x3FAB] =	sst s1  }
0xa: {  	[smem:$0x3FAC] =	sst s2  }
0xb: {  	[smem:$0x3FAD] =	sst s3  }
0xc: {  	[smem:$0x3FAE] =	sst s4  }
0xd: {  	[smem:$0x3FAF] =	sst s5  }
0xe: {  	[smem:$0x3FB0] =	sst s6  }
0xf: {  	[smem:$0x3FB1] =	sst s7  }
0x10: {  	[smem:$0x3FB2] =	sst s8  }
0x11: {  	[smem:$0x3FB3] =	sst s9;
	s0 =	simm.s32 @!p0 $0x0  }
0x12: {  	s1 =	sld [smem:$0x3F99];
	s0 =	simm.s32 @p0 $0x1  }
0x13: {  	[smem:$0x3FB4] =	sst s0;
	s0 =	simm.s32 @!p1 $0x0  }
0x14: {  	s2 =	sld [smem:$0x3F98];
	s0 =	simm.s32 @p1 $0x1  }
0x15: {  	[smem:$0x3FB5] =	sst s0;
	s0 =	simm.s32 @!p2 $0x0  }
0x16: {  	s3 =	sld [smem:$0x3FDB];
	s0 =	simm.s32 @p2 $0x1  }
0x17: {  	s4 =	simm.s32 $0x1BF5;
	[smem:$0x3FB7] =	sst s0  }
0x18: {  	s0 =	sld [smem:$0x3F9A];
	_ =	swait.ge [sflag:s4], $0x0  }
0x19: {  	s7 =	sld [smem:$0x3F9B]  }
0x1a: {  	s8 =	sadd.s32 $0xFFFFE003, lr  }
0x1b: {  	s9 =	sadd.s32 $0xFFFFFEF7, lr;
	s5 =	simm.s32 $0xFFFFFFFF;
	p2 =	slt.u32 s8, $0xFFFFF086  }
0x1c: {  	p1 =	slt.u32 s9, $0xF7A;
	s5 =	simm.s32 @!p2 $0x0  }
0x1d: {  	s5 =	simm.s32 @p1 $0x1;
	p0 =	seq.s32 s7, s2  }
0x1e: {  	s7 =	smul.u32 @!p0 $0xF7A, s2;
	p2 =	seq.s32 @!p0 s5, $0x0  }
0x1f: {  	s9 =	smul.u32 $0xF7A, s1;
	s8 =	simm.s32 @!p0 $0x1BF5;
	p2 =	por !p2, p0  }
0x20: {  	[sflag:s8] =	ssyncset.s32 @!p0 $0xFFFFF086;
	s6 =	sadd.s32 @!p0 s3, s7;
	s7 =	simm.s32 @!p0 $0x108  }
0x21: {  	s3 =	sadd.s32 s3, s9;
	s6 =	sadd.s32 @!p0 $0x88, s6;
	s7 =	simm.s32 @p2 $0x1082  }
0x22: {  	[simem:s7], [sflag:s8] =	dma.local @!p0 [hbm:s6], $0xF7A  }
0x23: {  	s9 =	sor.u32 $0xD0000000, s2;
	s6 =	simm.s32 $0x108;
	_ =	swait.ge @!p0 [sflag:s8], $0x0  }
0x24: {  	s3 =	sadd.s32 $0x88, s3;
	s6 =	simm.s32 @!p1 $0x1082;
	[sflag:s4] =	ssyncset.s32 $0xFFFFF086  }
0x25: {  	[simem:s6], [sflag:s4] =	dma.local [hbm:s3], $0xF7A  }
0x26: {  	[smem:$0x3F9B] =	sst s1;
	(tag) =	ssettag s2;
	_ =	strace s9  }
0x27: {  	s1 =	sld [smem:$0x3FAB]  }
0x28: {  	s2 =	sld [smem:$0x3FAC]  }
0x29: {  	s4 =	sld [smem:$0x3FAE]  }
0x2a: {  	p0 =	seq.s32 s5, $0x0;
	s5 =	sld [smem:$0x3FAF]  }
0x2b: {  	s6 =	sld [smem:$0x3FB0]  }
0x2c: {  	s7 =	sld [smem:$0x3FB1]  }
0x2d: {  	s3 =	simm.s32 $0x108;
	s8 =	sld [smem:$0x3FB2]  }
0x2e: {  	s3 =	simm.s32 @!p0 $0x1082;
	s9 =	sld [smem:$0x3FB3]  }
0x2f: {  	lr =	sadd.s32 s0, s3;
	s0 =	sld [smem:$0x3FAA]  }
0x30: {  	s3 =	sld [smem:$0x3FAD]  }
0x31: {  	[smem:$0x3FB6] =	sst s10  }
0x32: {  	s10 =	sld [smem:$0x3FB4];
	_ =	sdelay $0x3  }
0x33: {  	p0 =	seq.s32 s10, $0x1;
	s10 =	sld [smem:$0x3FB6];
	_ =	sdelay $0x3  }
0x34: {  	[smem:$0x3FB6] =	sst s10  }
0x35: {  	s10 =	sld [smem:$0x3FB5];
	_ =	sdelay $0x3  }
0x36: {  	p1 =	seq.s32 s10, $0x1;
	s10 =	sld [smem:$0x3FB6];
	_ =	sdelay $0x3  }
0x37: {  	[smem:$0x3FB6] =	sst s10  }
0x38: {  	s10 =	sld [smem:$0x3FB7]  }
0x39: {  	_ = 	snop;
	(pc) =	sbr.ind lr, $3  }
0x3a: {  	_ = 	snop  }
0x3b: {  	_ = 	snop  }
0x3c: {  	p2 =	seq.s32 s10, $0x1;
	s10 =	sld [smem:$0x3FB6]  }
0x3d: {  	_ =	shalt  }
0x3e: {  	_ =	shalt  }
0x3f: {  	_ =	shalt  }
0x40: {  	_ =	shalt  }
0x41: {  	_ =	shalt  }
0x42: {  	_ =	shalt  }
0x43: {  	_ =	shalt  }
0x44: {  	_ =	shalt  }
0x45: {  	_ =	shalt  }
0x46: {  	_ =	shalt  }
0x47: {  	_ =	shalt  }
0x48: {  	_ =	shalt  }
0x49: {  	_ =	shalt  }
0x4a: {  	_ =	shalt  }
0x4b: {  	_ =	shalt  }
0x4c: {  	_ =	shalt  }
0x4d: {  	_ =	shalt  }
0x4e: {  	_ =	shalt  }
0x4f: {  	_ =	shalt  }
0x50: {  	_ =	shalt  }
0x51: {  	_ =	shalt  }
0x52: {  	_ =	shalt  }
0x53: {  	_ =	shalt  }
0x54: {  	_ =	shalt  }
0x55: {  	_ =	shalt  }
0x56: {  	_ =	shalt  }
0x57: {  	_ =	shalt  }
0x58: {  	_ =	shalt  }
0x59: {  	_ =	shalt  }
0x5a: {  	_ =	shalt  }
0x5b: {  	_ =	shalt  }
0x5c: {  	_ =	shalt  }
0x5d: {  	_ =	shalt  }
0x5e: {  	_ =	shalt  }
0x5f: {  	_ =	shalt  }
0x60: {  	_ =	shalt  }
0x61: {  	_ =	shalt  }
0x62: {  	_ =	shalt  }
0x63: {  	_ =	shalt  }
0x64: {  	_ =	shalt  }
0x65: {  	_ =	shalt  }
0x66: {  	_ =	shalt  }
0x67: {  	_ =	shalt  }
0x68: {  	_ =	shalt  }
0x69: {  	_ =	shalt  }
0x6a: {  	_ =	shalt  }
0x6b: {  	_ =	shalt  }
0x6c: {  	_ =	shalt  }
0x6d: {  	_ =	shalt  }
0x6e: {  	_ =	shalt  }
0x6f: {  	_ =	shalt  }
0x70: {  	_ =	shalt  }
0x71: {  	_ =	shalt  }
0x72: {  	_ =	shalt  }
0x73: {  	_ =	shalt  }
0x74: {  	_ =	shalt  }
0x75: {  	_ =	shalt  }
0x76: {  	_ =	shalt  }
0x77: {  	_ =	shalt  }
0x78: {  	_ =	shalt  }
0x79: {  	_ =	shalt  }
0x7a: {  	_ =	shalt  }
0x7b: {  	_ =	shalt  }
0x7c: {  	_ =	shalt  }
0x7d: {  	_ =	shalt  }
0x7e: {  	_ =	shalt  }
0x7f: {  	_ =	shalt  }
0x80: {  	_ =	shalt  }
0x81: {  	_ =	shalt  }
0x82: {  	_ =	shalt  }
0x83: {  	_ =	shalt  }
0x84: {  	_ =	shalt  }
0x85: {  	_ =	shalt  }
0x86: {  	_ =	shalt  }
0x87: {  	_ =	shalt  }
.Lfunc_end0:
.L_simem_size_0:
called_computation_lowered:
.L_overlay_start_0:
0x88: {  	s2 =	sld [smem:$0x3FD9]  }
0x89: {  	s3 =	sld [smem:$0x3FFE];
	_ =	sdelay $0x1  }
0x8a: {  	s1 =	srdreg.scid  }
0x8b: {  	s0 =	sand.u32 $0x1, s1  }
0x8c: {  	s17 =	sshll.u32 s0, $0xA;
	s2 =	sadd.s32 s3, s2  }
0x8d: {  	s2 =	sadd.s32 s2, s17  }
0x8e: {  	[smem:$0x3FC2] =	sst s2  }
0x8f: {  	_ = 	snop  }
0x90: {  	s2 =	sld [smem:$0x3FD0];
	(tm) =	ssettm $0x1  }
0x91: {  	s18 =	sld [smem:$0x3FFB];
	_ =	sdelay $0x3  }
0x92: {  	_ =	strace s18  }
0x93: {  	s3 =	sld [smem:$0x3FFC];
	_ =	sdelay $0x3  }
0x94: {  	_ =	strace s3  }
0x95: {  	s3 =	sld [smem:$0x3FFD];
	_ =	sdelay $0x3  }
0x96: {  	_ =	strace s3  }
0x97: {  	_ =	strace $0x8FFFFFFF  }
0x98: {  	s19 =	sld [smem:$0x3FDB];
	_ =	sdelay $0x1  }
0x99: {  	s4 =	simm.s32 $_scs_section_size  }
0x9a: {  	s5 =	simm.s32 $_size__tile_overlayer_lowered;
	s6 =	simm.s32 $_tile_overlayer_lowered  }
0x9b: {  	s22 =	simm.s32 $0x1BFF;
	s21 =	sshll.u32 s6, $0x1;
	s3 =	sadd.s32 s4, s19  }
0x9c: {  	s7 =	simm.s32 $0x0;
	s20 =	sshll.u32 s5, $0x1;
	s5 =	sadd.s32 s21, s3  }
0x9d: {  	[timem:s7], [sflag:s22] =	dma.local [hbm:s5], s20  }
0x9e: {  	_ =	swait.ge [sflag:s22], s20  }
0x9f: {  	s4 =	ssub.s32 $0x0, s20;
	[sflag:s22] =	ssyncset.done $0x0  }
0xa0: {  	[sflag:s22] =	ssyncadd.s32 s4;
	_ =	sdelay $0x1  }
0xa1: {  	s23 =	simm.s32 $0x1B8B  }
0xa2: {  	_ =	swait.ge [sflag:s23], $0x1  }
0xa3: {  	[sflag:s23] =	ssyncset.done $0x0  }
0xa4: {  	s25 =	simm.s32 $0x1B8E;
	s24 =	sld [smem:$0x3FFE];
	[sflag:s23] =	ssyncadd.s32 $0xFFFFFFFF  }
0xa5: {  	s26 =	simm.s32 $execute0_lowered;
	[smem:$0x3FD2] =	sst s25  }
0xa6: {  	s5 =	sshll.u32 s26, $0x1;
	_ =	strace $0x80000046;
	[dreg:$0x1] =	wrdreg $0xFFFFFFFF  }
0xa7: {  	s28 =	simm.s32 $_size_execute0_lowered;
	s3 =	sadd.s32 s3, s5;
	[dreg:$0x0] =	wrdreg $0x0  }
0xa8: {  	s5 =	sshll.u32 s28, $0x1;
	[dreg:$0x2] =	wrdreg s3  }
0xa9: {  	[dreg:$0x3] =	wrdreg s5  }
0xaa: {  	[dreg:$0x4] =	wrdreg $0xC0  }
0xab: {  	_ =	task [dreg:s7], $0x5FFFF  }
0xac: {  	[dreg:$0x1] =	wrdreg $0xFFFFFFFF  }
0xad: {  	[dreg:$0x0] =	wrdreg $0x60  }
0xae: {  	[dreg:$0x2] =	wrdreg s24  }
0xaf: {  	[dreg:$0x3] =	wrdreg s2  }
0xb0: {  	[dreg:$0x4] =	wrdreg $0x9  }
0xb1: {  	_ =	task.clear_ibuf [dreg:s7], $0x5FFFF;
	_ =	strace $0x90000046  }
0xb2: {  	s29 =	simm.s32 $0x9;
	_ =	strace $0x80000048  }
0xb3: {  	_ =	swait.ge [sflag:s29], $0x1  }
0xb4: {  	[sflag:s29] =	ssyncadd.s32 $0xFFFFFFFF  }
0xb5: {  	_ =	strace $0x90000048  }
0xb6: {  	_ =	sfence  }
0xb7: {  	s30 =	sld [smem:$0x0];
	_ =	sdelay $0x2  }
0xb8: {  	s31 =	sshll.u32 s1, $0xD;
	s1 =	sshrl.u32 s1, $0x2  }
0xb9: {  	s3 =	sand.u32 $0x4000, s31;
	s1 =	sadd.s32 s1, s30  }
0xba: {  	s0 =	sor.u32 s3, s0;
	s1 =	sshll.u32 s1, $0x11  }
0xbb: {  	s0 =	sor.u32 s1, s0  }
0xbc: {  	s0 =	sadd.s32 $0x8F2B, s0  }
0xbd: {  	[sflag:s0] =	ssyncadd.remote.s32 $0x1  }
0xbe: {  	_ =	sfence.sel $0xFFFF  }
0xbf: {  	[dreg:$0x0] =	wrdreg $0xFFFFFFFF;
	(pc) =	sbr.abs _section_cstart, $3  }
0xc0: {  	[dreg:$0x1] =	wrdreg $0xFFFFFFFF  }
0xc1: {  	_ =	task.clear_ibuf [dreg:s7], $0x2FFFF;
	_ =	strace $0x9FFFFFFF  }
0xc2: {  	(tm) =	ssettm $0x7FFFFFFF  }
0xc3: {  	_ =	shalt  }
tec
execute0_lowered:
.L_overlay_start_1:
0x0: {  	(tag) =	ssettag $0x1  }
0x1: {  	s0 =	rddreg [dreg:$0x0]  }
0x2: {  	s2 =	rddreg [dreg:$0x1];
	s1 =	simm.s32 $0x0;
	s4 =	srdreg.scid  }
0x3: {  	s24 =	stileid.u32;
	s13 =	simm.s32 $0x2;
	s15 =	simm.s32 $0x2000  }
0x4: {  	s16 =	simm.s32 $0x3000;
	s20 =	simm.s32 $0x4780;
	s28 =	simm.s32 $0x6F80  }
0x5: {  	s29 =	simm.s32 $0x7780;
	s30 =	simm.s32 $0x7F80;
	s31 =	simm.s32 $0x8780  }
0x6: {  	s19 =	simm.s32 $0x9780;
	s14 =	simm.s32 $0x9F80;
	s17 =	simm.s32 $0xA780  }
0x7: {  	s18 =	simm.s32 $0xAF80;
	[smem:$0x7FF] =	sst s1;
	s3 =	sadd.s32 $0xC00, s0  }
0x8: {  	s21 =	sadd.s32 $0xE00, s0;
	s22 =	sadd.s32 $0x5D600, s0;
	s5 =	sadd.s32 $0x1000, s0  }
0x9: {  	s23 =	sadd.s32 $0x1400, s0;
	_ =	strace $0x80000047;
	[dreg:$0x3] =	wrdreg s3  }
0xa: {  	s4 =	sand.u32 $0x1, s4;
	s6 =	sadd.s32 $0x1600, s0;
	[dreg:$0x4] =	wrdreg s21  }
0xb: {  	s10 =	sshll.u32 s24, $0x5;
	s26 =	sshll.u32 s24, $0xD;
	[dreg:$0x5] =	wrdreg s5  }
0xc: {  	p0 =	sne.s32 s24, $0x0;
	s24 =	simm.s32 $0x5780;
	[dreg:$0x6] =	wrdreg s23  }
0xd: {  	s7 =	ssub.s32 $0x2, s4;
	s9 =	sshll.u32 s4, $0x3;
	s25 =	sshll.u32 s4, $0x4  }
0xe: {  	s11 =	sshll.u32 s4, $0xC;
	p1 =	sne.s32 s4, $0x0;
	s23 =	simm.s32 $0xC800  }
0xf: {  	s4 =	simm.s32 $0xB780;
	s5 =	simm.s32 $0xBF80;
	s3 =	simm.s32 $0x0  }
0x10: {  	s8 =	sshrl.u32 s7, $0x1;
	s9 =	sor.u32 s9, s10;
	s10 =	sor.u32 s11, s26  }
.Ltmp0:
0x11: {  	s11 =	sadd.s32 $0x1700, s0;
	s26 =	simm.s32 $0x6780;
	(pc) =	sbr.rel .LBB2_1-.Ltmp0, $4  }
0x12: {  	s0 =	simm.s32 $0x8F80;
	s7 =	ssub.s32 s7, s8;
	s8 =	sadd.s32 s22, s25  }
0x13: {  	v0 =	vlaneseq.u32;
	s9 =	sor.u32 s25, s9;
	s25 =	simm.s32 $0x5F80;
	[dreg:$0x7] =	wrdreg s8  }
0x14: {  	v1 =	vimm.f32 $0.0e+00;
	v2 =	vimm.s32 $0x0;
	v4 =	vand.u32 $0x1, v0;
	s8 =	sadd.s32 s22, s9;
	s9 =	sadd.s32 s2, s10;
	s12 =	smax.u32 s7, $0x1  }
0x15: {  	vm0 =	vcmask $0x1F24;
	v3 =	vor.u32 $0x10, v0;
	v4 =	vmul.u32 $0x800, v4;
	s22 =	simm.s32 $0xC780;
	s2 =	simm.s32 $0x1;
	s10 =	sadd.s32 $0x200, s8  }
.LBB2_22:
0x16: {  	[bflag:$0x0] =	sbarrier.arrive $0xFFFF  }
0x17: {  	[tilespmem:s20], [sflag:$0x2] =	stream.linear.gather [hbm4b:s9+s1], $0x8000, $0x38;
	[tilespmem:$0xC880] =	vst v63  }
0x18: {  	_ =	swait.ge [sflag:s13], $0x8000  }
0x19: {  	[sflag:s13] =	ssyncset.done $0x0  }
0x1a: {  	[sflag:s13] =	ssyncadd.s32 $0xFFFF8000  }
0x1b: {  	[tilespmem:s22], [sflag:$0x2] =	stream.linear.gather [hbm4b:s8+s1], $0x40, $0x38;
	[tilespmem:$0xC880] =	vst v63  }
0x1c: {  	_ =	swait.ge [sflag:s13], $0x40  }
0x1d: {  	[sflag:s13] =	ssyncset.done $0x0  }
0x1e: {  	[sflag:s13] =	ssyncadd.s32 $0xFFFFFFC0  }
0x1f: {  	[tilespmem:s23], [sflag:$0x2] =	stream.linear.gather [hbm4b:s10+s1], $0x40, $0x38;
	[tilespmem:$0xC880] =	vst v63  }
0x20: {  	_ =	swait.ge [sflag:s13], $0x40  }
0x21: {  	[sflag:s13] =	ssyncset.done $0x0  }
0x22: {  	[sflag:s13] =	ssyncadd.s32 $0xFFFFFFC0  }
0x23: {  	v5 =	vld [tilespmem:$0xC780];
	_ =	sdelay $0x4  }
0x24: {  	v6 =	vshll.u32 v5, $0x2  }
0x25: {  	v5 =	vand.u32 $0x7, v5;
	v6 =	vand.u32 $0xFFFFFFE0, v6  }
0x26: {  	v7 =	vshrl.u32 v0, $0x3;
	v5 =	vor.u32 v5, v6;
	v6 =	vand.u32 $0x7, v0  }
0x27: {  	v7 =	vmul.u32 $0x8, v7;
	v8 =	vperm.xlane v5, v6;
	_ =	sdelay $0x1  }
0x28: {  	v8 =	vadd.s32 v7, v8  }
0x29: {  	v9 =	vor.u32 $0x8, v0  }
0x2a: {  	v5 =	vperm.xlane v5, v9;
	_ =	sdelay $0x1  }
0x2b: {  	vm1 =	vmmov $0xffff;
	v5 =	vadd.s32 v7, v5  }
0x2c: {  	[hbm4b:s6+s1] =	stream.indirect_vreg.scatter [tilespmem:s20], [sflag:$0x1], $0x80, v8, vm1, $0xb8;
	[tilespmem:$0xC880] =	vst v63  }
0x2d: {  	s7 =	simm.s32 $0x4F80  }
0x2e: {  	[hbm4b:s11+s1] =	stream.indirect_vreg.scatter [tilespmem:s7], [sflag:$0x1], $0x80, v8, vm1, $0xb8;
	[tilespmem:$0xC880] =	vst v63  }
0x2f: {  	_ = 	snop  }
0x30: {  	[hbm4b:s6+s1] =	stream.indirect_vreg.scatter [tilespmem:s24], [sflag:$0x1], $0x80, v5, vm1, $0xb8;
	[tilespmem:$0xC880] =	vst v63  }
0x31: {  	_ = 	snop  }
0x32: {  	[hbm4b:s11+s1] =	stream.indirect_vreg.scatter [tilespmem:s25], [sflag:$0x1], $0x80, v5, vm1, $0xb8;
	[tilespmem:$0xC880] =	vst v63  }
0x33: {  	v5 =	vld [tilespmem:$0xC790];
	_ =	sdelay $0x4  }
0x34: {  	v57 =	vshll.u32 v5, $0x2  }
0x35: {  	v5 =	vand.u32 $0x7, v5;
	v8 =	vand.u32 $0xFFFFFFE0, v57  }
0x36: {  	v5 =	vor.u32 v5, v8  }
0x37: {  	v8 =	vperm.xlane v5, v6;
	_ =	sdelay $0x1  }
0x38: {  	v8 =	vadd.s32 v7, v8;
	_ =	sdelay $0x1  }
0x39: {  	v5 =	vperm.xlane v5, v9;
	_ =	sdelay $0x1  }
0x3a: {  	v5 =	vadd.s32 v7, v5  }
0x3b: {  	[hbm4b:s6+s1] =	stream.indirect_vreg.scatter [tilespmem:s26], [sflag:$0x1], $0x80, v8, vm1, $0xb8;
	[tilespmem:$0xC880] =	vst v63  }
0x3c: {  	_ = 	snop  }
0x3d: {  	[hbm4b:s11+s1] =	stream.indirect_vreg.scatter [tilespmem:s28], [sflag:$0x1], $0x80, v8, vm1, $0xb8;
	[tilespmem:$0xC880] =	vst v63  }
0x3e: {  	_ = 	snop  }
0x3f: {  	[hbm4b:s6+s1] =	stream.indirect_vreg.scatter [tilespmem:s29], [sflag:$0x1], $0x80, v5, vm1, $0xb8;
	[tilespmem:$0xC880] =	vst v63  }
0x40: {  	_ = 	snop  }
0x41: {  	[hbm4b:s11+s1] =	stream.indirect_vreg.scatter [tilespmem:s30], [sflag:$0x1], $0x80, v5, vm1, $0xb8;
	[tilespmem:$0xC880] =	vst v63  }
0x42: {  	v5 =	vld [tilespmem:$0xC7A0];
	_ =	sdelay $0x4  }
0x43: {  	v58 =	vshll.u32 v5, $0x2  }
0x44: {  	v5 =	vand.u32 $0x7, v5;
	v8 =	vand.u32 $0xFFFFFFE0, v58  }
0x45: {  	v5 =	vor.u32 v5, v8  }
0x46: {  	v8 =	vperm.xlane v5, v6;
	_ =	sdelay $0x1  }
0x47: {  	v8 =	vadd.s32 v7, v8;
	_ =	sdelay $0x1  }
0x48: {  	v5 =	vperm.xlane v5, v9;
	_ =	sdelay $0x1  }
0x49: {  	v5 =	vadd.s32 v7, v5  }
0x4a: {  	[hbm4b:s6+s1] =	stream.indirect_vreg.scatter [tilespmem:s31], [sflag:$0x1], $0x80, v8, vm1, $0xb8;
	[tilespmem:$0xC880] =	vst v63  }
0x4b: {  	_ = 	snop  }
0x4c: {  	[hbm4b:s11+s1] =	stream.indirect_vreg.scatter [tilespmem:s0], [sflag:$0x1], $0x80, v8, vm1, $0xb8;
	[tilespmem:$0xC880] =	vst v63  }
0x4d: {  	_ = 	snop  }
0x4e: {  	[hbm4b:s6+s1] =	stream.indirect_vreg.scatter [tilespmem:s19], [sflag:$0x1], $0x80, v5, vm1, $0xb8;
	[tilespmem:$0xC880] =	vst v63  }
0x4f: {  	_ = 	snop  }
0x50: {  	[hbm4b:s11+s1] =	stream.indirect_vreg.scatter [tilespmem:s14], [sflag:$0x1], $0x80, v5, vm1, $0xb8;
	[tilespmem:$0xC880] =	vst v63  }
0x51: {  	v5 =	vld [tilespmem:$0xC7B0];
	_ =	sdelay $0x4  }
0x52: {  	v59 =	vshll.u32 v5, $0x2  }
0x53: {  	v5 =	vand.u32 $0x7, v5;
	v8 =	vand.u32 $0xFFFFFFE0, v59  }
0x54: {  	v5 =	vor.u32 v5, v8  }
0x55: {  	v8 =	vperm.xlane v5, v6;
	_ =	sdelay $0x1  }
0x56: {  	v8 =	vadd.s32 v7, v8;
	_ =	sdelay $0x1  }
0x57: {  	v5 =	vperm.xlane v5, v9;
	_ =	sdelay $0x1  }
0x58: {  	v5 =	vadd.s32 v7, v5  }
0x59: {  	[hbm4b:s6+s1] =	stream.indirect_vreg.scatter [tilespmem:s17], [sflag:$0x1], $0x80, v8, vm1, $0xb8;
	[tilespmem:$0xC880] =	vst v63  }
0x5a: {  	_ = 	snop  }
0x5b: {  	[hbm4b:s11+s1] =	stream.indirect_vreg.scatter [tilespmem:s18], [sflag:$0x1], $0x80, v8, vm1, $0xb8;
	[tilespmem:$0xC880] =	vst v63  }
0x5c: {  	_ = 	snop  }
0x5d: {  	[hbm4b:s6+s1] =	stream.indirect_vreg.scatter [tilespmem:s4], [sflag:$0x1], $0x80, v5, vm1, $0xb8;
	[tilespmem:$0xC880] =	vst v63  }
0x5e: {  	_ = 	snop  }
0x5f: {  	[hbm4b:s11+s1] =	stream.indirect_vreg.scatter [tilespmem:s5], [sflag:$0x1], $0x80, v5, vm1, $0xb8;
	[tilespmem:$0xC880] =	vst v63  }
0x60: {  	_ =	swait.ge [sflag:s2], $0x8000  }
0x61: {  	[sflag:s2] =	ssyncset.done $0x0  }
0x62: {  	[sflag:s2] =	ssyncadd.s32 $0xFFFF8000  }
0x63: {  	v5 =	vld [tilespmem:$0xC800];
	_ =	sdelay $0x4  }
0x64: {  	v60 =	vshll.u32 v5, $0x2  }
0x65: {  	v5 =	vand.u32 $0x7, v5;
	v8 =	vand.u32 $0xFFFFFFE0, v60  }
0x66: {  	v5 =	vor.u32 v5, v8  }
0x67: {  	v8 =	vperm.xlane v5, v6;
	_ =	sdelay $0x1  }
0x68: {  	v8 =	vadd.s32 v7, v8;
	_ =	sdelay $0x1  }
0x69: {  	v5 =	vperm.xlane v5, v9;
	_ =	sdelay $0x1  }
0x6a: {  	v5 =	vadd.s32 v7, v5  }
0x6b: {  	[hbm4b:s6+s1] =	stream.indirect_vreg.scatter [tilespmem:s20], [sflag:$0x1], $0x80, v8, vm1, $0xb8;
	[tilespmem:$0xC880] =	vst v63  }
0x6c: {  	_ = 	snop  }
0x6d: {  	[hbm4b:s11+s1] =	stream.indirect_vreg.scatter [tilespmem:s7], [sflag:$0x1], $0x80, v8, vm1, $0xb8;
	[tilespmem:$0xC880] =	vst v63  }
0x6e: {  	_ = 	snop  }
0x6f: {  	[hbm4b:s6+s1] =	stream.indirect_vreg.scatter [tilespmem:s24], [sflag:$0x1], $0x80, v5, vm1, $0xb8;
	[tilespmem:$0xC880] =	vst v63  }
0x70: {  	_ = 	snop  }
0x71: {  	[hbm4b:s11+s1] =	stream.indirect_vreg.scatter [tilespmem:s25], [sflag:$0x1], $0x80, v5, vm1, $0xb8;
	[tilespmem:$0xC880] =	vst v63  }
0x72: {  	v5 =	vld [tilespmem:$0xC810];
	_ =	sdelay $0x4  }
0x73: {  	v61 =	vshll.u32 v5, $0x2  }
0x74: {  	v5 =	vand.u32 $0x7, v5;
	v8 =	vand.u32 $0xFFFFFFE0, v61  }
0x75: {  	v5 =	vor.u32 v5, v8  }
0x76: {  	v8 =	vperm.xlane v5, v6;
	_ =	sdelay $0x1  }
0x77: {  	v8 =	vadd.s32 v7, v8;
	_ =	sdelay $0x1  }
0x78: {  	v5 =	vperm.xlane v5, v9;
	_ =	sdelay $0x1  }
0x79: {  	v5 =	vadd.s32 v7, v5  }
0x7a: {  	[hbm4b:s6+s1] =	stream.indirect_vreg.scatter [tilespmem:s26], [sflag:$0x1], $0x80, v8, vm1, $0xb8;
	[tilespmem:$0xC880] =	vst v63  }
0x7b: {  	_ = 	snop  }
0x7c: {  	[hbm4b:s11+s1] =	stream.indirect_vreg.scatter [tilespmem:s28], [sflag:$0x1], $0x80, v8, vm1, $0xb8;
	[tilespmem:$0xC880] =	vst v63  }
0x7d: {  	_ = 	snop  }
0x7e: {  	[hbm4b:s6+s1] =	stream.indirect_vreg.scatter [tilespmem:s29], [sflag:$0x1], $0x80, v5, vm1, $0xb8;
	[tilespmem:$0xC880] =	vst v63  }
0x7f: {  	_ = 	snop  }
0x80: {  	[hbm4b:s11+s1] =	stream.indirect_vreg.scatter [tilespmem:s30], [sflag:$0x1], $0x80, v5, vm1, $0xb8;
	[tilespmem:$0xC880] =	vst v63  }
0x81: {  	v5 =	vld [tilespmem:$0xC820];
	_ =	sdelay $0x4  }
0x82: {  	v62 =	vshll.u32 v5, $0x2  }
0x83: {  	v5 =	vand.u32 $0x7, v5;
	v8 =	vand.u32 $0xFFFFFFE0, v62  }
0x84: {  	v5 =	vor.u32 v5, v8  }
0x85: {  	v8 =	vperm.xlane v5, v6;
	_ =	sdelay $0x1  }
0x86: {  	v8 =	vadd.s32 v7, v8;
	_ =	sdelay $0x1  }
0x87: {  	v5 =	vperm.xlane v5, v9;
	_ =	sdelay $0x1  }
0x88: {  	v5 =	vadd.s32 v7, v5  }
0x89: {  	[hbm4b:s6+s1] =	stream.indirect_vreg.scatter [tilespmem:s31], [sflag:$0x1], $0x80, v8, vm1, $0xb8;
	[tilespmem:$0xC880] =	vst v63  }
0x8a: {  	_ = 	snop  }
0x8b: {  	[hbm4b:s11+s1] =	stream.indirect_vreg.scatter [tilespmem:s0], [sflag:$0x1], $0x80, v8, vm1, $0xb8;
	[tilespmem:$0xC880] =	vst v63  }
0x8c: {  	_ = 	snop  }
0x8d: {  	[hbm4b:s6+s1] =	stream.indirect_vreg.scatter [tilespmem:s19], [sflag:$0x1], $0x80, v5, vm1, $0xb8;
	[tilespmem:$0xC880] =	vst v63  }
0x8e: {  	_ = 	snop  }
0x8f: {  	[hbm4b:s11+s1] =	stream.indirect_vreg.scatter [tilespmem:s14], [sflag:$0x1], $0x80, v5, vm1, $0xb8;
	[tilespmem:$0xC880] =	vst v63  }
0x90: {  	v5 =	vld [tilespmem:$0xC830];
	_ =	sdelay $0x4  }
0x91: {  	v63 =	vshll.u32 v5, $0x2  }
0x92: {  	v5 =	vand.u32 $0x7, v5;
	v8 =	vand.u32 $0xFFFFFFE0, v63  }
0x93: {  	v5 =	vor.u32 v5, v8  }
0x94: {  	v6 =	vperm.xlane v5, v6;
	_ =	sdelay $0x1  }
0x95: {  	v6 =	vadd.s32 v7, v6;
	_ =	sdelay $0x1  }
0x96: {  	v5 =	vperm.xlane v5, v9;
	_ =	sdelay $0x1  }
0x97: {  	v5 =	vadd.s32 v7, v5  }
0x98: {  	[hbm4b:s6+s1] =	stream.indirect_vreg.scatter [tilespmem:s17], [sflag:$0x1], $0x80, v6, vm1, $0xb8;
	[tilespmem:$0xC880] =	vst v63  }
0x99: {  	s3 =	sadd.s32 $0x1, s3  }
0x9a: {  	[hbm4b:s11+s1] =	stream.indirect_vreg.scatter [tilespmem:s18], [sflag:$0x1], $0x80, v6, vm1, $0xb8;
	[tilespmem:$0xC880] =	vst v63  }
0x9b: {  	p2 =	sne.s32 s3, s12  }
0x9c: {  	[hbm4b:s6+s1] =	stream.indirect_vreg.scatter [tilespmem:s4], [sflag:$0x1], $0x80, v5, vm1, $0xb8;
	[tilespmem:$0xC880] =	vst v63  }
.Ltmp1:
0x9d: {  	_ = 	snop;
	(pc) =	sbr.rel @!p2 .LBB2_23-.Ltmp1, $4  }
0x9e: {  	[hbm4b:s11+s1] =	stream.indirect_vreg.scatter [tilespmem:s5], [sflag:$0x1], $0x80, v5, vm1, $0xb8;
	[tilespmem:$0xC880] =	vst v63  }
0x9f: {  	_ =	swait.ge [sflag:s2], $0x8000  }
0xa0: {  	[sflag:s2] =	ssyncset.done $0x0  }
0xa1: {  	[sflag:s2] =	ssyncadd.s32 $0xFFFF8000  }
.LBB2_1:
.Ltmp2:
0xa2: {  	(pc) =	sbr.rel @p0 .LBB2_22-.Ltmp2, $1  }
0xa3: {  	_ =	sdelay $0x3  }
0xa4: {  	s22 =	simm.s32 $0x0;
	s7 =	rddreg [dreg:$0x3]  }
0xa5: {  	[tilespmem:s22], [sflag:$0x2] =	stream.linear.gather [hbm4b:s7+s22], $0x1000, $0x38;
	[tilespmem:$0xC880] =	vst v63  }
0xa6: {  	_ =	swait.ge [sflag:s13], $0x1000  }
0xa7: {  	[sflag:s13] =	ssyncset.done $0x0  }
0xa8: {  	s21 =	simm.s32 $0x1000;
	s23 =	rddreg [dreg:$0x4];
	[sflag:s13] =	ssyncadd.s32 $0xFFFFF000  }
0xa9: {  	[tilespmem:s21], [sflag:$0x2] =	stream.linear.gather [hbm4b:s23+s22], $0x1000, $0x38;
	[tilespmem:$0xC880] =	vst v63  }
0xaa: {  	_ =	swait.ge [sflag:s13], $0x1000  }
0xab: {  	[sflag:s13] =	ssyncset.done $0x0  }
0xac: {  	s7 =	simm.s32 $0x0;
	[sflag:s13] =	ssyncadd.s32 $0xFFFFF000  }
.LBB2_3:
0xad: {  	p2 =	sne.s32 s7, $0x5BC0  }
.Ltmp3:
0xae: {  	_ = 	snop;
	(pc) =	sbr.rel @p2 .LBB2_3-.Ltmp3, $3  }
0xaf: {  	_ =	sdelay $0x1  }
0xb0: {  	s21 =	sshra.s32 s7, $0x2  }
0xb1: {  	s7 =	sadd.s32 $0x40, s7;
	[tilespmem:s21+$0x3000] =	vst v1  }
0xb2: {  	s7 =	simm.s32 $0x10  }
0xb3: {  	v5 =	vld [tilespmem:s7+$0xFFFFFFF0];
	_ =	sdelay $0x4  }
0xb4: {  	vm2 =	veq.s32 v5, $0x0  }
0xb5: {  	v5 =	vsel vm2, $0x1, v2  }
0xb6: {  	v6 =	vld [tilespmem:s7+$0x0];
	(xrf0) =	vadd.scan.msk.s32 $0xffff, v5;
	_ =	sdelay $0x1  }
0xb7: {  	v5 =	vor.u32 s22, v0  }
0xb8: {  	v5 =	vshrl.u32 v5, $0x1  }
0xb9: {  	v5 =	vor.u32 v4, v5  }
0xba: {  	vm1 =	veq.s32 v6, $0x0  }
0xbb: {  	v6 =	vimm.s32 $0x0;
	v7 =	vsel vm1, $0x1, v2;
	v8, _, _ =	vpop (xrf0)  }
0xbc: {  	(xrf0) =	vadd.scan.msk.s32 $0xffff, v7;
	v8 =	vadd.s32 v8, v6  }
0xbd: {  	v7 =	vadd.s32 $0xFFFFFFFF, v8  }
0xbe: {  	s21 =	simm.s32 $0x1010;
	v8 =	vor.u32 s22, v3;
	[tilespmem:v5+s15+$0x0] =	vst.idx.msk vm2, v7  }
0xbf: {  	v5 =	vshrl.u32 v8, $0x1;
	v8 =	vld [tilespmem:s21+$0xFFFFFFF0]  }
0xc0: {  	v9 =	vmpcnt.ones.xlane vm2;
	v5 =	vor.u32 v4, v5;
	_ =	sdelay $0x1  }
0xc1: {  	v9 =	vadd.s32 v6, v9;
	v6, _, _ =	vpop (xrf0)  }
0xc2: {  	v6 =	vadd.s32 v6, v9  }
0xc3: {  	v10 =	vmpcnt.ones.xlane vm1;
	v6 =	vadd.s32 $0xFFFFFFFF, v6;
	[tilespmem:v7+s16+$0x0] =	vst.idx.msk vm2, v8  }
0xc4: {  	[tilespmem:v5+s15+$0x0] =	vst.idx.msk vm1, v6  }
0xc5: {  	s22 =	simm.s32 $0x20;
	v5 =	vadd.s32 v9, v10;
	v7 =	vld [tilespmem:s21+$0x0]  }
.LBB2_5:
0xc6: {  	_ =	sdelay $0x3  }
0xc7: {  	p2 =	sne.s32 s22, $0xFE0;
	s21 =	sadd.s32 $0x20, s21;
	s7 =	sadd.s32 $0x20, s7;
	[tilespmem:v6+s16+$0x0] =	vst.idx.msk vm1, v7  }
0xc8: {  	s23 =	smov.u32 s22;
	s22 =	sadd.s32 $0x20, s22;
	v6 =	vld [tilespmem:s7+$0xFFFFFFF0];
	_ =	sdelay $0x4  }
0xc9: {  	vm2 =	veq.s32 v6, $0x0  }
0xca: {  	v6 =	vsel vm2, $0x1, v2;
	v7 =	vmpcnt.ones.xlane vm2  }
0xcb: {  	v8 =	vld [tilespmem:s7+$0x0];
	(xrf0) =	vadd.scan.msk.s32 $0xffff, v6;
	_ =	sdelay $0x1  }
0xcc: {  	v6 =	vor.u32 s23, v0  }
0xcd: {  	v6 =	vshrl.u32 v6, $0x1  }
0xce: {  	v6 =	vor.u32 v4, v6  }
0xcf: {  	vm1 =	veq.s32 v8, $0x0  }
0xd0: {  	v8 =	vsel vm1, $0x1, v2;
	v9, _, _ =	vpop (xrf0)  }
0xd1: {  	v9 =	vadd.s32 v9, v5;
	(xrf0) =	vadd.scan.msk.s32 $0xffff, v8  }
0xd2: {  	v8 =	vadd.s32 $0xFFFFFFFF, v9  }
0xd3: {  	v9 =	vor.u32 s23, v3;
	[tilespmem:v6+s15+$0x0] =	vst.idx.msk vm2, v8  }
0xd4: {  	v6 =	vshrl.u32 v9, $0x1;
	v9 =	vld [tilespmem:s21+$0xFFFFFFF0]  }
0xd5: {  	v10 =	vor.u32 v4, v6  }
0xd6: {  	v6 =	vmpcnt.ones.xlane vm1  }
.Ltmp4:
0xd7: {  	v5 =	vadd.s32 v5, v7;
	v7, _, _ =	vpop (xrf0);
	(pc) =	sbr.rel @p2 .LBB2_5-.Ltmp4, $4  }
0xd8: {  	v7 =	vadd.s32 v7, v5;
	v5 =	vadd.s32 v5, v6  }
0xd9: {  	v6 =	vadd.s32 $0xFFFFFFFF, v7;
	[tilespmem:v8+s16+$0x0] =	vst.idx.msk vm2, v9  }
0xda: {  	[tilespmem:v10+s15+$0x0] =	vst.idx.msk vm1, v6  }
0xdb: {  	v7 =	vld [tilespmem:s21+$0x0]  }
0xdc: {  	_ =	sdelay $0x4  }
0xdd: {  	s7 =	simm.s32 $0x10;
	[tilespmem:v6+s16+$0x0] =	vst.idx.msk vm1, v7  }
0xde: {  	v6 =	vld [tilespmem:s7+$0xFFFFFFF0];
	_ =	sdelay $0x4  }
0xdf: {  	vm2 =	veq.s32 v6, $0x1  }
0xe0: {  	v6 =	vsel vm2, $0x1, v2  }
0xe1: {  	s22 =	simm.s32 $0x0;
	v8 =	vld [tilespmem:s7+$0x0];
	(xrf0) =	vadd.scan.msk.s32 $0xffff, v6  }
0xe2: {  	v6 =	vor.u32 s22, v0  }
0xe3: {  	v6 =	vshrl.u32 v6, $0x1  }
0xe4: {  	v5 =	vadd.s32 $0xFF, v5;
	v6 =	vor.u32 v4, v6  }
0xe5: {  	v5 =	vand.u32 $0xFFFFFF00, v5  }
0xe6: {  	v9 =	vimm.s32 $0x0;
	v7 =	vadd.s32 $0xFFFFFFFF, v5;
	vm1 =	veq.s32 v8, $0x1  }
0xe7: {  	v10 =	vadd.s32 v7, v9;
	v8 =	vsel vm1, $0x1, v2;
	v11, _, _ =	vpop (xrf0)  }
0xe8: {  	(xrf0) =	vadd.scan.msk.s32 $0xffff, v8;
	v11 =	vadd.s32 v11, v10  }
0xe9: {  	s21 =	simm.s32 $0x1010;
	v8 =	vor.u32 s22, v3;
	[tilespmem:v6+s15+$0x0] =	vst.idx.msk vm2, v11  }
0xea: {  	v6 =	vshrl.u32 v8, $0x1;
	v12 =	vld [tilespmem:s21+$0xFFFFFFF0]  }
0xeb: {  	v6 =	vor.u32 v4, v6  }
0xec: {  	v13 =	vmpcnt.ones.xlane vm2;
	_ =	sdelay $0x1  }
0xed: {  	v8 =	vadd.s32 v13, v10;
	v10, _, _ =	vpop (xrf0)  }
0xee: {  	v8 =	vadd.s32 v10, v8;
	v10 =	vmpcnt.ones.xlane vm1;
	[tilespmem:v11+s16+$0x0] =	vst.idx.msk vm2, v12  }
0xef: {  	v9 =	vadd.s32 v9, v13;
	[tilespmem:v6+s15+$0x0] =	vst.idx.msk vm1, v8  }
0xf0: {  	s22 =	simm.s32 $0x20;
	v6 =	vadd.s32 v10, v9;
	v9 =	vld [tilespmem:s21+$0x0]  }
.LBB2_7:
0xf1: {  	_ =	sdelay $0x3  }
0xf2: {  	p2 =	sne.s32 s22, $0xFE0;
	s21 =	sadd.s32 $0x20, s21;
	s7 =	sadd.s32 $0x20, s7;
	[tilespmem:v8+s16+$0x0] =	vst.idx.msk vm1, v9  }
0xf3: {  	s23 =	smov.u32 s22;
	s22 =	sadd.s32 $0x20, s22;
	v8 =	vld [tilespmem:s7+$0xFFFFFFF0];
	_ =	sdelay $0x4  }
0xf4: {  	vm2 =	veq.s32 v8, $0x1  }
0xf5: {  	v8 =	vsel vm2, $0x1, v2;
	v9 =	vmpcnt.ones.xlane vm2  }
0xf6: {  	v10 =	vld [tilespmem:s7+$0x0];
	(xrf0) =	vadd.scan.msk.s32 $0xffff, v8  }
0xf7: {  	v8 =	vor.u32 s23, v0  }
0xf8: {  	v8 =	vshrl.u32 v8, $0x1  }
0xf9: {  	v8 =	vor.u32 v4, v8;
	_ =	sdelay $0x1  }
0xfa: {  	vm1 =	veq.s32 v10, $0x1  }
0xfb: {  	v11 =	vadd.s32 v7, v6;
	v10 =	vsel vm1, $0x1, v2;
	v12 =	vmpcnt.ones.xlane vm1;
	v13, _, _ =	vpop (xrf0)  }
0xfc: {  	v6 =	vadd.s32 v6, v9;
	v13 =	vadd.s32 v13, v11;
	(xrf0) =	vadd.scan.msk.s32 $0xffff, v10  }
0xfd: {  	v10 =	vor.u32 s23, v3;
	[tilespmem:v8+s15+$0x0] =	vst.idx.msk vm2, v13;
	v6 =	vadd.s32 v12, v6  }
0xfe: {  	v8 =	vshrl.u32 v10, $0x1;
	v10 =	vld [tilespmem:s21+$0xFFFFFFF0]  }
0xff: {  	v12 =	vor.u32 v4, v8;
	_ =	sdelay $0x1  }
.Ltmp5:
0x100: {  	(pc) =	sbr.rel @p2 .LBB2_7-.Ltmp5, $4  }
0x101: {  	v8 =	vadd.s32 v9, v11;
	v9, _, _ =	vpop (xrf0)  }
0x102: {  	v8 =	vadd.s32 v9, v8;
	[tilespmem:v13+s16+$0x0] =	vst.idx.msk vm2, v10  }
0x103: {  	[tilespmem:v12+s15+$0x0] =	vst.idx.msk vm1, v8  }
0x104: {  	v9 =	vld [tilespmem:s21+$0x0]  }
0x105: {  	_ =	sdelay $0x4  }
0x106: {  	s7 =	simm.s32 $0x10;
	[tilespmem:v8+s16+$0x0] =	vst.idx.msk vm1, v9  }
0x107: {  	v7 =	vld [tilespmem:s7+$0xFFFFFFF0];
	_ =	sdelay $0x4  }
0x108: {  	vm2 =	veq.s32 v7, $0x2  }
0x109: {  	v7 =	vsel vm2, $0x1, v2  }
0x10a: {  	s22 =	simm.s32 $0x0;
	v8 =	vld [tilespmem:s7+$0x0];
	(xrf0) =	vadd.scan.msk.s32 $0xffff, v7  }
0x10b: {  	v7 =	vor.u32 s22, v0  }
0x10c: {  	v9 =	vadd.s32 $0xFF, v6;
	v7 =	vshrl.u32 v7, $0x1  }
0x10d: {  	v9 =	vand.u32 $0xFFFFFF00, v9;
	v10 =	vor.u32 v4, v7  }
0x10e: {  	v7 =	vadd.s32 v5, v9  }
0x10f: {  	v11 =	vimm.s32 $0x0;
	vm1 =	veq.s32 v8, $0x2;
	v9 =	vadd.s32 $0xFFFFFFFF, v7  }
0x110: {  	v8 =	vsel vm1, $0x1, v2;
	v12 =	vadd.s32 v9, v11;
	v13, _, _ =	vpop (xrf0)  }
0x111: {  	(xrf0) =	vadd.scan.msk.s32 $0xffff, v8;
	v13 =	vadd.s32 v13, v12  }
0x112: {  	s21 =	simm.s32 $0x1010;
	v8 =	vor.u32 s22, v3;
	[tilespmem:v10+s15+$0x0] =	vst.idx.msk vm2, v13  }
0x113: {  	v8 =	vshrl.u32 v8, $0x1;
	v14 =	vld [tilespmem:s21+$0xFFFFFFF0]  }
0x114: {  	v8 =	vor.u32 v4, v8  }
0x115: {  	v15 =	vmpcnt.ones.xlane vm2;
	_ =	sdelay $0x1  }
0x116: {  	v10 =	vadd.s32 v15, v12;
	v62, _, _ =	vpop (xrf0)  }
0x117: {  	v63 =	vmpcnt.ones.xlane vm1;
	v10 =	vadd.s32 v62, v10;
	[tilespmem:v13+s16+$0x0] =	vst.idx.msk vm2, v14  }
0x118: {  	v11 =	vadd.s32 v11, v15;
	[tilespmem:v8+s15+$0x0] =	vst.idx.msk vm1, v10  }
0x119: {  	s22 =	simm.s32 $0x20;
	v8 =	vadd.s32 v63, v11;
	v11 =	vld [tilespmem:s21+$0x0]  }
.LBB2_9:
0x11a: {  	_ =	sdelay $0x3  }
0x11b: {  	p2 =	sne.s32 s22, $0xFE0;
	s21 =	sadd.s32 $0x20, s21;
	s7 =	sadd.s32 $0x20, s7;
	[tilespmem:v10+s16+$0x0] =	vst.idx.msk vm1, v11  }
0x11c: {  	s23 =	smov.u32 s22;
	s22 =	sadd.s32 $0x20, s22;
	v10 =	vld [tilespmem:s7+$0xFFFFFFF0];
	_ =	sdelay $0x4  }
0x11d: {  	vm2 =	veq.s32 v10, $0x2  }
0x11e: {  	v10 =	vsel vm2, $0x1, v2;
	v11 =	vmpcnt.ones.xlane vm2  }
0x11f: {  	v12 =	vld [tilespmem:s7+$0x0];
	(xrf0) =	vadd.scan.msk.s32 $0xffff, v10  }
0x120: {  	v10 =	vor.u32 s23, v0  }
0x121: {  	v10 =	vshrl.u32 v10, $0x1  }
0x122: {  	v10 =	vor.u32 v4, v10;
	_ =	sdelay $0x1  }
0x123: {  	vm1 =	veq.s32 v12, $0x2  }
0x124: {  	v13 =	vadd.s32 v9, v8;
	v12 =	vsel vm1, $0x1, v2;
	v14 =	vmpcnt.ones.xlane vm1;
	v15, _, _ =	vpop (xrf0)  }
0x125: {  	v8 =	vadd.s32 v8, v11;
	v15 =	vadd.s32 v15, v13;
	(xrf0) =	vadd.scan.msk.s32 $0xffff, v12  }
0x126: {  	v12 =	vor.u32 s23, v3;
	[tilespmem:v10+s15+$0x0] =	vst.idx.msk vm2, v15;
	v8 =	vadd.s32 v14, v8  }
0x127: {  	v10 =	vshrl.u32 v12, $0x1;
	v12 =	vld [tilespmem:s21+$0xFFFFFFF0]  }
0x128: {  	v14 =	vor.u32 v4, v10;
	_ =	sdelay $0x1  }
.Ltmp6:
0x129: {  	(pc) =	sbr.rel @p2 .LBB2_9-.Ltmp6, $4  }
0x12a: {  	v10 =	vadd.s32 v11, v13;
	v11, _, _ =	vpop (xrf0)  }
0x12b: {  	v10 =	vadd.s32 v11, v10;
	[tilespmem:v15+s16+$0x0] =	vst.idx.msk vm2, v12  }
0x12c: {  	[tilespmem:v14+s15+$0x0] =	vst.idx.msk vm1, v10  }
0x12d: {  	v11 =	vld [tilespmem:s21+$0x0]  }
0x12e: {  	_ =	sdelay $0x4  }
0x12f: {  	s7 =	simm.s32 $0x10;
	[tilespmem:v10+s16+$0x0] =	vst.idx.msk vm1, v11  }
0x130: {  	v9 =	vld [tilespmem:s7+$0xFFFFFFF0];
	_ =	sdelay $0x4  }
0x131: {  	vm2 =	veq.s32 v9, $0x3  }
0x132: {  	v9 =	vsel vm2, $0x1, v2  }
0x133: {  	s22 =	simm.s32 $0x0;
	v10 =	vld [tilespmem:s7+$0x0];
	(xrf0) =	vadd.scan.msk.s32 $0xffff, v9  }
0x134: {  	v9 =	vor.u32 s22, v0  }
0x135: {  	v11 =	vadd.s32 $0xFF, v8;
	v9 =	vshrl.u32 v9, $0x1  }
0x136: {  	v11 =	vand.u32 $0xFFFFFF00, v11;
	v12 =	vor.u32 v4, v9  }
0x137: {  	v9 =	vadd.s32 v7, v11  }
0x138: {  	v13 =	vimm.s32 $0x0;
	vm1 =	veq.s32 v10, $0x3;
	v11 =	vadd.s32 $0xFFFFFFFF, v9  }
0x139: {  	v10 =	vsel vm1, $0x1, v2;
	v14 =	vadd.s32 v11, v13;
	v15, _, _ =	vpop (xrf0)  }
0x13a: {  	(xrf0) =	vadd.scan.msk.s32 $0xffff, v10;
	v15 =	vadd.s32 v15, v14  }
0x13b: {  	s21 =	simm.s32 $0x1010;
	v10 =	vor.u32 s22, v3;
	[tilespmem:v12+s15+$0x0] =	vst.idx.msk vm2, v15  }
0x13c: {  	v10 =	vshrl.u32 v10, $0x1;
	v16 =	vld [tilespmem:s21+$0xFFFFFFF0]  }
0x13d: {  	v10 =	vor.u32 v4, v10  }
0x13e: {  	v17 =	vmpcnt.ones.xlane vm2;
	_ =	sdelay $0x1  }
0x13f: {  	v12 =	vadd.s32 v17, v14;
	v14, _, _ =	vpop (xrf0)  }
0x140: {  	v12 =	vadd.s32 v14, v12;
	v14 =	vmpcnt.ones.xlane vm1;
	[tilespmem:v15+s16+$0x0] =	vst.idx.msk vm2, v16  }
0x141: {  	v13 =	vadd.s32 v13, v17;
	[tilespmem:v10+s15+$0x0] =	vst.idx.msk vm1, v12  }
0x142: {  	s22 =	simm.s32 $0x20;
	v10 =	vadd.s32 v14, v13;
	v13 =	vld [tilespmem:s21+$0x0]  }
.LBB2_11:
0x143: {  	_ =	sdelay $0x3  }
0x144: {  	p2 =	sne.s32 s22, $0xFE0;
	s21 =	sadd.s32 $0x20, s21;
	s7 =	sadd.s32 $0x20, s7;
	[tilespmem:v12+s16+$0x0] =	vst.idx.msk vm1, v13  }
0x145: {  	s23 =	smov.u32 s22;
	s22 =	sadd.s32 $0x20, s22;
	v12 =	vld [tilespmem:s7+$0xFFFFFFF0];
	_ =	sdelay $0x4  }
0x146: {  	vm2 =	veq.s32 v12, $0x3  }
0x147: {  	v12 =	vsel vm2, $0x1, v2;
	v13 =	vmpcnt.ones.xlane vm2  }
0x148: {  	v14 =	vld [tilespmem:s7+$0x0];
	(xrf0) =	vadd.scan.msk.s32 $0xffff, v12  }
0x149: {  	v12 =	vor.u32 s23, v0  }
0x14a: {  	v12 =	vshrl.u32 v12, $0x1  }
0x14b: {  	v12 =	vor.u32 v4, v12;
	_ =	sdelay $0x1  }
0x14c: {  	vm1 =	veq.s32 v14, $0x3  }
0x14d: {  	v15 =	vadd.s32 v11, v10;
	v14 =	vsel vm1, $0x1, v2;
	v16 =	vmpcnt.ones.xlane vm1;
	v17, _, _ =	vpop (xrf0)  }
0x14e: {  	v10 =	vadd.s32 v10, v13;
	v17 =	vadd.s32 v17, v15;
	(xrf0) =	vadd.scan.msk.s32 $0xffff, v14  }
0x14f: {  	v14 =	vor.u32 s23, v3;
	[tilespmem:v12+s15+$0x0] =	vst.idx.msk vm2, v17;
	v10 =	vadd.s32 v16, v10  }
0x150: {  	v12 =	vshrl.u32 v14, $0x1;
	v14 =	vld [tilespmem:s21+$0xFFFFFFF0]  }
0x151: {  	v16 =	vor.u32 v4, v12;
	_ =	sdelay $0x1  }
.Ltmp7:
0x152: {  	(pc) =	sbr.rel @p2 .LBB2_11-.Ltmp7, $4  }
0x153: {  	v12 =	vadd.s32 v13, v15;
	v13, _, _ =	vpop (xrf0)  }
0x154: {  	v12 =	vadd.s32 v13, v12;
	[tilespmem:v17+s16+$0x0] =	vst.idx.msk vm2, v14  }
0x155: {  	[tilespmem:v16+s15+$0x0] =	vst.idx.msk vm1, v12  }
0x156: {  	v13 =	vld [tilespmem:s21+$0x0]  }
0x157: {  	_ =	sdelay $0x4  }
0x158: {  	s7 =	simm.s32 $0x10;
	[tilespmem:v12+s16+$0x0] =	vst.idx.msk vm1, v13  }
0x159: {  	v11 =	vld [tilespmem:s7+$0xFFFFFFF0];
	_ =	sdelay $0x4  }
0x15a: {  	vm2 =	veq.s32 v11, $0x4  }
0x15b: {  	v11 =	vsel vm2, $0x1, v2  }
0x15c: {  	s22 =	simm.s32 $0x0;
	v12 =	vld [tilespmem:s7+$0x0];
	(xrf0) =	vadd.scan.msk.s32 $0xffff, v11  }
0x15d: {  	v11 =	vor.u32 s22, v0  }
0x15e: {  	v13 =	vadd.s32 $0xFF, v10;
	v11 =	vshrl.u32 v11, $0x1  }
0x15f: {  	v13 =	vand.u32 $0xFFFFFF00, v13;
	v14 =	vor.u32 v4, v11  }
0x160: {  	v11 =	vadd.s32 v9, v13  }
0x161: {  	v15 =	vimm.s32 $0x0;
	vm1 =	veq.s32 v12, $0x4;
	v13 =	vadd.s32 $0xFFFFFFFF, v11  }
0x162: {  	v12 =	vsel vm1, $0x1, v2;
	v16 =	vadd.s32 v13, v15;
	v17, _, _ =	vpop (xrf0)  }
0x163: {  	(xrf0) =	vadd.scan.msk.s32 $0xffff, v12;
	v17 =	vadd.s32 v17, v16  }
0x164: {  	s21 =	simm.s32 $0x1010;
	v12 =	vor.u32 s22, v3;
	[tilespmem:v14+s15+$0x0] =	vst.idx.msk vm2, v17  }
0x165: {  	v12 =	vshrl.u32 v12, $0x1;
	v18 =	vld [tilespmem:s21+$0xFFFFFFF0]  }
0x166: {  	v12 =	vor.u32 v4, v12  }
0x167: {  	v19 =	vmpcnt.ones.xlane vm2;
	_ =	sdelay $0x1  }
0x168: {  	v14 =	vadd.s32 v19, v16;
	v16, _, _ =	vpop (xrf0)  }
0x169: {  	v14 =	vadd.s32 v16, v14;
	v16 =	vmpcnt.ones.xlane vm1;
	[tilespmem:v17+s16+$0x0] =	vst.idx.msk vm2, v18  }
0x16a: {  	v15 =	vadd.s32 v15, v19;
	[tilespmem:v12+s15+$0x0] =	vst.idx.msk vm1, v14  }
0x16b: {  	s22 =	simm.s32 $0x20;
	v12 =	vadd.s32 v16, v15;
	v15 =	vld [tilespmem:s21+$0x0]  }
.LBB2_13:
0x16c: {  	_ =	sdelay $0x3  }
0x16d: {  	p2 =	sne.s32 s22, $0xFE0;
	s21 =	sadd.s32 $0x20, s21;
	s7 =	sadd.s32 $0x20, s7;
	[tilespmem:v14+s16+$0x0] =	vst.idx.msk vm1, v15  }
0x16e: {  	s23 =	smov.u32 s22;
	s22 =	sadd.s32 $0x20, s22;
	v14 =	vld [tilespmem:s7+$0xFFFFFFF0];
	_ =	sdelay $0x4  }
0x16f: {  	vm2 =	veq.s32 v14, $0x4  }
0x170: {  	v14 =	vsel vm2, $0x1, v2;
	v15 =	vmpcnt.ones.xlane vm2  }
0x171: {  	v16 =	vld [tilespmem:s7+$0x0];
	(xrf0) =	vadd.scan.msk.s32 $0xffff, v14  }
0x172: {  	v14 =	vor.u32 s23, v0  }
0x173: {  	v14 =	vshrl.u32 v14, $0x1  }
0x174: {  	v14 =	vor.u32 v4, v14;
	_ =	sdelay $0x1  }
0x175: {  	vm1 =	veq.s32 v16, $0x4  }
0x176: {  	v17 =	vadd.s32 v13, v12;
	v16 =	vsel vm1, $0x1, v2;
	v18 =	vmpcnt.ones.xlane vm1;
	v19, _, _ =	vpop (xrf0)  }
0x177: {  	v12 =	vadd.s32 v12, v15;
	v19 =	vadd.s32 v19, v17;
	(xrf0) =	vadd.scan.msk.s32 $0xffff, v16  }
0x178: {  	v16 =	vor.u32 s23, v3;
	[tilespmem:v14+s15+$0x0] =	vst.idx.msk vm2, v19;
	v12 =	vadd.s32 v18, v12  }
0x179: {  	v14 =	vshrl.u32 v16, $0x1;
	v16 =	vld [tilespmem:s21+$0xFFFFFFF0]  }
0x17a: {  	v18 =	vor.u32 v4, v14;
	_ =	sdelay $0x1  }
.Ltmp8:
0x17b: {  	(pc) =	sbr.rel @p2 .LBB2_13-.Ltmp8, $4  }
0x17c: {  	v14 =	vadd.s32 v15, v17;
	v15, _, _ =	vpop (xrf0)  }
0x17d: {  	v14 =	vadd.s32 v15, v14;
	[tilespmem:v19+s16+$0x0] =	vst.idx.msk vm2, v16  }
0x17e: {  	[tilespmem:v18+s15+$0x0] =	vst.idx.msk vm1, v14  }
0x17f: {  	v15 =	vld [tilespmem:s21+$0x0]  }
0x180: {  	_ =	sdelay $0x4  }
0x181: {  	s7 =	simm.s32 $0x10;
	[tilespmem:v14+s16+$0x0] =	vst.idx.msk vm1, v15  }
0x182: {  	v13 =	vld [tilespmem:s7+$0xFFFFFFF0];
	_ =	sdelay $0x4  }
0x183: {  	vm2 =	veq.s32 v13, $0x5  }
0x184: {  	v13 =	vsel vm2, $0x1, v2  }
0x185: {  	s22 =	simm.s32 $0x0;
	v14 =	vld [tilespmem:s7+$0x0];
	(xrf0) =	vadd.scan.msk.s32 $0xffff, v13  }
0x186: {  	v13 =	vor.u32 s22, v0  }
0x187: {  	v15 =	vadd.s32 $0xFF, v12;
	v13 =	vshrl.u32 v13, $0x1  }
0x188: {  	v15 =	vand.u32 $0xFFFFFF00, v15;
	v16 =	vor.u32 v4, v13  }
0x189: {  	v13 =	vadd.s32 v11, v15  }
0x18a: {  	v17 =	vimm.s32 $0x0;
	vm1 =	veq.s32 v14, $0x5;
	v15 =	vadd.s32 $0xFFFFFFFF, v13  }
0x18b: {  	v14 =	vsel vm1, $0x1, v2;
	v18 =	vadd.s32 v15, v17;
	v19, _, _ =	vpop (xrf0)  }
0x18c: {  	(xrf0) =	vadd.scan.msk.s32 $0xffff, v14;
	v19 =	vadd.s32 v19, v18  }
0x18d: {  	s21 =	simm.s32 $0x1010;
	v14 =	vor.u32 s22, v3;
	[tilespmem:v16+s15+$0x0] =	vst.idx.msk vm2, v19  }
0x18e: {  	v14 =	vshrl.u32 v14, $0x1;
	v20 =	vld [tilespmem:s21+$0xFFFFFFF0]  }
0x18f: {  	v14 =	vor.u32 v4, v14  }
0x190: {  	v21 =	vmpcnt.ones.xlane vm2;
	_ =	sdelay $0x1  }
0x191: {  	v16 =	vadd.s32 v21, v18;
	v18, _, _ =	vpop (xrf0)  }
0x192: {  	v16 =	vadd.s32 v18, v16;
	v18 =	vmpcnt.ones.xlane vm1;
	[tilespmem:v19+s16+$0x0] =	vst.idx.msk vm2, v20  }
0x193: {  	v17 =	vadd.s32 v17, v21;
	[tilespmem:v14+s15+$0x0] =	vst.idx.msk vm1, v16  }
0x194: {  	s22 =	simm.s32 $0x20;
	v14 =	vadd.s32 v18, v17;
	v17 =	vld [tilespmem:s21+$0x0]  }
.LBB2_15:
0x195: {  	_ =	sdelay $0x3  }
0x196: {  	p2 =	sne.s32 s22, $0xFE0;
	s21 =	sadd.s32 $0x20, s21;
	s7 =	sadd.s32 $0x20, s7;
	[tilespmem:v16+s16+$0x0] =	vst.idx.msk vm1, v17  }
0x197: {  	s23 =	smov.u32 s22;
	s22 =	sadd.s32 $0x20, s22;
	v16 =	vld [tilespmem:s7+$0xFFFFFFF0];
	_ =	sdelay $0x4  }
0x198: {  	vm2 =	veq.s32 v16, $0x5  }
0x199: {  	v16 =	vsel vm2, $0x1, v2;
	v17 =	vmpcnt.ones.xlane vm2  }
0x19a: {  	v18 =	vld [tilespmem:s7+$0x0];
	(xrf0) =	vadd.scan.msk.s32 $0xffff, v16  }
0x19b: {  	v16 =	vor.u32 s23, v0  }
0x19c: {  	v16 =	vshrl.u32 v16, $0x1  }
0x19d: {  	v16 =	vor.u32 v4, v16;
	_ =	sdelay $0x1  }
0x19e: {  	vm1 =	veq.s32 v18, $0x5  }
0x19f: {  	v19 =	vadd.s32 v15, v14;
	v18 =	vsel vm1, $0x1, v2;
	v20 =	vmpcnt.ones.xlane vm1;
	v21, _, _ =	vpop (xrf0)  }
0x1a0: {  	v14 =	vadd.s32 v14, v17;
	v21 =	vadd.s32 v21, v19;
	(xrf0) =	vadd.scan.msk.s32 $0xffff, v18  }
0x1a1: {  	v18 =	vor.u32 s23, v3;
	[tilespmem:v16+s15+$0x0] =	vst.idx.msk vm2, v21;
	v14 =	vadd.s32 v20, v14  }
0x1a2: {  	v16 =	vshrl.u32 v18, $0x1;
	v18 =	vld [tilespmem:s21+$0xFFFFFFF0]  }
0x1a3: {  	v20 =	vor.u32 v4, v16;
	_ =	sdelay $0x1  }
.Ltmp9:
0x1a4: {  	(pc) =	sbr.rel @p2 .LBB2_15-.Ltmp9, $4  }
0x1a5: {  	v16 =	vadd.s32 v17, v19;
	v17, _, _ =	vpop (xrf0)  }
0x1a6: {  	v16 =	vadd.s32 v17, v16;
	[tilespmem:v21+s16+$0x0] =	vst.idx.msk vm2, v18  }
0x1a7: {  	[tilespmem:v20+s15+$0x0] =	vst.idx.msk vm1, v16  }
0x1a8: {  	v17 =	vld [tilespmem:s21+$0x0]  }
0x1a9: {  	_ =	sdelay $0x4  }
0x1aa: {  	s7 =	simm.s32 $0x10;
	[tilespmem:v16+s16+$0x0] =	vst.idx.msk vm1, v17  }
0x1ab: {  	v15 =	vld [tilespmem:s7+$0xFFFFFFF0];
	_ =	sdelay $0x4  }
0x1ac: {  	vm2 =	veq.s32 v15, $0x6  }
0x1ad: {  	v15 =	vsel vm2, $0x1, v2  }
0x1ae: {  	s22 =	simm.s32 $0x0;
	v16 =	vld [tilespmem:s7+$0x0];
	(xrf0) =	vadd.scan.msk.s32 $0xffff, v15  }
0x1af: {  	v15 =	vor.u32 s22, v0  }
0x1b0: {  	v17 =	vadd.s32 $0xFF, v14;
	v15 =	vshrl.u32 v15, $0x1  }
0x1b1: {  	v17 =	vand.u32 $0xFFFFFF00, v17;
	v18 =	vor.u32 v4, v15  }
0x1b2: {  	v15 =	vadd.s32 v13, v17  }
0x1b3: {  	v19 =	vimm.s32 $0x0;
	vm1 =	veq.s32 v16, $0x6;
	v17 =	vadd.s32 $0xFFFFFFFF, v15  }
0x1b4: {  	v16 =	vsel vm1, $0x1, v2;
	v20 =	vadd.s32 v17, v19;
	v21, _, _ =	vpop (xrf0)  }
0x1b5: {  	(xrf0) =	vadd.scan.msk.s32 $0xffff, v16;
	v21 =	vadd.s32 v21, v20  }
0x1b6: {  	s21 =	simm.s32 $0x1010;
	v16 =	vor.u32 s22, v3;
	[tilespmem:v18+s15+$0x0] =	vst.idx.msk vm2, v21  }
0x1b7: {  	v16 =	vshrl.u32 v16, $0x1;
	v22 =	vld [tilespmem:s21+$0xFFFFFFF0]  }
0x1b8: {  	v16 =	vor.u32 v4, v16  }
0x1b9: {  	v23 =	vmpcnt.ones.xlane vm2;
	_ =	sdelay $0x1  }
0x1ba: {  	v18 =	vadd.s32 v23, v20;
	v20, _, _ =	vpop (xrf0)  }
0x1bb: {  	v18 =	vadd.s32 v20, v18;
	v20 =	vmpcnt.ones.xlane vm1;
	[tilespmem:v21+s16+$0x0] =	vst.idx.msk vm2, v22  }
0x1bc: {  	v19 =	vadd.s32 v19, v23;
	[tilespmem:v16+s15+$0x0] =	vst.idx.msk vm1, v18  }
0x1bd: {  	s22 =	simm.s32 $0x20;
	v16 =	vadd.s32 v20, v19;
	v19 =	vld [tilespmem:s21+$0x0]  }
.LBB2_17:
0x1be: {  	_ =	sdelay $0x3  }
0x1bf: {  	p2 =	sne.s32 s22, $0xFE0;
	s21 =	sadd.s32 $0x20, s21;
	s7 =	sadd.s32 $0x20, s7;
	[tilespmem:v18+s16+$0x0] =	vst.idx.msk vm1, v19  }
0x1c0: {  	s23 =	smov.u32 s22;
	s22 =	sadd.s32 $0x20, s22;
	v18 =	vld [tilespmem:s7+$0xFFFFFFF0];
	_ =	sdelay $0x4  }
0x1c1: {  	vm2 =	veq.s32 v18, $0x6  }
0x1c2: {  	v18 =	vsel vm2, $0x1, v2;
	v19 =	vmpcnt.ones.xlane vm2  }
0x1c3: {  	v20 =	vld [tilespmem:s7+$0x0];
	(xrf0) =	vadd.scan.msk.s32 $0xffff, v18  }
0x1c4: {  	v18 =	vor.u32 s23, v0  }
0x1c5: {  	v18 =	vshrl.u32 v18, $0x1  }
0x1c6: {  	v18 =	vor.u32 v4, v18;
	_ =	sdelay $0x1  }
0x1c7: {  	vm1 =	veq.s32 v20, $0x6  }
0x1c8: {  	v21 =	vadd.s32 v17, v16;
	v20 =	vsel vm1, $0x1, v2;
	v22 =	vmpcnt.ones.xlane vm1;
	v23, _, _ =	vpop (xrf0)  }
0x1c9: {  	v16 =	vadd.s32 v16, v19;
	v23 =	vadd.s32 v23, v21;
	(xrf0) =	vadd.scan.msk.s32 $0xffff, v20  }
0x1ca: {  	v20 =	vor.u32 s23, v3;
	[tilespmem:v18+s15+$0x0] =	vst.idx.msk vm2, v23;
	v16 =	vadd.s32 v22, v16  }
0x1cb: {  	v18 =	vshrl.u32 v20, $0x1;
	v20 =	vld [tilespmem:s21+$0xFFFFFFF0]  }
0x1cc: {  	v22 =	vor.u32 v4, v18;
	_ =	sdelay $0x1  }
.Ltmp10:
0x1cd: {  	(pc) =	sbr.rel @p2 .LBB2_17-.Ltmp10, $4  }
0x1ce: {  	v18 =	vadd.s32 v19, v21;
	v19, _, _ =	vpop (xrf0)  }
0x1cf: {  	v18 =	vadd.s32 v19, v18;
	[tilespmem:v23+s16+$0x0] =	vst.idx.msk vm2, v20  }
0x1d0: {  	[tilespmem:v22+s15+$0x0] =	vst.idx.msk vm1, v18  }
0x1d1: {  	v19 =	vld [tilespmem:s21+$0x0]  }
0x1d2: {  	_ =	sdelay $0x4  }
0x1d3: {  	s7 =	simm.s32 $0x10;
	[tilespmem:v18+s16+$0x0] =	vst.idx.msk vm1, v19  }
0x1d4: {  	v17 =	vld [tilespmem:s7+$0xFFFFFFF0];
	_ =	sdelay $0x4  }
0x1d5: {  	vm2 =	veq.s32 v17, $0x7  }
0x1d6: {  	v17 =	vsel vm2, $0x1, v2  }
0x1d7: {  	s22 =	simm.s32 $0x0;
	v18 =	vld [tilespmem:s7+$0x0];
	(xrf0) =	vadd.scan.msk.s32 $0xffff, v17  }
0x1d8: {  	v17 =	vor.u32 s22, v0  }
0x1d9: {  	v19 =	vadd.s32 $0xFF, v16;
	v17 =	vshrl.u32 v17, $0x1  }
0x1da: {  	v19 =	vand.u32 $0xFFFFFF00, v19;
	v20 =	vor.u32 v4, v17  }
0x1db: {  	v17 =	vadd.s32 v15, v19  }
0x1dc: {  	v21 =	vimm.s32 $0x0;
	vm1 =	veq.s32 v18, $0x7;
	v19 =	vadd.s32 $0xFFFFFFFF, v17  }
0x1dd: {  	v18 =	vsel vm1, $0x1, v2;
	v22 =	vadd.s32 v19, v21;
	v23, _, _ =	vpop (xrf0)  }
0x1de: {  	(xrf0) =	vadd.scan.msk.s32 $0xffff, v18;
	v23 =	vadd.s32 v23, v22  }
0x1df: {  	s21 =	simm.s32 $0x1010;
	v18 =	vor.u32 s22, v3;
	[tilespmem:v20+s15+$0x0] =	vst.idx.msk vm2, v23  }
0x1e0: {  	v18 =	vshrl.u32 v18, $0x1;
	v24 =	vld [tilespmem:s21+$0xFFFFFFF0]  }
0x1e1: {  	v18 =	vor.u32 v4, v18  }
0x1e2: {  	v25 =	vmpcnt.ones.xlane vm2;
	_ =	sdelay $0x1  }
0x1e3: {  	v20 =	vadd.s32 v25, v22;
	v22, _, _ =	vpop (xrf0)  }
0x1e4: {  	v20 =	vadd.s32 v22, v20;
	v22 =	vmpcnt.ones.xlane vm1;
	[tilespmem:v23+s16+$0x0] =	vst.idx.msk vm2, v24  }
0x1e5: {  	v21 =	vadd.s32 v21, v25;
	[tilespmem:v18+s15+$0x0] =	vst.idx.msk vm1, v20  }
0x1e6: {  	s22 =	simm.s32 $0x20;
	v18 =	vadd.s32 v22, v21;
	v21 =	vld [tilespmem:s21+$0x0]  }
.LBB2_19:
0x1e7: {  	_ =	sdelay $0x3  }
0x1e8: {  	p2 =	sne.s32 s22, $0xFE0;
	s21 =	sadd.s32 $0x20, s21;
	s7 =	sadd.s32 $0x20, s7;
	[tilespmem:v20+s16+$0x0] =	vst.idx.msk vm1, v21  }
0x1e9: {  	s23 =	smov.u32 s22;
	s22 =	sadd.s32 $0x20, s22;
	v20 =	vld [tilespmem:s7+$0xFFFFFFF0];
	_ =	sdelay $0x4  }
0x1ea: {  	vm2 =	veq.s32 v20, $0x7  }
0x1eb: {  	v20 =	vsel vm2, $0x1, v2;
	v21 =	vmpcnt.ones.xlane vm2  }
0x1ec: {  	v22 =	vld [tilespmem:s7+$0x0];
	(xrf0) =	vadd.scan.msk.s32 $0xffff, v20  }
0x1ed: {  	v20 =	vor.u32 s23, v0  }
0x1ee: {  	v20 =	vshrl.u32 v20, $0x1  }
0x1ef: {  	v20 =	vor.u32 v4, v20;
	_ =	sdelay $0x1  }
0x1f0: {  	vm1 =	veq.s32 v22, $0x7  }
0x1f1: {  	v23 =	vadd.s32 v19, v18;
	v22 =	vsel vm1, $0x1, v2;
	v24 =	vmpcnt.ones.xlane vm1;
	v25, _, _ =	vpop (xrf0)  }
0x1f2: {  	v18 =	vadd.s32 v18, v21;
	v25 =	vadd.s32 v25, v23;
	(xrf0) =	vadd.scan.msk.s32 $0xffff, v22  }
0x1f3: {  	v22 =	vor.u32 s23, v3;
	[tilespmem:v20+s15+$0x0] =	vst.idx.msk vm2, v25;
	v18 =	vadd.s32 v24, v18  }
0x1f4: {  	v20 =	vshrl.u32 v22, $0x1;
	v22 =	vld [tilespmem:s21+$0xFFFFFFF0]  }
0x1f5: {  	v24 =	vor.u32 v4, v20;
	_ =	sdelay $0x1  }
.Ltmp11:
0x1f6: {  	(pc) =	sbr.rel @p2 .LBB2_19-.Ltmp11, $4  }
0x1f7: {  	v20 =	vadd.s32 v21, v23;
	v21, _, _ =	vpop (xrf0)  }
0x1f8: {  	v20 =	vadd.s32 v21, v20;
	[tilespmem:v25+s16+$0x0] =	vst.idx.msk vm2, v22  }
0x1f9: {  	[tilespmem:v24+s15+$0x0] =	vst.idx.msk vm1, v20  }
0x1fa: {  	v21 =	vld [tilespmem:s21+$0x0]  }
0x1fb: {  	_ =	sdelay $0x3  }
0x1fc: {  	s7 =	rddreg [dreg:$0x7]  }
.Ltmp12:
0x1fd: {  	s21 =	simm.s32 $0x80;
	s22 =	simm.s32 $0x100;
	[tilespmem:v20+s16+$0x0] =	vst.idx.msk vm1, v21;
	(pc) =	sbr.rel @p1 .LBB2_22-.Ltmp12, $4  }
0x1fe: {  	[hbm4b:s7+s21] =	stream.strided.scatter [tilespmem:s15], [sflag:$0x2], $0x1000, s22, s21, $0x38;
	[tilespmem:$0xC880] =	vst v63  }
0x1ff: {  	_ =	swait.ge [sflag:s13], $0x1000  }
0x200: {  	[sflag:s13] =	ssyncset.done $0x0  }
0x201: {  	s23 =	simm.s32 $0xC800;
	s22 =	simm.s32 $0xC780;
	[sflag:s13] =	ssyncadd.s32 $0xFFFFF000  }
0x202: {  	v19 =	vmul.u32 $0x100, v0;
	_ =	sdelay $0x1  }
0x203: {  	v20 =	vor.u32 $0x1001, v19  }
0x204: {  	vm1 =	vlt.s32 v7, v20  }
0x205: {  	v19 =	vor.u32 $0x1, v19;
	vm2 =	vlt.s32 v5, v20;
	v21 =	vsel vm1, $0x1, v2  }
0x206: {  	v22 =	vsel vm2, $0x1, v2;
	vm1 =	vlt.s32 v9, v20;
	vm2 =	vlt.s32 v5, v19  }
0x207: {  	v21 =	vadd.s32 v22, v21;
	v56 =	vsel vm1, $0x1, v2;
	vm1 =	vlt.s32 v11, v20  }
0x208: {  	v21 =	vadd.s32 v56, v21;
	v57 =	vsel vm1, $0x1, v2;
	vm1 =	vlt.s32 v13, v20  }
0x209: {  	v21 =	vadd.s32 v57, v21;
	v58 =	vsel vm1, $0x1, v2;
	vm1 =	vlt.s32 v15, v20  }
0x20a: {  	v21 =	vadd.s32 v58, v21;
	v59 =	vsel vm1, $0x1, v2;
	vm1 =	vlt.s32 v17, v20  }
0x20b: {  	v21 =	vadd.s32 v59, v21;
	v60 =	vsel vm1, $0x1, v2;
	vm1 =	vlt.s32 v7, v19  }
0x20c: {  	v7 =	vsel vm2, $0x1, v2;
	v5 =	vsel vm1, $0x1, v2;
	vm1 =	vlt.s32 v9, v19  }
0x20d: {  	v5 =	vadd.s32 v7, v5;
	v7 =	vsel vm1, $0x1, v2;
	vm1 =	vlt.s32 v11, v19  }
0x20e: {  	v5 =	vadd.s32 v7, v5;
	v7 =	vsel vm1, $0x1, v2;
	vm1 =	vlt.s32 v13, v19  }
0x20f: {  	v5 =	vadd.s32 v7, v5;
	v7 =	vsel vm1, $0x1, v2;
	vm1 =	vlt.s32 v15, v19  }
0x210: {  	vm2 =	vgt.s32 v6, $0x0;
	v5 =	vadd.s32 v7, v5;
	v7 =	vsel vm1, $0x1, v2  }
0x211: {  	v61 =	vadd.s32 v60, v21;
	vm1 =	vlt.s32 v17, v19;
	v5 =	vadd.s32 v7, v5  }
0x212: {  	v6 =	vsel vm1, $0x1, v2;
	vm1 =	vgt.s32 v8, $0x0;
	v7 =	vsel vm2, $0x1, v2  }
0x213: {  	vm2 =	vgt.s32 v10, $0x0;
	v5 =	vadd.s32 v6, v5;
	v6 =	vsel vm1, $0x2, v7  }
0x214: {  	vm1 =	vgt.s32 v12, $0x0;
	v7 =	vadd.s32 $0xFF, v18;
	v6 =	vsel vm2, $0x3, v6  }
0x215: {  	vm2 =	vgt.s32 v14, $0x0;
	v7 =	vand.u32 $0xFFFFFF00, v7;
	v6 =	vsel vm1, $0x4, v6  }
0x216: {  	vm1 =	vgt.s32 v16, $0x0;
	v7 =	vadd.s32 v17, v7;
	v6 =	vsel vm2, $0x5, v6  }
0x217: {  	vm2 =	vlt.s32 v7, v19;
	v6 =	vsel vm1, $0x6, v6;
	vm1 =	vlt.s32 v7, v20  }
0x218: {  	v63 =	vsel vm2, $0x1, v2;
	v62 =	vsel vm1, $0x1, v2;
	vm1 =	vgt.s32 v18, $0x0  }
0x219: {  	v5 =	vadd.s32 v63, v5;
	v8 =	vadd.s32 v62, v61;
	v6 =	vsel vm1, $0x7, v6  }
0x21a: {  	v7 =	vshrl.u32 v7, $0x8;
	v8 =	vmin.u32 v8, v6;
	v5 =	vmin.u32 v5, v6  }
0x21b: {  	[tilespmem:$0x4700] =	vst v5;
	v5 =	vsel vm0, v8, v7  }
0x21c: {  	s7 =	rddreg [dreg:$0x5];
	[tilespmem:$0x4710] =	vst v5  }
0x21d: {  	[hbm4b:s7+s1] =	stream.linear.scatter [tilespmem:s16], [sflag:$0x2], $0x1700, $0x38;
	[tilespmem:$0xC880] =	vst v63  }
0x21e: {  	_ =	swait.ge [sflag:s13], $0x1700  }
0x21f: {  	s21 =	simm.s32 $0x4700;
	[sflag:s13] =	ssyncset.done $0x0  }
.Ltmp13:
0x220: {  	s7 =	rddreg [dreg:$0x6];
	[sflag:s13] =	ssyncadd.s32 $0xFFFFE900;
	(pc) =	sbr.rel .LBB2_22-.Ltmp13, $4  }
0x221: {  	[hbm4b:s7+s1] =	stream.linear.scatter [tilespmem:s21], [sflag:$0x2], $0x80, $0x38;
	[tilespmem:$0xC880] =	vst v63  }
0x222: {  	_ =	swait.ge [sflag:s13], $0x80  }
0x223: {  	[sflag:s13] =	ssyncset.done $0x0  }
0x224: {  	[sflag:s13] =	ssyncadd.s32 $0xFFFFFF80  }
.LBB2_23:
0x225: {  	_ =	sfence.sel $0x180000  }
0x226: {  	[bflag:$0x0] =	sbarrier.arrive $0xFFFF  }
0x227: {  	_ =	strace $0x90000047  }
0x228: {  	[bflag:$0x2] =	sbarrier.arrive $0xFFFF  }
0x229: {  	s0 =	rddreg [dreg:$0x2]  }
0x22a: {  	s0 =	sadd.s32 @!p0 $0x100000, s0  }
0x22b: {  	[sflag:s0] =	ssyncadd.tile.s32 @!p0 $0x1;
	_ =	shalt  }
.Lfunc_end2:
_tile_overlayer_lowered:
.L_overlay_start_2:
0x22c: {  	(tag) =	ssettag $0x2  }
0x22d: {  	s0 =	rddreg [dreg:$0x0];
	s2 =	stileid.u32  }
0x22e: {  	s1 =	rddreg [dreg:$0x1];
	p0 =	sne.s32 s2, $0x0  }
0x22f: {  	s3 =	rddreg [dreg:$0x2];
	[bflag:$0x3] =	sbarrier.arrive $0xFFFF;
	s2 =	simm.s32 @!p0 $0x1C02  }
0x230: {  	[timem:s3], [sflag:s2] =	dma.local @!p0 [hbm:s0], s1  }
0x231: {  	s0 =	simm.s32 @!p0 $0x2  }
0x232: {  	_ =	swait.ge @!p0 [sflag:s0], s1  }
0x233: {  	s1 =	ssub.s32 @!p0 $0x0, s1;
	[sflag:s0] =	ssyncset.done @!p0 $0x0  }
0x234: {  	[sflag:s0] =	ssyncadd.s32 @!p0 s1  }
0x235: {  	[bflag:$0x3] =	sbarrier.arrive $0xFFFF  }
0x236: {  	_ =	shalt  }

// kernel: kernel.8.cloned.1.call-start
scs
__scs_entry_jumppad:
0x0: {  	(pc) =	sbr.rel $0x88, $3  }
0x1: {  	(tag) =	ssettag $0x0;
	lr =	simm.s32 $0x1  }
0x2: {  	[smem:$0x3F9B] =	sst lr;
	_ =	strace $0xD0000000  }
0x3: {  	_ = 	snop  }
0x4: {  	_ = 	snop  }
0x5: {  	_ = 	snop  }
0x6: {  	_ = 	snop  }
0x7: {  	_ = 	snop  }
__scs_overlays_trampoline_lowered:
0x8: {  	[smem:$0x3FAA] =	sst s0  }
0x9: {  	[smem:$0x3FAB] =	sst s1  }
0xa: {  	[smem:$0x3FAC] =	sst s2  }
0xb: {  	[smem:$0x3FAD] =	sst s3  }
0xc: {  	[smem:$0x3FAE] =	sst s4  }
0xd: {  	[smem:$0x3FAF] =	sst s5  }
0xe: {  	[smem:$0x3FB0] =	sst s6  }
0xf: {  	[smem:$0x3FB1] =	sst s7  }
0x10: {  	[smem:$0x3FB2] =	sst s8  }
0x11: {  	[smem:$0x3FB3] =	sst s9;
	s0 =	simm.s32 @!p0 $0x0  }
0x12: {  	s1 =	sld [smem:$0x3F99];
	s0 =	simm.s32 @p0 $0x1  }
0x13: {  	[smem:$0x3FB4] =	sst s0;
	s0 =	simm.s32 @!p1 $0x0  }
0x14: {  	s2 =	sld [smem:$0x3F98];
	s0 =	simm.s32 @p1 $0x1  }
0x15: {  	[smem:$0x3FB5] =	sst s0;
	s0 =	simm.s32 @!p2 $0x0  }
0x16: {  	s3 =	sld [smem:$0x3FDB];
	s0 =	simm.s32 @p2 $0x1  }
0x17: {  	s4 =	simm.s32 $0x1BF5;
	[smem:$0x3FB7] =	sst s0  }
0x18: {  	s0 =	sld [smem:$0x3F9A];
	_ =	swait.ge [sflag:s4], $0x0  }
0x19: {  	s7 =	sld [smem:$0x3F9B]  }
0x1a: {  	s8 =	sadd.s32 $0xFFFFE003, lr  }
0x1b: {  	s9 =	sadd.s32 $0xFFFFFEF7, lr;
	s5 =	simm.s32 $0xFFFFFFFF;
	p2 =	slt.u32 s8, $0xFFFFF086  }
0x1c: {  	p1 =	slt.u32 s9, $0xF7A;
	s5 =	simm.s32 @!p2 $0x0  }
0x1d: {  	s5 =	simm.s32 @p1 $0x1;
	p0 =	seq.s32 s7, s2  }
0x1e: {  	s7 =	smul.u32 @!p0 $0xF7A, s2;
	p2 =	seq.s32 @!p0 s5, $0x0  }
0x1f: {  	s9 =	smul.u32 $0xF7A, s1;
	s8 =	simm.s32 @!p0 $0x1BF5;
	p2 =	por !p2, p0  }
0x20: {  	[sflag:s8] =	ssyncset.s32 @!p0 $0xFFFFF086;
	s6 =	sadd.s32 @!p0 s3, s7;
	s7 =	simm.s32 @!p0 $0x108  }
0x21: {  	s3 =	sadd.s32 s3, s9;
	s6 =	sadd.s32 @!p0 $0x88, s6;
	s7 =	simm.s32 @p2 $0x1082  }
0x22: {  	[simem:s7], [sflag:s8] =	dma.local @!p0 [hbm:s6], $0xF7A  }
0x23: {  	s9 =	sor.u32 $0xD0000000, s2;
	s6 =	simm.s32 $0x108;
	_ =	swait.ge @!p0 [sflag:s8], $0x0  }
0x24: {  	s3 =	sadd.s32 $0x88, s3;
	s6 =	simm.s32 @!p1 $0x1082;
	[sflag:s4] =	ssyncset.s32 $0xFFFFF086  }
0x25: {  	[simem:s6], [sflag:s4] =	dma.local [hbm:s3], $0xF7A  }
0x26: {  	[smem:$0x3F9B] =	sst s1;
	(tag) =	ssettag s2;
	_ =	strace s9  }
0x27: {  	s1 =	sld [smem:$0x3FAB]  }
0x28: {  	s2 =	sld [smem:$0x3FAC]  }
0x29: {  	s4 =	sld [smem:$0x3FAE]  }
0x2a: {  	p0 =	seq.s32 s5, $0x0;
	s5 =	sld [smem:$0x3FAF]  }
0x2b: {  	s6 =	sld [smem:$0x3FB0]  }
0x2c: {  	s7 =	sld [smem:$0x3FB1]  }
0x2d: {  	s3 =	simm.s32 $0x108;
	s8 =	sld [smem:$0x3FB2]  }
0x2e: {  	s3 =	simm.s32 @!p0 $0x1082;
	s9 =	sld [smem:$0x3FB3]  }
0x2f: {  	lr =	sadd.s32 s0, s3;
	s0 =	sld [smem:$0x3FAA]  }
0x30: {  	s3 =	sld [smem:$0x3FAD]  }
0x31: {  	[smem:$0x3FB6] =	sst s10  }
0x32: {  	s10 =	sld [smem:$0x3FB4];
	_ =	sdelay $0x3  }
0x33: {  	p0 =	seq.s32 s10, $0x1;
	s10 =	sld [smem:$0x3FB6];
	_ =	sdelay $0x3  }
0x34: {  	[smem:$0x3FB6] =	sst s10  }
0x35: {  	s10 =	sld [smem:$0x3FB5];
	_ =	sdelay $0x3  }
0x36: {  	p1 =	seq.s32 s10, $0x1;
	s10 =	sld [smem:$0x3FB6];
	_ =	sdelay $0x3  }
0x37: {  	[smem:$0x3FB6] =	sst s10  }
0x38: {  	s10 =	sld [smem:$0x3FB7]  }
0x39: {  	_ = 	snop;
	(pc) =	sbr.ind lr, $3  }
0x3a: {  	_ = 	snop  }
0x3b: {  	_ = 	snop  }
0x3c: {  	p2 =	seq.s32 s10, $0x1;
	s10 =	sld [smem:$0x3FB6]  }
0x3d: {  	_ =	shalt  }
0x3e: {  	_ =	shalt  }
0x3f: {  	_ =	shalt  }
0x40: {  	_ =	shalt  }
0x41: {  	_ =	shalt  }
0x42: {  	_ =	shalt  }
0x43: {  	_ =	shalt  }
0x44: {  	_ =	shalt  }
0x45: {  	_ =	shalt  }
0x46: {  	_ =	shalt  }
0x47: {  	_ =	shalt  }
0x48: {  	_ =	shalt  }
0x49: {  	_ =	shalt  }
0x4a: {  	_ =	shalt  }
0x4b: {  	_ =	shalt  }
0x4c: {  	_ =	shalt  }
0x4d: {  	_ =	shalt  }
0x4e: {  	_ =	shalt  }
0x4f: {  	_ =	shalt  }
0x50: {  	_ =	shalt  }
0x51: {  	_ =	shalt  }
0x52: {  	_ =	shalt  }
0x53: {  	_ =	shalt  }
0x54: {  	_ =	shalt  }
0x55: {  	_ =	shalt  }
0x56: {  	_ =	shalt  }
0x57: {  	_ =	shalt  }
0x58: {  	_ =	shalt  }
0x59: {  	_ =	shalt  }
0x5a: {  	_ =	shalt  }
0x5b: {  	_ =	shalt  }
0x5c: {  	_ =	shalt  }
0x5d: {  	_ =	shalt  }
0x5e: {  	_ =	shalt  }
0x5f: {  	_ =	shalt  }
0x60: {  	_ =	shalt  }
0x61: {  	_ =	shalt  }
0x62: {  	_ =	shalt  }
0x63: {  	_ =	shalt  }
0x64: {  	_ =	shalt  }
0x65: {  	_ =	shalt  }
0x66: {  	_ =	shalt  }
0x67: {  	_ =	shalt  }
0x68: {  	_ =	shalt  }
0x69: {  	_ =	shalt  }
0x6a: {  	_ =	shalt  }
0x6b: {  	_ =	shalt  }
0x6c: {  	_ =	shalt  }
0x6d: {  	_ =	shalt  }
0x6e: {  	_ =	shalt  }
0x6f: {  	_ =	shalt  }
0x70: {  	_ =	shalt  }
0x71: {  	_ =	shalt  }
0x72: {  	_ =	shalt  }
0x73: {  	_ =	shalt  }
0x74: {  	_ =	shalt  }
0x75: {  	_ =	shalt  }
0x76: {  	_ =	shalt  }
0x77: {  	_ =	shalt  }
0x78: {  	_ =	shalt  }
0x79: {  	_ =	shalt  }
0x7a: {  	_ =	shalt  }
0x7b: {  	_ =	shalt  }
0x7c: {  	_ =	shalt  }
0x7d: {  	_ =	shalt  }
0x7e: {  	_ =	shalt  }
0x7f: {  	_ =	shalt  }
0x80: {  	_ =	shalt  }
0x81: {  	_ =	shalt  }
0x82: {  	_ =	shalt  }
0x83: {  	_ =	shalt  }
0x84: {  	_ =	shalt  }
0x85: {  	_ =	shalt  }
0x86: {  	_ =	shalt  }
0x87: {  	_ =	shalt  }
.Lfunc_end0:
.L_simem_size_0:
called_computation.1_lowered:
.L_overlay_start_0:
0x88: {  	s2 =	sld [smem:$0x3FD9]  }
0x89: {  	s3 =	sld [smem:$0x3FFE];
	_ =	sdelay $0x1  }
0x8a: {  	s1 =	srdreg.scid  }
0x8b: {  	s0 =	sand.u32 $0x1, s1  }
0x8c: {  	s17 =	sshll.u32 s0, $0xA;
	s2 =	sadd.s32 s3, s2  }
0x8d: {  	s2 =	sadd.s32 s2, s17  }
0x8e: {  	[smem:$0x3FC2] =	sst s2  }
0x8f: {  	_ = 	snop  }
0x90: {  	s2 =	sld [smem:$0x3FD0];
	(tm) =	ssettm $0x1  }
0x91: {  	s18 =	sld [smem:$0x3FFB];
	_ =	sdelay $0x3  }
0x92: {  	_ =	strace s18  }
0x93: {  	s3 =	sld [smem:$0x3FFC];
	_ =	sdelay $0x3  }
0x94: {  	_ =	strace s3  }
0x95: {  	s3 =	sld [smem:$0x3FFD];
	_ =	sdelay $0x3  }
0x96: {  	_ =	strace s3  }
0x97: {  	_ =	strace $0x8FFFFFFF  }
0x98: {  	s19 =	sld [smem:$0x3FDB];
	_ =	sdelay $0x1  }
0x99: {  	s4 =	simm.s32 $_scs_section_size  }
0x9a: {  	s5 =	simm.s32 $_size__tile_overlayer_lowered;
	s6 =	simm.s32 $_tile_overlayer_lowered  }
0x9b: {  	s22 =	simm.s32 $0x1BFF;
	s21 =	sshll.u32 s6, $0x1;
	s3 =	sadd.s32 s4, s19  }
0x9c: {  	s7 =	simm.s32 $0x0;
	s20 =	sshll.u32 s5, $0x1;
	s5 =	sadd.s32 s21, s3  }
0x9d: {  	[timem:s7], [sflag:s22] =	dma.local [hbm:s5], s20  }
0x9e: {  	_ =	swait.ge [sflag:s22], s20  }
0x9f: {  	s4 =	ssub.s32 $0x0, s20;
	[sflag:s22] =	ssyncset.done $0x0  }
0xa0: {  	[sflag:s22] =	ssyncadd.s32 s4;
	_ =	sdelay $0x1  }
0xa1: {  	s23 =	simm.s32 $0x1B8B  }
0xa2: {  	_ =	swait.ge [sflag:s23], $0x1  }
0xa3: {  	[sflag:s23] =	ssyncset.done $0x0  }
0xa4: {  	s25 =	simm.s32 $0x1B8E;
	s24 =	sld [smem:$0x3FFE];
	[sflag:s23] =	ssyncadd.s32 $0xFFFFFFFF  }
0xa5: {  	s26 =	simm.s32 $execute0_lowered;
	[smem:$0x3FD2] =	sst s25  }
0xa6: {  	s5 =	sshll.u32 s26, $0x1;
	_ =	strace $0x80000049;
	[dreg:$0x1] =	wrdreg $0xFFFFFFFF  }
0xa7: {  	s28 =	simm.s32 $_size_execute0_lowered;
	s3 =	sadd.s32 s3, s5;
	[dreg:$0x0] =	wrdreg $0x0  }
0xa8: {  	s5 =	sshll.u32 s28, $0x1;
	[dreg:$0x2] =	wrdreg s3  }
0xa9: {  	[dreg:$0x3] =	wrdreg s5  }
0xaa: {  	[dreg:$0x4] =	wrdreg $0xC0  }
0xab: {  	_ =	task [dreg:s7], $0x5FFFF  }
0xac: {  	[dreg:$0x1] =	wrdreg $0xFFFFFFFF  }
0xad: {  	[dreg:$0x0] =	wrdreg $0x60  }
0xae: {  	[dreg:$0x2] =	wrdreg s24  }
0xaf: {  	[dreg:$0x3] =	wrdreg s2  }
0xb0: {  	[dreg:$0x4] =	wrdreg $0x9  }
0xb1: {  	_ =	task.clear_ibuf [dreg:s7], $0x5FFFF;
	_ =	strace $0x90000049  }
0xb2: {  	s29 =	simm.s32 $0x9;
	_ =	strace $0x8000004B  }
0xb3: {  	_ =	swait.ge [sflag:s29], $0x1  }
0xb4: {  	[sflag:s29] =	ssyncadd.s32 $0xFFFFFFFF  }
0xb5: {  	_ =	strace $0x9000004B  }
0xb6: {  	_ =	sfence  }
0xb7: {  	s30 =	sld [smem:$0x0];
	_ =	sdelay $0x2  }
0xb8: {  	s31 =	sshll.u32 s1, $0xD;
	s1 =	sshrl.u32 s1, $0x2  }
0xb9: {  	s3 =	sand.u32 $0x4000, s31;
	s1 =	sadd.s32 s1, s30  }
0xba: {  	s0 =	sor.u32 s3, s0;
	s1 =	sshll.u32 s1, $0x11  }
0xbb: {  	s0 =	sor.u32 s1, s0  }
0xbc: {  	s0 =	sadd.s32 $0x8F2B, s0  }
0xbd: {  	[sflag:s0] =	ssyncadd.remote.s32 $0x1  }
0xbe: {  	_ =	sfence.sel $0xFFFF  }
0xbf: {  	[dreg:$0x0] =	wrdreg $0xFFFFFFFF;
	(pc) =	sbr.abs _section_cstart, $3  }
0xc0: {  	[dreg:$0x1] =	wrdreg $0xFFFFFFFF  }
0xc1: {  	_ =	task.clear_ibuf [dreg:s7], $0x2FFFF;
	_ =	strace $0x9FFFFFFF  }
0xc2: {  	(tm) =	ssettm $0x7FFFFFFF  }
0xc3: {  	_ =	shalt  }
tec
execute0_lowered:
.L_overlay_start_1:
0x0: {  	(tag) =	ssettag $0x1  }
0x1: {  	s0 =	rddreg [dreg:$0x0]  }
0x2: {  	s1 =	rddreg [dreg:$0x1];
	s2 =	simm.s32 $0x0;
	s3 =	srdreg.scid  }
0x3: {  	s8 =	stileid.u32;
	s15 =	simm.s32 $0x2;
	s14 =	simm.s32 $0x8800  }
0x4: {  	s16 =	simm.s32 $0x9000;
	s17 =	simm.s32 $0x9800;
	s18 =	simm.s32 $0xA800  }
0x5: {  	s19 =	simm.s32 $0xB000;
	s20 =	simm.s32 $0xB800;
	s21 =	simm.s32 $0xC800  }
0x6: {  	s22 =	simm.s32 $0xD000;
	s23 =	simm.s32 $0xD800;
	s24 =	simm.s32 $0xE800  }
0x7: {  	[smem:$0x7FF] =	sst s2;
	s4 =	sand.u32 $0x1, s3;
	s3 =	sadd.s32 $0x5DA00, s0  }
0x8: {  	s9 =	sshll.u32 s8, $0x8;
	s10 =	sadd.s32 $0x5D600, s0;
	s8 =	sshll.u32 s8, $0x7  }
0x9: {  	_ =	strace $0x8000004A;
	s5 =	sshll.u32 s4, $0x6;
	s4 =	ssub.s32 $0x2, s4  }
0xa: {  	s6 =	sor.u32 s5, s9;
	s7 =	sshrl.u32 s4, $0x1;
	s5 =	sor.u32 s5, s8  }
0xb: {  	s8 =	sadd.s32 $0x5DD00, s0;
	s6 =	sshrl.u32 s6, $0x3;
	s4 =	ssub.s32 s4, s7  }
0xc: {  	s7 =	sadd.s32 $0x5DC00, s0;
	s25 =	sor.u32 $0x20, s5;
	s11 =	sor.u32 $0x820, s5  }
0xd: {  	s5 =	sshll.u32 s5, $0x7;
	s6 =	sadd.s32 s10, s6;
	s12 =	sand.u32 $0x60, s25  }
0xe: {  	s13 =	sshll.u32 s11, $0x1;
	s11 =	sand.u32 $0x60, s11;
	s5 =	sadd.s32 s1, s5  }
0xf: {  	s31 =	smax.u32 s4, $0x1;
	[dreg:$0x3] =	wrdreg s6;
	s6 =	sadd.s32 $0x200, s6  }
0x10: {  	s9 =	sor.u32 s9, s12;
	s26 =	sand.u32 $0x1F00, s13;
	[dreg:$0x5] =	wrdreg s5  }
0x11: {  	[dreg:$0x9] =	wrdreg s31;
	s12 =	simm.s32 $0xF000;
	s13 =	simm.s32 $0x0  }
0x12: {  	[dreg:$0x4] =	wrdreg s6;
	s6 =	sadd.s32 $0x5DB00, s0;
	s28 =	sshrl.u32 s9, $0x3  }
0x13: {  	s29 =	sor.u32 s11, s26;
	s0 =	sshll.u32 s25, $0x7;
	s9 =	simm.s32 $0xA000  }
0x14: {  	s11 =	simm.s32 $0xE000;
	s25 =	simm.s32 $0xF800;
	s5 =	sadd.s32 s10, s28  }
0x15: {  	v2 =	vlaneseq.u32;
	s30 =	sshrl.u32 s29, $0x3;
	s0 =	sadd.s32 s1, s0;
	[dreg:$0x6] =	wrdreg s5  }
0x16: {  	vm0 =	vmmov $0xffff;
	v1 =	vshrl.u32 v2, $0x3;
	s1 =	simm.s32 $0x1;
	s5 =	sadd.s32 s10, s30;
	[dreg:$0x8] =	wrdreg s0  }
0x17: {  	v0 =	vand.u32 $0x7, v2;
	v2 =	vor.u32 $0x8, v2;
	v1 =	vmul.u32 $0x8, v1;
	s10 =	simm.s32 $0xC000;
	[dreg:$0x7] =	wrdreg s5;
	s5 =	simm.s32 $0x8000  }
.LBB2_1:
0x18: {  	s0 =	rddreg [dreg:$0x3];
	s4 =	simm.s32 $0x10000  }
0x19: {  	[tilespmem:s4], [sflag:$0x2] =	stream.linear.gather [hbm4b:s0+s2], $0x20, $0x38;
	[tilespmem:$0x10100] =	vst v63  }
0x1a: {  	_ =	swait.ge [sflag:s15], $0x20  }
0x1b: {  	[sflag:s15] =	ssyncset.done $0x0  }
0x1c: {  	s31 =	simm.s32 $0x10080;
	s30 =	rddreg [dreg:$0x4];
	[sflag:s15] =	ssyncadd.s32 $0xFFFFFFE0  }
0x1d: {  	[tilespmem:s31], [sflag:$0x2] =	stream.linear.gather [hbm4b:s30+s2], $0x20, $0x38;
	[tilespmem:$0x10100] =	vst v63  }
0x1e: {  	_ =	swait.ge [sflag:s15], $0x20  }
0x1f: {  	[sflag:s15] =	ssyncset.done $0x0  }
0x20: {  	[sflag:s15] =	ssyncadd.s32 $0xFFFFFFE0  }
0x21: {  	v3 =	vld [tilespmem:$0x10000];
	_ =	sdelay $0x4  }
0x22: {  	v4 =	vshll.u32 v3, $0x3  }
0x23: {  	v3 =	vand.u32 $0x7, v3;
	v4 =	vand.u32 $0xFFFFFFC0, v4  }
0x24: {  	v3 =	vor.u32 v3, v4  }
0x25: {  	v4 =	vperm.xlane v3, v0;
	_ =	sdelay $0x1  }
0x26: {  	v4 =	vadd.s32 v1, v4;
	_ =	sdelay $0x4  }
0x27: {  	[tilespmem:s2], [sflag:$0x1] =	stream.indirect_vreg.gather [hbm4b:s3+s2], $0x80, v4, vm0, $0xb8;
	[tilespmem:$0x10100] =	vst v63  }
0x28: {  	s26 =	simm.s32 $0x800;
	v3 =	vperm.xlane v3, v2  }
0x29: {  	[tilespmem:s26], [sflag:$0x1] =	stream.indirect_vreg.gather [hbm4b:s6+s2], $0x80, v4, vm0, $0xb8;
	[tilespmem:$0x10100] =	vst v63  }
0x2a: {  	s30 =	simm.s32 $0x1000;
	v3 =	vadd.s32 v1, v3  }
0x2b: {  	[tilespmem:s30], [sflag:$0x1] =	stream.indirect_vreg.gather [hbm4b:s7+s2], $0x80, v4, vm0, $0xb8;
	[tilespmem:$0x10100] =	vst v63  }
0x2c: {  	s31 =	simm.s32 $0x1800  }
0x2d: {  	[tilespmem:s31], [sflag:$0x1] =	stream.indirect_vreg.gather [hbm4b:s8+s2], $0x80, v4, vm0, $0xb8;
	[tilespmem:$0x10100] =	vst v63  }
0x2e: {  	s4 =	simm.s32 $0x2000  }
0x2f: {  	[tilespmem:s4], [sflag:$0x1] =	stream.indirect_vreg.gather [hbm4b:s3+s2], $0x80, v3, vm0, $0xb8;
	[tilespmem:$0x10100] =	vst v63  }
0x30: {  	s26 =	simm.s32 $0x2800  }
0x31: {  	[tilespmem:s26], [sflag:$0x1] =	stream.indirect_vreg.gather [hbm4b:s6+s2], $0x80, v3, vm0, $0xb8;
	[tilespmem:$0x10100] =	vst v63  }
0x32: {  	s30 =	simm.s32 $0x3000  }
0x33: {  	[tilespmem:s30], [sflag:$0x1] =	stream.indirect_vreg.gather [hbm4b:s7+s2], $0x80, v3, vm0, $0xb8;
	[tilespmem:$0x10100] =	vst v63  }
0x34: {  	s31 =	simm.s32 $0x3800  }
0x35: {  	[tilespmem:s31], [sflag:$0x1] =	stream.indirect_vreg.gather [hbm4b:s8+s2], $0x80, v3, vm0, $0xb8;
	[tilespmem:$0x10100] =	vst v63  }
0x36: {  	v3 =	vld [tilespmem:$0x10010];
	_ =	sdelay $0x4  }
0x37: {  	v61 =	vshll.u32 v3, $0x3  }
0x38: {  	v3 =	vand.u32 $0x7, v3;
	v4 =	vand.u32 $0xFFFFFFC0, v61  }
0x39: {  	v3 =	vor.u32 v3, v4  }
0x3a: {  	v4 =	vperm.xlane v3, v0;
	_ =	sdelay $0x1  }
0x3b: {  	v4 =	vadd.s32 v1, v4;
	_ =	sdelay $0x3  }
0x3c: {  	s4 =	simm.s32 $0x4000  }
0x3d: {  	[tilespmem:s4], [sflag:$0x1] =	stream.indirect_vreg.gather [hbm4b:s3+s2], $0x80, v4, vm0, $0xb8;
	[tilespmem:$0x10100] =	vst v63  }
0x3e: {  	s26 =	simm.s32 $0x4800;
	v3 =	vperm.xlane v3, v2  }
0x3f: {  	[tilespmem:s26], [sflag:$0x1] =	stream.indirect_vreg.gather [hbm4b:s6+s2], $0x80, v4, vm0, $0xb8;
	[tilespmem:$0x10100] =	vst v63  }
0x40: {  	s30 =	simm.s32 $0x5000;
	v3 =	vadd.s32 v1, v3  }
0x41: {  	[tilespmem:s30], [sflag:$0x1] =	stream.indirect_vreg.gather [hbm4b:s7+s2], $0x80, v4, vm0, $0xb8;
	[tilespmem:$0x10100] =	vst v63  }
0x42: {  	s31 =	simm.s32 $0x5800  }
0x43: {  	[tilespmem:s31], [sflag:$0x1] =	stream.indirect_vreg.gather [hbm4b:s8+s2], $0x80, v4, vm0, $0xb8;
	[tilespmem:$0x10100] =	vst v63  }
0x44: {  	s4 =	simm.s32 $0x6000  }
0x45: {  	[tilespmem:s4], [sflag:$0x1] =	stream.indirect_vreg.gather [hbm4b:s3+s2], $0x80, v3, vm0, $0xb8;
	[tilespmem:$0x10100] =	vst v63  }
0x46: {  	s26 =	simm.s32 $0x6800  }
0x47: {  	[tilespmem:s26], [sflag:$0x1] =	stream.indirect_vreg.gather [hbm4b:s6+s2], $0x80, v3, vm0, $0xb8;
	[tilespmem:$0x10100] =	vst v63  }
0x48: {  	s30 =	simm.s32 $0x7000  }
0x49: {  	[tilespmem:s30], [sflag:$0x1] =	stream.indirect_vreg.gather [hbm4b:s7+s2], $0x80, v3, vm0, $0xb8;
	[tilespmem:$0x10100] =	vst v63  }
0x4a: {  	s31 =	simm.s32 $0x7800  }
0x4b: {  	[tilespmem:s31], [sflag:$0x1] =	stream.indirect_vreg.gather [hbm4b:s8+s2], $0x80, v3, vm0, $0xb8;
	[tilespmem:$0x10100] =	vst v63  }
0x4c: {  	_ =	swait.ge [sflag:s1], $0x8000  }
0x4d: {  	[sflag:s1] =	ssyncset.done $0x0  }
0x4e: {  	[sflag:s1] =	ssyncadd.s32 $0xFFFF8000  }
0x4f: {  	v3 =	vld [tilespmem:$0x10080];
	_ =	sdelay $0x4  }
0x50: {  	v62 =	vshll.u32 v3, $0x3  }
0x51: {  	v3 =	vand.u32 $0x7, v3;
	v4 =	vand.u32 $0xFFFFFFC0, v62  }
0x52: {  	v3 =	vor.u32 v3, v4  }
0x53: {  	v4 =	vperm.xlane v3, v0;
	_ =	sdelay $0x1  }
0x54: {  	v4 =	vadd.s32 v1, v4;
	_ =	sdelay $0x4  }
0x55: {  	[tilespmem:s5], [sflag:$0x1] =	stream.indirect_vreg.gather [hbm4b:s3+s2], $0x80, v4, vm0, $0xb8;
	[tilespmem:$0x10100] =	vst v63  }
0x56: {  	v3 =	vperm.xlane v3, v2  }
0x57: {  	[tilespmem:s14], [sflag:$0x1] =	stream.indirect_vreg.gather [hbm4b:s6+s2], $0x80, v4, vm0, $0xb8;
	[tilespmem:$0x10100] =	vst v63  }
0x58: {  	v3 =	vadd.s32 v1, v3  }
0x59: {  	[tilespmem:s16], [sflag:$0x1] =	stream.indirect_vreg.gather [hbm4b:s7+s2], $0x80, v4, vm0, $0xb8;
	[tilespmem:$0x10100] =	vst v63  }
0x5a: {  	_ = 	snop  }
0x5b: {  	[tilespmem:s17], [sflag:$0x1] =	stream.indirect_vreg.gather [hbm4b:s8+s2], $0x80, v4, vm0, $0xb8;
	[tilespmem:$0x10100] =	vst v63  }
0x5c: {  	_ = 	snop  }
0x5d: {  	[tilespmem:s9], [sflag:$0x1] =	stream.indirect_vreg.gather [hbm4b:s3+s2], $0x80, v3, vm0, $0xb8;
	[tilespmem:$0x10100] =	vst v63  }
0x5e: {  	_ = 	snop  }
0x5f: {  	[tilespmem:s18], [sflag:$0x1] =	stream.indirect_vreg.gather [hbm4b:s6+s2], $0x80, v3, vm0, $0xb8;
	[tilespmem:$0x10100] =	vst v63  }
0x60: {  	_ = 	snop  }
0x61: {  	[tilespmem:s19], [sflag:$0x1] =	stream.indirect_vreg.gather [hbm4b:s7+s2], $0x80, v3, vm0, $0xb8;
	[tilespmem:$0x10100] =	vst v63  }
0x62: {  	_ = 	snop  }
0x63: {  	[tilespmem:s20], [sflag:$0x1] =	stream.indirect_vreg.gather [hbm4b:s8+s2], $0x80, v3, vm0, $0xb8;
	[tilespmem:$0x10100] =	vst v63  }
0x64: {  	v3 =	vld [tilespmem:$0x10090];
	_ =	sdelay $0x4  }
0x65: {  	v63 =	vshll.u32 v3, $0x3  }
0x66: {  	v3 =	vand.u32 $0x7, v3;
	v4 =	vand.u32 $0xFFFFFFC0, v63  }
0x67: {  	v3 =	vor.u32 v3, v4  }
0x68: {  	v4 =	vperm.xlane v3, v0;
	_ =	sdelay $0x1  }
0x69: {  	v4 =	vadd.s32 v1, v4;
	_ =	sdelay $0x4  }
0x6a: {  	[tilespmem:s10], [sflag:$0x1] =	stream.indirect_vreg.gather [hbm4b:s3+s2], $0x80, v4, vm0, $0xb8;
	[tilespmem:$0x10100] =	vst v63  }
0x6b: {  	v3 =	vperm.xlane v3, v2  }
0x6c: {  	[tilespmem:s21], [sflag:$0x1] =	stream.indirect_vreg.gather [hbm4b:s6+s2], $0x80, v4, vm0, $0xb8;
	[tilespmem:$0x10100] =	vst v63  }
0x6d: {  	v3 =	vadd.s32 v1, v3  }
0x6e: {  	[tilespmem:s22], [sflag:$0x1] =	stream.indirect_vreg.gather [hbm4b:s7+s2], $0x80, v4, vm0, $0xb8;
	[tilespmem:$0x10100] =	vst v63  }
0x6f: {  	_ = 	snop  }
0x70: {  	[tilespmem:s23], [sflag:$0x1] =	stream.indirect_vreg.gather [hbm4b:s8+s2], $0x80, v4, vm0, $0xb8;
	[tilespmem:$0x10100] =	vst v63  }
0x71: {  	_ = 	snop  }
0x72: {  	[tilespmem:s11], [sflag:$0x1] =	stream.indirect_vreg.gather [hbm4b:s3+s2], $0x80, v3, vm0, $0xb8;
	[tilespmem:$0x10100] =	vst v63  }
0x73: {  	_ = 	snop  }
0x74: {  	[tilespmem:s24], [sflag:$0x1] =	stream.indirect_vreg.gather [hbm4b:s6+s2], $0x80, v3, vm0, $0xb8;
	[tilespmem:$0x10100] =	vst v63  }
0x75: {  	_ = 	snop  }
0x76: {  	[tilespmem:s12], [sflag:$0x1] =	stream.indirect_vreg.gather [hbm4b:s7+s2], $0x80, v3, vm0, $0xb8;
	[tilespmem:$0x10100] =	vst v63  }
0x77: {  	_ = 	snop  }
0x78: {  	[tilespmem:s25], [sflag:$0x1] =	stream.indirect_vreg.gather [hbm4b:s8+s2], $0x80, v3, vm0, $0xb8;
	[tilespmem:$0x10100] =	vst v63  }
0x79: {  	_ =	swait.ge [sflag:s1], $0x8000  }
0x7a: {  	s28 =	simm.s32 $0x0;
	s29 =	simm.s32 $0x0;
	[sflag:s1] =	ssyncset.done $0x0  }
0x7b: {  	s4 =	simm.s32 $0x0;
	s26 =	simm.s32 $0xFFFF8000;
	[sflag:s1] =	ssyncadd.s32 $0xFFFF8000  }
.LBB2_2:
0x7c: {  	s30 =	sadd.s32 $0x8000, s26  }
0x7d: {  	s31 =	sand.u32 $0x380, s4;
	s30 =	sand.u32 $0x6000, s30  }
0x7e: {  	s30 =	sor.u32 s31, s30  }
0x7f: {  	v3 =	vld [tilespmem:s30+$0x0]  }
0x80: {  	v4 =	vld [tilespmem:s30+$0x8000]  }
0x81: {  	v5 =	vld [tilespmem:s30+$0x10]  }
0x82: {  	v6 =	vld [tilespmem:s30+$0x8010]  }
0x83: {  	v7 =	vld [tilespmem:s30+$0x20]  }
0x84: {  	v8 =	vld [tilespmem:s30+$0x8020]  }
0x85: {  	v9 =	vld [tilespmem:s30+$0x30]  }
0x86: {  	v10 =	vld [tilespmem:s30+$0x8030]  }
0x87: {  	v11 =	vld [tilespmem:s30+$0x40]  }
0x88: {  	v12 =	vld [tilespmem:s30+$0x8040]  }
0x89: {  	v13 =	vld [tilespmem:s30+$0x50]  }
0x8a: {  	v14 =	vld [tilespmem:s30+$0x8050]  }
0x8b: {  	v15 =	vld [tilespmem:s30+$0x60]  }
0x8c: {  	v16 =	vld [tilespmem:s30+$0x8060]  }
0x8d: {  	v17 =	vld [tilespmem:s30+$0x70]  }
0x8e: {  	v18 =	vld [tilespmem:s30+$0x8070]  }
0x8f: {  	v19 =	vld [tilespmem:s30+$0x400]  }
0x90: {  	v20 =	vld [tilespmem:s30+$0x8400]  }
0x91: {  	v21 =	vld [tilespmem:s30+$0x410]  }
0x92: {  	v22 =	vld [tilespmem:s30+$0x8410]  }
0x93: {  	v23 =	vld [tilespmem:s30+$0x420]  }
0x94: {  	v24 =	vld [tilespmem:s30+$0x8420]  }
0x95: {  	v25 =	vld [tilespmem:s30+$0x430]  }
0x96: {  	v26 =	vld [tilespmem:s30+$0x8430]  }
0x97: {  	v27 =	vld [tilespmem:s30+$0x440]  }
0x98: {  	v28 =	vld [tilespmem:s30+$0x8440]  }
0x99: {  	v29 =	vld [tilespmem:s30+$0x450]  }
0x9a: {  	v30 =	vld [tilespmem:s30+$0x8450]  }
0x9b: {  	v31 =	vld [tilespmem:s30+$0x460]  }
0x9c: {  	v32 =	vld [tilespmem:s30+$0x8460]  }
0x9d: {  	v33 =	vld [tilespmem:s30+$0x470]  }
0x9e: {  	v34 =	vld [tilespmem:s30+$0x8470]  }
0x9f: {  	v35 =	vld [tilespmem:s30+$0x800]  }
0xa0: {  	v36 =	vld [tilespmem:s30+$0x8800]  }
0xa1: {  	v37 =	vld [tilespmem:s30+$0x810]  }
0xa2: {  	v38 =	vld [tilespmem:s30+$0x8810]  }
0xa3: {  	v39 =	vld [tilespmem:s30+$0x820]  }
0xa4: {  	v40 =	vld [tilespmem:s30+$0x8820]  }
0xa5: {  	v41 =	vld [tilespmem:s30+$0x830]  }
0xa6: {  	v42 =	vld [tilespmem:s30+$0x8830]  }
0xa7: {  	v43 =	vld [tilespmem:s30+$0x840]  }
0xa8: {  	v44 =	vld [tilespmem:s30+$0x8840]  }
0xa9: {  	v45 =	vld [tilespmem:s30+$0x850]  }
0xaa: {  	v46 =	vld [tilespmem:s30+$0x8850]  }
0xab: {  	v47 =	vld [tilespmem:s30+$0x860]  }
0xac: {  	v48 =	vld [tilespmem:s30+$0x8860]  }
0xad: {  	v49 =	vld [tilespmem:s30+$0x870]  }
0xae: {  	v50 =	vld [tilespmem:s30+$0x8870]  }
0xaf: {  	v51 =	vld [tilespmem:s30+$0xC00]  }
0xb0: {  	v52 =	vld [tilespmem:s30+$0x8C00]  }
0xb1: {  	v53 =	vld [tilespmem:s30+$0xC10]  }
0xb2: {  	v54 =	vld [tilespmem:s30+$0x8C10]  }
0xb3: {  	v55 =	vld [tilespmem:s30+$0xC20]  }
0xb4: {  	v56 =	vld [tilespmem:s30+$0x8C20]  }
0xb5: {  	v57 =	vld [tilespmem:s30+$0xC30]  }
0xb6: {  	v58 =	vld [tilespmem:s30+$0x8C30]  }
0xb7: {  	v59 =	vld [tilespmem:s30+$0xC40]  }
0xb8: {  	v60 =	vld [tilespmem:s30+$0x8C40]  }
0xb9: {  	v61 =	vld [tilespmem:s30+$0xC50]  }
0xba: {  	v62 =	vld [tilespmem:s30+$0x8C50]  }
0xbb: {  	v63 =	vld [tilespmem:s30+$0xC60]  }
0xbc: {  	v3 =	vadd.f32 v4, v3;
	v4 =	vld [tilespmem:s30+$0x8C60]  }
0xbd: {  	v5 =	vadd.f32 v6, v5;
	v6 =	vld [tilespmem:s30+$0xC70]  }
0xbe: {  	v14 =	vadd.f32 v14, v13;
	v13 =	vld [tilespmem:s30+$0x9020];
	[tilespmem:s30+$0x0] =	vst v3;
	v3 =	vadd.f32 v8, v7  }
0xbf: {  	v18 =	vadd.f32 v18, v17;
	v17 =	vld [tilespmem:s30+$0x9040];
	[tilespmem:s30+$0x10] =	vst v5  }
0xc0: {  	v22 =	vadd.f32 v22, v21;
	v21 =	vld [tilespmem:s30+$0x9060];
	[tilespmem:s30+$0x20] =	vst v3;
	v3 =	vadd.f32 v12, v11  }
0xc1: {  	v7 =	vld [tilespmem:s30+$0x8C70];
	[tilespmem:s30+$0x50] =	vst v14  }
0xc2: {  	v8 =	vld [tilespmem:s30+$0x1000];
	[tilespmem:s30+$0x40] =	vst v3;
	v3 =	vadd.f32 v16, v15  }
0xc3: {  	v5 =	vadd.f32 v10, v9;
	v9 =	vld [tilespmem:s30+$0x9000];
	[tilespmem:s30+$0x70] =	vst v18  }
0xc4: {  	v10 =	vld [tilespmem:s30+$0x1010];
	[tilespmem:s30+$0x60] =	vst v3;
	v3 =	vadd.f32 v20, v19  }
0xc5: {  	v26 =	vadd.f32 v26, v25;
	v14 =	vld [tilespmem:s30+$0x1030];
	[tilespmem:s30+$0x410] =	vst v22  }
0xc6: {  	v18 =	vld [tilespmem:s30+$0x1050];
	[tilespmem:s30+$0x400] =	vst v3;
	v3 =	vadd.f32 v24, v23  }
0xc7: {  	v30 =	vadd.f32 v30, v29;
	[tilespmem:s30+$0x430] =	vst v26;
	v22 =	vld [tilespmem:s30+$0x1070]  }
0xc8: {  	v19 =	vld [tilespmem:s30+$0x9050];
	[tilespmem:s30+$0x420] =	vst v3;
	v3 =	vadd.f32 v28, v27  }
0xc9: {  	v34 =	vadd.f32 v34, v33;
	[tilespmem:s30+$0x450] =	vst v30;
	v11 =	vld [tilespmem:s30+$0x9010]  }
0xca: {  	v12 =	vld [tilespmem:s30+$0x1020];
	[tilespmem:s30+$0x440] =	vst v3;
	v3 =	vadd.f32 v32, v31  }
0xcb: {  	[tilespmem:s30+$0x470] =	vst v34;
	v15 =	vld [tilespmem:s30+$0x9030]  }
0xcc: {  	v16 =	vld [tilespmem:s30+$0x1040];
	[tilespmem:s30+$0x460] =	vst v3;
	v3 =	vadd.f32 v36, v35  }
0xcd: {  	[tilespmem:s30+$0x30] =	vst v5;
	v20 =	vld [tilespmem:s30+$0x1060];
	v19 =	vadd.f32 v19, v18  }
0xce: {  	v24 =	vld [tilespmem:s30+$0x1400];
	[tilespmem:s30+$0x800] =	vst v3;
	v3 =	vadd.f32 v40, v39  }
0xcf: {  	[tilespmem:s30+$0x1050] =	vst v19;
	v36 =	vadd.f32 v38, v37;
	v37 =	vld [tilespmem:s30+$0x9070]  }
0xd0: {  	v38 =	vadd.f32 v42, v41;
	v41 =	vld [tilespmem:s30+$0x1410];
	[tilespmem:s30+$0x820] =	vst v3;
	v3 =	vadd.f32 v44, v43  }
0xd1: {  	v42 =	vld [tilespmem:s30+$0x9410];
	[tilespmem:s30+$0x810] =	vst v36  }
0xd2: {  	v35 =	vld [tilespmem:s30+$0x1810];
	[tilespmem:s30+$0x840] =	vst v3;
	v3 =	vadd.f32 v48, v47  }
0xd3: {  	v39 =	vld [tilespmem:s30+$0x9400];
	[tilespmem:s30+$0x830] =	vst v38;
	v40 =	vadd.f32 v46, v45  }
0xd4: {  	v45 =	vld [tilespmem:s30+$0x9420];
	[tilespmem:s30+$0x860] =	vst v3;
	v3 =	vadd.f32 v52, v51  }
0xd5: {  	v46 =	vadd.f32 v54, v53;
	v53 =	vld [tilespmem:s30+$0x1450];
	[tilespmem:s30+$0x850] =	vst v40  }
0xd6: {  	v54 =	vld [tilespmem:s30+$0x9450];
	[tilespmem:s30+$0xC00] =	vst v3;
	v3 =	vadd.f32 v56, v55  }
0xd7: {  	v36 =	vld [tilespmem:s30+$0x9810];
	v43 =	vadd.f32 v50, v49;
	[tilespmem:s30+$0xC10] =	vst v46  }
0xd8: {  	v38 =	vld [tilespmem:s30+$0x1820];
	[tilespmem:s30+$0xC20] =	vst v3;
	v3 =	vadd.f32 v60, v59  }
0xd9: {  	v44 =	vld [tilespmem:s30+$0x1420];
	v49 =	vadd.f32 v58, v57;
	[tilespmem:s30+$0x870] =	vst v43  }
0xda: {  	v50 =	vld [tilespmem:s30+$0x1440];
	[tilespmem:s30+$0xC40] =	vst v3;
	v3 =	vadd.f32 v4, v63  }
0xdb: {  	v57 =	vld [tilespmem:s30+$0x9460];
	v58 =	vadd.f32 v11, v10;
	[tilespmem:s30+$0xC30] =	vst v49  }
0xdc: {  	v46 =	vld [tilespmem:s30+$0x9850];
	[tilespmem:s30+$0xC60] =	vst v3;
	v3 =	vadd.f32 v9, v8  }
0xdd: {  	v37 =	vadd.f32 v37, v22;
	v40 =	vadd.f32 v42, v41;
	v41 =	vld [tilespmem:s30+$0x1830];
	[tilespmem:s30+$0x1010] =	vst v58  }
0xde: {  	v42 =	vld [tilespmem:s30+$0x9830];
	[tilespmem:s30+$0x1000] =	vst v3;
	v3 =	vadd.f32 v13, v12  }
0xdf: {  	v47 =	vld [tilespmem:s30+$0x1430];
	[tilespmem:s30+$0x1070] =	vst v37  }
0xe0: {  	v48 =	vld [tilespmem:s30+$0x9430];
	[tilespmem:s30+$0x1020] =	vst v3;
	v3 =	vadd.f32 v17, v16  }
0xe1: {  	v49 =	vld [tilespmem:s30+$0x9860];
	[tilespmem:s30+$0x1410] =	vst v40;
	v52 =	vadd.f32 v62, v61  }
0xe2: {  	v51 =	vld [tilespmem:s30+$0x9440];
	[tilespmem:s30+$0x1040] =	vst v3;
	v3 =	vadd.f32 v21, v20  }
0xe3: {  	v61 =	vadd.f32 v15, v14;
	v62 =	vld [tilespmem:s30+$0x1800];
	[tilespmem:s30+$0xC50] =	vst v52  }
0xe4: {  	v56 =	vld [tilespmem:s30+$0x1460];
	[tilespmem:s30+$0x1060] =	vst v3;
	v3 =	vadd.f32 v39, v24  }
0xe5: {  	v55 =	vadd.f32 v7, v6;
	[tilespmem:s30+$0x1030] =	vst v61;
	v52 =	vld [tilespmem:s30+$0x9870]  }
0xe6: {  	v43 =	vadd.f32 v48, v47;
	v47 =	vld [tilespmem:s30+$0x1860];
	[tilespmem:s30+$0x1400] =	vst v3;
	v3 =	vadd.f32 v45, v44  }
0xe7: {  	[tilespmem:s30+$0xC70] =	vst v55;
	v63 =	vld [tilespmem:s30+$0x9800]  }
0xe8: {  	v59 =	vld [tilespmem:s30+$0x1470];
	[tilespmem:s30+$0x1420] =	vst v3;
	v3 =	vadd.f32 v51, v50  }
0xe9: {  	[tilespmem:s30+$0x1430] =	vst v43;
	v4 =	vadd.f32 v54, v53;
	v39 =	vld [tilespmem:s30+$0x9820]  }
0xea: {  	v60 =	vld [tilespmem:s30+$0x9470];
	[tilespmem:s30+$0x1440] =	vst v3;
	v3 =	vadd.f32 v57, v56  }
0xeb: {  	v54 =	vadd.f32 v42, v41;
	[tilespmem:s30+$0x1450] =	vst v4;
	v45 =	vld [tilespmem:s30+$0x1850]  }
0xec: {  	v53 =	vld [tilespmem:s30+$0x9840];
	[tilespmem:s30+$0x1460] =	vst v3;
	v3 =	vadd.f32 v63, v62  }
0xed: {  	[tilespmem:s30+$0x1830] =	vst v54;
	v55 =	vadd.f32 v49, v47;
	v50 =	vld [tilespmem:s30+$0x1870]  }
0xee: {  	v44 =	vld [tilespmem:s30+$0x1840];
	[tilespmem:s30+$0x1800] =	vst v3;
	v3 =	vadd.f32 v39, v38  }
0xef: {  	v48 =	vadd.f32 v60, v59;
	[tilespmem:s30+$0x1860] =	vst v55  }
0xf0: {  	[tilespmem:s30+$0x1820] =	vst v3;
	v3 =	vadd.f32 v46, v45  }
0xf1: {  	s0 =	sand.u32 $0x7, s28;
	[tilespmem:s30+$0x1470] =	vst v48;
	v51 =	vadd.f32 v36, v35  }
0xf2: {  	s31 =	sshll.u32 s0, $0x7;
	[tilespmem:s30+$0x1850] =	vst v3;
	v3 =	vadd.f32 v52, v50  }
0xf3: {  	s31 =	sadd.s32 s31, s29;
	[tilespmem:s30+$0x1810] =	vst v51;
	v56 =	vadd.f32 v53, v44  }
0xf4: {  	s0 =	sor.u32 $0x1C00, s31;
	[tilespmem:s30+$0x1870] =	vst v3  }
0xf5: {  	[tilespmem:s30+$0x1840] =	vst v56;
	v3 =	vld [tilespmem:s0+$0x0]  }
0xf6: {  	v4 =	vld [tilespmem:s0+$0x8000];
	_ =	sdelay $0x4  }
0xf7: {  	v3 =	vadd.f32 v4, v3;
	_ =	sdelay $0x1  }
0xf8: {  	s30 =	sor.u32 $0x1C10, s31;
	[tilespmem:s0+$0x0] =	vst v3  }
0xf9: {  	v3 =	vld [tilespmem:s30+$0x0]  }
0xfa: {  	v57 =	vld [tilespmem:s30+$0x8000];
	_ =	sdelay $0x4  }
0xfb: {  	v3 =	vadd.f32 v57, v3;
	_ =	sdelay $0x1  }
0xfc: {  	[tilespmem:s30+$0x0] =	vst v3;
	s30 =	sor.u32 $0x1C20, s31  }
0xfd: {  	v3 =	vld [tilespmem:s30+$0x0]  }
0xfe: {  	v58 =	vld [tilespmem:s30+$0x8000];
	_ =	sdelay $0x4  }
0xff: {  	v3 =	vadd.f32 v58, v3;
	_ =	sdelay $0x1  }
0x100: {  	[tilespmem:s30+$0x0] =	vst v3;
	s30 =	sor.u32 $0x1C30, s31  }
0x101: {  	v3 =	vld [tilespmem:s30+$0x0]  }
0x102: {  	v59 =	vld [tilespmem:s30+$0x8000];
	_ =	sdelay $0x4  }
0x103: {  	v3 =	vadd.f32 v59, v3;
	_ =	sdelay $0x1  }
0x104: {  	[tilespmem:s30+$0x0] =	vst v3;
	s30 =	sor.u32 $0x1C40, s31  }
0x105: {  	v3 =	vld [tilespmem:s30+$0x0]  }
0x106: {  	v60 =	vld [tilespmem:s30+$0x8000];
	_ =	sdelay $0x4  }
0x107: {  	v3 =	vadd.f32 v60, v3;
	_ =	sdelay $0x1  }
0x108: {  	[tilespmem:s30+$0x0] =	vst v3;
	s30 =	sor.u32 $0x1C50, s31  }
0x109: {  	v3 =	vld [tilespmem:s30+$0x0]  }
0x10a: {  	v61 =	vld [tilespmem:s30+$0x8000];
	_ =	sdelay $0x4  }
0x10b: {  	v3 =	vadd.f32 v61, v3;
	_ =	sdelay $0x1  }
0x10c: {  	[tilespmem:s30+$0x0] =	vst v3;
	s30 =	sor.u32 $0x1C60, s31  }
0x10d: {  	v3 =	vld [tilespmem:s30+$0x0]  }
0x10e: {  	v62 =	vld [tilespmem:s30+$0x8000];
	_ =	sdelay $0x4  }
0x10f: {  	v3 =	vadd.f32 v62, v3;
	_ =	sdelay $0x1  }
0x110: {  	s31 =	sor.u32 $0x1C70, s31;
	[tilespmem:s30+$0x0] =	vst v3  }
0x111: {  	v3 =	vld [tilespmem:s31+$0x0]  }
0x112: {  	v63 =	vld [tilespmem:s31+$0x8000];
	_ =	sdelay $0x1  }
0x113: {  	p0 =	sne.s32 s4, $0xF80  }
.Ltmp0:
0x114: {  	_ = 	snop;
	(pc) =	sbr.rel @p0 .LBB2_2-.Ltmp0, $4  }
0x115: {  	_ = 	snop  }
0x116: {  	v3 =	vadd.f32 v63, v3  }
0x117: {  	s28 =	sadd.s32 $0x1, s28  }
0x118: {  	s26 =	sadd.s32 $0x400, s26;
	s4 =	sadd.s32 $0x80, s4;
	s29 =	sadd.s32 $0x400, s29;
	[tilespmem:s31+$0x0] =	vst v3  }
0x119: {  	s26 =	simm.s32 $0x0;
	s0 =	rddreg [dreg:$0x5]  }
0x11a: {  	[hbm4b:s0+s26] =	stream.linear.scatter [tilespmem:s26], [sflag:$0x2], $0x8000, $0x38;
	[tilespmem:$0x10100] =	vst v63  }
0x11b: {  	_ =	swait.ge [sflag:s15], $0x8000  }
0x11c: {  	[sflag:s15] =	ssyncset.done $0x0  }
0x11d: {  	s4 =	simm.s32 $0x10000;
	s31 =	rddreg [dreg:$0x6];
	[sflag:s15] =	ssyncadd.s32 $0xFFFF8000  }
0x11e: {  	[tilespmem:s4], [sflag:$0x2] =	stream.linear.gather [hbm4b:s31+s26], $0x20, $0x38;
	[tilespmem:$0x10100] =	vst v63  }
0x11f: {  	_ =	swait.ge [sflag:s15], $0x20  }
0x120: {  	[sflag:s15] =	ssyncset.done $0x0  }
0x121: {  	s31 =	simm.s32 $0x10080;
	s30 =	rddreg [dreg:$0x7];
	[sflag:s15] =	ssyncadd.s32 $0xFFFFFFE0  }
0x122: {  	[tilespmem:s31], [sflag:$0x2] =	stream.linear.gather [hbm4b:s30+s26], $0x20, $0x38;
	[tilespmem:$0x10100] =	vst v63  }
0x123: {  	_ =	swait.ge [sflag:s15], $0x20  }
0x124: {  	[sflag:s15] =	ssyncset.done $0x0  }
0x125: {  	[sflag:s15] =	ssyncadd.s32 $0xFFFFFFE0  }
0x126: {  	v3 =	vld [tilespmem:$0x10000];
	_ =	sdelay $0x4  }
0x127: {  	v4 =	vshll.u32 v3, $0x3  }
0x128: {  	v3 =	vand.u32 $0x7, v3;
	v4 =	vand.u32 $0xFFFFFFC0, v4  }
0x129: {  	v3 =	vor.u32 v3, v4  }
0x12a: {  	v4 =	vperm.xlane v3, v0;
	_ =	sdelay $0x1  }
0x12b: {  	v4 =	vadd.s32 v1, v4;
	_ =	sdelay $0x4  }
0x12c: {  	[tilespmem:s26], [sflag:$0x1] =	stream.indirect_vreg.gather [hbm4b:s3+s26], $0x80, v4, vm0, $0xb8;
	[tilespmem:$0x10100] =	vst v63  }
0x12d: {  	s4 =	simm.s32 $0x800;
	v3 =	vperm.xlane v3, v2  }
0x12e: {  	[tilespmem:s4], [sflag:$0x1] =	stream.indirect_vreg.gather [hbm4b:s6+s26], $0x80, v4, vm0, $0xb8;
	[tilespmem:$0x10100] =	vst v63  }
0x12f: {  	s30 =	simm.s32 $0x1000;
	v3 =	vadd.s32 v1, v3  }
0x130: {  	[tilespmem:s30], [sflag:$0x1] =	stream.indirect_vreg.gather [hbm4b:s7+s26], $0x80, v4, vm0, $0xb8;
	[tilespmem:$0x10100] =	vst v63  }
0x131: {  	s31 =	simm.s32 $0x1800  }
0x132: {  	[tilespmem:s31], [sflag:$0x1] =	stream.indirect_vreg.gather [hbm4b:s8+s26], $0x80, v4, vm0, $0xb8;
	[tilespmem:$0x10100] =	vst v63  }
0x133: {  	s4 =	simm.s32 $0x2000  }
0x134: {  	[tilespmem:s4], [sflag:$0x1] =	stream.indirect_vreg.gather [hbm4b:s3+s26], $0x80, v3, vm0, $0xb8;
	[tilespmem:$0x10100] =	vst v63  }
0x135: {  	s30 =	simm.s32 $0x2800  }
0x136: {  	[tilespmem:s30], [sflag:$0x1] =	stream.indirect_vreg.gather [hbm4b:s6+s26], $0x80, v3, vm0, $0xb8;
	[tilespmem:$0x10100] =	vst v63  }
0x137: {  	s31 =	simm.s32 $0x3000  }
0x138: {  	[tilespmem:s31], [sflag:$0x1] =	stream.indirect_vreg.gather [hbm4b:s7+s26], $0x80, v3, vm0, $0xb8;
	[tilespmem:$0x10100] =	vst v63  }
0x139: {  	s4 =	simm.s32 $0x3800  }
0x13a: {  	[tilespmem:s4], [sflag:$0x1] =	stream.indirect_vreg.gather [hbm4b:s8+s26], $0x80, v3, vm0, $0xb8;
	[tilespmem:$0x10100] =	vst v63  }
0x13b: {  	v3 =	vld [tilespmem:$0x10010];
	_ =	sdelay $0x4  }
0x13c: {  	v61 =	vshll.u32 v3, $0x3  }
0x13d: {  	v3 =	vand.u32 $0x7, v3;
	v4 =	vand.u32 $0xFFFFFFC0, v61  }
0x13e: {  	v3 =	vor.u32 v3, v4  }
0x13f: {  	v4 =	vperm.xlane v3, v0;
	_ =	sdelay $0x1  }
0x140: {  	v4 =	vadd.s32 v1, v4;
	_ =	sdelay $0x3  }
0x141: {  	s30 =	simm.s32 $0x4000  }
0x142: {  	[tilespmem:s30], [sflag:$0x1] =	stream.indirect_vreg.gather [hbm4b:s3+s26], $0x80, v4, vm0, $0xb8;
	[tilespmem:$0x10100] =	vst v63  }
0x143: {  	s31 =	simm.s32 $0x4800;
	v3 =	vperm.xlane v3, v2  }
0x144: {  	[tilespmem:s31], [sflag:$0x1] =	stream.indirect_vreg.gather [hbm4b:s6+s26], $0x80, v4, vm0, $0xb8;
	[tilespmem:$0x10100] =	vst v63  }
0x145: {  	s4 =	simm.s32 $0x5000;
	v3 =	vadd.s32 v1, v3  }
0x146: {  	[tilespmem:s4], [sflag:$0x1] =	stream.indirect_vreg.gather [hbm4b:s7+s26], $0x80, v4, vm0, $0xb8;
	[tilespmem:$0x10100] =	vst v63  }
0x147: {  	s30 =	simm.s32 $0x5800  }
0x148: {  	[tilespmem:s30], [sflag:$0x1] =	stream.indirect_vreg.gather [hbm4b:s8+s26], $0x80, v4, vm0, $0xb8;
	[tilespmem:$0x10100] =	vst v63  }
0x149: {  	s31 =	simm.s32 $0x6000  }
0x14a: {  	[tilespmem:s31], [sflag:$0x1] =	stream.indirect_vreg.gather [hbm4b:s3+s26], $0x80, v3, vm0, $0xb8;
	[tilespmem:$0x10100] =	vst v63  }
0x14b: {  	s4 =	simm.s32 $0x6800  }
0x14c: {  	[tilespmem:s4], [sflag:$0x1] =	stream.indirect_vreg.gather [hbm4b:s6+s26], $0x80, v3, vm0, $0xb8;
	[tilespmem:$0x10100] =	vst v63  }
0x14d: {  	s30 =	simm.s32 $0x7000  }
0x14e: {  	[tilespmem:s30], [sflag:$0x1] =	stream.indirect_vreg.gather [hbm4b:s7+s26], $0x80, v3, vm0, $0xb8;
	[tilespmem:$0x10100] =	vst v63  }
0x14f: {  	s31 =	simm.s32 $0x7800  }
0x150: {  	[tilespmem:s31], [sflag:$0x1] =	stream.indirect_vreg.gather [hbm4b:s8+s26], $0x80, v3, vm0, $0xb8;
	[tilespmem:$0x10100] =	vst v63  }
0x151: {  	_ =	swait.ge [sflag:s1], $0x8000  }
0x152: {  	[sflag:s1] =	ssyncset.done $0x0  }
0x153: {  	[sflag:s1] =	ssyncadd.s32 $0xFFFF8000  }
0x154: {  	v3 =	vld [tilespmem:$0x10080];
	_ =	sdelay $0x4  }
0x155: {  	v62 =	vshll.u32 v3, $0x3  }
0x156: {  	v3 =	vand.u32 $0x7, v3;
	v4 =	vand.u32 $0xFFFFFFC0, v62  }
0x157: {  	v3 =	vor.u32 v3, v4  }
0x158: {  	v4 =	vperm.xlane v3, v0;
	_ =	sdelay $0x1  }
0x159: {  	v4 =	vadd.s32 v1, v4;
	_ =	sdelay $0x4  }
0x15a: {  	[tilespmem:s5], [sflag:$0x1] =	stream.indirect_vreg.gather [hbm4b:s3+s26], $0x80, v4, vm0, $0xb8;
	[tilespmem:$0x10100] =	vst v63  }
0x15b: {  	v3 =	vperm.xlane v3, v2  }
0x15c: {  	[tilespmem:s14], [sflag:$0x1] =	stream.indirect_vreg.gather [hbm4b:s6+s26], $0x80, v4, vm0, $0xb8;
	[tilespmem:$0x10100] =	vst v63  }
0x15d: {  	v3 =	vadd.s32 v1, v3  }
0x15e: {  	[tilespmem:s16], [sflag:$0x1] =	stream.indirect_vreg.gather [hbm4b:s7+s26], $0x80, v4, vm0, $0xb8;
	[tilespmem:$0x10100] =	vst v63  }
0x15f: {  	_ = 	snop  }
0x160: {  	[tilespmem:s17], [sflag:$0x1] =	stream.indirect_vreg.gather [hbm4b:s8+s26], $0x80, v4, vm0, $0xb8;
	[tilespmem:$0x10100] =	vst v63  }
0x161: {  	_ = 	snop  }
0x162: {  	[tilespmem:s9], [sflag:$0x1] =	stream.indirect_vreg.gather [hbm4b:s3+s26], $0x80, v3, vm0, $0xb8;
	[tilespmem:$0x10100] =	vst v63  }
0x163: {  	_ = 	snop  }
0x164: {  	[tilespmem:s18], [sflag:$0x1] =	stream.indirect_vreg.gather [hbm4b:s6+s26], $0x80, v3, vm0, $0xb8;
	[tilespmem:$0x10100] =	vst v63  }
0x165: {  	_ = 	snop  }
0x166: {  	[tilespmem:s19], [sflag:$0x1] =	stream.indirect_vreg.gather [hbm4b:s7+s26], $0x80, v3, vm0, $0xb8;
	[tilespmem:$0x10100] =	vst v63  }
0x167: {  	_ = 	snop  }
0x168: {  	[tilespmem:s20], [sflag:$0x1] =	stream.indirect_vreg.gather [hbm4b:s8+s26], $0x80, v3, vm0, $0xb8;
	[tilespmem:$0x10100] =	vst v63  }
0x169: {  	v3 =	vld [tilespmem:$0x10090];
	_ =	sdelay $0x4  }
0x16a: {  	v63 =	vshll.u32 v3, $0x3  }
0x16b: {  	v3 =	vand.u32 $0x7, v3;
	v4 =	vand.u32 $0xFFFFFFC0, v63  }
0x16c: {  	v3 =	vor.u32 v3, v4  }
0x16d: {  	v4 =	vperm.xlane v3, v0;
	_ =	sdelay $0x1  }
0x16e: {  	v4 =	vadd.s32 v1, v4;
	_ =	sdelay $0x4  }
0x16f: {  	[tilespmem:s10], [sflag:$0x1] =	stream.indirect_vreg.gather [hbm4b:s3+s26], $0x80, v4, vm0, $0xb8;
	[tilespmem:$0x10100] =	vst v63  }
0x170: {  	v3 =	vperm.xlane v3, v2  }
0x171: {  	[tilespmem:s21], [sflag:$0x1] =	stream.indirect_vreg.gather [hbm4b:s6+s26], $0x80, v4, vm0, $0xb8;
	[tilespmem:$0x10100] =	vst v63  }
0x172: {  	v3 =	vadd.s32 v1, v3  }
0x173: {  	[tilespmem:s22], [sflag:$0x1] =	stream.indirect_vreg.gather [hbm4b:s7+s26], $0x80, v4, vm0, $0xb8;
	[tilespmem:$0x10100] =	vst v63  }
0x174: {  	_ = 	snop  }
0x175: {  	[tilespmem:s23], [sflag:$0x1] =	stream.indirect_vreg.gather [hbm4b:s8+s26], $0x80, v4, vm0, $0xb8;
	[tilespmem:$0x10100] =	vst v63  }
0x176: {  	_ = 	snop  }
0x177: {  	[tilespmem:s11], [sflag:$0x1] =	stream.indirect_vreg.gather [hbm4b:s3+s26], $0x80, v3, vm0, $0xb8;
	[tilespmem:$0x10100] =	vst v63  }
0x178: {  	_ = 	snop  }
0x179: {  	[tilespmem:s24], [sflag:$0x1] =	stream.indirect_vreg.gather [hbm4b:s6+s26], $0x80, v3, vm0, $0xb8;
	[tilespmem:$0x10100] =	vst v63  }
0x17a: {  	_ = 	snop  }
0x17b: {  	[tilespmem:s12], [sflag:$0x1] =	stream.indirect_vreg.gather [hbm4b:s7+s26], $0x80, v3, vm0, $0xb8;
	[tilespmem:$0x10100] =	vst v63  }
0x17c: {  	_ = 	snop  }
0x17d: {  	[tilespmem:s25], [sflag:$0x1] =	stream.indirect_vreg.gather [hbm4b:s8+s26], $0x80, v3, vm0, $0xb8;
	[tilespmem:$0x10100] =	vst v63  }
0x17e: {  	_ =	swait.ge [sflag:s1], $0x8000  }
0x17f: {  	s28 =	simm.s32 $0xFFFF8000;
	[sflag:s1] =	ssyncset.done $0x0  }
0x180: {  	s29 =	simm.s32 $0x0;
	s4 =	simm.s32 $0x0;
	[sflag:s1] =	ssyncadd.s32 $0xFFFF8000  }
.LBB2_4:
0x181: {  	s0 =	sadd.s32 $0x8000, s28  }
0x182: {  	s30 =	sand.u32 $0x380, s4;
	s0 =	sand.u32 $0x6000, s0  }
0x183: {  	s30 =	sor.u32 s30, s0  }
0x184: {  	v3 =	vld [tilespmem:s30+$0x0]  }
0x185: {  	v4 =	vld [tilespmem:s30+$0x8000]  }
0x186: {  	v5 =	vld [tilespmem:s30+$0x10]  }
0x187: {  	v6 =	vld [tilespmem:s30+$0x8010]  }
0x188: {  	v7 =	vld [tilespmem:s30+$0x20]  }
0x189: {  	v8 =	vld [tilespmem:s30+$0x8020]  }
0x18a: {  	v9 =	vld [tilespmem:s30+$0x30]  }
0x18b: {  	v10 =	vld [tilespmem:s30+$0x8030]  }
0x18c: {  	v11 =	vld [tilespmem:s30+$0x40]  }
0x18d: {  	v12 =	vld [tilespmem:s30+$0x8040]  }
0x18e: {  	v13 =	vld [tilespmem:s30+$0x50]  }
0x18f: {  	v14 =	vld [tilespmem:s30+$0x8050]  }
0x190: {  	v15 =	vld [tilespmem:s30+$0x60]  }
0x191: {  	v16 =	vld [tilespmem:s30+$0x8060]  }
0x192: {  	v17 =	vld [tilespmem:s30+$0x70]  }
0x193: {  	v18 =	vld [tilespmem:s30+$0x8070]  }
0x194: {  	v19 =	vld [tilespmem:s30+$0x400]  }
0x195: {  	v20 =	vld [tilespmem:s30+$0x8400]  }
0x196: {  	v21 =	vld [tilespmem:s30+$0x410]  }
0x197: {  	v22 =	vld [tilespmem:s30+$0x8410]  }
0x198: {  	v23 =	vld [tilespmem:s30+$0x420]  }
0x199: {  	v24 =	vld [tilespmem:s30+$0x8420]  }
0x19a: {  	v25 =	vld [tilespmem:s30+$0x430]  }
0x19b: {  	v26 =	vld [tilespmem:s30+$0x8430]  }
0x19c: {  	v27 =	vld [tilespmem:s30+$0x440]  }
0x19d: {  	v28 =	vld [tilespmem:s30+$0x8440]  }
0x19e: {  	v29 =	vld [tilespmem:s30+$0x450]  }
0x19f: {  	v30 =	vld [tilespmem:s30+$0x8450]  }
0x1a0: {  	v31 =	vld [tilespmem:s30+$0x460]  }
0x1a1: {  	v32 =	vld [tilespmem:s30+$0x8460]  }
0x1a2: {  	v33 =	vld [tilespmem:s30+$0x470]  }
0x1a3: {  	v34 =	vld [tilespmem:s30+$0x8470]  }
0x1a4: {  	v35 =	vld [tilespmem:s30+$0x800]  }
0x1a5: {  	v36 =	vld [tilespmem:s30+$0x8800]  }
0x1a6: {  	v37 =	vld [tilespmem:s30+$0x810]  }
0x1a7: {  	v38 =	vld [tilespmem:s30+$0x8810]  }
0x1a8: {  	v39 =	vld [tilespmem:s30+$0x820]  }
0x1a9: {  	v40 =	vld [tilespmem:s30+$0x8820]  }
0x1aa: {  	v41 =	vld [tilespmem:s30+$0x830]  }
0x1ab: {  	v42 =	vld [tilespmem:s30+$0x8830]  }
0x1ac: {  	v43 =	vld [tilespmem:s30+$0x840]  }
0x1ad: {  	v44 =	vld [tilespmem:s30+$0x8840]  }
0x1ae: {  	v45 =	vld [tilespmem:s30+$0x850]  }
0x1af: {  	v46 =	vld [tilespmem:s30+$0x8850]  }
0x1b0: {  	v47 =	vld [tilespmem:s30+$0x860]  }
0x1b1: {  	v48 =	vld [tilespmem:s30+$0x8860]  }
0x1b2: {  	v49 =	vld [tilespmem:s30+$0x870]  }
0x1b3: {  	v50 =	vld [tilespmem:s30+$0x8870]  }
0x1b4: {  	v51 =	vld [tilespmem:s30+$0xC00]  }
0x1b5: {  	v52 =	vld [tilespmem:s30+$0x8C00]  }
0x1b6: {  	v53 =	vld [tilespmem:s30+$0xC10]  }
0x1b7: {  	v54 =	vld [tilespmem:s30+$0x8C10]  }
0x1b8: {  	v55 =	vld [tilespmem:s30+$0xC20]  }
0x1b9: {  	v56 =	vld [tilespmem:s30+$0x8C20]  }
0x1ba: {  	v57 =	vld [tilespmem:s30+$0xC30]  }
0x1bb: {  	v58 =	vld [tilespmem:s30+$0x8C30]  }
0x1bc: {  	v59 =	vld [tilespmem:s30+$0xC40]  }
0x1bd: {  	v60 =	vld [tilespmem:s30+$0x8C40]  }
0x1be: {  	v61 =	vld [tilespmem:s30+$0xC50]  }
0x1bf: {  	v62 =	vld [tilespmem:s30+$0x8C50]  }
0x1c0: {  	v63 =	vld [tilespmem:s30+$0xC60]  }
0x1c1: {  	v3 =	vadd.f32 v4, v3;
	v4 =	vld [tilespmem:s30+$0x8C60]  }
0x1c2: {  	v5 =	vadd.f32 v6, v5;
	v6 =	vld [tilespmem:s30+$0xC70]  }
0x1c3: {  	v14 =	vadd.f32 v14, v13;
	v13 =	vld [tilespmem:s30+$0x9020];
	[tilespmem:s30+$0x0] =	vst v3;
	v3 =	vadd.f32 v8, v7  }
0x1c4: {  	v18 =	vadd.f32 v18, v17;
	v17 =	vld [tilespmem:s30+$0x9040];
	[tilespmem:s30+$0x10] =	vst v5  }
0x1c5: {  	v22 =	vadd.f32 v22, v21;
	v21 =	vld [tilespmem:s30+$0x9060];
	[tilespmem:s30+$0x20] =	vst v3;
	v3 =	vadd.f32 v12, v11  }
0x1c6: {  	v7 =	vld [tilespmem:s30+$0x8C70];
	[tilespmem:s30+$0x50] =	vst v14  }
0x1c7: {  	v8 =	vld [tilespmem:s30+$0x1000];
	[tilespmem:s30+$0x40] =	vst v3;
	v3 =	vadd.f32 v16, v15  }
0x1c8: {  	v5 =	vadd.f32 v10, v9;
	v9 =	vld [tilespmem:s30+$0x9000];
	[tilespmem:s30+$0x70] =	vst v18  }
0x1c9: {  	v10 =	vld [tilespmem:s30+$0x1010];
	[tilespmem:s30+$0x60] =	vst v3;
	v3 =	vadd.f32 v20, v19  }
0x1ca: {  	v26 =	vadd.f32 v26, v25;
	v14 =	vld [tilespmem:s30+$0x1030];
	[tilespmem:s30+$0x410] =	vst v22  }
0x1cb: {  	v18 =	vld [tilespmem:s30+$0x1050];
	[tilespmem:s30+$0x400] =	vst v3;
	v3 =	vadd.f32 v24, v23  }
0x1cc: {  	v30 =	vadd.f32 v30, v29;
	[tilespmem:s30+$0x430] =	vst v26;
	v22 =	vld [tilespmem:s30+$0x1070]  }
0x1cd: {  	v19 =	vld [tilespmem:s30+$0x9050];
	[tilespmem:s30+$0x420] =	vst v3;
	v3 =	vadd.f32 v28, v27  }
0x1ce: {  	v34 =	vadd.f32 v34, v33;
	[tilespmem:s30+$0x450] =	vst v30;
	v11 =	vld [tilespmem:s30+$0x9010]  }
0x1cf: {  	v12 =	vld [tilespmem:s30+$0x1020];
	[tilespmem:s30+$0x440] =	vst v3;
	v3 =	vadd.f32 v32, v31  }
0x1d0: {  	[tilespmem:s30+$0x470] =	vst v34;
	v15 =	vld [tilespmem:s30+$0x9030]  }
0x1d1: {  	v16 =	vld [tilespmem:s30+$0x1040];
	[tilespmem:s30+$0x460] =	vst v3;
	v3 =	vadd.f32 v36, v35  }
0x1d2: {  	[tilespmem:s30+$0x30] =	vst v5;
	v20 =	vld [tilespmem:s30+$0x1060];
	v19 =	vadd.f32 v19, v18  }
0x1d3: {  	v24 =	vld [tilespmem:s30+$0x1400];
	[tilespmem:s30+$0x800] =	vst v3;
	v3 =	vadd.f32 v40, v39  }
0x1d4: {  	[tilespmem:s30+$0x1050] =	vst v19;
	v36 =	vadd.f32 v38, v37;
	v37 =	vld [tilespmem:s30+$0x9070]  }
0x1d5: {  	v38 =	vadd.f32 v42, v41;
	v41 =	vld [tilespmem:s30+$0x1410];
	[tilespmem:s30+$0x820] =	vst v3;
	v3 =	vadd.f32 v44, v43  }
0x1d6: {  	v42 =	vld [tilespmem:s30+$0x9410];
	[tilespmem:s30+$0x810] =	vst v36  }
0x1d7: {  	v35 =	vld [tilespmem:s30+$0x1810];
	[tilespmem:s30+$0x840] =	vst v3;
	v3 =	vadd.f32 v48, v47  }
0x1d8: {  	v39 =	vld [tilespmem:s30+$0x9400];
	[tilespmem:s30+$0x830] =	vst v38;
	v40 =	vadd.f32 v46, v45  }
0x1d9: {  	v45 =	vld [tilespmem:s30+$0x9420];
	[tilespmem:s30+$0x860] =	vst v3;
	v3 =	vadd.f32 v52, v51  }
0x1da: {  	v46 =	vadd.f32 v54, v53;
	v53 =	vld [tilespmem:s30+$0x1450];
	[tilespmem:s30+$0x850] =	vst v40  }
0x1db: {  	v54 =	vld [tilespmem:s30+$0x9450];
	[tilespmem:s30+$0xC00] =	vst v3;
	v3 =	vadd.f32 v56, v55  }
0x1dc: {  	v36 =	vld [tilespmem:s30+$0x9810];
	v43 =	vadd.f32 v50, v49;
	[tilespmem:s30+$0xC10] =	vst v46  }
0x1dd: {  	v38 =	vld [tilespmem:s30+$0x1820];
	[tilespmem:s30+$0xC20] =	vst v3;
	v3 =	vadd.f32 v60, v59  }
0x1de: {  	v44 =	vld [tilespmem:s30+$0x1420];
	v49 =	vadd.f32 v58, v57;
	[tilespmem:s30+$0x870] =	vst v43  }
0x1df: {  	v50 =	vld [tilespmem:s30+$0x1440];
	[tilespmem:s30+$0xC40] =	vst v3;
	v3 =	vadd.f32 v4, v63  }
0x1e0: {  	v57 =	vld [tilespmem:s30+$0x9460];
	v58 =	vadd.f32 v11, v10;
	[tilespmem:s30+$0xC30] =	vst v49  }
0x1e1: {  	v46 =	vld [tilespmem:s30+$0x9850];
	[tilespmem:s30+$0xC60] =	vst v3;
	v3 =	vadd.f32 v9, v8  }
0x1e2: {  	v37 =	vadd.f32 v37, v22;
	v40 =	vadd.f32 v42, v41;
	v41 =	vld [tilespmem:s30+$0x1830];
	[tilespmem:s30+$0x1010] =	vst v58  }
0x1e3: {  	v42 =	vld [tilespmem:s30+$0x9830];
	[tilespmem:s30+$0x1000] =	vst v3;
	v3 =	vadd.f32 v13, v12  }
0x1e4: {  	v47 =	vld [tilespmem:s30+$0x1430];
	[tilespmem:s30+$0x1070] =	vst v37  }
0x1e5: {  	v48 =	vld [tilespmem:s30+$0x9430];
	[tilespmem:s30+$0x1020] =	vst v3;
	v3 =	vadd.f32 v17, v16  }
0x1e6: {  	v49 =	vld [tilespmem:s30+$0x9860];
	[tilespmem:s30+$0x1410] =	vst v40;
	v52 =	vadd.f32 v62, v61  }
0x1e7: {  	v51 =	vld [tilespmem:s30+$0x9440];
	[tilespmem:s30+$0x1040] =	vst v3;
	v3 =	vadd.f32 v21, v20  }
0x1e8: {  	v61 =	vadd.f32 v15, v14;
	v62 =	vld [tilespmem:s30+$0x1800];
	[tilespmem:s30+$0xC50] =	vst v52  }
0x1e9: {  	v56 =	vld [tilespmem:s30+$0x1460];
	[tilespmem:s30+$0x1060] =	vst v3;
	v3 =	vadd.f32 v39, v24  }
0x1ea: {  	v55 =	vadd.f32 v7, v6;
	[tilespmem:s30+$0x1030] =	vst v61;
	v52 =	vld [tilespmem:s30+$0x9870]  }
0x1eb: {  	v43 =	vadd.f32 v48, v47;
	v47 =	vld [tilespmem:s30+$0x1860];
	[tilespmem:s30+$0x1400] =	vst v3;
	v3 =	vadd.f32 v45, v44  }
0x1ec: {  	[tilespmem:s30+$0xC70] =	vst v55;
	v63 =	vld [tilespmem:s30+$0x9800]  }
0x1ed: {  	v59 =	vld [tilespmem:s30+$0x1470];
	[tilespmem:s30+$0x1420] =	vst v3;
	v3 =	vadd.f32 v51, v50  }
0x1ee: {  	[tilespmem:s30+$0x1430] =	vst v43;
	v4 =	vadd.f32 v54, v53;
	v39 =	vld [tilespmem:s30+$0x9820]  }
0x1ef: {  	v60 =	vld [tilespmem:s30+$0x9470];
	[tilespmem:s30+$0x1440] =	vst v3;
	v3 =	vadd.f32 v57, v56  }
0x1f0: {  	v54 =	vadd.f32 v42, v41;
	[tilespmem:s30+$0x1450] =	vst v4;
	v45 =	vld [tilespmem:s30+$0x1850]  }
0x1f1: {  	v53 =	vld [tilespmem:s30+$0x9840];
	[tilespmem:s30+$0x1460] =	vst v3;
	v3 =	vadd.f32 v63, v62  }
0x1f2: {  	[tilespmem:s30+$0x1830] =	vst v54;
	v55 =	vadd.f32 v49, v47;
	v50 =	vld [tilespmem:s30+$0x1870]  }
0x1f3: {  	v44 =	vld [tilespmem:s30+$0x1840];
	[tilespmem:s30+$0x1800] =	vst v3;
	v3 =	vadd.f32 v39, v38  }
0x1f4: {  	v48 =	vadd.f32 v60, v59;
	[tilespmem:s30+$0x1860] =	vst v55  }
0x1f5: {  	[tilespmem:s30+$0x1820] =	vst v3;
	v3 =	vadd.f32 v46, v45  }
0x1f6: {  	s31 =	sand.u32 $0x7, s26;
	[tilespmem:s30+$0x1470] =	vst v48;
	v51 =	vadd.f32 v36, v35  }
0x1f7: {  	s0 =	sshll.u32 s31, $0x7;
	[tilespmem:s30+$0x1850] =	vst v3;
	v3 =	vadd.f32 v52, v50  }
0x1f8: {  	s0 =	sadd.s32 s0, s29;
	[tilespmem:s30+$0x1810] =	vst v51;
	v56 =	vadd.f32 v53, v44  }
0x1f9: {  	s31 =	sor.u32 $0x1C00, s0;
	[tilespmem:s30+$0x1870] =	vst v3  }
0x1fa: {  	[tilespmem:s30+$0x1840] =	vst v56;
	v3 =	vld [tilespmem:s31+$0x0]  }
0x1fb: {  	v4 =	vld [tilespmem:s31+$0x8000];
	_ =	sdelay $0x4  }
0x1fc: {  	v3 =	vadd.f32 v4, v3;
	_ =	sdelay $0x1  }
0x1fd: {  	[tilespmem:s31+$0x0] =	vst v3;
	s31 =	sor.u32 $0x1C10, s0  }
0x1fe: {  	v3 =	vld [tilespmem:s31+$0x0]  }
0x1ff: {  	v57 =	vld [tilespmem:s31+$0x8000];
	_ =	sdelay $0x4  }
0x200: {  	v3 =	vadd.f32 v57, v3;
	_ =	sdelay $0x1  }
0x201: {  	[tilespmem:s31+$0x0] =	vst v3;
	s31 =	sor.u32 $0x1C20, s0  }
0x202: {  	v3 =	vld [tilespmem:s31+$0x0]  }
0x203: {  	v58 =	vld [tilespmem:s31+$0x8000];
	_ =	sdelay $0x4  }
0x204: {  	v3 =	vadd.f32 v58, v3;
	_ =	sdelay $0x1  }
0x205: {  	[tilespmem:s31+$0x0] =	vst v3;
	s31 =	sor.u32 $0x1C30, s0  }
0x206: {  	v3 =	vld [tilespmem:s31+$0x0]  }
0x207: {  	v59 =	vld [tilespmem:s31+$0x8000];
	_ =	sdelay $0x4  }
0x208: {  	v3 =	vadd.f32 v59, v3;
	_ =	sdelay $0x1  }
0x209: {  	[tilespmem:s31+$0x0] =	vst v3;
	s31 =	sor.u32 $0x1C40, s0  }
0x20a: {  	v3 =	vld [tilespmem:s31+$0x0]  }
0x20b: {  	v60 =	vld [tilespmem:s31+$0x8000];
	_ =	sdelay $0x4  }
0x20c: {  	v3 =	vadd.f32 v60, v3;
	_ =	sdelay $0x1  }
0x20d: {  	[tilespmem:s31+$0x0] =	vst v3;
	s31 =	sor.u32 $0x1C50, s0  }
0x20e: {  	v3 =	vld [tilespmem:s31+$0x0]  }
0x20f: {  	v61 =	vld [tilespmem:s31+$0x8000];
	_ =	sdelay $0x4  }
0x210: {  	v3 =	vadd.f32 v61, v3;
	_ =	sdelay $0x1  }
0x211: {  	[tilespmem:s31+$0x0] =	vst v3;
	s31 =	sor.u32 $0x1C60, s0  }
0x212: {  	v3 =	vld [tilespmem:s31+$0x0]  }
0x213: {  	v62 =	vld [tilespmem:s31+$0x8000];
	_ =	sdelay $0x4  }
0x214: {  	v3 =	vadd.f32 v62, v3;
	_ =	sdelay $0x1  }
0x215: {  	s0 =	sor.u32 $0x1C70, s0;
	[tilespmem:s31+$0x0] =	vst v3  }
0x216: {  	v3 =	vld [tilespmem:s0+$0x0]  }
0x217: {  	v63 =	vld [tilespmem:s0+$0x8000];
	_ =	sdelay $0x1  }
0x218: {  	p0 =	sne.s32 s4, $0xF80  }
.Ltmp1:
0x219: {  	_ = 	snop;
	(pc) =	sbr.rel @p0 .LBB2_4-.Ltmp1, $4  }
0x21a: {  	_ = 	snop  }
0x21b: {  	v3 =	vadd.f32 v63, v3  }
0x21c: {  	s26 =	sadd.s32 $0x1, s26  }
0x21d: {  	s28 =	sadd.s32 $0x400, s28;
	s4 =	sadd.s32 $0x80, s4;
	s29 =	sadd.s32 $0x400, s29;
	[tilespmem:s0+$0x0] =	vst v3  }
0x21e: {  	s0 =	rddreg [dreg:$0x8]  }
0x21f: {  	[hbm4b:s0+s2] =	stream.linear.scatter [tilespmem:s2], [sflag:$0x2], $0x8000, $0x38;
	[tilespmem:$0x10100] =	vst v63  }
0x220: {  	_ =	swait.ge [sflag:s15], $0x8000  }
0x221: {  	s13 =	sadd.s32 $0x1, s13;
	s31 =	rddreg [dreg:$0x9]  }
0x222: {  	p0 =	sne.s32 s13, s31  }
.Ltmp2:
0x223: {  	_ = 	snop;
	(pc) =	sbr.rel @p0 .LBB2_1-.Ltmp2, $3  }
0x224: {  	_ =	sdelay $0x1  }
0x225: {  	[sflag:s15] =	ssyncset.done $0x0  }
0x226: {  	[sflag:s15] =	ssyncadd.s32 $0xFFFF8000  }
0x227: {  	_ =	sfence.sel $0x180000  }
0x228: {  	[bflag:$0x0] =	sbarrier.arrive $0xFFFF  }
0x229: {  	_ =	strace $0x9000004A  }
0x22a: {  	s0 =	stileid.u32;
	[bflag:$0x2] =	sbarrier.arrive $0xFFFF  }
0x22b: {  	p0 =	sne.s32 s0, $0x0;
	s0 =	rddreg [dreg:$0x2]  }
0x22c: {  	s0 =	sadd.s32 @!p0 $0x100000, s0  }
0x22d: {  	[sflag:s0] =	ssyncadd.tile.s32 @!p0 $0x1;
	_ =	shalt  }
.Lfunc_end2:
_tile_overlayer_lowered:
.L_overlay_start_2:
0x22e: {  	(tag) =	ssettag $0x2  }
0x22f: {  	s0 =	rddreg [dreg:$0x0];
	s2 =	stileid.u32  }
0x230: {  	s1 =	rddreg [dreg:$0x1];
	p0 =	sne.s32 s2, $0x0  }
0x231: {  	s3 =	rddreg [dreg:$0x2];
	[bflag:$0x3] =	sbarrier.arrive $0xFFFF;
	s2 =	simm.s32 @!p0 $0x1C02  }
0x232: {  	[timem:s3], [sflag:s2] =	dma.local @!p0 [hbm:s0], s1  }
0x233: {  	s0 =	simm.s32 @!p0 $0x2  }
0x234: {  	_ =	swait.ge @!p0 [sflag:s0], s1  }
0x235: {  	s1 =	ssub.s32 @!p0 $0x0, s1;
	[sflag:s0] =	ssyncset.done @!p0 $0x0  }
0x236: {  	[sflag:s0] =	ssyncadd.s32 @!p0 s1  }
0x237: {  	[bflag:$0x3] =	sbarrier.arrive $0xFFFF  }
0x238: {  	_ =	shalt  }

</sc_bundles>
